<compile_context>
chip_gen: v7x
topology: tpu7x:2x2x1
jax: 0.10.2.dev20260603
libtpu: 0.0.44.dev20260713+nightly
codegen_flags: <defaults>
</compile_context>

<pallas_src>
import functools

import jax
import jax.numpy as jnp
from jax import lax
from jax.experimental import pallas as pl
from jax.experimental.pallas import tpu as pltpu
from jax.experimental.pallas import tpu_sc as plsc

B = 1024
NPATHS = 200
D = 128
LABELS = 1000
NEG_INF = -2.0 * 10**10

NC = 2
NS = 16
NW = NC * NS

NSPLIT = 4
BC = B // NSPLIT
TOTC = BC * NPATHS
PER_W = TOTC // NW
CHUNK = 80
N_CHUNKS = PER_W // CHUNK


def _sc_gather_body(chunk, starts_h, paths_h, ends_h, vt_h, pt_h,
                    os_h, op_h, oe_h,
                    idx_s, idx_p, idx_e,
                    r00, r01, r02, r10, r11, r12,
                    gsem0, gsem1, ssem0, ssem1):
    wid = lax.axis_index("s") * NC + lax.axis_index("c")
    base = wid * PER_W
    gsem = (gsem0, gsem1)
    ssem = (ssem0, ssem1)
    tabs = (vt_h, pt_h, vt_h)
    outs = (os_h, op_h, oe_h)
    idxs = (idx_s, idx_p, idx_e)
    rows = ((r00, r01, r02), (r10, r11, r12))

    for t, idx_h in enumerate((starts_h, paths_h, ends_h)):
        pltpu.sync_copy(idx_h.at[pl.ds(chunk * TOTC + base, PER_W)], idxs[t])

    def issue_gathers(slot, g):
        for t in range(3):
            pltpu.async_copy(
                tabs[t].at[idxs[t].at[pl.ds(g * CHUNK, CHUNK)]],
                rows[slot][t], gsem[slot])

    def wait_gathers(slot):
        for t in range(3):
            pltpu.make_async_copy(
                tabs[t].at[pl.ds(0, CHUNK), :],
                rows[slot][t], gsem[slot]).wait()

    def issue_stores(slot, g):
        for t in range(3):
            pltpu.async_copy(
                rows[slot][t],
                outs[t].at[pl.ds(base + g * CHUNK, CHUNK), :], ssem[slot])

    def wait_stores(slot):
        for t in range(3):
            pltpu.make_async_copy(
                rows[slot][t],
                outs[t].at[pl.ds(0, CHUNK), :], ssem[slot]).wait()

    issue_gathers(0, 0)
    issue_gathers(1, 1)

    def body(j, _):
        g0 = 2 * j
        g1 = g0 + 1
        wait_gathers(0)
        issue_stores(0, g0)
        wait_gathers(1)
        issue_stores(1, g1)
        wait_stores(0)

        @pl.when(g0 + 2 < N_CHUNKS)
        def _():
            issue_gathers(0, g0 + 2)
        wait_stores(1)

        @pl.when(g1 + 2 < N_CHUNKS)
        def _():
            issue_gathers(1, g1 + 2)
        return 0

    lax.fori_loop(0, N_CHUNKS // 2, body, 0)


@functools.cache
def _sc_gather(chunk):
    return functools.partial(
        pl.kernel,
        mesh=plsc.VectorSubcoreMesh(core_axis_name="c", subcore_axis_name="s"),
        out_type=(
            jax.ShapeDtypeStruct((TOTC, D), jnp.float32),
            jax.ShapeDtypeStruct((TOTC, D), jnp.float32),
            jax.ShapeDtypeStruct((TOTC, D), jnp.float32),
        ),
        scratch_types=(
            [pltpu.VMEM((PER_W,), jnp.int32)] * 3
            + [pltpu.VMEM((CHUNK, D), jnp.float32)] * 6
            + [pltpu.SemaphoreType.DMA] * 4
        ),
    )(functools.partial(_sc_gather_body, chunk))


NRAW = 0


def _sc_gsum_body(chunk, starts_h, paths_h, ends_h, vws_h, pwp_h, vwe_h,
                  out_h,
                  idx_s, idx_p, idx_e,
                  sum0, sum1,
                  gsem0, gsem1, ssem0, ssem1):
    wid = lax.axis_index("s") * NC + lax.axis_index("c")
    base = wid * PER_W
    gsem = (gsem0, gsem1)
    ssem = (ssem0, ssem1)
    tabs = (vws_h, pwp_h, vwe_h)
    idxs = (idx_s, idx_p, idx_e)
    sbuf = (sum0, sum1)

    for t, idx_h in enumerate((starts_h, paths_h, ends_h)):
        pltpu.sync_copy(idx_h.at[pl.ds(chunk * TOTC + base, PER_W)], idxs[t])

    zvec = jnp.zeros((16,), jnp.float32)

    def zero_sum(slot):
        sb = sbuf[slot]

        def row_body(r, _):
            for l in range(D // 16):
                sb[r, pl.ds(l * 16, 16)] = zvec
            return 0
        lax.fori_loop(0, CHUNK, row_body, 0)

    def issue_gathers(slot, g):
        for t in range(3):
            pltpu.async_copy(
                tabs[t].at[idxs[t].at[pl.ds(g * CHUNK, CHUNK)]],
                sbuf[slot], gsem[slot], add=True)

    def wait_gathers(slot):
        for t in range(3):
            pltpu.make_async_copy(
                tabs[t].at[pl.ds(0, CHUNK), :],
                sbuf[slot], gsem[slot]).wait()

    def issue_store(slot, g):
        pltpu.async_copy(
            sbuf[slot], out_h.at[pl.ds(base + g * CHUNK, CHUNK), :],
            ssem[slot])

    def wait_store(slot):
        pltpu.make_async_copy(
            sbuf[slot], out_h.at[pl.ds(0, CHUNK), :], ssem[slot]).wait()

    zero_sum(0)
    issue_gathers(0, 0)
    zero_sum(1)
    issue_gathers(1, 1)

    def body(j, _):
        g0 = 2 * j
        g1 = g0 + 1
        wait_gathers(0)
        issue_store(0, g0)
        wait_gathers(1)
        issue_store(1, g1)

        @pl.when(g0 + 2 < N_CHUNKS)
        def _():
            wait_store(0)
            zero_sum(0)
            issue_gathers(0, g0 + 2)

        @pl.when(g1 + 2 < N_CHUNKS)
        def _():
            wait_store(1)
            zero_sum(1)
            issue_gathers(1, g1 + 2)
        return 0

    lax.fori_loop(0, N_CHUNKS // 2, body, 0)
    wait_store(0)
    wait_store(1)


@functools.cache
def _sc_gsum(chunk):
    return functools.partial(
        pl.kernel,
        mesh=plsc.VectorSubcoreMesh(core_axis_name="c", subcore_axis_name="s"),
        out_type=jax.ShapeDtypeStruct((TOTC, D), jnp.float32),
        scratch_types=(
            [pltpu.VMEM((PER_W,), jnp.int32)] * 3
            + [pltpu.VMEM((CHUNK, D), jnp.float32)] * 2
            + [pltpu.SemaphoreType.DMA] * 4
        ),
    )(functools.partial(_sc_gsum_body, chunk))


PRE_BLK = 2000


def _pre2_body(v_ref, ws_ref, we_ref, vws_ref, vwe_ref):
    v = v_ref[...]
    vws_ref[...] = jnp.dot(v, ws_ref[...], preferred_element_type=jnp.float32)
    vwe_ref[...] = jnp.dot(v, we_ref[...], preferred_element_type=jnp.float32)


def _pre1_body(v_ref, w_ref, vw_ref):
    vw_ref[...] = jnp.dot(v_ref[...], w_ref[...],
                          preferred_element_type=jnp.float32)


def _precompute_values(values_table, Ws, We):
    n = values_table.shape[0]
    return pl.pallas_call(
        _pre2_body,
        grid=(n // PRE_BLK,),
        in_specs=[
            pl.BlockSpec((PRE_BLK, D), lambda i: (i, 0)),
            pl.BlockSpec((D, D), lambda i: (0, 0)),
            pl.BlockSpec((D, D), lambda i: (0, 0)),
        ],
        out_specs=[
            pl.BlockSpec((PRE_BLK, D), lambda i: (i, 0)),
            pl.BlockSpec((PRE_BLK, D), lambda i: (i, 0)),
        ],
        out_shape=[
            jax.ShapeDtypeStruct((n, D), jnp.float32),
            jax.ShapeDtypeStruct((n, D), jnp.float32),
        ],
    )(values_table, Ws, We)


def _precompute_paths(paths_table, Wp):
    n = paths_table.shape[0]
    return pl.pallas_call(
        _pre1_body,
        grid=(n // PRE_BLK,),
        in_specs=[
            pl.BlockSpec((PRE_BLK, D), lambda i: (i, 0)),
            pl.BlockSpec((D, D), lambda i: (0, 0)),
        ],
        out_specs=pl.BlockSpec((PRE_BLK, D), lambda i: (i, 0)),
        out_shape=jax.ShapeDtypeStruct((n, D), jnp.float32),
    )(paths_table, Wp)


BB = 32


def _tc_body(s_ref, p_ref, e_ref, st_ref, ws_ref, wp_ref, we_ref,
             a_ref, wo_ref, cv_ref, out_ref):
    s = s_ref[...].reshape(BB * NPATHS, D)
    p = p_ref[...].reshape(BB * NPATHS, D)
    e = e_ref[...].reshape(BB * NPATHS, D)
    acc = jnp.dot(s, ws_ref[...], preferred_element_type=jnp.float32)
    acc = acc + jnp.dot(p, wp_ref[...], preferred_element_type=jnp.float32)
    acc = acc + jnp.dot(e, we_ref[...], preferred_element_type=jnp.float32)
    comb = jnp.tanh(acc)
    a_row = a_ref[...].reshape(1, D)
    logits = jnp.sum(comb * a_row, axis=1).reshape(BB, NPATHS)
    m = (st_ref[...] > 1).astype(jnp.float32)
    z = logits * m + (1.0 - m) * NEG_INF
    zmax = jnp.max(z, axis=1, keepdims=True)
    ez = jnp.exp(z - zmax)
    w = ez / jnp.sum(ez, axis=1, keepdims=True)
    comb3 = comb.reshape(BB, NPATHS, D)
    cv = jnp.sum(comb3 * w[:, :, None], axis=1)
    cv_ref[...] = cv
    out_ref[...] = jnp.dot(cv, wo_ref[...], preferred_element_type=jnp.float32)


def _tc_slim_body(x_ref, st_ref, a_ref, wo_ref, cv_ref, out_ref):
    comb = jnp.tanh(x_ref[...])
    a_row = a_ref[...].reshape(1, 1, D)
    logits = jnp.sum(comb * a_row, axis=2)
    z = jnp.where(st_ref[...] > 1, logits, NEG_INF)
    zmax = jnp.max(z, axis=1, keepdims=True)
    ez = jnp.exp(z - zmax)
    w = ez / jnp.sum(ez, axis=1, keepdims=True)
    cv = jnp.sum(comb * w[:, :, None], axis=1)
    cv_ref[...] = cv
    out_ref[...] = jnp.dot(cv, wo_ref[...], preferred_element_type=jnp.float32)


def _tc_slim(chunk, x, starts, a, W_out):
    grid = (BC // BB,)
    boff = chunk * (BC // BB)
    return pl.pallas_call(
        _tc_slim_body,
        grid=grid,
        in_specs=[
            pl.BlockSpec((BB, NPATHS, D), lambda i: (i, 0, 0)),
            pl.BlockSpec((BB, NPATHS), lambda i, boff=boff: (boff + i, 0)),
            pl.BlockSpec((1, D), lambda i: (0, 0)),
            pl.BlockSpec((D, LABELS), lambda i: (0, 0)),
        ],
        out_specs=[
            pl.BlockSpec((BB, D), lambda i: (i, 0)),
            pl.BlockSpec((BB, LABELS), lambda i: (i, 0)),
        ],
        out_shape=[
            jax.ShapeDtypeStruct((BC, D), jnp.float32),
            jax.ShapeDtypeStruct((BC, LABELS), jnp.float32),
        ],
    )(x, starts, a, W_out)


def _tc_dense(chunk, s_g, p_g, e_g, starts, Ws, Wp, We, a, W_out):
    grid = (BC // BB,)
    boff = chunk * (BC // BB)
    return pl.pallas_call(
        _tc_body,
        grid=grid,
        in_specs=[
            pl.BlockSpec((BB, NPATHS, D), lambda i: (i, 0, 0)),
            pl.BlockSpec((BB, NPATHS, D), lambda i: (i, 0, 0)),
            pl.BlockSpec((BB, NPATHS, D), lambda i: (i, 0, 0)),
            pl.BlockSpec((BB, NPATHS), lambda i, boff=boff: (boff + i, 0)),
            pl.BlockSpec((D, D), lambda i: (0, 0)),
            pl.BlockSpec((D, D), lambda i: (0, 0)),
            pl.BlockSpec((D, D), lambda i: (0, 0)),
            pl.BlockSpec((1, D), lambda i: (0, 0)),
            pl.BlockSpec((D, LABELS), lambda i: (0, 0)),
        ],
        out_specs=[
            pl.BlockSpec((BB, D), lambda i: (i, 0)),
            pl.BlockSpec((BB, LABELS), lambda i: (i, 0)),
        ],
        out_shape=[
            jax.ShapeDtypeStruct((BC, D), jnp.float32),
            jax.ShapeDtypeStruct((BC, LABELS), jnp.float32),
        ],
    )(s_g, p_g, e_g, starts, Ws, Wp, We, a, W_out)


def kernel(starts, paths, ends, values_table, paths_table, W, a, W_out):
    starts_f = starts.reshape(B * NPATHS)
    paths_f = paths.reshape(B * NPATHS)
    ends_f = ends.reshape(B * NPATHS)
    Ws, Wp, We = W[:D], W[D:2 * D], W[2 * D:]

    raw_gathered = [
        _sc_gather(c)(starts_f, paths_f, ends_f, values_table, paths_table)
        for c in range(NRAW)]

    VWs, VWe = _precompute_values(values_table, Ws, We)
    PWp = _precompute_paths(paths_table, Wp)

    cvs, outs = [], []
    for c in range(NSPLIT):
        if c < NRAW:
            s_g, p_g, e_g = raw_gathered[c]
            cv, out = _tc_dense(
                c, s_g.reshape(BC, NPATHS, D), p_g.reshape(BC, NPATHS, D),
                e_g.reshape(BC, NPATHS, D), starts, Ws, Wp, We, a, W_out)
        else:
            x = _sc_gsum(c)(starts_f, paths_f, ends_f, VWs, PWp, VWe)
            cv, out = _tc_slim(c, x.reshape(BC, NPATHS, D), starts, a, W_out)
        cvs.append(cv)
        outs.append(out)
    return (jnp.concatenate(cvs, axis=0), jnp.concatenate(outs, axis=0))

# --- scband reference (transcript-rebuilt; emitter-appended) ---
"""Pipeline reference for scband-code2vec-model-34565896798299 (READ-ONLY COPY).

The authoritative reference and input builder live on the scoring server;
editing this copy changes nothing except your own understanding.
"""

import jax, jax.numpy as jnp
import numpy as np

VALUES_VOCAB = 100000
PATHS_VOCAB = 50000
VAL_DIM = 128
PATH_DIM = 128
EMBED_DIM = 128
LABELS = 1000
B = 1024
NP_ = 200
NEG_INF = -2.0 * 10**10


def setup_inputs(seed: int = 0) -> dict:
    key = jax.random.key(seed)
    ks = jax.random.split(key, 8)
    starts = jax.random.randint(ks[0], (B, NP_), 0, VALUES_VOCAB, dtype=jnp.int64 if jax.config.jax_enable_x64 else jnp.int32).astype(jnp.int32)
    paths = jax.random.randint(ks[1], (B, NP_), 0, PATHS_VOCAB, dtype=jnp.int32)
    ends = jax.random.randint(ks[2], (B, NP_), 0, VALUES_VOCAB, dtype=jnp.int32)
    values_table = jax.random.normal(ks[3], (VALUES_VOCAB, VAL_DIM), dtype=jnp.float32)
    paths_table = jax.random.normal(ks[4], (PATHS_VOCAB, PATH_DIM), dtype=jnp.float32)
    W = jax.random.normal(ks[5], (PATH_DIM + 2 * VAL_DIM, EMBED_DIM), dtype=jnp.float32) * (1.0 / np.sqrt(PATH_DIM + 2 * VAL_DIM))
    a = jax.random.normal(ks[6], (1, EMBED_DIM), dtype=jnp.float32)
    W_out = jax.random.normal(ks[7], (EMBED_DIM, LABELS), dtype=jnp.float32) * (1.0 / np.sqrt(EMBED_DIM))
    return {"starts": starts, "paths": paths, "ends": ends,
            "values_table": values_table, "paths_table": paths_table,
            "W": W, "a": a, "W_out": W_out}


def reference(starts, paths, ends, values_table, paths_table, W, a, W_out):
    # embedding lookups (gather)
    start_embedding = jnp.take(values_table, starts, axis=0)   # [B, N, VAL_DIM]
    path_embedding = jnp.take(paths_table, paths, axis=0)      # [B, N, PATH_DIM]
    end_embedding = jnp.take(values_table, ends, axis=0)       # [B, N, VAL_DIM]
    context_vec = jnp.concatenate((start_embedding, path_embedding, end_embedding), axis=2)  # [B, N, 384]
    mask = (starts > 1).astype(jnp.float32)                    # [B, N]
    # dropout is identity at inference
    comb_context_vec = jnp.tanh(context_vec @ W)               # [B, N, EMBED_DIM]
    lin_mul = comb_context_vec @ a.T                           # [B, N, 1]
    m = mask[:, :, None]
    attention_weights = jax.nn.softmax(lin_mul * m + (1.0 - m) * NEG_INF, axis=1)
    code_vector = jnp.sum(comb_context_vec * attention_weights, axis=1)  # [B, EMBED_DIM]
    output = code_vector @ W_out                               # [B, LABELS]
    return (code_vector, output)

if __name__ == "__main__":
    import jax
    _d = setup_inputs()
    print(jax.jit(kernel)(*tuple(_d.values())))

</pallas_src>

<mosaic_0001>
#map = affine_map<(d0, d1) -> (0)>
#map1 = affine_map<(d0, d1) -> (0, 0)>
module attributes {stable_mosaic.version = 14 : i64} {
  func.func @_sc_gsum_body(%arg0: i32, %arg1: i32, %arg2: memref<204800xi32, #tpu.memory_space<hbm>>, %arg3: memref<204800xi32, #tpu.memory_space<hbm>>, %arg4: memref<204800xi32, #tpu.memory_space<hbm>>, %arg5: memref<100000x128xf32, #tpu.memory_space<hbm>>, %arg6: memref<50000x128xf32, #tpu.memory_space<hbm>>, %arg7: memref<100000x128xf32, #tpu.memory_space<hbm>>, %arg8: memref<51200x128xf32, #tpu.memory_space<hbm>>, %arg9: memref<1600xi32, #tpu.memory_space<vmem>>, %arg10: memref<1600xi32, #tpu.memory_space<vmem>>, %arg11: memref<1600xi32, #tpu.memory_space<vmem>>, %arg12: memref<80x128xf32, #tpu.memory_space<vmem>>, %arg13: memref<80x128xf32, #tpu.memory_space<vmem>>, %arg14: memref<!tpu.dma_semaphore, #tpu.memory_space<semaphore_mem>>, %arg15: memref<!tpu.dma_semaphore, #tpu.memory_space<semaphore_mem>>, %arg16: memref<!tpu.dma_semaphore, #tpu.memory_space<semaphore_mem>>, %arg17: memref<!tpu.dma_semaphore, #tpu.memory_space<semaphore_mem>>) attributes {dimension_semantics = [#tpu.dimension_semantics<core_parallel>, #tpu.dimension_semantics<subcore_parallel>], iteration_bounds = array<i64: 2, 16>, scalar_prefetch = 0 : i64, scratch_operands = 9 : i64, tpu.core_type = #tpu.core_type<sc_vector_subcore>, window_params = [{transform_indices = #map}, {transform_indices = #map}, {transform_indices = #map}, {transform_indices = #map1}, {transform_indices = #map1}, {transform_indices = #map1}, {transform_indices = #map1}]} {
    %mul3A = arith.constant 2 : i32
    %mul3A_0 = arith.muli %arg1, %mul3A : i32
    %add3A = arith.addi %mul3A_0, %arg0 : i32
    %mul3A_1 = arith.constant 1600 : i32
    %mul3A_2 = arith.muli %add3A, %mul3A_1 : i32
    %add3A_3 = arith.constant 51200 : i32
    %add3A_4 = arith.addi %add3A_3, %mul3A_2 : i32
    "tpu.region"() ({
      %run_scoped3A = tpu.sem_alloc : memref<!tpu.dma_semaphore, #tpu.memory_space<semaphore_mem>>
      %dma_start3A_70 = tpu.memref_slice %arg2[%add3A_4] : memref<204800xi32, #tpu.memory_space<hbm>> -> memref<1600xi32, #tpu.memory_space<hbm>>
      %dma_start3A_71 = tpu.memref_slice %arg2[%add3A_4] : memref<204800xi32, #tpu.memory_space<hbm>> -> memref<1600xi32, #tpu.memory_space<hbm>>
      tpu.enqueue_dma source(%dma_start3A_71 : memref<1600xi32, #tpu.memory_space<hbm>>) target(%arg9 : memref<1600xi32, #tpu.memory_space<vmem>>) target_semaphore(%run_scoped3A : memref<!tpu.dma_semaphore, #tpu.memory_space<semaphore_mem>>)
      %dma_wait3A_72 = tpu.memref_slice %arg2[%add3A_4] : memref<204800xi32, #tpu.memory_space<hbm>> -> memref<1600xi32, #tpu.memory_space<hbm>>
      %dma_wait3A_73 = tpu.memref_slice %arg2[%add3A_4] : memref<204800xi32, #tpu.memory_space<hbm>> -> memref<1600xi32, #tpu.memory_space<hbm>>
      tpu.wait_dma2 semaphore(%run_scoped3A : memref<!tpu.dma_semaphore, #tpu.memory_space<semaphore_mem>>) src(%dma_wait3A_73 : memref<1600xi32, #tpu.memory_space<hbm>>) dst(%arg9 : memref<1600xi32, #tpu.memory_space<vmem>>)
      tpu.yield
    }) : () -> ()
    %add3A_5 = arith.constant 51200 : i32
    %add3A_6 = arith.addi %add3A_5, %mul3A_2 : i32
    "tpu.region"() ({
      %run_scoped3A = tpu.sem_alloc : memref<!tpu.dma_semaphore, #tpu.memory_space<semaphore_mem>>
      %dma_start3A_70 = tpu.memref_slice %arg3[%add3A_6] : memref<204800xi32, #tpu.memory_space<hbm>> -> memref<1600xi32, #tpu.memory_space<hbm>>
      %dma_start3A_71 = tpu.memref_slice %arg3[%add3A_6] : memref<204800xi32, #tpu.memory_space<hbm>> -> memref<1600xi32, #tpu.memory_space<hbm>>
      tpu.enqueue_dma source(%dma_start3A_71 : memref<1600xi32, #tpu.memory_space<hbm>>) target(%arg10 : memref<1600xi32, #tpu.memory_space<vmem>>) target_semaphore(%run_scoped3A : memref<!tpu.dma_semaphore, #tpu.memory_space<semaphore_mem>>)
      %dma_wait3A_72 = tpu.memref_slice %arg3[%add3A_6] : memref<204800xi32, #tpu.memory_space<hbm>> -> memref<1600xi32, #tpu.memory_space<hbm>>
      %dma_wait3A_73 = tpu.memref_slice %arg3[%add3A_6] : memref<204800xi32, #tpu.memory_space<hbm>> -> memref<1600xi32, #tpu.memory_space<hbm>>
      tpu.wait_dma2 semaphore(%run_scoped3A : memref<!tpu.dma_semaphore, #tpu.memory_space<semaphore_mem>>) src(%dma_wait3A_73 : memref<1600xi32, #tpu.memory_space<hbm>>) dst(%arg10 : memref<1600xi32, #tpu.memory_space<vmem>>)
      tpu.yield
    }) : () -> ()
    %add3A_7 = arith.constant 51200 : i32
    %add3A_8 = arith.addi %add3A_7, %mul3A_2 : i32
    "tpu.region"() ({
      %run_scoped3A = tpu.sem_alloc : memref<!tpu.dma_semaphore, #tpu.memory_space<semaphore_mem>>
      %dma_start3A_70 = tpu.memref_slice %arg4[%add3A_8] : memref<204800xi32, #tpu.memory_space<hbm>> -> memref<1600xi32, #tpu.memory_space<hbm>>
      %dma_start3A_71 = tpu.memref_slice %arg4[%add3A_8] : memref<204800xi32, #tpu.memory_space<hbm>> -> memref<1600xi32, #tpu.memory_space<hbm>>
      tpu.enqueue_dma source(%dma_start3A_71 : memref<1600xi32, #tpu.memory_space<hbm>>) target(%arg11 : memref<1600xi32, #tpu.memory_space<vmem>>) target_semaphore(%run_scoped3A : memref<!tpu.dma_semaphore, #tpu.memory_space<semaphore_mem>>)
      %dma_wait3A_72 = tpu.memref_slice %arg4[%add3A_8] : memref<204800xi32, #tpu.memory_space<hbm>> -> memref<1600xi32, #tpu.memory_space<hbm>>
      %dma_wait3A_73 = tpu.memref_slice %arg4[%add3A_8] : memref<204800xi32, #tpu.memory_space<hbm>> -> memref<1600xi32, #tpu.memory_space<hbm>>
      tpu.wait_dma2 semaphore(%run_scoped3A : memref<!tpu.dma_semaphore, #tpu.memory_space<semaphore_mem>>) src(%dma_wait3A_73 : memref<1600xi32, #tpu.memory_space<hbm>>) dst(%arg11 : memref<1600xi32, #tpu.memory_space<vmem>>)
      tpu.yield
    }) : () -> ()
    %broadcast_in_dim3A = arith.constant 0.000000e+00 : f32
    %broadcast_in_dim3A_9 = vector.broadcast %broadcast_in_dim3A : f32 to vector<16xf32>
    %scan3A = arith.constant 0 : i32
    %scan3A_10 = arith.constant 0 : i32
    %scan3A_11 = arith.constant 80 : i32
    %scan3A_12 = arith.addi %scan3A_10, %scan3A_11 : i32
    %scan3A_13 = arith.constant 1 : i32
    %scan3A_14 = scf.for %scan3A_70 = %scan3A_10 to %scan3A_12 step %scan3A_13 iter_args(%scan3A_71 = %scan3A) -> (i32)  : i32 {
      %swap3A = arith.index_cast %scan3A_70 : i32 to index
      %swap3A_72 = arith.constant 0 : index
      %swap3A_73 = tpu.vector_load %arg12[%swap3A, %swap3A_72] {strides = array<i32>} : memref<80x128xf32, #tpu.memory_space<vmem>>, vector<1x16xf32>,
      %swap3A_74 = vector.shape_cast %swap3A_73 : vector<1x16xf32> to vector<16xf32>
      %swap3A_75 = vector.shape_cast %broadcast_in_dim3A_9 : vector<16xf32> to vector<1x16xf32>
      tpu.vector_store %arg12[%swap3A, %swap3A_72], %swap3A_75 {strides = array<i32>} : memref<80x128xf32, #tpu.memory_space<vmem>>, vector<1x16xf32>,
      %swap3A_76 = arith.index_cast %scan3A_70 : i32 to index
      %swap3A_77 = arith.constant 16 : index
      %swap3A_78 = tpu.vector_load %arg12[%swap3A_76, %swap3A_77] {strides = array<i32>} : memref<80x128xf32, #tpu.memory_space<vmem>>, vector<1x16xf32>,
      %swap3A_79 = vector.shape_cast %swap3A_78 : vector<1x16xf32> to vector<16xf32>
      %swap3A_80 = vector.shape_cast %broadcast_in_dim3A_9 : vector<16xf32> to vector<1x16xf32>
      tpu.vector_store %arg12[%swap3A_76, %swap3A_77], %swap3A_80 {strides = array<i32>} : memref<80x128xf32, #tpu.memory_space<vmem>>, vector<1x16xf32>,
      %swap3A_81 = arith.index_cast %scan3A_70 : i32 to index
      %swap3A_82 = arith.constant 32 : index
      %swap3A_83 = tpu.vector_load %arg12[%swap3A_81, %swap3A_82] {strides = array<i32>} : memref<80x128xf32, #tpu.memory_space<vmem>>, vector<1x16xf32>,
      %swap3A_84 = vector.shape_cast %swap3A_83 : vector<1x16xf32> to vector<16xf32>
      %swap3A_85 = vector.shape_cast %broadcast_in_dim3A_9 : vector<16xf32> to vector<1x16xf32>
      tpu.vector_store %arg12[%swap3A_81, %swap3A_82], %swap3A_85 {strides = array<i32>} : memref<80x128xf32, #tpu.memory_space<vmem>>, vector<1x16xf32>,
      %swap3A_86 = arith.index_cast %scan3A_70 : i32 to index
      %swap3A_87 = arith.constant 48 : index
      %swap3A_88 = tpu.vector_load %arg12[%swap3A_86, %swap3A_87] {strides = array<i32>} : memref<80x128xf32, #tpu.memory_space<vmem>>, vector<1x16xf32>,
      %swap3A_89 = vector.shape_cast %swap3A_88 : vector<1x16xf32> to vector<16xf32>
      %swap3A_90 = vector.shape_cast %broadcast_in_dim3A_9 : vector<16xf32> to vector<1x16xf32>
      tpu.vector_store %arg12[%swap3A_86, %swap3A_87], %swap3A_90 {strides = array<i32>} : memref<80x128xf32, #tpu.memory_space<vmem>>, vector<1x16xf32>,
      %swap3A_91 = arith.index_cast %scan3A_70 : i32 to index
      %swap3A_92 = arith.constant 64 : index
      %swap3A_93 = tpu.vector_load %arg12[%swap3A_91, %swap3A_92] {strides = array<i32>} : memref<80x128xf32, #tpu.memory_space<vmem>>, vector<1x16xf32>,
      %swap3A_94 = vector.shape_cast %swap3A_93 : vector<1x16xf32> to vector<16xf32>
      %swap3A_95 = vector.shape_cast %broadcast_in_dim3A_9 : vector<16xf32> to vector<1x16xf32>
      tpu.vector_store %arg12[%swap3A_91, %swap3A_92], %swap3A_95 {strides = array<i32>} : memref<80x128xf32, #tpu.memory_space<vmem>>, vector<1x16xf32>,
      %swap3A_96 = arith.index_cast %scan3A_70 : i32 to index
      %swap3A_97 = arith.constant 80 : index
      %swap3A_98 = tpu.vector_load %arg12[%swap3A_96, %swap3A_97] {strides = array<i32>} : memref<80x128xf32, #tpu.memory_space<vmem>>, vector<1x16xf32>,
      %swap3A_99 = vector.shape_cast %swap3A_98 : vector<1x16xf32> to vector<16xf32>
      %swap3A_100 = vector.shape_cast %broadcast_in_dim3A_9 : vector<16xf32> to vector<1x16xf32>
      tpu.vector_store %arg12[%swap3A_96, %swap3A_97], %swap3A_100 {strides = array<i32>} : memref<80x128xf32, #tpu.memory_space<vmem>>, vector<1x16xf32>,
      %swap3A_101 = arith.index_cast %scan3A_70 : i32 to index
      %swap3A_102 = arith.constant 96 : index
      %swap3A_103 = tpu.vector_load %arg12[%swap3A_101, %swap3A_102] {strides = array<i32>} : memref<80x128xf32, #tpu.memory_space<vmem>>, vector<1x16xf32>,
      %swap3A_104 = vector.shape_cast %swap3A_103 : vector<1x16xf32> to vector<16xf32>
      %swap3A_105 = vector.shape_cast %broadcast_in_dim3A_9 : vector<16xf32> to vector<1x16xf32>
      tpu.vector_store %arg12[%swap3A_101, %swap3A_102], %swap3A_105 {strides = array<i32>} : memref<80x128xf32, #tpu.memory_space<vmem>>, vector<1x16xf32>,
      %swap3A_106 = arith.index_cast %scan3A_70 : i32 to index
      %swap3A_107 = arith.constant 112 : index
      %swap3A_108 = tpu.vector_load %arg12[%swap3A_106, %swap3A_107] {strides = array<i32>} : memref<80x128xf32, #tpu.memory_space<vmem>>, vector<1x16xf32>,
      %swap3A_109 = vector.shape_cast %swap3A_108 : vector<1x16xf32> to vector<16xf32>
      %swap3A_110 = vector.shape_cast %broadcast_in_dim3A_9 : vector<16xf32> to vector<1x16xf32>
      tpu.vector_store %arg12[%swap3A_106, %swap3A_107], %swap3A_110 {strides = array<i32>} : memref<80x128xf32, #tpu.memory_space<vmem>>, vector<1x16xf32>,
      %scan3A_111 = arith.constant 0 : i32
      scf.yield %scan3A_111 : i32
    }
    %scan3A_15 = arith.constant 80 : i32
    %dma_start3A = arith.constant 0 : i32
    %dma_start3A_16 = tpu.memref_slice %arg9[%dma_start3A] : memref<1600xi32, #tpu.memory_space<vmem>> -> memref<80xi32, #tpu.memory_space<vmem>>
    %dma_start3A_17 = arith.constant 0 : i32
    %dma_start3A_18 = arith.constant 0 : i32
    %dma_start3A_19 = tpu.memref_slice %arg5[%dma_start3A_17, %dma_start3A_18] : memref<100000x128xf32, #tpu.memory_space<hbm>> -> memref<100000x128xf32, #tpu.memory_space<hbm>>
    tpu.enqueue_indirect_dma source(%dma_start3A_19 : memref<100000x128xf32, #tpu.memory_space<hbm>>) target(%arg12 : memref<80x128xf32, #tpu.memory_space<vmem>>) offsets(%dma_start3A_16 : memref<80xi32, #tpu.memory_space<vmem>>) semaphore(%arg14 : memref<!tpu.dma_semaphore, #tpu.memory_space<semaphore_mem>>) {add = true}
    %dma_start3A_20 = arith.constant 0 : i32
    %dma_start3A_21 = tpu.memref_slice %arg10[%dma_start3A_20] : memref<1600xi32, #tpu.memory_space<vmem>> -> memref<80xi32, #tpu.memory_space<vmem>>
    %dma_start3A_22 = arith.constant 0 : i32
    %dma_start3A_23 = arith.constant 0 : i32
    %dma_start3A_24 = tpu.memref_slice %arg6[%dma_start3A_22, %dma_start3A_23] : memref<50000x128xf32, #tpu.memory_space<hbm>> -> memref<50000x128xf32, #tpu.memory_space<hbm>>
    tpu.enqueue_indirect_dma source(%dma_start3A_24 : memref<50000x128xf32, #tpu.memory_space<hbm>>) target(%arg12 : memref<80x128xf32, #tpu.memory_space<vmem>>) offsets(%dma_start3A_21 : memref<80xi32, #tpu.memory_space<vmem>>) semaphore(%arg14 : memref<!tpu.dma_semaphore, #tpu.memory_space<semaphore_mem>>) {add = true}
    %dma_start3A_25 = arith.constant 0 : i32
    %dma_start3A_26 = tpu.memref_slice %arg11[%dma_start3A_25] : memref<1600xi32, #tpu.memory_space<vmem>> -> memref<80xi32, #tpu.memory_space<vmem>>
    %dma_start3A_27 = arith.constant 0 : i32
    %dma_start3A_28 = arith.constant 0 : i32
    %dma_start3A_29 = tpu.memref_slice %arg7[%dma_start3A_27, %dma_start3A_28] : memref<100000x128xf32, #tpu.memory_space<hbm>> -> memref<100000x128xf32, #tpu.memory_space<hbm>>
    tpu.enqueue_indirect_dma source(%dma_start3A_29 : memref<100000x128xf32, #tpu.memory_space<hbm>>) target(%arg12 : memref<80x128xf32, #tpu.memory_space<vmem>>) offsets(%dma_start3A_26 : memref<80xi32, #tpu.memory_space<vmem>>) semaphore(%arg14 : memref<!tpu.dma_semaphore, #tpu.memory_space<semaphore_mem>>) {add = true}
    %scan3A_30 = arith.constant 0 : i32
    %scan3A_31 = arith.constant 0 : i32
    %scan3A_32 = arith.constant 80 : i32
    %scan3A_33 = arith.addi %scan3A_31, %scan3A_32 : i32
    %scan3A_34 = arith.constant 1 : i32
    %scan3A_35 = scf.for %scan3A_70 = %scan3A_31 to %scan3A_33 step %scan3A_34 iter_args(%scan3A_71 = %scan3A_30) -> (i32)  : i32 {
      %swap3A = arith.index_cast %scan3A_70 : i32 to index
      %swap3A_72 = arith.constant 0 : index
      %swap3A_73 = tpu.vector_load %arg13[%swap3A, %swap3A_72] {strides = array<i32>} : memref<80x128xf32, #tpu.memory_space<vmem>>, vector<1x16xf32>,
      %swap3A_74 = vector.shape_cast %swap3A_73 : vector<1x16xf32> to vector<16xf32>
      %swap3A_75 = vector.shape_cast %broadcast_in_dim3A_9 : vector<16xf32> to vector<1x16xf32>
      tpu.vector_store %arg13[%swap3A, %swap3A_72], %swap3A_75 {strides = array<i32>} : memref<80x128xf32, #tpu.memory_space<vmem>>, vector<1x16xf32>,
      %swap3A_76 = arith.index_cast %scan3A_70 : i32 to index
      %swap3A_77 = arith.constant 16 : index
      %swap3A_78 = tpu.vector_load %arg13[%swap3A_76, %swap3A_77] {strides = array<i32>} : memref<80x128xf32, #tpu.memory_space<vmem>>, vector<1x16xf32>,
      %swap3A_79 = vector.shape_cast %swap3A_78 : vector<1x16xf32> to vector<16xf32>
      %swap3A_80 = vector.shape_cast %broadcast_in_dim3A_9 : vector<16xf32> to vector<1x16xf32>
      tpu.vector_store %arg13[%swap3A_76, %swap3A_77], %swap3A_80 {strides = array<i32>} : memref<80x128xf32, #tpu.memory_space<vmem>>, vector<1x16xf32>,
      %swap3A_81 = arith.index_cast %scan3A_70 : i32 to index
      %swap3A_82 = arith.constant 32 : index
      %swap3A_83 = tpu.vector_load %arg13[%swap3A_81, %swap3A_82] {strides = array<i32>} : memref<80x128xf32, #tpu.memory_space<vmem>>, vector<1x16xf32>,
      %swap3A_84 = vector.shape_cast %swap3A_83 : vector<1x16xf32> to vector<16xf32>
      %swap3A_85 = vector.shape_cast %broadcast_in_dim3A_9 : vector<16xf32> to vector<1x16xf32>
      tpu.vector_store %arg13[%swap3A_81, %swap3A_82], %swap3A_85 {strides = array<i32>} : memref<80x128xf32, #tpu.memory_space<vmem>>, vector<1x16xf32>,
      %swap3A_86 = arith.index_cast %scan3A_70 : i32 to index
      %swap3A_87 = arith.constant 48 : index
      %swap3A_88 = tpu.vector_load %arg13[%swap3A_86, %swap3A_87] {strides = array<i32>} : memref<80x128xf32, #tpu.memory_space<vmem>>, vector<1x16xf32>,
      %swap3A_89 = vector.shape_cast %swap3A_88 : vector<1x16xf32> to vector<16xf32>
      %swap3A_90 = vector.shape_cast %broadcast_in_dim3A_9 : vector<16xf32> to vector<1x16xf32>
      tpu.vector_store %arg13[%swap3A_86, %swap3A_87], %swap3A_90 {strides = array<i32>} : memref<80x128xf32, #tpu.memory_space<vmem>>, vector<1x16xf32>,
      %swap3A_91 = arith.index_cast %scan3A_70 : i32 to index
      %swap3A_92 = arith.constant 64 : index
      %swap3A_93 = tpu.vector_load %arg13[%swap3A_91, %swap3A_92] {strides = array<i32>} : memref<80x128xf32, #tpu.memory_space<vmem>>, vector<1x16xf32>,
      %swap3A_94 = vector.shape_cast %swap3A_93 : vector<1x16xf32> to vector<16xf32>
      %swap3A_95 = vector.shape_cast %broadcast_in_dim3A_9 : vector<16xf32> to vector<1x16xf32>
      tpu.vector_store %arg13[%swap3A_91, %swap3A_92], %swap3A_95 {strides = array<i32>} : memref<80x128xf32, #tpu.memory_space<vmem>>, vector<1x16xf32>,
      %swap3A_96 = arith.index_cast %scan3A_70 : i32 to index
      %swap3A_97 = arith.constant 80 : index
      %swap3A_98 = tpu.vector_load %arg13[%swap3A_96, %swap3A_97] {strides = array<i32>} : memref<80x128xf32, #tpu.memory_space<vmem>>, vector<1x16xf32>,
      %swap3A_99 = vector.shape_cast %swap3A_98 : vector<1x16xf32> to vector<16xf32>
      %swap3A_100 = vector.shape_cast %broadcast_in_dim3A_9 : vector<16xf32> to vector<1x16xf32>
      tpu.vector_store %arg13[%swap3A_96, %swap3A_97], %swap3A_100 {strides = array<i32>} : memref<80x128xf32, #tpu.memory_space<vmem>>, vector<1x16xf32>,
      %swap3A_101 = arith.index_cast %scan3A_70 : i32 to index
      %swap3A_102 = arith.constant 96 : index
      %swap3A_103 = tpu.vector_load %arg13[%swap3A_101, %swap3A_102] {strides = array<i32>} : memref<80x128xf32, #tpu.memory_space<vmem>>, vector<1x16xf32>,
      %swap3A_104 = vector.shape_cast %swap3A_103 : vector<1x16xf32> to vector<16xf32>
      %swap3A_105 = vector.shape_cast %broadcast_in_dim3A_9 : vector<16xf32> to vector<1x16xf32>
      tpu.vector_store %arg13[%swap3A_101, %swap3A_102], %swap3A_105 {strides = array<i32>} : memref<80x128xf32, #tpu.memory_space<vmem>>, vector<1x16xf32>,
      %swap3A_106 = arith.index_cast %scan3A_70 : i32 to index
      %swap3A_107 = arith.constant 112 : index
      %swap3A_108 = tpu.vector_load %arg13[%swap3A_106, %swap3A_107] {strides = array<i32>} : memref<80x128xf32, #tpu.memory_space<vmem>>, vector<1x16xf32>,
      %swap3A_109 = vector.shape_cast %swap3A_108 : vector<1x16xf32> to vector<16xf32>
      %swap3A_110 = vector.shape_cast %broadcast_in_dim3A_9 : vector<16xf32> to vector<1x16xf32>
      tpu.vector_store %arg13[%swap3A_106, %swap3A_107], %swap3A_110 {strides = array<i32>} : memref<80x128xf32, #tpu.memory_space<vmem>>, vector<1x16xf32>,
      %scan3A_111 = arith.constant 0 : i32
      scf.yield %scan3A_111 : i32
    }
    %scan3A_36 = arith.constant 80 : i32
    %dma_start3A_37 = arith.constant 80 : i32
    %dma_start3A_38 = tpu.memref_slice %arg9[%dma_start3A_37] : memref<1600xi32, #tpu.memory_space<vmem>> -> memref<80xi32, #tpu.memory_space<vmem>>
    %dma_start3A_39 = arith.constant 0 : i32
    %dma_start3A_40 = arith.constant 0 : i32
    %dma_start3A_41 = tpu.memref_slice %arg5[%dma_start3A_39, %dma_start3A_40] : memref<100000x128xf32, #tpu.memory_space<hbm>> -> memref<100000x128xf32, #tpu.memory_space<hbm>>
    tpu.enqueue_indirect_dma source(%dma_start3A_41 : memref<100000x128xf32, #tpu.memory_space<hbm>>) target(%arg13 : memref<80x128xf32, #tpu.memory_space<vmem>>) offsets(%dma_start3A_38 : memref<80xi32, #tpu.memory_space<vmem>>) semaphore(%arg15 : memref<!tpu.dma_semaphore, #tpu.memory_space<semaphore_mem>>) {add = true}
    %dma_start3A_42 = arith.constant 80 : i32
    %dma_start3A_43 = tpu.memref_slice %arg10[%dma_start3A_42] : memref<1600xi32, #tpu.memory_space<vmem>> -> memref<80xi32, #tpu.memory_space<vmem>>
    %dma_start3A_44 = arith.constant 0 : i32
    %dma_start3A_45 = arith.constant 0 : i32
    %dma_start3A_46 = tpu.memref_slice %arg6[%dma_start3A_44, %dma_start3A_45] : memref<50000x128xf32, #tpu.memory_space<hbm>> -> memref<50000x128xf32, #tpu.memory_space<hbm>>
    tpu.enqueue_indirect_dma source(%dma_start3A_46 : memref<50000x128xf32, #tpu.memory_space<hbm>>) target(%arg13 : memref<80x128xf32, #tpu.memory_space<vmem>>) offsets(%dma_start3A_43 : memref<80xi32, #tpu.memory_space<vmem>>) semaphore(%arg15 : memref<!tpu.dma_semaphore, #tpu.memory_space<semaphore_mem>>) {add = true}
    %dma_start3A_47 = arith.constant 80 : i32
    %dma_start3A_48 = tpu.memref_slice %arg11[%dma_start3A_47] : memref<1600xi32, #tpu.memory_space<vmem>> -> memref<80xi32, #tpu.memory_space<vmem>>
    %dma_start3A_49 = arith.constant 0 : i32
    %dma_start3A_50 = arith.constant 0 : i32
    %dma_start3A_51 = tpu.memref_slice %arg7[%dma_start3A_49, %dma_start3A_50] : memref<100000x128xf32, #tpu.memory_space<hbm>> -> memref<100000x128xf32, #tpu.memory_space<hbm>>
    tpu.enqueue_indirect_dma source(%dma_start3A_51 : memref<100000x128xf32, #tpu.memory_space<hbm>>) target(%arg13 : memref<80x128xf32, #tpu.memory_space<vmem>>) offsets(%dma_start3A_48 : memref<80xi32, #tpu.memory_space<vmem>>) semaphore(%arg15 : memref<!tpu.dma_semaphore, #tpu.memory_space<semaphore_mem>>) {add = true}
    %scan3A_52 = arith.constant 0 : i32
    %scan3A_53 = arith.constant 0 : i32
    %scan3A_54 = arith.constant 10 : i32
    %scan3A_55 = arith.addi %scan3A_53, %scan3A_54 : i32
    %scan3A_56 = arith.constant 1 : i32
    %scan3A_57 = scf.for %scan3A_70 = %scan3A_53 to %scan3A_55 step %scan3A_56 iter_args(%scan3A_71 = %scan3A_52) -> (i32)  : i32 {
      %mul3A_72 = arith.constant 2 : i32
      %mul3A_73 = arith.muli %mul3A_72, %scan3A_70 : i32
      %add3A_74 = arith.constant 1 : i32
      %add3A_75 = arith.addi %mul3A_73, %add3A_74 : i32
      %dma_wait3A_76 = arith.constant 0 : i32
      %dma_wait3A_77 = arith.constant 0 : i32
      %dma_wait3A_78 = tpu.memref_slice %arg5[%dma_wait3A_76, %dma_wait3A_77] : memref<100000x128xf32, #tpu.memory_space<hbm>> -> memref<80x128xf32, #tpu.memory_space<hbm>>
      %dma_wait3A_79 = arith.constant 0 : i32
      %dma_wait3A_80 = arith.constant 0 : i32
      %dma_wait3A_81 = tpu.memref_slice %arg5[%dma_wait3A_79, %dma_wait3A_80] : memref<100000x128xf32, #tpu.memory_space<hbm>> -> memref<80x128xf32, #tpu.memory_space<hbm>>
      tpu.wait_dma2 semaphore(%arg14 : memref<!tpu.dma_semaphore, #tpu.memory_space<semaphore_mem>>) src(%dma_wait3A_81 : memref<80x128xf32, #tpu.memory_space<hbm>>) dst(%arg12 : memref<80x128xf32, #tpu.memory_space<vmem>>)
      %dma_wait3A_82 = arith.constant 0 : i32
      %dma_wait3A_83 = arith.constant 0 : i32
      %dma_wait3A_84 = tpu.memref_slice %arg6[%dma_wait3A_82, %dma_wait3A_83] : memref<50000x128xf32, #tpu.memory_space<hbm>> -> memref<80x128xf32, #tpu.memory_space<hbm>>
      %dma_wait3A_85 = arith.constant 0 : i32
      %dma_wait3A_86 = arith.constant 0 : i32
      %dma_wait3A_87 = tpu.memref_slice %arg6[%dma_wait3A_85, %dma_wait3A_86] : memref<50000x128xf32, #tpu.memory_space<hbm>> -> memref<80x128xf32, #tpu.memory_space<hbm>>
      tpu.wait_dma2 semaphore(%arg14 : memref<!tpu.dma_semaphore, #tpu.memory_space<semaphore_mem>>) src(%dma_wait3A_87 : memref<80x128xf32, #tpu.memory_space<hbm>>) dst(%arg12 : memref<80x128xf32, #tpu.memory_space<vmem>>)
      %dma_wait3A_88 = arith.constant 0 : i32
      %dma_wait3A_89 = arith.constant 0 : i32
      %dma_wait3A_90 = tpu.memref_slice %arg7[%dma_wait3A_88, %dma_wait3A_89] : memref<100000x128xf32, #tpu.memory_space<hbm>> -> memref<80x128xf32, #tpu.memory_space<hbm>>
      %dma_wait3A_91 = arith.constant 0 : i32
      %dma_wait3A_92 = arith.constant 0 : i32
      %dma_wait3A_93 = tpu.memref_slice %arg7[%dma_wait3A_91, %dma_wait3A_92] : memref<100000x128xf32, #tpu.memory_space<hbm>> -> memref<80x128xf32, #tpu.memory_space<hbm>>
      tpu.wait_dma2 semaphore(%arg14 : memref<!tpu.dma_semaphore, #tpu.memory_space<semaphore_mem>>) src(%dma_wait3A_93 : memref<80x128xf32, #tpu.memory_space<hbm>>) dst(%arg12 : memref<80x128xf32, #tpu.memory_space<vmem>>)
      %mul3A_94 = arith.constant 80 : i32
      %mul3A_95 = arith.muli %mul3A_73, %mul3A_94 : i32
      %add3A_96 = arith.addi %mul3A_2, %mul3A_95 : i32
      %dma_start3A_97 = arith.constant 0 : i32
      %dma_start3A_98 = tpu.memref_slice %arg8[%add3A_96, %dma_start3A_97] : memref<51200x128xf32, #tpu.memory_space<hbm>> -> memref<80x128xf32, #tpu.memory_space<hbm>>
      %dma_start3A_99 = arith.constant 0 : i32
      %dma_start3A_100 = tpu.memref_slice %arg8[%add3A_96, %dma_start3A_99] : memref<51200x128xf32, #tpu.memory_space<hbm>> -> memref<80x128xf32, #tpu.memory_space<hbm>>
      tpu.enqueue_dma source(%arg12 : memref<80x128xf32, #tpu.memory_space<vmem>>) target(%dma_start3A_100 : memref<80x128xf32, #tpu.memory_space<hbm>>) target_semaphore(%arg16 : memref<!tpu.dma_semaphore, #tpu.memory_space<semaphore_mem>>)
      %dma_wait3A_101 = arith.constant 0 : i32
      %dma_wait3A_102 = arith.constant 0 : i32
      %dma_wait3A_103 = tpu.memref_slice %arg5[%dma_wait3A_101, %dma_wait3A_102] : memref<100000x128xf32, #tpu.memory_space<hbm>> -> memref<80x128xf32, #tpu.memory_space<hbm>>
      %dma_wait3A_104 = arith.constant 0 : i32
      %dma_wait3A_105 = arith.constant 0 : i32
      %dma_wait3A_106 = tpu.memref_slice %arg5[%dma_wait3A_104, %dma_wait3A_105] : memref<100000x128xf32, #tpu.memory_space<hbm>> -> memref<80x128xf32, #tpu.memory_space<hbm>>
      tpu.wait_dma2 semaphore(%arg15 : memref<!tpu.dma_semaphore, #tpu.memory_space<semaphore_mem>>) src(%dma_wait3A_106 : memref<80x128xf32, #tpu.memory_space<hbm>>) dst(%arg13 : memref<80x128xf32, #tpu.memory_space<vmem>>)
      %dma_wait3A_107 = arith.constant 0 : i32
      %dma_wait3A_108 = arith.constant 0 : i32
      %dma_wait3A_109 = tpu.memref_slice %arg6[%dma_wait3A_107, %dma_wait3A_108] : memref<50000x128xf32, #tpu.memory_space<hbm>> -> memref<80x128xf32, #tpu.memory_space<hbm>>
      %dma_wait3A_110 = arith.constant 0 : i32
      %dma_wait3A_111 = arith.constant 0 : i32
      %dma_wait3A_112 = tpu.memref_slice %arg6[%dma_wait3A_110, %dma_wait3A_111] : memref<50000x128xf32, #tpu.memory_space<hbm>> -> memref<80x128xf32, #tpu.memory_space<hbm>>
      tpu.wait_dma2 semaphore(%arg15 : memref<!tpu.dma_semaphore, #tpu.memory_space<semaphore_mem>>) src(%dma_wait3A_112 : memref<80x128xf32, #tpu.memory_space<hbm>>) dst(%arg13 : memref<80x128xf32, #tpu.memory_space<vmem>>)
      %dma_wait3A_113 = arith.constant 0 : i32
      %dma_wait3A_114 = arith.constant 0 : i32
      %dma_wait3A_115 = tpu.memref_slice %arg7[%dma_wait3A_113, %dma_wait3A_114] : memref<100000x128xf32, #tpu.memory_space<hbm>> -> memref<80x128xf32, #tpu.memory_space<hbm>>
      %dma_wait3A_116 = arith.constant 0 : i32
      %dma_wait3A_117 = arith.constant 0 : i32
      %dma_wait3A_118 = tpu.memref_slice %arg7[%dma_wait3A_116, %dma_wait3A_117] : memref<100000x128xf32, #tpu.memory_space<hbm>> -> memref<80x128xf32, #tpu.memory_space<hbm>>
      tpu.wait_dma2 semaphore(%arg15 : memref<!tpu.dma_semaphore, #tpu.memory_space<semaphore_mem>>) src(%dma_wait3A_118 : memref<80x128xf32, #tpu.memory_space<hbm>>) dst(%arg13 : memref<80x128xf32, #tpu.memory_space<vmem>>)
      %mul3A_119 = arith.constant 80 : i32
      %mul3A_120 = arith.muli %add3A_75, %mul3A_119 : i32
      %add3A_121 = arith.addi %mul3A_2, %mul3A_120 : i32
      %dma_start3A_122 = arith.constant 0 : i32
      %dma_start3A_123 = tpu.memref_slice %arg8[%add3A_121, %dma_start3A_122] : memref<51200x128xf32, #tpu.memory_space<hbm>> -> memref<80x128xf32, #tpu.memory_space<hbm>>
      %dma_start3A_124 = arith.constant 0 : i32
      %dma_start3A_125 = tpu.memref_slice %arg8[%add3A_121, %dma_start3A_124] : memref<51200x128xf32, #tpu.memory_space<hbm>> -> memref<80x128xf32, #tpu.memory_space<hbm>>
      tpu.enqueue_dma source(%arg13 : memref<80x128xf32, #tpu.memory_space<vmem>>) target(%dma_start3A_125 : memref<80x128xf32, #tpu.memory_space<hbm>>) target_semaphore(%arg17 : memref<!tpu.dma_semaphore, #tpu.memory_space<semaphore_mem>>)
      %add3A_126 = arith.constant 2 : i32
      %add3A_127 = arith.addi %mul3A_73, %add3A_126 : i32
      %lt3A = arith.constant 20 : i32
      %lt3A_128 = arith.cmpi slt, %add3A_127, %lt3A : i32
      %convert_element_type3A = arith.extui %lt3A_128 : i1 to i32
      %cond3A = arith.constant 0 : i32
      %cond3A_129 = arith.cmpi ne, %convert_element_type3A, %cond3A : i32
      scf.if %cond3A_129 {
        %dma_wait3A_138 = arith.constant 0 : i32
        %dma_wait3A_139 = arith.constant 0 : i32
        %dma_wait3A_140 = tpu.memref_slice %arg8[%dma_wait3A_138, %dma_wait3A_139] : memref<51200x128xf32, #tpu.memory_space<hbm>> -> memref<80x128xf32, #tpu.memory_space<hbm>>
        %dma_wait3A_141 = arith.constant 0 : i32
        %dma_wait3A_142 = arith.constant 0 : i32
        %dma_wait3A_143 = tpu.memref_slice %arg8[%dma_wait3A_141, %dma_wait3A_142] : memref<51200x128xf32, #tpu.memory_space<hbm>> -> memref<80x128xf32, #tpu.memory_space<hbm>>
        tpu.wait_dma2 semaphore(%arg16 : memref<!tpu.dma_semaphore, #tpu.memory_space<semaphore_mem>>) src(%arg12 : memref<80x128xf32, #tpu.memory_space<vmem>>) dst(%dma_wait3A_143 : memref<80x128xf32, #tpu.memory_space<hbm>>)
        %scan3A_144 = arith.constant 0 : i32
        %scan3A_145 = arith.constant 0 : i32
        %scan3A_146 = arith.constant 80 : i32
        %scan3A_147 = arith.addi %scan3A_145, %scan3A_146 : i32
        %scan3A_148 = arith.constant 1 : i32
        %scan3A_149 = scf.for %scan3A_171 = %scan3A_145 to %scan3A_147 step %scan3A_148 iter_args(%scan3A_172 = %scan3A_144) -> (i32)  : i32 {
          %swap3A = arith.index_cast %scan3A_171 : i32 to index
          %swap3A_173 = arith.constant 0 : index
          %swap3A_174 = tpu.vector_load %arg12[%swap3A, %swap3A_173] {strides = array<i32>} : memref<80x128xf32, #tpu.memory_space<vmem>>, vector<1x16xf32>,
          %swap3A_175 = vector.shape_cast %swap3A_174 : vector<1x16xf32> to vector<16xf32>
          %swap3A_176 = vector.shape_cast %broadcast_in_dim3A_9 : vector<16xf32> to vector<1x16xf32>
          tpu.vector_store %arg12[%swap3A, %swap3A_173], %swap3A_176 {strides = array<i32>} : memref<80x128xf32, #tpu.memory_space<vmem>>, vector<1x16xf32>,
          %swap3A_177 = arith.index_cast %scan3A_171 : i32 to index
          %swap3A_178 = arith.constant 16 : index
          %swap3A_179 = tpu.vector_load %arg12[%swap3A_177, %swap3A_178] {strides = array<i32>} : memref<80x128xf32, #tpu.memory_space<vmem>>, vector<1x16xf32>,
          %swap3A_180 = vector.shape_cast %swap3A_179 : vector<1x16xf32> to vector<16xf32>
          %swap3A_181 = vector.shape_cast %broadcast_in_dim3A_9 : vector<16xf32> to vector<1x16xf32>
          tpu.vector_store %arg12[%swap3A_177, %swap3A_178], %swap3A_181 {strides = array<i32>} : memref<80x128xf32, #tpu.memory_space<vmem>>, vector<1x16xf32>,
          %swap3A_182 = arith.index_cast %scan3A_171 : i32 to index
          %swap3A_183 = arith.constant 32 : index
          %swap3A_184 = tpu.vector_load %arg12[%swap3A_182, %swap3A_183] {strides = array<i32>} : memref<80x128xf32, #tpu.memory_space<vmem>>, vector<1x16xf32>,
          %swap3A_185 = vector.shape_cast %swap3A_184 : vector<1x16xf32> to vector<16xf32>
          %swap3A_186 = vector.shape_cast %broadcast_in_dim3A_9 : vector<16xf32> to vector<1x16xf32>
          tpu.vector_store %arg12[%swap3A_182, %swap3A_183], %swap3A_186 {strides = array<i32>} : memref<80x128xf32, #tpu.memory_space<vmem>>, vector<1x16xf32>,
          %swap3A_187 = arith.index_cast %scan3A_171 : i32 to index
          %swap3A_188 = arith.constant 48 : index
          %swap3A_189 = tpu.vector_load %arg12[%swap3A_187, %swap3A_188] {strides = array<i32>} : memref<80x128xf32, #tpu.memory_space<vmem>>, vector<1x16xf32>,
          %swap3A_190 = vector.shape_cast %swap3A_189 : vector<1x16xf32> to vector<16xf32>
          %swap3A_191 = vector.shape_cast %broadcast_in_dim3A_9 : vector<16xf32> to vector<1x16xf32>
          tpu.vector_store %arg12[%swap3A_187, %swap3A_188], %swap3A_191 {strides = array<i32>} : memref<80x128xf32, #tpu.memory_space<vmem>>, vector<1x16xf32>,
          %swap3A_192 = arith.index_cast %scan3A_171 : i32 to index
          %swap3A_193 = arith.constant 64 : index
          %swap3A_194 = tpu.vector_load %arg12[%swap3A_192, %swap3A_193] {strides = array<i32>} : memref<80x128xf32, #tpu.memory_space<vmem>>, vector<1x16xf32>,
          %swap3A_195 = vector.shape_cast %swap3A_194 : vector<1x16xf32> to vector<16xf32>
          %swap3A_196 = vector.shape_cast %broadcast_in_dim3A_9 : vector<16xf32> to vector<1x16xf32>
          tpu.vector_store %arg12[%swap3A_192, %swap3A_193], %swap3A_196 {strides = array<i32>} : memref<80x128xf32, #tpu.memory_space<vmem>>, vector<1x16xf32>,
          %swap3A_197 = arith.index_cast %scan3A_171 : i32 to index
          %swap3A_198 = arith.constant 80 : index
          %swap3A_199 = tpu.vector_load %arg12[%swap3A_197, %swap3A_198] {strides = array<i32>} : memref<80x128xf32, #tpu.memory_space<vmem>>, vector<1x16xf32>,
          %swap3A_200 = vector.shape_cast %swap3A_199 : vector<1x16xf32> to vector<16xf32>
          %swap3A_201 = vector.shape_cast %broadcast_in_dim3A_9 : vector<16xf32> to vector<1x16xf32>
          tpu.vector_store %arg12[%swap3A_197, %swap3A_198], %swap3A_201 {strides = array<i32>} : memref<80x128xf32, #tpu.memory_space<vmem>>, vector<1x16xf32>,
          %swap3A_202 = arith.index_cast %scan3A_171 : i32 to index
          %swap3A_203 = arith.constant 96 : index
          %swap3A_204 = tpu.vector_load %arg12[%swap3A_202, %swap3A_203] {strides = array<i32>} : memref<80x128xf32, #tpu.memory_space<vmem>>, vector<1x16xf32>,
          %swap3A_205 = vector.shape_cast %swap3A_204 : vector<1x16xf32> to vector<16xf32>
          %swap3A_206 = vector.shape_cast %broadcast_in_dim3A_9 : vector<16xf32> to vector<1x16xf32>
          tpu.vector_store %arg12[%swap3A_202, %swap3A_203], %swap3A_206 {strides = array<i32>} : memref<80x128xf32, #tpu.memory_space<vmem>>, vector<1x16xf32>,
          %swap3A_207 = arith.index_cast %scan3A_171 : i32 to index
          %swap3A_208 = arith.constant 112 : index
          %swap3A_209 = tpu.vector_load %arg12[%swap3A_207, %swap3A_208] {strides = array<i32>} : memref<80x128xf32, #tpu.memory_space<vmem>>, vector<1x16xf32>,
          %swap3A_210 = vector.shape_cast %swap3A_209 : vector<1x16xf32> to vector<16xf32>
          %swap3A_211 = vector.shape_cast %broadcast_in_dim3A_9 : vector<16xf32> to vector<1x16xf32>
          tpu.vector_store %arg12[%swap3A_207, %swap3A_208], %swap3A_211 {strides = array<i32>} : memref<80x128xf32, #tpu.memory_space<vmem>>, vector<1x16xf32>,
          %scan3A_212 = arith.constant 0 : i32
          scf.yield %scan3A_212 : i32
        }
        %scan3A_150 = arith.constant 80 : i32
        %add3A_151 = arith.constant 2 : i32
        %add3A_152 = arith.addi %mul3A_73, %add3A_151 : i32
        %mul3A_153 = arith.constant 80 : i32
        %mul3A_154 = arith.muli %add3A_152, %mul3A_153 : i32
        %dma_start3A_155 = tpu.memref_slice %arg9[%mul3A_154] : memref<1600xi32, #tpu.memory_space<vmem>> -> memref<80xi32, #tpu.memory_space<vmem>>
        %dma_start3A_156 = arith.constant 0 : i32
        %dma_start3A_157 = arith.constant 0 : i32
        %dma_start3A_158 = tpu.memref_slice %arg5[%dma_start3A_156, %dma_start3A_157] : memref<100000x128xf32, #tpu.memory_space<hbm>> -> memref<100000x128xf32, #tpu.memory_space<hbm>>
        tpu.enqueue_indirect_dma source(%dma_start3A_158 : memref<100000x128xf32, #tpu.memory_space<hbm>>) target(%arg12 : memref<80x128xf32, #tpu.memory_space<vmem>>) offsets(%dma_start3A_155 : memref<80xi32, #tpu.memory_space<vmem>>) semaphore(%arg14 : memref<!tpu.dma_semaphore, #tpu.memory_space<semaphore_mem>>) {add = true}
        %mul3A_159 = arith.constant 80 : i32
        %mul3A_160 = arith.muli %add3A_152, %mul3A_159 : i32
        %dma_start3A_161 = tpu.memref_slice %arg10[%mul3A_160] : memref<1600xi32, #tpu.memory_space<vmem>> -> memref<80xi32, #tpu.memory_space<vmem>>
        %dma_start3A_162 = arith.constant 0 : i32
        %dma_start3A_163 = arith.constant 0 : i32
        %dma_start3A_164 = tpu.memref_slice %arg6[%dma_start3A_162, %dma_start3A_163] : memref<50000x128xf32, #tpu.memory_space<hbm>> -> memref<50000x128xf32, #tpu.memory_space<hbm>>
        tpu.enqueue_indirect_dma source(%dma_start3A_164 : memref<50000x128xf32, #tpu.memory_space<hbm>>) target(%arg12 : memref<80x128xf32, #tpu.memory_space<vmem>>) offsets(%dma_start3A_161 : memref<80xi32, #tpu.memory_space<vmem>>) semaphore(%arg14 : memref<!tpu.dma_semaphore, #tpu.memory_space<semaphore_mem>>) {add = true}
        %mul3A_165 = arith.constant 80 : i32
        %mul3A_166 = arith.muli %add3A_152, %mul3A_165 : i32
        %dma_start3A_167 = tpu.memref_slice %arg11[%mul3A_166] : memref<1600xi32, #tpu.memory_space<vmem>> -> memref<80xi32, #tpu.memory_space<vmem>>
        %dma_start3A_168 = arith.constant 0 : i32
        %dma_start3A_169 = arith.constant 0 : i32
        %dma_start3A_170 = tpu.memref_slice %arg7[%dma_start3A_168, %dma_start3A_169] : memref<100000x128xf32, #tpu.memory_space<hbm>> -> memref<100000x128xf32, #tpu.memory_space<hbm>>
        tpu.enqueue_indirect_dma source(%dma_start3A_170 : memref<100000x128xf32, #tpu.memory_space<hbm>>) target(%arg12 : memref<80x128xf32, #tpu.memory_space<vmem>>) offsets(%dma_start3A_167 : memref<80xi32, #tpu.memory_space<vmem>>) semaphore(%arg14 : memref<!tpu.dma_semaphore, #tpu.memory_space<semaphore_mem>>) {add = true}
      } else {
      }
      %add3A_130 = arith.constant 2 : i32
      %add3A_131 = arith.addi %add3A_75, %add3A_130 : i32
      %lt3A_132 = arith.constant 20 : i32
      %lt3A_133 = arith.cmpi slt, %add3A_131, %lt3A_132 : i32
      %convert_element_type3A_134 = arith.extui %lt3A_133 : i1 to i32
      %cond3A_135 = arith.constant 0 : i32
      %cond3A_136 = arith.cmpi ne, %convert_element_type3A_134, %cond3A_135 : i32
      scf.if %cond3A_136 {
        %dma_wait3A_138 = arith.constant 0 : i32
        %dma_wait3A_139 = arith.constant 0 : i32
        %dma_wait3A_140 = tpu.memref_slice %arg8[%dma_wait3A_138, %dma_wait3A_139] : memref<51200x128xf32, #tpu.memory_space<hbm>> -> memref<80x128xf32, #tpu.memory_space<hbm>>
        %dma_wait3A_141 = arith.constant 0 : i32
        %dma_wait3A_142 = arith.constant 0 : i32
        %dma_wait3A_143 = tpu.memref_slice %arg8[%dma_wait3A_141, %dma_wait3A_142] : memref<51200x128xf32, #tpu.memory_space<hbm>> -> memref<80x128xf32, #tpu.memory_space<hbm>>
        tpu.wait_dma2 semaphore(%arg17 : memref<!tpu.dma_semaphore, #tpu.memory_space<semaphore_mem>>) src(%arg13 : memref<80x128xf32, #tpu.memory_space<vmem>>) dst(%dma_wait3A_143 : memref<80x128xf32, #tpu.memory_space<hbm>>)
        %scan3A_144 = arith.constant 0 : i32
        %scan3A_145 = arith.constant 0 : i32
        %scan3A_146 = arith.constant 80 : i32
        %scan3A_147 = arith.addi %scan3A_145, %scan3A_146 : i32
        %scan3A_148 = arith.constant 1 : i32
        %scan3A_149 = scf.for %scan3A_171 = %scan3A_145 to %scan3A_147 step %scan3A_148 iter_args(%scan3A_172 = %scan3A_144) -> (i32)  : i32 {
          %swap3A = arith.index_cast %scan3A_171 : i32 to index
          %swap3A_173 = arith.constant 0 : index
          %swap3A_174 = tpu.vector_load %arg13[%swap3A, %swap3A_173] {strides = array<i32>} : memref<80x128xf32, #tpu.memory_space<vmem>>, vector<1x16xf32>,
          %swap3A_175 = vector.shape_cast %swap3A_174 : vector<1x16xf32> to vector<16xf32>
          %swap3A_176 = vector.shape_cast %broadcast_in_dim3A_9 : vector<16xf32> to vector<1x16xf32>
          tpu.vector_store %arg13[%swap3A, %swap3A_173], %swap3A_176 {strides = array<i32>} : memref<80x128xf32, #tpu.memory_space<vmem>>, vector<1x16xf32>,
          %swap3A_177 = arith.index_cast %scan3A_171 : i32 to index
          %swap3A_178 = arith.constant 16 : index
          %swap3A_179 = tpu.vector_load %arg13[%swap3A_177, %swap3A_178] {strides = array<i32>} : memref<80x128xf32, #tpu.memory_space<vmem>>, vector<1x16xf32>,
          %swap3A_180 = vector.shape_cast %swap3A_179 : vector<1x16xf32> to vector<16xf32>
          %swap3A_181 = vector.shape_cast %broadcast_in_dim3A_9 : vector<16xf32> to vector<1x16xf32>
          tpu.vector_store %arg13[%swap3A_177, %swap3A_178], %swap3A_181 {strides = array<i32>} : memref<80x128xf32, #tpu.memory_space<vmem>>, vector<1x16xf32>,
          %swap3A_182 = arith.index_cast %scan3A_171 : i32 to index
          %swap3A_183 = arith.constant 32 : index
          %swap3A_184 = tpu.vector_load %arg13[%swap3A_182, %swap3A_183] {strides = array<i32>} : memref<80x128xf32, #tpu.memory_space<vmem>>, vector<1x16xf32>,
          %swap3A_185 = vector.shape_cast %swap3A_184 : vector<1x16xf32> to vector<16xf32>
          %swap3A_186 = vector.shape_cast %broadcast_in_dim3A_9 : vector<16xf32> to vector<1x16xf32>
          tpu.vector_store %arg13[%swap3A_182, %swap3A_183], %swap3A_186 {strides = array<i32>} : memref<80x128xf32, #tpu.memory_space<vmem>>, vector<1x16xf32>,
          %swap3A_187 = arith.index_cast %scan3A_171 : i32 to index
          %swap3A_188 = arith.constant 48 : index
          %swap3A_189 = tpu.vector_load %arg13[%swap3A_187, %swap3A_188] {strides = array<i32>} : memref<80x128xf32, #tpu.memory_space<vmem>>, vector<1x16xf32>,
          %swap3A_190 = vector.shape_cast %swap3A_189 : vector<1x16xf32> to vector<16xf32>
          %swap3A_191 = vector.shape_cast %broadcast_in_dim3A_9 : vector<16xf32> to vector<1x16xf32>
          tpu.vector_store %arg13[%swap3A_187, %swap3A_188], %swap3A_191 {strides = array<i32>} : memref<80x128xf32, #tpu.memory_space<vmem>>, vector<1x16xf32>,
          %swap3A_192 = arith.index_cast %scan3A_171 : i32 to index
          %swap3A_193 = arith.constant 64 : index
          %swap3A_194 = tpu.vector_load %arg13[%swap3A_192, %swap3A_193] {strides = array<i32>} : memref<80x128xf32, #tpu.memory_space<vmem>>, vector<1x16xf32>,
          %swap3A_195 = vector.shape_cast %swap3A_194 : vector<1x16xf32> to vector<16xf32>
          %swap3A_196 = vector.shape_cast %broadcast_in_dim3A_9 : vector<16xf32> to vector<1x16xf32>
          tpu.vector_store %arg13[%swap3A_192, %swap3A_193], %swap3A_196 {strides = array<i32>} : memref<80x128xf32, #tpu.memory_space<vmem>>, vector<1x16xf32>,
          %swap3A_197 = arith.index_cast %scan3A_171 : i32 to index
          %swap3A_198 = arith.constant 80 : index
          %swap3A_199 = tpu.vector_load %arg13[%swap3A_197, %swap3A_198] {strides = array<i32>} : memref<80x128xf32, #tpu.memory_space<vmem>>, vector<1x16xf32>,
          %swap3A_200 = vector.shape_cast %swap3A_199 : vector<1x16xf32> to vector<16xf32>
          %swap3A_201 = vector.shape_cast %broadcast_in_dim3A_9 : vector<16xf32> to vector<1x16xf32>
          tpu.vector_store %arg13[%swap3A_197, %swap3A_198], %swap3A_201 {strides = array<i32>} : memref<80x128xf32, #tpu.memory_space<vmem>>, vector<1x16xf32>,
          %swap3A_202 = arith.index_cast %scan3A_171 : i32 to index
          %swap3A_203 = arith.constant 96 : index
          %swap3A_204 = tpu.vector_load %arg13[%swap3A_202, %swap3A_203] {strides = array<i32>} : memref<80x128xf32, #tpu.memory_space<vmem>>, vector<1x16xf32>,
          %swap3A_205 = vector.shape_cast %swap3A_204 : vector<1x16xf32> to vector<16xf32>
          %swap3A_206 = vector.shape_cast %broadcast_in_dim3A_9 : vector<16xf32> to vector<1x16xf32>
          tpu.vector_store %arg13[%swap3A_202, %swap3A_203], %swap3A_206 {strides = array<i32>} : memref<80x128xf32, #tpu.memory_space<vmem>>, vector<1x16xf32>,
          %swap3A_207 = arith.index_cast %scan3A_171 : i32 to index
          %swap3A_208 = arith.constant 112 : index
          %swap3A_209 = tpu.vector_load %arg13[%swap3A_207, %swap3A_208] {strides = array<i32>} : memref<80x128xf32, #tpu.memory_space<vmem>>, vector<1x16xf32>,
          %swap3A_210 = vector.shape_cast %swap3A_209 : vector<1x16xf32> to vector<16xf32>
          %swap3A_211 = vector.shape_cast %broadcast_in_dim3A_9 : vector<16xf32> to vector<1x16xf32>
          tpu.vector_store %arg13[%swap3A_207, %swap3A_208], %swap3A_211 {strides = array<i32>} : memref<80x128xf32, #tpu.memory_space<vmem>>, vector<1x16xf32>,
          %scan3A_212 = arith.constant 0 : i32
          scf.yield %scan3A_212 : i32
        }
        %scan3A_150 = arith.constant 80 : i32
        %add3A_151 = arith.constant 2 : i32
        %add3A_152 = arith.addi %add3A_75, %add3A_151 : i32
        %mul3A_153 = arith.constant 80 : i32
        %mul3A_154 = arith.muli %add3A_152, %mul3A_153 : i32
        %dma_start3A_155 = tpu.memref_slice %arg9[%mul3A_154] : memref<1600xi32, #tpu.memory_space<vmem>> -> memref<80xi32, #tpu.memory_space<vmem>>
        %dma_start3A_156 = arith.constant 0 : i32
        %dma_start3A_157 = arith.constant 0 : i32
        %dma_start3A_158 = tpu.memref_slice %arg5[%dma_start3A_156, %dma_start3A_157] : memref<100000x128xf32, #tpu.memory_space<hbm>> -> memref<100000x128xf32, #tpu.memory_space<hbm>>
        tpu.enqueue_indirect_dma source(%dma_start3A_158 : memref<100000x128xf32, #tpu.memory_space<hbm>>) target(%arg13 : memref<80x128xf32, #tpu.memory_space<vmem>>) offsets(%dma_start3A_155 : memref<80xi32, #tpu.memory_space<vmem>>) semaphore(%arg15 : memref<!tpu.dma_semaphore, #tpu.memory_space<semaphore_mem>>) {add = true}
        %mul3A_159 = arith.constant 80 : i32
        %mul3A_160 = arith.muli %add3A_152, %mul3A_159 : i32
        %dma_start3A_161 = tpu.memref_slice %arg10[%mul3A_160] : memref<1600xi32, #tpu.memory_space<vmem>> -> memref<80xi32, #tpu.memory_space<vmem>>
        %dma_start3A_162 = arith.constant 0 : i32
        %dma_start3A_163 = arith.constant 0 : i32
        %dma_start3A_164 = tpu.memref_slice %arg6[%dma_start3A_162, %dma_start3A_163] : memref<50000x128xf32, #tpu.memory_space<hbm>> -> memref<50000x128xf32, #tpu.memory_space<hbm>>
        tpu.enqueue_indirect_dma source(%dma_start3A_164 : memref<50000x128xf32, #tpu.memory_space<hbm>>) target(%arg13 : memref<80x128xf32, #tpu.memory_space<vmem>>) offsets(%dma_start3A_161 : memref<80xi32, #tpu.memory_space<vmem>>) semaphore(%arg15 : memref<!tpu.dma_semaphore, #tpu.memory_space<semaphore_mem>>) {add = true}
        %mul3A_165 = arith.constant 80 : i32
        %mul3A_166 = arith.muli %add3A_152, %mul3A_165 : i32
        %dma_start3A_167 = tpu.memref_slice %arg11[%mul3A_166] : memref<1600xi32, #tpu.memory_space<vmem>> -> memref<80xi32, #tpu.memory_space<vmem>>
        %dma_start3A_168 = arith.constant 0 : i32
        %dma_start3A_169 = arith.constant 0 : i32
        %dma_start3A_170 = tpu.memref_slice %arg7[%dma_start3A_168, %dma_start3A_169] : memref<100000x128xf32, #tpu.memory_space<hbm>> -> memref<100000x128xf32, #tpu.memory_space<hbm>>
        tpu.enqueue_indirect_dma source(%dma_start3A_170 : memref<100000x128xf32, #tpu.memory_space<hbm>>) target(%arg13 : memref<80x128xf32, #tpu.memory_space<vmem>>) offsets(%dma_start3A_167 : memref<80xi32, #tpu.memory_space<vmem>>) semaphore(%arg15 : memref<!tpu.dma_semaphore, #tpu.memory_space<semaphore_mem>>) {add = true}
      } else {
      }
      %scan3A_137 = arith.constant 0 : i32
      scf.yield %scan3A_137 : i32
    }
    %scan3A_58 = arith.constant 10 : i32
    %dma_wait3A = arith.constant 0 : i32
    %dma_wait3A_59 = arith.constant 0 : i32
    %dma_wait3A_60 = tpu.memref_slice %arg8[%dma_wait3A, %dma_wait3A_59] : memref<51200x128xf32, #tpu.memory_space<hbm>> -> memref<80x128xf32, #tpu.memory_space<hbm>>
    %dma_wait3A_61 = arith.constant 0 : i32
    %dma_wait3A_62 = arith.constant 0 : i32
    %dma_wait3A_63 = tpu.memref_slice %arg8[%dma_wait3A_61, %dma_wait3A_62] : memref<51200x128xf32, #tpu.memory_space<hbm>> -> memref<80x128xf32, #tpu.memory_space<hbm>>
    tpu.wait_dma2 semaphore(%arg16 : memref<!tpu.dma_semaphore, #tpu.memory_space<semaphore_mem>>) src(%arg12 : memref<80x128xf32, #tpu.memory_space<vmem>>) dst(%dma_wait3A_63 : memref<80x128xf32, #tpu.memory_space<hbm>>)
    %dma_wait3A_64 = arith.constant 0 : i32
    %dma_wait3A_65 = arith.constant 0 : i32
    %dma_wait3A_66 = tpu.memref_slice %arg8[%dma_wait3A_64, %dma_wait3A_65] : memref<51200x128xf32, #tpu.memory_space<hbm>> -> memref<80x128xf32, #tpu.memory_space<hbm>>
    %dma_wait3A_67 = arith.constant 0 : i32
    %dma_wait3A_68 = arith.constant 0 : i32
    %dma_wait3A_69 = tpu.memref_slice %arg8[%dma_wait3A_67, %dma_wait3A_68] : memref<51200x128xf32, #tpu.memory_space<hbm>> -> memref<80x128xf32, #tpu.memory_space<hbm>>
    tpu.wait_dma2 semaphore(%arg17 : memref<!tpu.dma_semaphore, #tpu.memory_space<semaphore_mem>>) src(%arg13 : memref<80x128xf32, #tpu.memory_space<vmem>>) dst(%dma_wait3A_69 : memref<80x128xf32, #tpu.memory_space<hbm>>)
    return
  }
}

#map = affine_map<(d0, d1) -> (0)>
#map1 = affine_map<(d0, d1) -> (0, 0)>
module attributes {stable_mosaic.version = 14 : i64} {
  func.func @_sc_gsum_body(%arg0: i32, %arg1: i32, %arg2: memref<204800xi32, #tpu.memory_space<hbm>>, %arg3: memref<204800xi32, #tpu.memory_space<hbm>>, %arg4: memref<204800xi32, #tpu.memory_space<hbm>>, %arg5: memref<100000x128xf32, #tpu.memory_space<hbm>>, %arg6: memref<50000x128xf32, #tpu.memory_space<hbm>>, %arg7: memref<100000x128xf32, #tpu.memory_space<hbm>>, %arg8: memref<51200x128xf32, #tpu.memory_space<hbm>>, %arg9: memref<1600xi32, #tpu.memory_space<vmem>>, %arg10: memref<1600xi32, #tpu.memory_space<vmem>>, %arg11: memref<1600xi32, #tpu.memory_space<vmem>>, %arg12: memref<80x128xf32, #tpu.memory_space<vmem>>, %arg13: memref<80x128xf32, #tpu.memory_space<vmem>>, %arg14: memref<!tpu.dma_semaphore, #tpu.memory_space<semaphore_mem>>, %arg15: memref<!tpu.dma_semaphore, #tpu.memory_space<semaphore_mem>>, %arg16: memref<!tpu.dma_semaphore, #tpu.memory_space<semaphore_mem>>, %arg17: memref<!tpu.dma_semaphore, #tpu.memory_space<semaphore_mem>>) attributes {dimension_semantics = [#tpu.dimension_semantics<core_parallel>, #tpu.dimension_semantics<subcore_parallel>], iteration_bounds = array<i64: 2, 16>, scalar_prefetch = 0 : i64, scratch_operands = 9 : i64, tpu.core_type = #tpu.core_type<sc_vector_subcore>, window_params = [{transform_indices = #map}, {transform_indices = #map}, {transform_indices = #map}, {transform_indices = #map1}, {transform_indices = #map1}, {transform_indices = #map1}, {transform_indices = #map1}]} {
    %mul3A = arith.constant 2 : i32
    %mul3A_0 = arith.muli %arg1, %mul3A : i32
    %add3A = arith.addi %mul3A_0, %arg0 : i32
    %mul3A_1 = arith.constant 1600 : i32
    %mul3A_2 = arith.muli %add3A, %mul3A_1 : i32
    %add3A_3 = arith.constant 0 : i32
    %add3A_4 = arith.addi %add3A_3, %mul3A_2 : i32
    "tpu.region"() ({
      %run_scoped3A = tpu.sem_alloc : memref<!tpu.dma_semaphore, #tpu.memory_space<semaphore_mem>>
      %dma_start3A_70 = tpu.memref_slice %arg2[%add3A_4] : memref<204800xi32, #tpu.memory_space<hbm>> -> memref<1600xi32, #tpu.memory_space<hbm>>
      %dma_start3A_71 = tpu.memref_slice %arg2[%add3A_4] : memref<204800xi32, #tpu.memory_space<hbm>> -> memref<1600xi32, #tpu.memory_space<hbm>>
      tpu.enqueue_dma source(%dma_start3A_71 : memref<1600xi32, #tpu.memory_space<hbm>>) target(%arg9 : memref<1600xi32, #tpu.memory_space<vmem>>) target_semaphore(%run_scoped3A : memref<!tpu.dma_semaphore, #tpu.memory_space<semaphore_mem>>)
      %dma_wait3A_72 = tpu.memref_slice %arg2[%add3A_4] : memref<204800xi32, #tpu.memory_space<hbm>> -> memref<1600xi32, #tpu.memory_space<hbm>>
      %dma_wait3A_73 = tpu.memref_slice %arg2[%add3A_4] : memref<204800xi32, #tpu.memory_space<hbm>> -> memref<1600xi32, #tpu.memory_space<hbm>>
      tpu.wait_dma2 semaphore(%run_scoped3A : memref<!tpu.dma_semaphore, #tpu.memory_space<semaphore_mem>>) src(%dma_wait3A_73 : memref<1600xi32, #tpu.memory_space<hbm>>) dst(%arg9 : memref<1600xi32, #tpu.memory_space<vmem>>)
      tpu.yield
    }) : () -> ()
    %add3A_5 = arith.constant 0 : i32
    %add3A_6 = arith.addi %add3A_5, %mul3A_2 : i32
    "tpu.region"() ({
      %run_scoped3A = tpu.sem_alloc : memref<!tpu.dma_semaphore, #tpu.memory_space<semaphore_mem>>
      %dma_start3A_70 = tpu.memref_slice %arg3[%add3A_6] : memref<204800xi32, #tpu.memory_space<hbm>> -> memref<1600xi32, #tpu.memory_space<hbm>>
      %dma_start3A_71 = tpu.memref_slice %arg3[%add3A_6] : memref<204800xi32, #tpu.memory_space<hbm>> -> memref<1600xi32, #tpu.memory_space<hbm>>
      tpu.enqueue_dma source(%dma_start3A_71 : memref<1600xi32, #tpu.memory_space<hbm>>) target(%arg10 : memref<1600xi32, #tpu.memory_space<vmem>>) target_semaphore(%run_scoped3A : memref<!tpu.dma_semaphore, #tpu.memory_space<semaphore_mem>>)
      %dma_wait3A_72 = tpu.memref_slice %arg3[%add3A_6] : memref<204800xi32, #tpu.memory_space<hbm>> -> memref<1600xi32, #tpu.memory_space<hbm>>
      %dma_wait3A_73 = tpu.memref_slice %arg3[%add3A_6] : memref<204800xi32, #tpu.memory_space<hbm>> -> memref<1600xi32, #tpu.memory_space<hbm>>
      tpu.wait_dma2 semaphore(%run_scoped3A : memref<!tpu.dma_semaphore, #tpu.memory_space<semaphore_mem>>) src(%dma_wait3A_73 : memref<1600xi32, #tpu.memory_space<hbm>>) dst(%arg10 : memref<1600xi32, #tpu.memory_space<vmem>>)
      tpu.yield
    }) : () -> ()
    %add3A_7 = arith.constant 0 : i32
    %add3A_8 = arith.addi %add3A_7, %mul3A_2 : i32
    "tpu.region"() ({
      %run_scoped3A = tpu.sem_alloc : memref<!tpu.dma_semaphore, #tpu.memory_space<semaphore_mem>>
      %dma_start3A_70 = tpu.memref_slice %arg4[%add3A_8] : memref<204800xi32, #tpu.memory_space<hbm>> -> memref<1600xi32, #tpu.memory_space<hbm>>
      %dma_start3A_71 = tpu.memref_slice %arg4[%add3A_8] : memref<204800xi32, #tpu.memory_space<hbm>> -> memref<1600xi32, #tpu.memory_space<hbm>>
      tpu.enqueue_dma source(%dma_start3A_71 : memref<1600xi32, #tpu.memory_space<hbm>>) target(%arg11 : memref<1600xi32, #tpu.memory_space<vmem>>) target_semaphore(%run_scoped3A : memref<!tpu.dma_semaphore, #tpu.memory_space<semaphore_mem>>)
      %dma_wait3A_72 = tpu.memref_slice %arg4[%add3A_8] : memref<204800xi32, #tpu.memory_space<hbm>> -> memref<1600xi32, #tpu.memory_space<hbm>>
      %dma_wait3A_73 = tpu.memref_slice %arg4[%add3A_8] : memref<204800xi32, #tpu.memory_space<hbm>> -> memref<1600xi32, #tpu.memory_space<hbm>>
      tpu.wait_dma2 semaphore(%run_scoped3A : memref<!tpu.dma_semaphore, #tpu.memory_space<semaphore_mem>>) src(%dma_wait3A_73 : memref<1600xi32, #tpu.memory_space<hbm>>) dst(%arg11 : memref<1600xi32, #tpu.memory_space<vmem>>)
      tpu.yield
    }) : () -> ()
    %broadcast_in_dim3A = arith.constant 0.000000e+00 : f32
    %broadcast_in_dim3A_9 = vector.broadcast %broadcast_in_dim3A : f32 to vector<16xf32>
    %scan3A = arith.constant 0 : i32
    %scan3A_10 = arith.constant 0 : i32
    %scan3A_11 = arith.constant 80 : i32
    %scan3A_12 = arith.addi %scan3A_10, %scan3A_11 : i32
    %scan3A_13 = arith.constant 1 : i32
    %scan3A_14 = scf.for %scan3A_70 = %scan3A_10 to %scan3A_12 step %scan3A_13 iter_args(%scan3A_71 = %scan3A) -> (i32)  : i32 {
      %swap3A = arith.index_cast %scan3A_70 : i32 to index
      %swap3A_72 = arith.constant 0 : index
      %swap3A_73 = tpu.vector_load %arg12[%swap3A, %swap3A_72] {strides = array<i32>} : memref<80x128xf32, #tpu.memory_space<vmem>>, vector<1x16xf32>,
      %swap3A_74 = vector.shape_cast %swap3A_73 : vector<1x16xf32> to vector<16xf32>
      %swap3A_75 = vector.shape_cast %broadcast_in_dim3A_9 : vector<16xf32> to vector<1x16xf32>
      tpu.vector_store %arg12[%swap3A, %swap3A_72], %swap3A_75 {strides = array<i32>} : memref<80x128xf32, #tpu.memory_space<vmem>>, vector<1x16xf32>,
      %swap3A_76 = arith.index_cast %scan3A_70 : i32 to index
      %swap3A_77 = arith.constant 16 : index
      %swap3A_78 = tpu.vector_load %arg12[%swap3A_76, %swap3A_77] {strides = array<i32>} : memref<80x128xf32, #tpu.memory_space<vmem>>, vector<1x16xf32>,
      %swap3A_79 = vector.shape_cast %swap3A_78 : vector<1x16xf32> to vector<16xf32>
      %swap3A_80 = vector.shape_cast %broadcast_in_dim3A_9 : vector<16xf32> to vector<1x16xf32>
      tpu.vector_store %arg12[%swap3A_76, %swap3A_77], %swap3A_80 {strides = array<i32>} : memref<80x128xf32, #tpu.memory_space<vmem>>, vector<1x16xf32>,
      %swap3A_81 = arith.index_cast %scan3A_70 : i32 to index
      %swap3A_82 = arith.constant 32 : index
      %swap3A_83 = tpu.vector_load %arg12[%swap3A_81, %swap3A_82] {strides = array<i32>} : memref<80x128xf32, #tpu.memory_space<vmem>>, vector<1x16xf32>,
      %swap3A_84 = vector.shape_cast %swap3A_83 : vector<1x16xf32> to vector<16xf32>
      %swap3A_85 = vector.shape_cast %broadcast_in_dim3A_9 : vector<16xf32> to vector<1x16xf32>
      tpu.vector_store %arg12[%swap3A_81, %swap3A_82], %swap3A_85 {strides = array<i32>} : memref<80x128xf32, #tpu.memory_space<vmem>>, vector<1x16xf32>,
      %swap3A_86 = arith.index_cast %scan3A_70 : i32 to index
      %swap3A_87 = arith.constant 48 : index
      %swap3A_88 = tpu.vector_load %arg12[%swap3A_86, %swap3A_87] {strides = array<i32>} : memref<80x128xf32, #tpu.memory_space<vmem>>, vector<1x16xf32>,
      %swap3A_89 = vector.shape_cast %swap3A_88 : vector<1x16xf32> to vector<16xf32>
      %swap3A_90 = vector.shape_cast %broadcast_in_dim3A_9 : vector<16xf32> to vector<1x16xf32>
      tpu.vector_store %arg12[%swap3A_86, %swap3A_87], %swap3A_90 {strides = array<i32>} : memref<80x128xf32, #tpu.memory_space<vmem>>, vector<1x16xf32>,
      %swap3A_91 = arith.index_cast %scan3A_70 : i32 to index
      %swap3A_92 = arith.constant 64 : index
      %swap3A_93 = tpu.vector_load %arg12[%swap3A_91, %swap3A_92] {strides = array<i32>} : memref<80x128xf32, #tpu.memory_space<vmem>>, vector<1x16xf32>,
      %swap3A_94 = vector.shape_cast %swap3A_93 : vector<1x16xf32> to vector<16xf32>
      %swap3A_95 = vector.shape_cast %broadcast_in_dim3A_9 : vector<16xf32> to vector<1x16xf32>
      tpu.vector_store %arg12[%swap3A_91, %swap3A_92], %swap3A_95 {strides = array<i32>} : memref<80x128xf32, #tpu.memory_space<vmem>>, vector<1x16xf32>,
      %swap3A_96 = arith.index_cast %scan3A_70 : i32 to index
      %swap3A_97 = arith.constant 80 : index
      %swap3A_98 = tpu.vector_load %arg12[%swap3A_96, %swap3A_97] {strides = array<i32>} : memref<80x128xf32, #tpu.memory_space<vmem>>, vector<1x16xf32>,
      %swap3A_99 = vector.shape_cast %swap3A_98 : vector<1x16xf32> to vector<16xf32>
      %swap3A_100 = vector.shape_cast %broadcast_in_dim3A_9 : vector<16xf32> to vector<1x16xf32>
      tpu.vector_store %arg12[%swap3A_96, %swap3A_97], %swap3A_100 {strides = array<i32>} : memref<80x128xf32, #tpu.memory_space<vmem>>, vector<1x16xf32>,
      %swap3A_101 = arith.index_cast %scan3A_70 : i32 to index
      %swap3A_102 = arith.constant 96 : index
      %swap3A_103 = tpu.vector_load %arg12[%swap3A_101, %swap3A_102] {strides = array<i32>} : memref<80x128xf32, #tpu.memory_space<vmem>>, vector<1x16xf32>,
      %swap3A_104 = vector.shape_cast %swap3A_103 : vector<1x16xf32> to vector<16xf32>
      %swap3A_105 = vector.shape_cast %broadcast_in_dim3A_9 : vector<16xf32> to vector<1x16xf32>
      tpu.vector_store %arg12[%swap3A_101, %swap3A_102], %swap3A_105 {strides = array<i32>} : memref<80x128xf32, #tpu.memory_space<vmem>>, vector<1x16xf32>,
      %swap3A_106 = arith.index_cast %scan3A_70 : i32 to index
      %swap3A_107 = arith.constant 112 : index
      %swap3A_108 = tpu.vector_load %arg12[%swap3A_106, %swap3A_107] {strides = array<i32>} : memref<80x128xf32, #tpu.memory_space<vmem>>, vector<1x16xf32>,
      %swap3A_109 = vector.shape_cast %swap3A_108 : vector<1x16xf32> to vector<16xf32>
      %swap3A_110 = vector.shape_cast %broadcast_in_dim3A_9 : vector<16xf32> to vector<1x16xf32>
      tpu.vector_store %arg12[%swap3A_106, %swap3A_107], %swap3A_110 {strides = array<i32>} : memref<80x128xf32, #tpu.memory_space<vmem>>, vector<1x16xf32>,
      %scan3A_111 = arith.constant 0 : i32
      scf.yield %scan3A_111 : i32
    }
    %scan3A_15 = arith.constant 80 : i32
    %dma_start3A = arith.constant 0 : i32
    %dma_start3A_16 = tpu.memref_slice %arg9[%dma_start3A] : memref<1600xi32, #tpu.memory_space<vmem>> -> memref<80xi32, #tpu.memory_space<vmem>>
    %dma_start3A_17 = arith.constant 0 : i32
    %dma_start3A_18 = arith.constant 0 : i32
    %dma_start3A_19 = tpu.memref_slice %arg5[%dma_start3A_17, %dma_start3A_18] : memref<100000x128xf32, #tpu.memory_space<hbm>> -> memref<100000x128xf32, #tpu.memory_space<hbm>>
    tpu.enqueue_indirect_dma source(%dma_start3A_19 : memref<100000x128xf32, #tpu.memory_space<hbm>>) target(%arg12 : memref<80x128xf32, #tpu.memory_space<vmem>>) offsets(%dma_start3A_16 : memref<80xi32, #tpu.memory_space<vmem>>) semaphore(%arg14 : memref<!tpu.dma_semaphore, #tpu.memory_space<semaphore_mem>>) {add = true}
    %dma_start3A_20 = arith.constant 0 : i32
    %dma_start3A_21 = tpu.memref_slice %arg10[%dma_start3A_20] : memref<1600xi32, #tpu.memory_space<vmem>> -> memref<80xi32, #tpu.memory_space<vmem>>
    %dma_start3A_22 = arith.constant 0 : i32
    %dma_start3A_23 = arith.constant 0 : i32
    %dma_start3A_24 = tpu.memref_slice %arg6[%dma_start3A_22, %dma_start3A_23] : memref<50000x128xf32, #tpu.memory_space<hbm>> -> memref<50000x128xf32, #tpu.memory_space<hbm>>
    tpu.enqueue_indirect_dma source(%dma_start3A_24 : memref<50000x128xf32, #tpu.memory_space<hbm>>) target(%arg12 : memref<80x128xf32, #tpu.memory_space<vmem>>) offsets(%dma_start3A_21 : memref<80xi32, #tpu.memory_space<vmem>>) semaphore(%arg14 : memref<!tpu.dma_semaphore, #tpu.memory_space<semaphore_mem>>) {add = true}
    %dma_start3A_25 = arith.constant 0 : i32
    %dma_start3A_26 = tpu.memref_slice %arg11[%dma_start3A_25] : memref<1600xi32, #tpu.memory_space<vmem>> -> memref<80xi32, #tpu.memory_space<vmem>>
    %dma_start3A_27 = arith.constant 0 : i32
    %dma_start3A_28 = arith.constant 0 : i32
    %dma_start3A_29 = tpu.memref_slice %arg7[%dma_start3A_27, %dma_start3A_28] : memref<100000x128xf32, #tpu.memory_space<hbm>> -> memref<100000x128xf32, #tpu.memory_space<hbm>>
    tpu.enqueue_indirect_dma source(%dma_start3A_29 : memref<100000x128xf32, #tpu.memory_space<hbm>>) target(%arg12 : memref<80x128xf32, #tpu.memory_space<vmem>>) offsets(%dma_start3A_26 : memref<80xi32, #tpu.memory_space<vmem>>) semaphore(%arg14 : memref<!tpu.dma_semaphore, #tpu.memory_space<semaphore_mem>>) {add = true}
    %scan3A_30 = arith.constant 0 : i32
    %scan3A_31 = arith.constant 0 : i32
    %scan3A_32 = arith.constant 80 : i32
    %scan3A_33 = arith.addi %scan3A_31, %scan3A_32 : i32
    %scan3A_34 = arith.constant 1 : i32
    %scan3A_35 = scf.for %scan3A_70 = %scan3A_31 to %scan3A_33 step %scan3A_34 iter_args(%scan3A_71 = %scan3A_30) -> (i32)  : i32 {
      %swap3A = arith.index_cast %scan3A_70 : i32 to index
      %swap3A_72 = arith.constant 0 : index
      %swap3A_73 = tpu.vector_load %arg13[%swap3A, %swap3A_72] {strides = array<i32>} : memref<80x128xf32, #tpu.memory_space<vmem>>, vector<1x16xf32>,
      %swap3A_74 = vector.shape_cast %swap3A_73 : vector<1x16xf32> to vector<16xf32>
      %swap3A_75 = vector.shape_cast %broadcast_in_dim3A_9 : vector<16xf32> to vector<1x16xf32>
      tpu.vector_store %arg13[%swap3A, %swap3A_72], %swap3A_75 {strides = array<i32>} : memref<80x128xf32, #tpu.memory_space<vmem>>, vector<1x16xf32>,
      %swap3A_76 = arith.index_cast %scan3A_70 : i32 to index
      %swap3A_77 = arith.constant 16 : index
      %swap3A_78 = tpu.vector_load %arg13[%swap3A_76, %swap3A_77] {strides = array<i32>} : memref<80x128xf32, #tpu.memory_space<vmem>>, vector<1x16xf32>,
      %swap3A_79 = vector.shape_cast %swap3A_78 : vector<1x16xf32> to vector<16xf32>
      %swap3A_80 = vector.shape_cast %broadcast_in_dim3A_9 : vector<16xf32> to vector<1x16xf32>
      tpu.vector_store %arg13[%swap3A_76, %swap3A_77], %swap3A_80 {strides = array<i32>} : memref<80x128xf32, #tpu.memory_space<vmem>>, vector<1x16xf32>,
      %swap3A_81 = arith.index_cast %scan3A_70 : i32 to index
      %swap3A_82 = arith.constant 32 : index
      %swap3A_83 = tpu.vector_load %arg13[%swap3A_81, %swap3A_82] {strides = array<i32>} : memref<80x128xf32, #tpu.memory_space<vmem>>, vector<1x16xf32>,
      %swap3A_84 = vector.shape_cast %swap3A_83 : vector<1x16xf32> to vector<16xf32>
      %swap3A_85 = vector.shape_cast %broadcast_in_dim3A_9 : vector<16xf32> to vector<1x16xf32>
      tpu.vector_store %arg13[%swap3A_81, %swap3A_82], %swap3A_85 {strides = array<i32>} : memref<80x128xf32, #tpu.memory_space<vmem>>, vector<1x16xf32>,
      %swap3A_86 = arith.index_cast %scan3A_70 : i32 to index
      %swap3A_87 = arith.constant 48 : index
      %swap3A_88 = tpu.vector_load %arg13[%swap3A_86, %swap3A_87] {strides = array<i32>} : memref<80x128xf32, #tpu.memory_space<vmem>>, vector<1x16xf32>,
      %swap3A_89 = vector.shape_cast %swap3A_88 : vector<1x16xf32> to vector<16xf32>
      %swap3A_90 = vector.shape_cast %broadcast_in_dim3A_9 : vector<16xf32> to vector<1x16xf32>
      tpu.vector_store %arg13[%swap3A_86, %swap3A_87], %swap3A_90 {strides = array<i32>} : memref<80x128xf32, #tpu.memory_space<vmem>>, vector<1x16xf32>,
      %swap3A_91 = arith.index_cast %scan3A_70 : i32 to index
      %swap3A_92 = arith.constant 64 : index
      %swap3A_93 = tpu.vector_load %arg13[%swap3A_91, %swap3A_92] {strides = array<i32>} : memref<80x128xf32, #tpu.memory_space<vmem>>, vector<1x16xf32>,
      %swap3A_94 = vector.shape_cast %swap3A_93 : vector<1x16xf32> to vector<16xf32>
      %swap3A_95 = vector.shape_cast %broadcast_in_dim3A_9 : vector<16xf32> to vector<1x16xf32>
      tpu.vector_store %arg13[%swap3A_91, %swap3A_92], %swap3A_95 {strides = array<i32>} : memref<80x128xf32, #tpu.memory_space<vmem>>, vector<1x16xf32>,
      %swap3A_96 = arith.index_cast %scan3A_70 : i32 to index
      %swap3A_97 = arith.constant 80 : index
      %swap3A_98 = tpu.vector_load %arg13[%swap3A_96, %swap3A_97] {strides = array<i32>} : memref<80x128xf32, #tpu.memory_space<vmem>>, vector<1x16xf32>,
      %swap3A_99 = vector.shape_cast %swap3A_98 : vector<1x16xf32> to vector<16xf32>
      %swap3A_100 = vector.shape_cast %broadcast_in_dim3A_9 : vector<16xf32> to vector<1x16xf32>
      tpu.vector_store %arg13[%swap3A_96, %swap3A_97], %swap3A_100 {strides = array<i32>} : memref<80x128xf32, #tpu.memory_space<vmem>>, vector<1x16xf32>,
      %swap3A_101 = arith.index_cast %scan3A_70 : i32 to index
      %swap3A_102 = arith.constant 96 : index
      %swap3A_103 = tpu.vector_load %arg13[%swap3A_101, %swap3A_102] {strides = array<i32>} : memref<80x128xf32, #tpu.memory_space<vmem>>, vector<1x16xf32>,
      %swap3A_104 = vector.shape_cast %swap3A_103 : vector<1x16xf32> to vector<16xf32>
      %swap3A_105 = vector.shape_cast %broadcast_in_dim3A_9 : vector<16xf32> to vector<1x16xf32>
      tpu.vector_store %arg13[%swap3A_101, %swap3A_102], %swap3A_105 {strides = array<i32>} : memref<80x128xf32, #tpu.memory_space<vmem>>, vector<1x16xf32>,
      %swap3A_106 = arith.index_cast %scan3A_70 : i32 to index
      %swap3A_107 = arith.constant 112 : index
      %swap3A_108 = tpu.vector_load %arg13[%swap3A_106, %swap3A_107] {strides = array<i32>} : memref<80x128xf32, #tpu.memory_space<vmem>>, vector<1x16xf32>,
      %swap3A_109 = vector.shape_cast %swap3A_108 : vector<1x16xf32> to vector<16xf32>
      %swap3A_110 = vector.shape_cast %broadcast_in_dim3A_9 : vector<16xf32> to vector<1x16xf32>
      tpu.vector_store %arg13[%swap3A_106, %swap3A_107], %swap3A_110 {strides = array<i32>} : memref<80x128xf32, #tpu.memory_space<vmem>>, vector<1x16xf32>,
      %scan3A_111 = arith.constant 0 : i32
      scf.yield %scan3A_111 : i32
    }
    %scan3A_36 = arith.constant 80 : i32
    %dma_start3A_37 = arith.constant 80 : i32
    %dma_start3A_38 = tpu.memref_slice %arg9[%dma_start3A_37] : memref<1600xi32, #tpu.memory_space<vmem>> -> memref<80xi32, #tpu.memory_space<vmem>>
    %dma_start3A_39 = arith.constant 0 : i32
    %dma_start3A_40 = arith.constant 0 : i32
    %dma_start3A_41 = tpu.memref_slice %arg5[%dma_start3A_39, %dma_start3A_40] : memref<100000x128xf32, #tpu.memory_space<hbm>> -> memref<100000x128xf32, #tpu.memory_space<hbm>>
    tpu.enqueue_indirect_dma source(%dma_start3A_41 : memref<100000x128xf32, #tpu.memory_space<hbm>>) target(%arg13 : memref<80x128xf32, #tpu.memory_space<vmem>>) offsets(%dma_start3A_38 : memref<80xi32, #tpu.memory_space<vmem>>) semaphore(%arg15 : memref<!tpu.dma_semaphore, #tpu.memory_space<semaphore_mem>>) {add = true}
    %dma_start3A_42 = arith.constant 80 : i32
    %dma_start3A_43 = tpu.memref_slice %arg10[%dma_start3A_42] : memref<1600xi32, #tpu.memory_space<vmem>> -> memref<80xi32, #tpu.memory_space<vmem>>
    %dma_start3A_44 = arith.constant 0 : i32
    %dma_start3A_45 = arith.constant 0 : i32
    %dma_start3A_46 = tpu.memref_slice %arg6[%dma_start3A_44, %dma_start3A_45] : memref<50000x128xf32, #tpu.memory_space<hbm>> -> memref<50000x128xf32, #tpu.memory_space<hbm>>
    tpu.enqueue_indirect_dma source(%dma_start3A_46 : memref<50000x128xf32, #tpu.memory_space<hbm>>) target(%arg13 : memref<80x128xf32, #tpu.memory_space<vmem>>) offsets(%dma_start3A_43 : memref<80xi32, #tpu.memory_space<vmem>>) semaphore(%arg15 : memref<!tpu.dma_semaphore, #tpu.memory_space<semaphore_mem>>) {add = true}
    %dma_start3A_47 = arith.constant 80 : i32
    %dma_start3A_48 = tpu.memref_slice %arg11[%dma_start3A_47] : memref<1600xi32, #tpu.memory_space<vmem>> -> memref<80xi32, #tpu.memory_space<vmem>>
    %dma_start3A_49 = arith.constant 0 : i32
    %dma_start3A_50 = arith.constant 0 : i32
    %dma_start3A_51 = tpu.memref_slice %arg7[%dma_start3A_49, %dma_start3A_50] : memref<100000x128xf32, #tpu.memory_space<hbm>> -> memref<100000x128xf32, #tpu.memory_space<hbm>>
    tpu.enqueue_indirect_dma source(%dma_start3A_51 : memref<100000x128xf32, #tpu.memory_space<hbm>>) target(%arg13 : memref<80x128xf32, #tpu.memory_space<vmem>>) offsets(%dma_start3A_48 : memref<80xi32, #tpu.memory_space<vmem>>) semaphore(%arg15 : memref<!tpu.dma_semaphore, #tpu.memory_space<semaphore_mem>>) {add = true}
    %scan3A_52 = arith.constant 0 : i32
    %scan3A_53 = arith.constant 0 : i32
    %scan3A_54 = arith.constant 10 : i32
    %scan3A_55 = arith.addi %scan3A_53, %scan3A_54 : i32
    %scan3A_56 = arith.constant 1 : i32
    %scan3A_57 = scf.for %scan3A_70 = %scan3A_53 to %scan3A_55 step %scan3A_56 iter_args(%scan3A_71 = %scan3A_52) -> (i32)  : i32 {
      %mul3A_72 = arith.constant 2 : i32
      %mul3A_73 = arith.muli %mul3A_72, %scan3A_70 : i32
      %add3A_74 = arith.constant 1 : i32
      %add3A_75 = arith.addi %mul3A_73, %add3A_74 : i32
      %dma_wait3A_76 = arith.constant 0 : i32
      %dma_wait3A_77 = arith.constant 0 : i32
      %dma_wait3A_78 = tpu.memref_slice %arg5[%dma_wait3A_76, %dma_wait3A_77] : memref<100000x128xf32, #tpu.memory_space<hbm>> -> memref<80x128xf32, #tpu.memory_space<hbm>>
      %dma_wait3A_79 = arith.constant 0 : i32
      %dma_wait3A_80 = arith.constant 0 : i32
      %dma_wait3A_81 = tpu.memref_slice %arg5[%dma_wait3A_79, %dma_wait3A_80] : memref<100000x128xf32, #tpu.memory_space<hbm>> -> memref<80x128xf32, #tpu.memory_space<hbm>>
      tpu.wait_dma2 semaphore(%arg14 : memref<!tpu.dma_semaphore, #tpu.memory_space<semaphore_mem>>) src(%dma_wait3A_81 : memref<80x128xf32, #tpu.memory_space<hbm>>) dst(%arg12 : memref<80x128xf32, #tpu.memory_space<vmem>>)
      %dma_wait3A_82 = arith.constant 0 : i32
      %dma_wait3A_83 = arith.constant 0 : i32
      %dma_wait3A_84 = tpu.memref_slice %arg6[%dma_wait3A_82, %dma_wait3A_83] : memref<50000x128xf32, #tpu.memory_space<hbm>> -> memref<80x128xf32, #tpu.memory_space<hbm>>
      %dma_wait3A_85 = arith.constant 0 : i32
      %dma_wait3A_86 = arith.constant 0 : i32
      %dma_wait3A_87 = tpu.memref_slice %arg6[%dma_wait3A_85, %dma_wait3A_86] : memref<50000x128xf32, #tpu.memory_space<hbm>> -> memref<80x128xf32, #tpu.memory_space<hbm>>
      tpu.wait_dma2 semaphore(%arg14 : memref<!tpu.dma_semaphore, #tpu.memory_space<semaphore_mem>>) src(%dma_wait3A_87 : memref<80x128xf32, #tpu.memory_space<hbm>>) dst(%arg12 : memref<80x128xf32, #tpu.memory_space<vmem>>)
      %dma_wait3A_88 = arith.constant 0 : i32
      %dma_wait3A_89 = arith.constant 0 : i32
      %dma_wait3A_90 = tpu.memref_slice %arg7[%dma_wait3A_88, %dma_wait3A_89] : memref<100000x128xf32, #tpu.memory_space<hbm>> -> memref<80x128xf32, #tpu.memory_space<hbm>>
      %dma_wait3A_91 = arith.constant 0 : i32
      %dma_wait3A_92 = arith.constant 0 : i32
      %dma_wait3A_93 = tpu.memref_slice %arg7[%dma_wait3A_91, %dma_wait3A_92] : memref<100000x128xf32, #tpu.memory_space<hbm>> -> memref<80x128xf32, #tpu.memory_space<hbm>>
      tpu.wait_dma2 semaphore(%arg14 : memref<!tpu.dma_semaphore, #tpu.memory_space<semaphore_mem>>) src(%dma_wait3A_93 : memref<80x128xf32, #tpu.memory_space<hbm>>) dst(%arg12 : memref<80x128xf32, #tpu.memory_space<vmem>>)
      %mul3A_94 = arith.constant 80 : i32
      %mul3A_95 = arith.muli %mul3A_73, %mul3A_94 : i32
      %add3A_96 = arith.addi %mul3A_2, %mul3A_95 : i32
      %dma_start3A_97 = arith.constant 0 : i32
      %dma_start3A_98 = tpu.memref_slice %arg8[%add3A_96, %dma_start3A_97] : memref<51200x128xf32, #tpu.memory_space<hbm>> -> memref<80x128xf32, #tpu.memory_space<hbm>>
      %dma_start3A_99 = arith.constant 0 : i32
      %dma_start3A_100 = tpu.memref_slice %arg8[%add3A_96, %dma_start3A_99] : memref<51200x128xf32, #tpu.memory_space<hbm>> -> memref<80x128xf32, #tpu.memory_space<hbm>>
      tpu.enqueue_dma source(%arg12 : memref<80x128xf32, #tpu.memory_space<vmem>>) target(%dma_start3A_100 : memref<80x128xf32, #tpu.memory_space<hbm>>) target_semaphore(%arg16 : memref<!tpu.dma_semaphore, #tpu.memory_space<semaphore_mem>>)
      %dma_wait3A_101 = arith.constant 0 : i32
      %dma_wait3A_102 = arith.constant 0 : i32
      %dma_wait3A_103 = tpu.memref_slice %arg5[%dma_wait3A_101, %dma_wait3A_102] : memref<100000x128xf32, #tpu.memory_space<hbm>> -> memref<80x128xf32, #tpu.memory_space<hbm>>
      %dma_wait3A_104 = arith.constant 0 : i32
      %dma_wait3A_105 = arith.constant 0 : i32
      %dma_wait3A_106 = tpu.memref_slice %arg5[%dma_wait3A_104, %dma_wait3A_105] : memref<100000x128xf32, #tpu.memory_space<hbm>> -> memref<80x128xf32, #tpu.memory_space<hbm>>
      tpu.wait_dma2 semaphore(%arg15 : memref<!tpu.dma_semaphore, #tpu.memory_space<semaphore_mem>>) src(%dma_wait3A_106 : memref<80x128xf32, #tpu.memory_space<hbm>>) dst(%arg13 : memref<80x128xf32, #tpu.memory_space<vmem>>)
      %dma_wait3A_107 = arith.constant 0 : i32
      %dma_wait3A_108 = arith.constant 0 : i32
      %dma_wait3A_109 = tpu.memref_slice %arg6[%dma_wait3A_107, %dma_wait3A_108] : memref<50000x128xf32, #tpu.memory_space<hbm>> -> memref<80x128xf32, #tpu.memory_space<hbm>>
      %dma_wait3A_110 = arith.constant 0 : i32
      %dma_wait3A_111 = arith.constant 0 : i32
      %dma_wait3A_112 = tpu.memref_slice %arg6[%dma_wait3A_110, %dma_wait3A_111] : memref<50000x128xf32, #tpu.memory_space<hbm>> -> memref<80x128xf32, #tpu.memory_space<hbm>>
      tpu.wait_dma2 semaphore(%arg15 : memref<!tpu.dma_semaphore, #tpu.memory_space<semaphore_mem>>) src(%dma_wait3A_112 : memref<80x128xf32, #tpu.memory_space<hbm>>) dst(%arg13 : memref<80x128xf32, #tpu.memory_space<vmem>>)
      %dma_wait3A_113 = arith.constant 0 : i32
      %dma_wait3A_114 = arith.constant 0 : i32
      %dma_wait3A_115 = tpu.memref_slice %arg7[%dma_wait3A_113, %dma_wait3A_114] : memref<100000x128xf32, #tpu.memory_space<hbm>> -> memref<80x128xf32, #tpu.memory_space<hbm>>
      %dma_wait3A_116 = arith.constant 0 : i32
      %dma_wait3A_117 = arith.constant 0 : i32
      %dma_wait3A_118 = tpu.memref_slice %arg7[%dma_wait3A_116, %dma_wait3A_117] : memref<100000x128xf32, #tpu.memory_space<hbm>> -> memref<80x128xf32, #tpu.memory_space<hbm>>
      tpu.wait_dma2 semaphore(%arg15 : memref<!tpu.dma_semaphore, #tpu.memory_space<semaphore_mem>>) src(%dma_wait3A_118 : memref<80x128xf32, #tpu.memory_space<hbm>>) dst(%arg13 : memref<80x128xf32, #tpu.memory_space<vmem>>)
      %mul3A_119 = arith.constant 80 : i32
      %mul3A_120 = arith.muli %add3A_75, %mul3A_119 : i32
      %add3A_121 = arith.addi %mul3A_2, %mul3A_120 : i32
      %dma_start3A_122 = arith.constant 0 : i32
      %dma_start3A_123 = tpu.memref_slice %arg8[%add3A_121, %dma_start3A_122] : memref<51200x128xf32, #tpu.memory_space<hbm>> -> memref<80x128xf32, #tpu.memory_space<hbm>>
      %dma_start3A_124 = arith.constant 0 : i32
      %dma_start3A_125 = tpu.memref_slice %arg8[%add3A_121, %dma_start3A_124] : memref<51200x128xf32, #tpu.memory_space<hbm>> -> memref<80x128xf32, #tpu.memory_space<hbm>>
      tpu.enqueue_dma source(%arg13 : memref<80x128xf32, #tpu.memory_space<vmem>>) target(%dma_start3A_125 : memref<80x128xf32, #tpu.memory_space<hbm>>) target_semaphore(%arg17 : memref<!tpu.dma_semaphore, #tpu.memory_space<semaphore_mem>>)
      %add3A_126 = arith.constant 2 : i32
      %add3A_127 = arith.addi %mul3A_73, %add3A_126 : i32
      %lt3A = arith.constant 20 : i32
      %lt3A_128 = arith.cmpi slt, %add3A_127, %lt3A : i32
      %convert_element_type3A = arith.extui %lt3A_128 : i1 to i32
      %cond3A = arith.constant 0 : i32
      %cond3A_129 = arith.cmpi ne, %convert_element_type3A, %cond3A : i32
      scf.if %cond3A_129 {
        %dma_wait3A_138 = arith.constant 0 : i32
        %dma_wait3A_139 = arith.constant 0 : i32
        %dma_wait3A_140 = tpu.memref_slice %arg8[%dma_wait3A_138, %dma_wait3A_139] : memref<51200x128xf32, #tpu.memory_space<hbm>> -> memref<80x128xf32, #tpu.memory_space<hbm>>
        %dma_wait3A_141 = arith.constant 0 : i32
        %dma_wait3A_142 = arith.constant 0 : i32
        %dma_wait3A_143 = tpu.memref_slice %arg8[%dma_wait3A_141, %dma_wait3A_142] : memref<51200x128xf32, #tpu.memory_space<hbm>> -> memref<80x128xf32, #tpu.memory_space<hbm>>
        tpu.wait_dma2 semaphore(%arg16 : memref<!tpu.dma_semaphore, #tpu.memory_space<semaphore_mem>>) src(%arg12 : memref<80x128xf32, #tpu.memory_space<vmem>>) dst(%dma_wait3A_143 : memref<80x128xf32, #tpu.memory_space<hbm>>)
        %scan3A_144 = arith.constant 0 : i32
        %scan3A_145 = arith.constant 0 : i32
        %scan3A_146 = arith.constant 80 : i32
        %scan3A_147 = arith.addi %scan3A_145, %scan3A_146 : i32
        %scan3A_148 = arith.constant 1 : i32
        %scan3A_149 = scf.for %scan3A_171 = %scan3A_145 to %scan3A_147 step %scan3A_148 iter_args(%scan3A_172 = %scan3A_144) -> (i32)  : i32 {
          %swap3A = arith.index_cast %scan3A_171 : i32 to index
          %swap3A_173 = arith.constant 0 : index
          %swap3A_174 = tpu.vector_load %arg12[%swap3A, %swap3A_173] {strides = array<i32>} : memref<80x128xf32, #tpu.memory_space<vmem>>, vector<1x16xf32>,
          %swap3A_175 = vector.shape_cast %swap3A_174 : vector<1x16xf32> to vector<16xf32>
          %swap3A_176 = vector.shape_cast %broadcast_in_dim3A_9 : vector<16xf32> to vector<1x16xf32>
          tpu.vector_store %arg12[%swap3A, %swap3A_173], %swap3A_176 {strides = array<i32>} : memref<80x128xf32, #tpu.memory_space<vmem>>, vector<1x16xf32>,
          %swap3A_177 = arith.index_cast %scan3A_171 : i32 to index
          %swap3A_178 = arith.constant 16 : index
          %swap3A_179 = tpu.vector_load %arg12[%swap3A_177, %swap3A_178] {strides = array<i32>} : memref<80x128xf32, #tpu.memory_space<vmem>>, vector<1x16xf32>,
          %swap3A_180 = vector.shape_cast %swap3A_179 : vector<1x16xf32> to vector<16xf32>
          %swap3A_181 = vector.shape_cast %broadcast_in_dim3A_9 : vector<16xf32> to vector<1x16xf32>
          tpu.vector_store %arg12[%swap3A_177, %swap3A_178], %swap3A_181 {strides = array<i32>} : memref<80x128xf32, #tpu.memory_space<vmem>>, vector<1x16xf32>,
          %swap3A_182 = arith.index_cast %scan3A_171 : i32 to index
          %swap3A_183 = arith.constant 32 : index
          %swap3A_184 = tpu.vector_load %arg12[%swap3A_182, %swap3A_183] {strides = array<i32>} : memref<80x128xf32, #tpu.memory_space<vmem>>, vector<1x16xf32>,
          %swap3A_185 = vector.shape_cast %swap3A_184 : vector<1x16xf32> to vector<16xf32>
          %swap3A_186 = vector.shape_cast %broadcast_in_dim3A_9 : vector<16xf32> to vector<1x16xf32>
          tpu.vector_store %arg12[%swap3A_182, %swap3A_183], %swap3A_186 {strides = array<i32>} : memref<80x128xf32, #tpu.memory_space<vmem>>, vector<1x16xf32>,
          %swap3A_187 = arith.index_cast %scan3A_171 : i32 to index
          %swap3A_188 = arith.constant 48 : index
          %swap3A_189 = tpu.vector_load %arg12[%swap3A_187, %swap3A_188] {strides = array<i32>} : memref<80x128xf32, #tpu.memory_space<vmem>>, vector<1x16xf32>,
          %swap3A_190 = vector.shape_cast %swap3A_189 : vector<1x16xf32> to vector<16xf32>
          %swap3A_191 = vector.shape_cast %broadcast_in_dim3A_9 : vector<16xf32> to vector<1x16xf32>
          tpu.vector_store %arg12[%swap3A_187, %swap3A_188], %swap3A_191 {strides = array<i32>} : memref<80x128xf32, #tpu.memory_space<vmem>>, vector<1x16xf32>,
          %swap3A_192 = arith.index_cast %scan3A_171 : i32 to index
          %swap3A_193 = arith.constant 64 : index
          %swap3A_194 = tpu.vector_load %arg12[%swap3A_192, %swap3A_193] {strides = array<i32>} : memref<80x128xf32, #tpu.memory_space<vmem>>, vector<1x16xf32>,
          %swap3A_195 = vector.shape_cast %swap3A_194 : vector<1x16xf32> to vector<16xf32>
          %swap3A_196 = vector.shape_cast %broadcast_in_dim3A_9 : vector<16xf32> to vector<1x16xf32>
          tpu.vector_store %arg12[%swap3A_192, %swap3A_193], %swap3A_196 {strides = array<i32>} : memref<80x128xf32, #tpu.memory_space<vmem>>, vector<1x16xf32>,
          %swap3A_197 = arith.index_cast %scan3A_171 : i32 to index
          %swap3A_198 = arith.constant 80 : index
          %swap3A_199 = tpu.vector_load %arg12[%swap3A_197, %swap3A_198] {strides = array<i32>} : memref<80x128xf32, #tpu.memory_space<vmem>>, vector<1x16xf32>,
          %swap3A_200 = vector.shape_cast %swap3A_199 : vector<1x16xf32> to vector<16xf32>
          %swap3A_201 = vector.shape_cast %broadcast_in_dim3A_9 : vector<16xf32> to vector<1x16xf32>
          tpu.vector_store %arg12[%swap3A_197, %swap3A_198], %swap3A_201 {strides = array<i32>} : memref<80x128xf32, #tpu.memory_space<vmem>>, vector<1x16xf32>,
          %swap3A_202 = arith.index_cast %scan3A_171 : i32 to index
          %swap3A_203 = arith.constant 96 : index
          %swap3A_204 = tpu.vector_load %arg12[%swap3A_202, %swap3A_203] {strides = array<i32>} : memref<80x128xf32, #tpu.memory_space<vmem>>, vector<1x16xf32>,
          %swap3A_205 = vector.shape_cast %swap3A_204 : vector<1x16xf32> to vector<16xf32>
          %swap3A_206 = vector.shape_cast %broadcast_in_dim3A_9 : vector<16xf32> to vector<1x16xf32>
          tpu.vector_store %arg12[%swap3A_202, %swap3A_203], %swap3A_206 {strides = array<i32>} : memref<80x128xf32, #tpu.memory_space<vmem>>, vector<1x16xf32>,
          %swap3A_207 = arith.index_cast %scan3A_171 : i32 to index
          %swap3A_208 = arith.constant 112 : index
          %swap3A_209 = tpu.vector_load %arg12[%swap3A_207, %swap3A_208] {strides = array<i32>} : memref<80x128xf32, #tpu.memory_space<vmem>>, vector<1x16xf32>,
          %swap3A_210 = vector.shape_cast %swap3A_209 : vector<1x16xf32> to vector<16xf32>
          %swap3A_211 = vector.shape_cast %broadcast_in_dim3A_9 : vector<16xf32> to vector<1x16xf32>
          tpu.vector_store %arg12[%swap3A_207, %swap3A_208], %swap3A_211 {strides = array<i32>} : memref<80x128xf32, #tpu.memory_space<vmem>>, vector<1x16xf32>,
          %scan3A_212 = arith.constant 0 : i32
          scf.yield %scan3A_212 : i32
        }
        %scan3A_150 = arith.constant 80 : i32
        %add3A_151 = arith.constant 2 : i32
        %add3A_152 = arith.addi %mul3A_73, %add3A_151 : i32
        %mul3A_153 = arith.constant 80 : i32
        %mul3A_154 = arith.muli %add3A_152, %mul3A_153 : i32
        %dma_start3A_155 = tpu.memref_slice %arg9[%mul3A_154] : memref<1600xi32, #tpu.memory_space<vmem>> -> memref<80xi32, #tpu.memory_space<vmem>>
        %dma_start3A_156 = arith.constant 0 : i32
        %dma_start3A_157 = arith.constant 0 : i32
        %dma_start3A_158 = tpu.memref_slice %arg5[%dma_start3A_156, %dma_start3A_157] : memref<100000x128xf32, #tpu.memory_space<hbm>> -> memref<100000x128xf32, #tpu.memory_space<hbm>>
        tpu.enqueue_indirect_dma source(%dma_start3A_158 : memref<100000x128xf32, #tpu.memory_space<hbm>>) target(%arg12 : memref<80x128xf32, #tpu.memory_space<vmem>>) offsets(%dma_start3A_155 : memref<80xi32, #tpu.memory_space<vmem>>) semaphore(%arg14 : memref<!tpu.dma_semaphore, #tpu.memory_space<semaphore_mem>>) {add = true}
        %mul3A_159 = arith.constant 80 : i32
        %mul3A_160 = arith.muli %add3A_152, %mul3A_159 : i32
        %dma_start3A_161 = tpu.memref_slice %arg10[%mul3A_160] : memref<1600xi32, #tpu.memory_space<vmem>> -> memref<80xi32, #tpu.memory_space<vmem>>
        %dma_start3A_162 = arith.constant 0 : i32
        %dma_start3A_163 = arith.constant 0 : i32
        %dma_start3A_164 = tpu.memref_slice %arg6[%dma_start3A_162, %dma_start3A_163] : memref<50000x128xf32, #tpu.memory_space<hbm>> -> memref<50000x128xf32, #tpu.memory_space<hbm>>
        tpu.enqueue_indirect_dma source(%dma_start3A_164 : memref<50000x128xf32, #tpu.memory_space<hbm>>) target(%arg12 : memref<80x128xf32, #tpu.memory_space<vmem>>) offsets(%dma_start3A_161 : memref<80xi32, #tpu.memory_space<vmem>>) semaphore(%arg14 : memref<!tpu.dma_semaphore, #tpu.memory_space<semaphore_mem>>) {add = true}
        %mul3A_165 = arith.constant 80 : i32
        %mul3A_166 = arith.muli %add3A_152, %mul3A_165 : i32
        %dma_start3A_167 = tpu.memref_slice %arg11[%mul3A_166] : memref<1600xi32, #tpu.memory_space<vmem>> -> memref<80xi32, #tpu.memory_space<vmem>>
        %dma_start3A_168 = arith.constant 0 : i32
        %dma_start3A_169 = arith.constant 0 : i32
        %dma_start3A_170 = tpu.memref_slice %arg7[%dma_start3A_168, %dma_start3A_169] : memref<100000x128xf32, #tpu.memory_space<hbm>> -> memref<100000x128xf32, #tpu.memory_space<hbm>>
        tpu.enqueue_indirect_dma source(%dma_start3A_170 : memref<100000x128xf32, #tpu.memory_space<hbm>>) target(%arg12 : memref<80x128xf32, #tpu.memory_space<vmem>>) offsets(%dma_start3A_167 : memref<80xi32, #tpu.memory_space<vmem>>) semaphore(%arg14 : memref<!tpu.dma_semaphore, #tpu.memory_space<semaphore_mem>>) {add = true}
      } else {
      }
      %add3A_130 = arith.constant 2 : i32
      %add3A_131 = arith.addi %add3A_75, %add3A_130 : i32
      %lt3A_132 = arith.constant 20 : i32
      %lt3A_133 = arith.cmpi slt, %add3A_131, %lt3A_132 : i32
      %convert_element_type3A_134 = arith.extui %lt3A_133 : i1 to i32
      %cond3A_135 = arith.constant 0 : i32
      %cond3A_136 = arith.cmpi ne, %convert_element_type3A_134, %cond3A_135 : i32
      scf.if %cond3A_136 {
        %dma_wait3A_138 = arith.constant 0 : i32
        %dma_wait3A_139 = arith.constant 0 : i32
        %dma_wait3A_140 = tpu.memref_slice %arg8[%dma_wait3A_138, %dma_wait3A_139] : memref<51200x128xf32, #tpu.memory_space<hbm>> -> memref<80x128xf32, #tpu.memory_space<hbm>>
        %dma_wait3A_141 = arith.constant 0 : i32
        %dma_wait3A_142 = arith.constant 0 : i32
        %dma_wait3A_143 = tpu.memref_slice %arg8[%dma_wait3A_141, %dma_wait3A_142] : memref<51200x128xf32, #tpu.memory_space<hbm>> -> memref<80x128xf32, #tpu.memory_space<hbm>>
        tpu.wait_dma2 semaphore(%arg17 : memref<!tpu.dma_semaphore, #tpu.memory_space<semaphore_mem>>) src(%arg13 : memref<80x128xf32, #tpu.memory_space<vmem>>) dst(%dma_wait3A_143 : memref<80x128xf32, #tpu.memory_space<hbm>>)
        %scan3A_144 = arith.constant 0 : i32
        %scan3A_145 = arith.constant 0 : i32
        %scan3A_146 = arith.constant 80 : i32
        %scan3A_147 = arith.addi %scan3A_145, %scan3A_146 : i32
        %scan3A_148 = arith.constant 1 : i32
        %scan3A_149 = scf.for %scan3A_171 = %scan3A_145 to %scan3A_147 step %scan3A_148 iter_args(%scan3A_172 = %scan3A_144) -> (i32)  : i32 {
          %swap3A = arith.index_cast %scan3A_171 : i32 to index
          %swap3A_173 = arith.constant 0 : index
          %swap3A_174 = tpu.vector_load %arg13[%swap3A, %swap3A_173] {strides = array<i32>} : memref<80x128xf32, #tpu.memory_space<vmem>>, vector<1x16xf32>,
          %swap3A_175 = vector.shape_cast %swap3A_174 : vector<1x16xf32> to vector<16xf32>
          %swap3A_176 = vector.shape_cast %broadcast_in_dim3A_9 : vector<16xf32> to vector<1x16xf32>
          tpu.vector_store %arg13[%swap3A, %swap3A_173], %swap3A_176 {strides = array<i32>} : memref<80x128xf32, #tpu.memory_space<vmem>>, vector<1x16xf32>,
          %swap3A_177 = arith.index_cast %scan3A_171 : i32 to index
          %swap3A_178 = arith.constant 16 : index
          %swap3A_179 = tpu.vector_load %arg13[%swap3A_177, %swap3A_178] {strides = array<i32>} : memref<80x128xf32, #tpu.memory_space<vmem>>, vector<1x16xf32>,
          %swap3A_180 = vector.shape_cast %swap3A_179 : vector<1x16xf32> to vector<16xf32>
          %swap3A_181 = vector.shape_cast %broadcast_in_dim3A_9 : vector<16xf32> to vector<1x16xf32>
          tpu.vector_store %arg13[%swap3A_177, %swap3A_178], %swap3A_181 {strides = array<i32>} : memref<80x128xf32, #tpu.memory_space<vmem>>, vector<1x16xf32>,
          %swap3A_182 = arith.index_cast %scan3A_171 : i32 to index
          %swap3A_183 = arith.constant 32 : index
          %swap3A_184 = tpu.vector_load %arg13[%swap3A_182, %swap3A_183] {strides = array<i32>} : memref<80x128xf32, #tpu.memory_space<vmem>>, vector<1x16xf32>,
          %swap3A_185 = vector.shape_cast %swap3A_184 : vector<1x16xf32> to vector<16xf32>
          %swap3A_186 = vector.shape_cast %broadcast_in_dim3A_9 : vector<16xf32> to vector<1x16xf32>
          tpu.vector_store %arg13[%swap3A_182, %swap3A_183], %swap3A_186 {strides = array<i32>} : memref<80x128xf32, #tpu.memory_space<vmem>>, vector<1x16xf32>,
          %swap3A_187 = arith.index_cast %scan3A_171 : i32 to index
          %swap3A_188 = arith.constant 48 : index
          %swap3A_189 = tpu.vector_load %arg13[%swap3A_187, %swap3A_188] {strides = array<i32>} : memref<80x128xf32, #tpu.memory_space<vmem>>, vector<1x16xf32>,
          %swap3A_190 = vector.shape_cast %swap3A_189 : vector<1x16xf32> to vector<16xf32>
          %swap3A_191 = vector.shape_cast %broadcast_in_dim3A_9 : vector<16xf32> to vector<1x16xf32>
          tpu.vector_store %arg13[%swap3A_187, %swap3A_188], %swap3A_191 {strides = array<i32>} : memref<80x128xf32, #tpu.memory_space<vmem>>, vector<1x16xf32>,
          %swap3A_192 = arith.index_cast %scan3A_171 : i32 to index
          %swap3A_193 = arith.constant 64 : index
          %swap3A_194 = tpu.vector_load %arg13[%swap3A_192, %swap3A_193] {strides = array<i32>} : memref<80x128xf32, #tpu.memory_space<vmem>>, vector<1x16xf32>,
          %swap3A_195 = vector.shape_cast %swap3A_194 : vector<1x16xf32> to vector<16xf32>
          %swap3A_196 = vector.shape_cast %broadcast_in_dim3A_9 : vector<16xf32> to vector<1x16xf32>
          tpu.vector_store %arg13[%swap3A_192, %swap3A_193], %swap3A_196 {strides = array<i32>} : memref<80x128xf32, #tpu.memory_space<vmem>>, vector<1x16xf32>,
          %swap3A_197 = arith.index_cast %scan3A_171 : i32 to index
          %swap3A_198 = arith.constant 80 : index
          %swap3A_199 = tpu.vector_load %arg13[%swap3A_197, %swap3A_198] {strides = array<i32>} : memref<80x128xf32, #tpu.memory_space<vmem>>, vector<1x16xf32>,
          %swap3A_200 = vector.shape_cast %swap3A_199 : vector<1x16xf32> to vector<16xf32>
          %swap3A_201 = vector.shape_cast %broadcast_in_dim3A_9 : vector<16xf32> to vector<1x16xf32>
          tpu.vector_store %arg13[%swap3A_197, %swap3A_198], %swap3A_201 {strides = array<i32>} : memref<80x128xf32, #tpu.memory_space<vmem>>, vector<1x16xf32>,
          %swap3A_202 = arith.index_cast %scan3A_171 : i32 to index
          %swap3A_203 = arith.constant 96 : index
          %swap3A_204 = tpu.vector_load %arg13[%swap3A_202, %swap3A_203] {strides = array<i32>} : memref<80x128xf32, #tpu.memory_space<vmem>>, vector<1x16xf32>,
          %swap3A_205 = vector.shape_cast %swap3A_204 : vector<1x16xf32> to vector<16xf32>
          %swap3A_206 = vector.shape_cast %broadcast_in_dim3A_9 : vector<16xf32> to vector<1x16xf32>
          tpu.vector_store %arg13[%swap3A_202, %swap3A_203], %swap3A_206 {strides = array<i32>} : memref<80x128xf32, #tpu.memory_space<vmem>>, vector<1x16xf32>,
          %swap3A_207 = arith.index_cast %scan3A_171 : i32 to index
          %swap3A_208 = arith.constant 112 : index
          %swap3A_209 = tpu.vector_load %arg13[%swap3A_207, %swap3A_208] {strides = array<i32>} : memref<80x128xf32, #tpu.memory_space<vmem>>, vector<1x16xf32>,
          %swap3A_210 = vector.shape_cast %swap3A_209 : vector<1x16xf32> to vector<16xf32>
          %swap3A_211 = vector.shape_cast %broadcast_in_dim3A_9 : vector<16xf32> to vector<1x16xf32>
          tpu.vector_store %arg13[%swap3A_207, %swap3A_208], %swap3A_211 {strides = array<i32>} : memref<80x128xf32, #tpu.memory_space<vmem>>, vector<1x16xf32>,
          %scan3A_212 = arith.constant 0 : i32
          scf.yield %scan3A_212 : i32
        }
        %scan3A_150 = arith.constant 80 : i32
        %add3A_151 = arith.constant 2 : i32
        %add3A_152 = arith.addi %add3A_75, %add3A_151 : i32
        %mul3A_153 = arith.constant 80 : i32
        %mul3A_154 = arith.muli %add3A_152, %mul3A_153 : i32
        %dma_start3A_155 = tpu.memref_slice %arg9[%mul3A_154] : memref<1600xi32, #tpu.memory_space<vmem>> -> memref<80xi32, #tpu.memory_space<vmem>>
        %dma_start3A_156 = arith.constant 0 : i32
        %dma_start3A_157 = arith.constant 0 : i32
        %dma_start3A_158 = tpu.memref_slice %arg5[%dma_start3A_156, %dma_start3A_157] : memref<100000x128xf32, #tpu.memory_space<hbm>> -> memref<100000x128xf32, #tpu.memory_space<hbm>>
        tpu.enqueue_indirect_dma source(%dma_start3A_158 : memref<100000x128xf32, #tpu.memory_space<hbm>>) target(%arg13 : memref<80x128xf32, #tpu.memory_space<vmem>>) offsets(%dma_start3A_155 : memref<80xi32, #tpu.memory_space<vmem>>) semaphore(%arg15 : memref<!tpu.dma_semaphore, #tpu.memory_space<semaphore_mem>>) {add = true}
        %mul3A_159 = arith.constant 80 : i32
        %mul3A_160 = arith.muli %add3A_152, %mul3A_159 : i32
        %dma_start3A_161 = tpu.memref_slice %arg10[%mul3A_160] : memref<1600xi32, #tpu.memory_space<vmem>> -> memref<80xi32, #tpu.memory_space<vmem>>
        %dma_start3A_162 = arith.constant 0 : i32
        %dma_start3A_163 = arith.constant 0 : i32
        %dma_start3A_164 = tpu.memref_slice %arg6[%dma_start3A_162, %dma_start3A_163] : memref<50000x128xf32, #tpu.memory_space<hbm>> -> memref<50000x128xf32, #tpu.memory_space<hbm>>
        tpu.enqueue_indirect_dma source(%dma_start3A_164 : memref<50000x128xf32, #tpu.memory_space<hbm>>) target(%arg13 : memref<80x128xf32, #tpu.memory_space<vmem>>) offsets(%dma_start3A_161 : memref<80xi32, #tpu.memory_space<vmem>>) semaphore(%arg15 : memref<!tpu.dma_semaphore, #tpu.memory_space<semaphore_mem>>) {add = true}
        %mul3A_165 = arith.constant 80 : i32
        %mul3A_166 = arith.muli %add3A_152, %mul3A_165 : i32
        %dma_start3A_167 = tpu.memref_slice %arg11[%mul3A_166] : memref<1600xi32, #tpu.memory_space<vmem>> -> memref<80xi32, #tpu.memory_space<vmem>>
        %dma_start3A_168 = arith.constant 0 : i32
        %dma_start3A_169 = arith.constant 0 : i32
        %dma_start3A_170 = tpu.memref_slice %arg7[%dma_start3A_168, %dma_start3A_169] : memref<100000x128xf32, #tpu.memory_space<hbm>> -> memref<100000x128xf32, #tpu.memory_space<hbm>>
        tpu.enqueue_indirect_dma source(%dma_start3A_170 : memref<100000x128xf32, #tpu.memory_space<hbm>>) target(%arg13 : memref<80x128xf32, #tpu.memory_space<vmem>>) offsets(%dma_start3A_167 : memref<80xi32, #tpu.memory_space<vmem>>) semaphore(%arg15 : memref<!tpu.dma_semaphore, #tpu.memory_space<semaphore_mem>>) {add = true}
      } else {
      }
      %scan3A_137 = arith.constant 0 : i32
      scf.yield %scan3A_137 : i32
    }
    %scan3A_58 = arith.constant 10 : i32
    %dma_wait3A = arith.constant 0 : i32
    %dma_wait3A_59 = arith.constant 0 : i32
    %dma_wait3A_60 = tpu.memref_slice %arg8[%dma_wait3A, %dma_wait3A_59] : memref<51200x128xf32, #tpu.memory_space<hbm>> -> memref<80x128xf32, #tpu.memory_space<hbm>>
    %dma_wait3A_61 = arith.constant 0 : i32
    %dma_wait3A_62 = arith.constant 0 : i32
    %dma_wait3A_63 = tpu.memref_slice %arg8[%dma_wait3A_61, %dma_wait3A_62] : memref<51200x128xf32, #tpu.memory_space<hbm>> -> memref<80x128xf32, #tpu.memory_space<hbm>>
    tpu.wait_dma2 semaphore(%arg16 : memref<!tpu.dma_semaphore, #tpu.memory_space<semaphore_mem>>) src(%arg12 : memref<80x128xf32, #tpu.memory_space<vmem>>) dst(%dma_wait3A_63 : memref<80x128xf32, #tpu.memory_space<hbm>>)
    %dma_wait3A_64 = arith.constant 0 : i32
    %dma_wait3A_65 = arith.constant 0 : i32
    %dma_wait3A_66 = tpu.memref_slice %arg8[%dma_wait3A_64, %dma_wait3A_65] : memref<51200x128xf32, #tpu.memory_space<hbm>> -> memref<80x128xf32, #tpu.memory_space<hbm>>
    %dma_wait3A_67 = arith.constant 0 : i32
    %dma_wait3A_68 = arith.constant 0 : i32
    %dma_wait3A_69 = tpu.memref_slice %arg8[%dma_wait3A_67, %dma_wait3A_68] : memref<51200x128xf32, #tpu.memory_space<hbm>> -> memref<80x128xf32, #tpu.memory_space<hbm>>
    tpu.wait_dma2 semaphore(%arg17 : memref<!tpu.dma_semaphore, #tpu.memory_space<semaphore_mem>>) src(%arg13 : memref<80x128xf32, #tpu.memory_space<vmem>>) dst(%dma_wait3A_69 : memref<80x128xf32, #tpu.memory_space<hbm>>)
    return
  }
}

#map = affine_map<(d0, d1) -> (0)>
#map1 = affine_map<(d0, d1) -> (0, 0)>
module attributes {stable_mosaic.version = 14 : i64} {
  func.func @_sc_gsum_body(%arg0: i32, %arg1: i32, %arg2: memref<204800xi32, #tpu.memory_space<hbm>>, %arg3: memref<204800xi32, #tpu.memory_space<hbm>>, %arg4: memref<204800xi32, #tpu.memory_space<hbm>>, %arg5: memref<100000x128xf32, #tpu.memory_space<hbm>>, %arg6: memref<50000x128xf32, #tpu.memory_space<hbm>>, %arg7: memref<100000x128xf32, #tpu.memory_space<hbm>>, %arg8: memref<51200x128xf32, #tpu.memory_space<hbm>>, %arg9: memref<1600xi32, #tpu.memory_space<vmem>>, %arg10: memref<1600xi32, #tpu.memory_space<vmem>>, %arg11: memref<1600xi32, #tpu.memory_space<vmem>>, %arg12: memref<80x128xf32, #tpu.memory_space<vmem>>, %arg13: memref<80x128xf32, #tpu.memory_space<vmem>>, %arg14: memref<!tpu.dma_semaphore, #tpu.memory_space<semaphore_mem>>, %arg15: memref<!tpu.dma_semaphore, #tpu.memory_space<semaphore_mem>>, %arg16: memref<!tpu.dma_semaphore, #tpu.memory_space<semaphore_mem>>, %arg17: memref<!tpu.dma_semaphore, #tpu.memory_space<semaphore_mem>>) attributes {dimension_semantics = [#tpu.dimension_semantics<core_parallel>, #tpu.dimension_semantics<subcore_parallel>], iteration_bounds = array<i64: 2, 16>, scalar_prefetch = 0 : i64, scratch_operands = 9 : i64, tpu.core_type = #tpu.core_type<sc_vector_subcore>, window_params = [{transform_indices = #map}, {transform_indices = #map}, {transform_indices = #map}, {transform_indices = #map1}, {transform_indices = #map1}, {transform_indices = #map1}, {transform_indices = #map1}]} {
    %mul3A = arith.constant 2 : i32
    %mul3A_0 = arith.muli %arg1, %mul3A : i32
    %add3A = arith.addi %mul3A_0, %arg0 : i32
    %mul3A_1 = arith.constant 1600 : i32
    %mul3A_2 = arith.muli %add3A, %mul3A_1 : i32
    %add3A_3 = arith.constant 102400 : i32
    %add3A_4 = arith.addi %add3A_3, %mul3A_2 : i32
    "tpu.region"() ({
      %run_scoped3A = tpu.sem_alloc : memref<!tpu.dma_semaphore, #tpu.memory_space<semaphore_mem>>
      %dma_start3A_70 = tpu.memref_slice %arg2[%add3A_4] : memref<204800xi32, #tpu.memory_space<hbm>> -> memref<1600xi32, #tpu.memory_space<hbm>>
      %dma_start3A_71 = tpu.memref_slice %arg2[%add3A_4] : memref<204800xi32, #tpu.memory_space<hbm>> -> memref<1600xi32, #tpu.memory_space<hbm>>
      tpu.enqueue_dma source(%dma_start3A_71 : memref<1600xi32, #tpu.memory_space<hbm>>) target(%arg9 : memref<1600xi32, #tpu.memory_space<vmem>>) target_semaphore(%run_scoped3A : memref<!tpu.dma_semaphore, #tpu.memory_space<semaphore_mem>>)
      %dma_wait3A_72 = tpu.memref_slice %arg2[%add3A_4] : memref<204800xi32, #tpu.memory_space<hbm>> -> memref<1600xi32, #tpu.memory_space<hbm>>
      %dma_wait3A_73 = tpu.memref_slice %arg2[%add3A_4] : memref<204800xi32, #tpu.memory_space<hbm>> -> memref<1600xi32, #tpu.memory_space<hbm>>
      tpu.wait_dma2 semaphore(%run_scoped3A : memref<!tpu.dma_semaphore, #tpu.memory_space<semaphore_mem>>) src(%dma_wait3A_73 : memref<1600xi32, #tpu.memory_space<hbm>>) dst(%arg9 : memref<1600xi32, #tpu.memory_space<vmem>>)
      tpu.yield
    }) : () -> ()
    %add3A_5 = arith.constant 102400 : i32
    %add3A_6 = arith.addi %add3A_5, %mul3A_2 : i32
    "tpu.region"() ({
      %run_scoped3A = tpu.sem_alloc : memref<!tpu.dma_semaphore, #tpu.memory_space<semaphore_mem>>
      %dma_start3A_70 = tpu.memref_slice %arg3[%add3A_6] : memref<204800xi32, #tpu.memory_space<hbm>> -> memref<1600xi32, #tpu.memory_space<hbm>>
      %dma_start3A_71 = tpu.memref_slice %arg3[%add3A_6] : memref<204800xi32, #tpu.memory_space<hbm>> -> memref<1600xi32, #tpu.memory_space<hbm>>
      tpu.enqueue_dma source(%dma_start3A_71 : memref<1600xi32, #tpu.memory_space<hbm>>) target(%arg10 : memref<1600xi32, #tpu.memory_space<vmem>>) target_semaphore(%run_scoped3A : memref<!tpu.dma_semaphore, #tpu.memory_space<semaphore_mem>>)
      %dma_wait3A_72 = tpu.memref_slice %arg3[%add3A_6] : memref<204800xi32, #tpu.memory_space<hbm>> -> memref<1600xi32, #tpu.memory_space<hbm>>
      %dma_wait3A_73 = tpu.memref_slice %arg3[%add3A_6] : memref<204800xi32, #tpu.memory_space<hbm>> -> memref<1600xi32, #tpu.memory_space<hbm>>
      tpu.wait_dma2 semaphore(%run_scoped3A : memref<!tpu.dma_semaphore, #tpu.memory_space<semaphore_mem>>) src(%dma_wait3A_73 : memref<1600xi32, #tpu.memory_space<hbm>>) dst(%arg10 : memref<1600xi32, #tpu.memory_space<vmem>>)
      tpu.yield
    }) : () -> ()
    %add3A_7 = arith.constant 102400 : i32
    %add3A_8 = arith.addi %add3A_7, %mul3A_2 : i32
    "tpu.region"() ({
      %run_scoped3A = tpu.sem_alloc : memref<!tpu.dma_semaphore, #tpu.memory_space<semaphore_mem>>
      %dma_start3A_70 = tpu.memref_slice %arg4[%add3A_8] : memref<204800xi32, #tpu.memory_space<hbm>> -> memref<1600xi32, #tpu.memory_space<hbm>>
      %dma_start3A_71 = tpu.memref_slice %arg4[%add3A_8] : memref<204800xi32, #tpu.memory_space<hbm>> -> memref<1600xi32, #tpu.memory_space<hbm>>
      tpu.enqueue_dma source(%dma_start3A_71 : memref<1600xi32, #tpu.memory_space<hbm>>) target(%arg11 : memref<1600xi32, #tpu.memory_space<vmem>>) target_semaphore(%run_scoped3A : memref<!tpu.dma_semaphore, #tpu.memory_space<semaphore_mem>>)
      %dma_wait3A_72 = tpu.memref_slice %arg4[%add3A_8] : memref<204800xi32, #tpu.memory_space<hbm>> -> memref<1600xi32, #tpu.memory_space<hbm>>
      %dma_wait3A_73 = tpu.memref_slice %arg4[%add3A_8] : memref<204800xi32, #tpu.memory_space<hbm>> -> memref<1600xi32, #tpu.memory_space<hbm>>
      tpu.wait_dma2 semaphore(%run_scoped3A : memref<!tpu.dma_semaphore, #tpu.memory_space<semaphore_mem>>) src(%dma_wait3A_73 : memref<1600xi32, #tpu.memory_space<hbm>>) dst(%arg11 : memref<1600xi32, #tpu.memory_space<vmem>>)
      tpu.yield
    }) : () -> ()
    %broadcast_in_dim3A = arith.constant 0.000000e+00 : f32
    %broadcast_in_dim3A_9 = vector.broadcast %broadcast_in_dim3A : f32 to vector<16xf32>
    %scan3A = arith.constant 0 : i32
    %scan3A_10 = arith.constant 0 : i32
    %scan3A_11 = arith.constant 80 : i32
    %scan3A_12 = arith.addi %scan3A_10, %scan3A_11 : i32
    %scan3A_13 = arith.constant 1 : i32
    %scan3A_14 = scf.for %scan3A_70 = %scan3A_10 to %scan3A_12 step %scan3A_13 iter_args(%scan3A_71 = %scan3A) -> (i32)  : i32 {
      %swap3A = arith.index_cast %scan3A_70 : i32 to index
      %swap3A_72 = arith.constant 0 : index
      %swap3A_73 = tpu.vector_load %arg12[%swap3A, %swap3A_72] {strides = array<i32>} : memref<80x128xf32, #tpu.memory_space<vmem>>, vector<1x16xf32>,
      %swap3A_74 = vector.shape_cast %swap3A_73 : vector<1x16xf32> to vector<16xf32>
      %swap3A_75 = vector.shape_cast %broadcast_in_dim3A_9 : vector<16xf32> to vector<1x16xf32>
      tpu.vector_store %arg12[%swap3A, %swap3A_72], %swap3A_75 {strides = array<i32>} : memref<80x128xf32, #tpu.memory_space<vmem>>, vector<1x16xf32>,
      %swap3A_76 = arith.index_cast %scan3A_70 : i32 to index
      %swap3A_77 = arith.constant 16 : index
      %swap3A_78 = tpu.vector_load %arg12[%swap3A_76, %swap3A_77] {strides = array<i32>} : memref<80x128xf32, #tpu.memory_space<vmem>>, vector<1x16xf32>,
      %swap3A_79 = vector.shape_cast %swap3A_78 : vector<1x16xf32> to vector<16xf32>
      %swap3A_80 = vector.shape_cast %broadcast_in_dim3A_9 : vector<16xf32> to vector<1x16xf32>
      tpu.vector_store %arg12[%swap3A_76, %swap3A_77], %swap3A_80 {strides = array<i32>} : memref<80x128xf32, #tpu.memory_space<vmem>>, vector<1x16xf32>,
      %swap3A_81 = arith.index_cast %scan3A_70 : i32 to index
      %swap3A_82 = arith.constant 32 : index
      %swap3A_83 = tpu.vector_load %arg12[%swap3A_81, %swap3A_82] {strides = array<i32>} : memref<80x128xf32, #tpu.memory_space<vmem>>, vector<1x16xf32>,
      %swap3A_84 = vector.shape_cast %swap3A_83 : vector<1x16xf32> to vector<16xf32>
      %swap3A_85 = vector.shape_cast %broadcast_in_dim3A_9 : vector<16xf32> to vector<1x16xf32>
      tpu.vector_store %arg12[%swap3A_81, %swap3A_82], %swap3A_85 {strides = array<i32>} : memref<80x128xf32, #tpu.memory_space<vmem>>, vector<1x16xf32>,
      %swap3A_86 = arith.index_cast %scan3A_70 : i32 to index
      %swap3A_87 = arith.constant 48 : index
      %swap3A_88 = tpu.vector_load %arg12[%swap3A_86, %swap3A_87] {strides = array<i32>} : memref<80x128xf32, #tpu.memory_space<vmem>>, vector<1x16xf32>,
      %swap3A_89 = vector.shape_cast %swap3A_88 : vector<1x16xf32> to vector<16xf32>
      %swap3A_90 = vector.shape_cast %broadcast_in_dim3A_9 : vector<16xf32> to vector<1x16xf32>
      tpu.vector_store %arg12[%swap3A_86, %swap3A_87], %swap3A_90 {strides = array<i32>} : memref<80x128xf32, #tpu.memory_space<vmem>>, vector<1x16xf32>,
      %swap3A_91 = arith.index_cast %scan3A_70 : i32 to index
      %swap3A_92 = arith.constant 64 : index
      %swap3A_93 = tpu.vector_load %arg12[%swap3A_91, %swap3A_92] {strides = array<i32>} : memref<80x128xf32, #tpu.memory_space<vmem>>, vector<1x16xf32>,
      %swap3A_94 = vector.shape_cast %swap3A_93 : vector<1x16xf32> to vector<16xf32>
      %swap3A_95 = vector.shape_cast %broadcast_in_dim3A_9 : vector<16xf32> to vector<1x16xf32>
      tpu.vector_store %arg12[%swap3A_91, %swap3A_92], %swap3A_95 {strides = array<i32>} : memref<80x128xf32, #tpu.memory_space<vmem>>, vector<1x16xf32>,
      %swap3A_96 = arith.index_cast %scan3A_70 : i32 to index
      %swap3A_97 = arith.constant 80 : index
      %swap3A_98 = tpu.vector_load %arg12[%swap3A_96, %swap3A_97] {strides = array<i32>} : memref<80x128xf32, #tpu.memory_space<vmem>>, vector<1x16xf32>,
      %swap3A_99 = vector.shape_cast %swap3A_98 : vector<1x16xf32> to vector<16xf32>
      %swap3A_100 = vector.shape_cast %broadcast_in_dim3A_9 : vector<16xf32> to vector<1x16xf32>
      tpu.vector_store %arg12[%swap3A_96, %swap3A_97], %swap3A_100 {strides = array<i32>} : memref<80x128xf32, #tpu.memory_space<vmem>>, vector<1x16xf32>,
      %swap3A_101 = arith.index_cast %scan3A_70 : i32 to index
      %swap3A_102 = arith.constant 96 : index
      %swap3A_103 = tpu.vector_load %arg12[%swap3A_101, %swap3A_102] {strides = array<i32>} : memref<80x128xf32, #tpu.memory_space<vmem>>, vector<1x16xf32>,
      %swap3A_104 = vector.shape_cast %swap3A_103 : vector<1x16xf32> to vector<16xf32>
      %swap3A_105 = vector.shape_cast %broadcast_in_dim3A_9 : vector<16xf32> to vector<1x16xf32>
      tpu.vector_store %arg12[%swap3A_101, %swap3A_102], %swap3A_105 {strides = array<i32>} : memref<80x128xf32, #tpu.memory_space<vmem>>, vector<1x16xf32>,
      %swap3A_106 = arith.index_cast %scan3A_70 : i32 to index
      %swap3A_107 = arith.constant 112 : index
      %swap3A_108 = tpu.vector_load %arg12[%swap3A_106, %swap3A_107] {strides = array<i32>} : memref<80x128xf32, #tpu.memory_space<vmem>>, vector<1x16xf32>,
      %swap3A_109 = vector.shape_cast %swap3A_108 : vector<1x16xf32> to vector<16xf32>
      %swap3A_110 = vector.shape_cast %broadcast_in_dim3A_9 : vector<16xf32> to vector<1x16xf32>
      tpu.vector_store %arg12[%swap3A_106, %swap3A_107], %swap3A_110 {strides = array<i32>} : memref<80x128xf32, #tpu.memory_space<vmem>>, vector<1x16xf32>,
      %scan3A_111 = arith.constant 0 : i32
      scf.yield %scan3A_111 : i32
    }
    %scan3A_15 = arith.constant 80 : i32
    %dma_start3A = arith.constant 0 : i32
    %dma_start3A_16 = tpu.memref_slice %arg9[%dma_start3A] : memref<1600xi32, #tpu.memory_space<vmem>> -> memref<80xi32, #tpu.memory_space<vmem>>
    %dma_start3A_17 = arith.constant 0 : i32
    %dma_start3A_18 = arith.constant 0 : i32
    %dma_start3A_19 = tpu.memref_slice %arg5[%dma_start3A_17, %dma_start3A_18] : memref<100000x128xf32, #tpu.memory_space<hbm>> -> memref<100000x128xf32, #tpu.memory_space<hbm>>
    tpu.enqueue_indirect_dma source(%dma_start3A_19 : memref<100000x128xf32, #tpu.memory_space<hbm>>) target(%arg12 : memref<80x128xf32, #tpu.memory_space<vmem>>) offsets(%dma_start3A_16 : memref<80xi32, #tpu.memory_space<vmem>>) semaphore(%arg14 : memref<!tpu.dma_semaphore, #tpu.memory_space<semaphore_mem>>) {add = true}
    %dma_start3A_20 = arith.constant 0 : i32
    %dma_start3A_21 = tpu.memref_slice %arg10[%dma_start3A_20] : memref<1600xi32, #tpu.memory_space<vmem>> -> memref<80xi32, #tpu.memory_space<vmem>>
    %dma_start3A_22 = arith.constant 0 : i32
    %dma_start3A_23 = arith.constant 0 : i32
    %dma_start3A_24 = tpu.memref_slice %arg6[%dma_start3A_22, %dma_start3A_23] : memref<50000x128xf32, #tpu.memory_space<hbm>> -> memref<50000x128xf32, #tpu.memory_space<hbm>>
    tpu.enqueue_indirect_dma source(%dma_start3A_24 : memref<50000x128xf32, #tpu.memory_space<hbm>>) target(%arg12 : memref<80x128xf32, #tpu.memory_space<vmem>>) offsets(%dma_start3A_21 : memref<80xi32, #tpu.memory_space<vmem>>) semaphore(%arg14 : memref<!tpu.dma_semaphore, #tpu.memory_space<semaphore_mem>>) {add = true}
    %dma_start3A_25 = arith.constant 0 : i32
    %dma_start3A_26 = tpu.memref_slice %arg11[%dma_start3A_25] : memref<1600xi32, #tpu.memory_space<vmem>> -> memref<80xi32, #tpu.memory_space<vmem>>
    %dma_start3A_27 = arith.constant 0 : i32
    %dma_start3A_28 = arith.constant 0 : i32
    %dma_start3A_29 = tpu.memref_slice %arg7[%dma_start3A_27, %dma_start3A_28] : memref<100000x128xf32, #tpu.memory_space<hbm>> -> memref<100000x128xf32, #tpu.memory_space<hbm>>
    tpu.enqueue_indirect_dma source(%dma_start3A_29 : memref<100000x128xf32, #tpu.memory_space<hbm>>) target(%arg12 : memref<80x128xf32, #tpu.memory_space<vmem>>) offsets(%dma_start3A_26 : memref<80xi32, #tpu.memory_space<vmem>>) semaphore(%arg14 : memref<!tpu.dma_semaphore, #tpu.memory_space<semaphore_mem>>) {add = true}
    %scan3A_30 = arith.constant 0 : i32
    %scan3A_31 = arith.constant 0 : i32
    %scan3A_32 = arith.constant 80 : i32
    %scan3A_33 = arith.addi %scan3A_31, %scan3A_32 : i32
    %scan3A_34 = arith.constant 1 : i32
    %scan3A_35 = scf.for %scan3A_70 = %scan3A_31 to %scan3A_33 step %scan3A_34 iter_args(%scan3A_71 = %scan3A_30) -> (i32)  : i32 {
      %swap3A = arith.index_cast %scan3A_70 : i32 to index
      %swap3A_72 = arith.constant 0 : index
      %swap3A_73 = tpu.vector_load %arg13[%swap3A, %swap3A_72] {strides = array<i32>} : memref<80x128xf32, #tpu.memory_space<vmem>>, vector<1x16xf32>,
      %swap3A_74 = vector.shape_cast %swap3A_73 : vector<1x16xf32> to vector<16xf32>
      %swap3A_75 = vector.shape_cast %broadcast_in_dim3A_9 : vector<16xf32> to vector<1x16xf32>
      tpu.vector_store %arg13[%swap3A, %swap3A_72], %swap3A_75 {strides = array<i32>} : memref<80x128xf32, #tpu.memory_space<vmem>>, vector<1x16xf32>,
      %swap3A_76 = arith.index_cast %scan3A_70 : i32 to index
      %swap3A_77 = arith.constant 16 : index
      %swap3A_78 = tpu.vector_load %arg13[%swap3A_76, %swap3A_77] {strides = array<i32>} : memref<80x128xf32, #tpu.memory_space<vmem>>, vector<1x16xf32>,
      %swap3A_79 = vector.shape_cast %swap3A_78 : vector<1x16xf32> to vector<16xf32>
      %swap3A_80 = vector.shape_cast %broadcast_in_dim3A_9 : vector<16xf32> to vector<1x16xf32>
      tpu.vector_store %arg13[%swap3A_76, %swap3A_77], %swap3A_80 {strides = array<i32>} : memref<80x128xf32, #tpu.memory_space<vmem>>, vector<1x16xf32>,
      %swap3A_81 = arith.index_cast %scan3A_70 : i32 to index
      %swap3A_82 = arith.constant 32 : index
      %swap3A_83 = tpu.vector_load %arg13[%swap3A_81, %swap3A_82] {strides = array<i32>} : memref<80x128xf32, #tpu.memory_space<vmem>>, vector<1x16xf32>,
      %swap3A_84 = vector.shape_cast %swap3A_83 : vector<1x16xf32> to vector<16xf32>
      %swap3A_85 = vector.shape_cast %broadcast_in_dim3A_9 : vector<16xf32> to vector<1x16xf32>
      tpu.vector_store %arg13[%swap3A_81, %swap3A_82], %swap3A_85 {strides = array<i32>} : memref<80x128xf32, #tpu.memory_space<vmem>>, vector<1x16xf32>,
      %swap3A_86 = arith.index_cast %scan3A_70 : i32 to index
      %swap3A_87 = arith.constant 48 : index
      %swap3A_88 = tpu.vector_load %arg13[%swap3A_86, %swap3A_87] {strides = array<i32>} : memref<80x128xf32, #tpu.memory_space<vmem>>, vector<1x16xf32>,
      %swap3A_89 = vector.shape_cast %swap3A_88 : vector<1x16xf32> to vector<16xf32>
      %swap3A_90 = vector.shape_cast %broadcast_in_dim3A_9 : vector<16xf32> to vector<1x16xf32>
      tpu.vector_store %arg13[%swap3A_86, %swap3A_87], %swap3A_90 {strides = array<i32>} : memref<80x128xf32, #tpu.memory_space<vmem>>, vector<1x16xf32>,
      %swap3A_91 = arith.index_cast %scan3A_70 : i32 to index
      %swap3A_92 = arith.constant 64 : index
      %swap3A_93 = tpu.vector_load %arg13[%swap3A_91, %swap3A_92] {strides = array<i32>} : memref<80x128xf32, #tpu.memory_space<vmem>>, vector<1x16xf32>,
      %swap3A_94 = vector.shape_cast %swap3A_93 : vector<1x16xf32> to vector<16xf32>
      %swap3A_95 = vector.shape_cast %broadcast_in_dim3A_9 : vector<16xf32> to vector<1x16xf32>
      tpu.vector_store %arg13[%swap3A_91, %swap3A_92], %swap3A_95 {strides = array<i32>} : memref<80x128xf32, #tpu.memory_space<vmem>>, vector<1x16xf32>,
      %swap3A_96 = arith.index_cast %scan3A_70 : i32 to index
      %swap3A_97 = arith.constant 80 : index
      %swap3A_98 = tpu.vector_load %arg13[%swap3A_96, %swap3A_97] {strides = array<i32>} : memref<80x128xf32, #tpu.memory_space<vmem>>, vector<1x16xf32>,
      %swap3A_99 = vector.shape_cast %swap3A_98 : vector<1x16xf32> to vector<16xf32>
      %swap3A_100 = vector.shape_cast %broadcast_in_dim3A_9 : vector<16xf32> to vector<1x16xf32>
      tpu.vector_store %arg13[%swap3A_96, %swap3A_97], %swap3A_100 {strides = array<i32>} : memref<80x128xf32, #tpu.memory_space<vmem>>, vector<1x16xf32>,
      %swap3A_101 = arith.index_cast %scan3A_70 : i32 to index
      %swap3A_102 = arith.constant 96 : index
      %swap3A_103 = tpu.vector_load %arg13[%swap3A_101, %swap3A_102] {strides = array<i32>} : memref<80x128xf32, #tpu.memory_space<vmem>>, vector<1x16xf32>,
      %swap3A_104 = vector.shape_cast %swap3A_103 : vector<1x16xf32> to vector<16xf32>
      %swap3A_105 = vector.shape_cast %broadcast_in_dim3A_9 : vector<16xf32> to vector<1x16xf32>
      tpu.vector_store %arg13[%swap3A_101, %swap3A_102], %swap3A_105 {strides = array<i32>} : memref<80x128xf32, #tpu.memory_space<vmem>>, vector<1x16xf32>,
      %swap3A_106 = arith.index_cast %scan3A_70 : i32 to index
      %swap3A_107 = arith.constant 112 : index
      %swap3A_108 = tpu.vector_load %arg13[%swap3A_106, %swap3A_107] {strides = array<i32>} : memref<80x128xf32, #tpu.memory_space<vmem>>, vector<1x16xf32>,
      %swap3A_109 = vector.shape_cast %swap3A_108 : vector<1x16xf32> to vector<16xf32>
      %swap3A_110 = vector.shape_cast %broadcast_in_dim3A_9 : vector<16xf32> to vector<1x16xf32>
      tpu.vector_store %arg13[%swap3A_106, %swap3A_107], %swap3A_110 {strides = array<i32>} : memref<80x128xf32, #tpu.memory_space<vmem>>, vector<1x16xf32>,
      %scan3A_111 = arith.constant 0 : i32
      scf.yield %scan3A_111 : i32
    }
    %scan3A_36 = arith.constant 80 : i32
    %dma_start3A_37 = arith.constant 80 : i32
    %dma_start3A_38 = tpu.memref_slice %arg9[%dma_start3A_37] : memref<1600xi32, #tpu.memory_space<vmem>> -> memref<80xi32, #tpu.memory_space<vmem>>
    %dma_start3A_39 = arith.constant 0 : i32
    %dma_start3A_40 = arith.constant 0 : i32
    %dma_start3A_41 = tpu.memref_slice %arg5[%dma_start3A_39, %dma_start3A_40] : memref<100000x128xf32, #tpu.memory_space<hbm>> -> memref<100000x128xf32, #tpu.memory_space<hbm>>
    tpu.enqueue_indirect_dma source(%dma_start3A_41 : memref<100000x128xf32, #tpu.memory_space<hbm>>) target(%arg13 : memref<80x128xf32, #tpu.memory_space<vmem>>) offsets(%dma_start3A_38 : memref<80xi32, #tpu.memory_space<vmem>>) semaphore(%arg15 : memref<!tpu.dma_semaphore, #tpu.memory_space<semaphore_mem>>) {add = true}
    %dma_start3A_42 = arith.constant 80 : i32
    %dma_start3A_43 = tpu.memref_slice %arg10[%dma_start3A_42] : memref<1600xi32, #tpu.memory_space<vmem>> -> memref<80xi32, #tpu.memory_space<vmem>>
    %dma_start3A_44 = arith.constant 0 : i32
    %dma_start3A_45 = arith.constant 0 : i32
    %dma_start3A_46 = tpu.memref_slice %arg6[%dma_start3A_44, %dma_start3A_45] : memref<50000x128xf32, #tpu.memory_space<hbm>> -> memref<50000x128xf32, #tpu.memory_space<hbm>>
    tpu.enqueue_indirect_dma source(%dma_start3A_46 : memref<50000x128xf32, #tpu.memory_space<hbm>>) target(%arg13 : memref<80x128xf32, #tpu.memory_space<vmem>>) offsets(%dma_start3A_43 : memref<80xi32, #tpu.memory_space<vmem>>) semaphore(%arg15 : memref<!tpu.dma_semaphore, #tpu.memory_space<semaphore_mem>>) {add = true}
    %dma_start3A_47 = arith.constant 80 : i32
    %dma_start3A_48 = tpu.memref_slice %arg11[%dma_start3A_47] : memref<1600xi32, #tpu.memory_space<vmem>> -> memref<80xi32, #tpu.memory_space<vmem>>
    %dma_start3A_49 = arith.constant 0 : i32
    %dma_start3A_50 = arith.constant 0 : i32
    %dma_start3A_51 = tpu.memref_slice %arg7[%dma_start3A_49, %dma_start3A_50] : memref<100000x128xf32, #tpu.memory_space<hbm>> -> memref<100000x128xf32, #tpu.memory_space<hbm>>
    tpu.enqueue_indirect_dma source(%dma_start3A_51 : memref<100000x128xf32, #tpu.memory_space<hbm>>) target(%arg13 : memref<80x128xf32, #tpu.memory_space<vmem>>) offsets(%dma_start3A_48 : memref<80xi32, #tpu.memory_space<vmem>>) semaphore(%arg15 : memref<!tpu.dma_semaphore, #tpu.memory_space<semaphore_mem>>) {add = true}
    %scan3A_52 = arith.constant 0 : i32
    %scan3A_53 = arith.constant 0 : i32
    %scan3A_54 = arith.constant 10 : i32
    %scan3A_55 = arith.addi %scan3A_53, %scan3A_54 : i32
    %scan3A_56 = arith.constant 1 : i32
    %scan3A_57 = scf.for %scan3A_70 = %scan3A_53 to %scan3A_55 step %scan3A_56 iter_args(%scan3A_71 = %scan3A_52) -> (i32)  : i32 {
      %mul3A_72 = arith.constant 2 : i32
      %mul3A_73 = arith.muli %mul3A_72, %scan3A_70 : i32
      %add3A_74 = arith.constant 1 : i32
      %add3A_75 = arith.addi %mul3A_73, %add3A_74 : i32
      %dma_wait3A_76 = arith.constant 0 : i32
      %dma_wait3A_77 = arith.constant 0 : i32
      %dma_wait3A_78 = tpu.memref_slice %arg5[%dma_wait3A_76, %dma_wait3A_77] : memref<100000x128xf32, #tpu.memory_space<hbm>> -> memref<80x128xf32, #tpu.memory_space<hbm>>
      %dma_wait3A_79 = arith.constant 0 : i32
      %dma_wait3A_80 = arith.constant 0 : i32
      %dma_wait3A_81 = tpu.memref_slice %arg5[%dma_wait3A_79, %dma_wait3A_80] : memref<100000x128xf32, #tpu.memory_space<hbm>> -> memref<80x128xf32, #tpu.memory_space<hbm>>
      tpu.wait_dma2 semaphore(%arg14 : memref<!tpu.dma_semaphore, #tpu.memory_space<semaphore_mem>>) src(%dma_wait3A_81 : memref<80x128xf32, #tpu.memory_space<hbm>>) dst(%arg12 : memref<80x128xf32, #tpu.memory_space<vmem>>)
      %dma_wait3A_82 = arith.constant 0 : i32
      %dma_wait3A_83 = arith.constant 0 : i32
      %dma_wait3A_84 = tpu.memref_slice %arg6[%dma_wait3A_82, %dma_wait3A_83] : memref<50000x128xf32, #tpu.memory_space<hbm>> -> memref<80x128xf32, #tpu.memory_space<hbm>>
      %dma_wait3A_85 = arith.constant 0 : i32
      %dma_wait3A_86 = arith.constant 0 : i32
      %dma_wait3A_87 = tpu.memref_slice %arg6[%dma_wait3A_85, %dma_wait3A_86] : memref<50000x128xf32, #tpu.memory_space<hbm>> -> memref<80x128xf32, #tpu.memory_space<hbm>>
      tpu.wait_dma2 semaphore(%arg14 : memref<!tpu.dma_semaphore, #tpu.memory_space<semaphore_mem>>) src(%dma_wait3A_87 : memref<80x128xf32, #tpu.memory_space<hbm>>) dst(%arg12 : memref<80x128xf32, #tpu.memory_space<vmem>>)
      %dma_wait3A_88 = arith.constant 0 : i32
      %dma_wait3A_89 = arith.constant 0 : i32
      %dma_wait3A_90 = tpu.memref_slice %arg7[%dma_wait3A_88, %dma_wait3A_89] : memref<100000x128xf32, #tpu.memory_space<hbm>> -> memref<80x128xf32, #tpu.memory_space<hbm>>
      %dma_wait3A_91 = arith.constant 0 : i32
      %dma_wait3A_92 = arith.constant 0 : i32
      %dma_wait3A_93 = tpu.memref_slice %arg7[%dma_wait3A_91, %dma_wait3A_92] : memref<100000x128xf32, #tpu.memory_space<hbm>> -> memref<80x128xf32, #tpu.memory_space<hbm>>
      tpu.wait_dma2 semaphore(%arg14 : memref<!tpu.dma_semaphore, #tpu.memory_space<semaphore_mem>>) src(%dma_wait3A_93 : memref<80x128xf32, #tpu.memory_space<hbm>>) dst(%arg12 : memref<80x128xf32, #tpu.memory_space<vmem>>)
      %mul3A_94 = arith.constant 80 : i32
      %mul3A_95 = arith.muli %mul3A_73, %mul3A_94 : i32
      %add3A_96 = arith.addi %mul3A_2, %mul3A_95 : i32
      %dma_start3A_97 = arith.constant 0 : i32
      %dma_start3A_98 = tpu.memref_slice %arg8[%add3A_96, %dma_start3A_97] : memref<51200x128xf32, #tpu.memory_space<hbm>> -> memref<80x128xf32, #tpu.memory_space<hbm>>
      %dma_start3A_99 = arith.constant 0 : i32
      %dma_start3A_100 = tpu.memref_slice %arg8[%add3A_96, %dma_start3A_99] : memref<51200x128xf32, #tpu.memory_space<hbm>> -> memref<80x128xf32, #tpu.memory_space<hbm>>
      tpu.enqueue_dma source(%arg12 : memref<80x128xf32, #tpu.memory_space<vmem>>) target(%dma_start3A_100 : memref<80x128xf32, #tpu.memory_space<hbm>>) target_semaphore(%arg16 : memref<!tpu.dma_semaphore, #tpu.memory_space<semaphore_mem>>)
      %dma_wait3A_101 = arith.constant 0 : i32
      %dma_wait3A_102 = arith.constant 0 : i32
      %dma_wait3A_103 = tpu.memref_slice %arg5[%dma_wait3A_101, %dma_wait3A_102] : memref<100000x128xf32, #tpu.memory_space<hbm>> -> memref<80x128xf32, #tpu.memory_space<hbm>>
      %dma_wait3A_104 = arith.constant 0 : i32
      %dma_wait3A_105 = arith.constant 0 : i32
      %dma_wait3A_106 = tpu.memref_slice %arg5[%dma_wait3A_104, %dma_wait3A_105] : memref<100000x128xf32, #tpu.memory_space<hbm>> -> memref<80x128xf32, #tpu.memory_space<hbm>>
      tpu.wait_dma2 semaphore(%arg15 : memref<!tpu.dma_semaphore, #tpu.memory_space<semaphore_mem>>) src(%dma_wait3A_106 : memref<80x128xf32, #tpu.memory_space<hbm>>) dst(%arg13 : memref<80x128xf32, #tpu.memory_space<vmem>>)
      %dma_wait3A_107 = arith.constant 0 : i32
      %dma_wait3A_108 = arith.constant 0 : i32
      %dma_wait3A_109 = tpu.memref_slice %arg6[%dma_wait3A_107, %dma_wait3A_108] : memref<50000x128xf32, #tpu.memory_space<hbm>> -> memref<80x128xf32, #tpu.memory_space<hbm>>
      %dma_wait3A_110 = arith.constant 0 : i32
      %dma_wait3A_111 = arith.constant 0 : i32
      %dma_wait3A_112 = tpu.memref_slice %arg6[%dma_wait3A_110, %dma_wait3A_111] : memref<50000x128xf32, #tpu.memory_space<hbm>> -> memref<80x128xf32, #tpu.memory_space<hbm>>
      tpu.wait_dma2 semaphore(%arg15 : memref<!tpu.dma_semaphore, #tpu.memory_space<semaphore_mem>>) src(%dma_wait3A_112 : memref<80x128xf32, #tpu.memory_space<hbm>>) dst(%arg13 : memref<80x128xf32, #tpu.memory_space<vmem>>)
      %dma_wait3A_113 = arith.constant 0 : i32
      %dma_wait3A_114 = arith.constant 0 : i32
      %dma_wait3A_115 = tpu.memref_slice %arg7[%dma_wait3A_113, %dma_wait3A_114] : memref<100000x128xf32, #tpu.memory_space<hbm>> -> memref<80x128xf32, #tpu.memory_space<hbm>>
      %dma_wait3A_116 = arith.constant 0 : i32
      %dma_wait3A_117 = arith.constant 0 : i32
      %dma_wait3A_118 = tpu.memref_slice %arg7[%dma_wait3A_116, %dma_wait3A_117] : memref<100000x128xf32, #tpu.memory_space<hbm>> -> memref<80x128xf32, #tpu.memory_space<hbm>>
      tpu.wait_dma2 semaphore(%arg15 : memref<!tpu.dma_semaphore, #tpu.memory_space<semaphore_mem>>) src(%dma_wait3A_118 : memref<80x128xf32, #tpu.memory_space<hbm>>) dst(%arg13 : memref<80x128xf32, #tpu.memory_space<vmem>>)
      %mul3A_119 = arith.constant 80 : i32
      %mul3A_120 = arith.muli %add3A_75, %mul3A_119 : i32
      %add3A_121 = arith.addi %mul3A_2, %mul3A_120 : i32
      %dma_start3A_122 = arith.constant 0 : i32
      %dma_start3A_123 = tpu.memref_slice %arg8[%add3A_121, %dma_start3A_122] : memref<51200x128xf32, #tpu.memory_space<hbm>> -> memref<80x128xf32, #tpu.memory_space<hbm>>
      %dma_start3A_124 = arith.constant 0 : i32
      %dma_start3A_125 = tpu.memref_slice %arg8[%add3A_121, %dma_start3A_124] : memref<51200x128xf32, #tpu.memory_space<hbm>> -> memref<80x128xf32, #tpu.memory_space<hbm>>
      tpu.enqueue_dma source(%arg13 : memref<80x128xf32, #tpu.memory_space<vmem>>) target(%dma_start3A_125 : memref<80x128xf32, #tpu.memory_space<hbm>>) target_semaphore(%arg17 : memref<!tpu.dma_semaphore, #tpu.memory_space<semaphore_mem>>)
      %add3A_126 = arith.constant 2 : i32
      %add3A_127 = arith.addi %mul3A_73, %add3A_126 : i32
      %lt3A = arith.constant 20 : i32
      %lt3A_128 = arith.cmpi slt, %add3A_127, %lt3A : i32
      %convert_element_type3A = arith.extui %lt3A_128 : i1 to i32
      %cond3A = arith.constant 0 : i32
      %cond3A_129 = arith.cmpi ne, %convert_element_type3A, %cond3A : i32
      scf.if %cond3A_129 {
        %dma_wait3A_138 = arith.constant 0 : i32
        %dma_wait3A_139 = arith.constant 0 : i32
        %dma_wait3A_140 = tpu.memref_slice %arg8[%dma_wait3A_138, %dma_wait3A_139] : memref<51200x128xf32, #tpu.memory_space<hbm>> -> memref<80x128xf32, #tpu.memory_space<hbm>>
        %dma_wait3A_141 = arith.constant 0 : i32
        %dma_wait3A_142 = arith.constant 0 : i32
        %dma_wait3A_143 = tpu.memref_slice %arg8[%dma_wait3A_141, %dma_wait3A_142] : memref<51200x128xf32, #tpu.memory_space<hbm>> -> memref<80x128xf32, #tpu.memory_space<hbm>>
        tpu.wait_dma2 semaphore(%arg16 : memref<!tpu.dma_semaphore, #tpu.memory_space<semaphore_mem>>) src(%arg12 : memref<80x128xf32, #tpu.memory_space<vmem>>) dst(%dma_wait3A_143 : memref<80x128xf32, #tpu.memory_space<hbm>>)
        %scan3A_144 = arith.constant 0 : i32
        %scan3A_145 = arith.constant 0 : i32
        %scan3A_146 = arith.constant 80 : i32
        %scan3A_147 = arith.addi %scan3A_145, %scan3A_146 : i32
        %scan3A_148 = arith.constant 1 : i32
        %scan3A_149 = scf.for %scan3A_171 = %scan3A_145 to %scan3A_147 step %scan3A_148 iter_args(%scan3A_172 = %scan3A_144) -> (i32)  : i32 {
          %swap3A = arith.index_cast %scan3A_171 : i32 to index
          %swap3A_173 = arith.constant 0 : index
          %swap3A_174 = tpu.vector_load %arg12[%swap3A, %swap3A_173] {strides = array<i32>} : memref<80x128xf32, #tpu.memory_space<vmem>>, vector<1x16xf32>,
          %swap3A_175 = vector.shape_cast %swap3A_174 : vector<1x16xf32> to vector<16xf32>
          %swap3A_176 = vector.shape_cast %broadcast_in_dim3A_9 : vector<16xf32> to vector<1x16xf32>
          tpu.vector_store %arg12[%swap3A, %swap3A_173], %swap3A_176 {strides = array<i32>} : memref<80x128xf32, #tpu.memory_space<vmem>>, vector<1x16xf32>,
          %swap3A_177 = arith.index_cast %scan3A_171 : i32 to index
          %swap3A_178 = arith.constant 16 : index
          %swap3A_179 = tpu.vector_load %arg12[%swap3A_177, %swap3A_178] {strides = array<i32>} : memref<80x128xf32, #tpu.memory_space<vmem>>, vector<1x16xf32>,
          %swap3A_180 = vector.shape_cast %swap3A_179 : vector<1x16xf32> to vector<16xf32>
          %swap3A_181 = vector.shape_cast %broadcast_in_dim3A_9 : vector<16xf32> to vector<1x16xf32>
          tpu.vector_store %arg12[%swap3A_177, %swap3A_178], %swap3A_181 {strides = array<i32>} : memref<80x128xf32, #tpu.memory_space<vmem>>, vector<1x16xf32>,
          %swap3A_182 = arith.index_cast %scan3A_171 : i32 to index
          %swap3A_183 = arith.constant 32 : index
          %swap3A_184 = tpu.vector_load %arg12[%swap3A_182, %swap3A_183] {strides = array<i32>} : memref<80x128xf32, #tpu.memory_space<vmem>>, vector<1x16xf32>,
          %swap3A_185 = vector.shape_cast %swap3A_184 : vector<1x16xf32> to vector<16xf32>
          %swap3A_186 = vector.shape_cast %broadcast_in_dim3A_9 : vector<16xf32> to vector<1x16xf32>
          tpu.vector_store %arg12[%swap3A_182, %swap3A_183], %swap3A_186 {strides = array<i32>} : memref<80x128xf32, #tpu.memory_space<vmem>>, vector<1x16xf32>,
          %swap3A_187 = arith.index_cast %scan3A_171 : i32 to index
          %swap3A_188 = arith.constant 48 : index
          %swap3A_189 = tpu.vector_load %arg12[%swap3A_187, %swap3A_188] {strides = array<i32>} : memref<80x128xf32, #tpu.memory_space<vmem>>, vector<1x16xf32>,
          %swap3A_190 = vector.shape_cast %swap3A_189 : vector<1x16xf32> to vector<16xf32>
          %swap3A_191 = vector.shape_cast %broadcast_in_dim3A_9 : vector<16xf32> to vector<1x16xf32>
          tpu.vector_store %arg12[%swap3A_187, %swap3A_188], %swap3A_191 {strides = array<i32>} : memref<80x128xf32, #tpu.memory_space<vmem>>, vector<1x16xf32>,
          %swap3A_192 = arith.index_cast %scan3A_171 : i32 to index
          %swap3A_193 = arith.constant 64 : index
          %swap3A_194 = tpu.vector_load %arg12[%swap3A_192, %swap3A_193] {strides = array<i32>} : memref<80x128xf32, #tpu.memory_space<vmem>>, vector<1x16xf32>,
          %swap3A_195 = vector.shape_cast %swap3A_194 : vector<1x16xf32> to vector<16xf32>
          %swap3A_196 = vector.shape_cast %broadcast_in_dim3A_9 : vector<16xf32> to vector<1x16xf32>
          tpu.vector_store %arg12[%swap3A_192, %swap3A_193], %swap3A_196 {strides = array<i32>} : memref<80x128xf32, #tpu.memory_space<vmem>>, vector<1x16xf32>,
          %swap3A_197 = arith.index_cast %scan3A_171 : i32 to index
          %swap3A_198 = arith.constant 80 : index
          %swap3A_199 = tpu.vector_load %arg12[%swap3A_197, %swap3A_198] {strides = array<i32>} : memref<80x128xf32, #tpu.memory_space<vmem>>, vector<1x16xf32>,
          %swap3A_200 = vector.shape_cast %swap3A_199 : vector<1x16xf32> to vector<16xf32>
          %swap3A_201 = vector.shape_cast %broadcast_in_dim3A_9 : vector<16xf32> to vector<1x16xf32>
          tpu.vector_store %arg12[%swap3A_197, %swap3A_198], %swap3A_201 {strides = array<i32>} : memref<80x128xf32, #tpu.memory_space<vmem>>, vector<1x16xf32>,
          %swap3A_202 = arith.index_cast %scan3A_171 : i32 to index
          %swap3A_203 = arith.constant 96 : index
          %swap3A_204 = tpu.vector_load %arg12[%swap3A_202, %swap3A_203] {strides = array<i32>} : memref<80x128xf32, #tpu.memory_space<vmem>>, vector<1x16xf32>,
          %swap3A_205 = vector.shape_cast %swap3A_204 : vector<1x16xf32> to vector<16xf32>
          %swap3A_206 = vector.shape_cast %broadcast_in_dim3A_9 : vector<16xf32> to vector<1x16xf32>
          tpu.vector_store %arg12[%swap3A_202, %swap3A_203], %swap3A_206 {strides = array<i32>} : memref<80x128xf32, #tpu.memory_space<vmem>>, vector<1x16xf32>,
          %swap3A_207 = arith.index_cast %scan3A_171 : i32 to index
          %swap3A_208 = arith.constant 112 : index
          %swap3A_209 = tpu.vector_load %arg12[%swap3A_207, %swap3A_208] {strides = array<i32>} : memref<80x128xf32, #tpu.memory_space<vmem>>, vector<1x16xf32>,
          %swap3A_210 = vector.shape_cast %swap3A_209 : vector<1x16xf32> to vector<16xf32>
          %swap3A_211 = vector.shape_cast %broadcast_in_dim3A_9 : vector<16xf32> to vector<1x16xf32>
          tpu.vector_store %arg12[%swap3A_207, %swap3A_208], %swap3A_211 {strides = array<i32>} : memref<80x128xf32, #tpu.memory_space<vmem>>, vector<1x16xf32>,
          %scan3A_212 = arith.constant 0 : i32
          scf.yield %scan3A_212 : i32
        }
        %scan3A_150 = arith.constant 80 : i32
        %add3A_151 = arith.constant 2 : i32
        %add3A_152 = arith.addi %mul3A_73, %add3A_151 : i32
        %mul3A_153 = arith.constant 80 : i32
        %mul3A_154 = arith.muli %add3A_152, %mul3A_153 : i32
        %dma_start3A_155 = tpu.memref_slice %arg9[%mul3A_154] : memref<1600xi32, #tpu.memory_space<vmem>> -> memref<80xi32, #tpu.memory_space<vmem>>
        %dma_start3A_156 = arith.constant 0 : i32
        %dma_start3A_157 = arith.constant 0 : i32
        %dma_start3A_158 = tpu.memref_slice %arg5[%dma_start3A_156, %dma_start3A_157] : memref<100000x128xf32, #tpu.memory_space<hbm>> -> memref<100000x128xf32, #tpu.memory_space<hbm>>
        tpu.enqueue_indirect_dma source(%dma_start3A_158 : memref<100000x128xf32, #tpu.memory_space<hbm>>) target(%arg12 : memref<80x128xf32, #tpu.memory_space<vmem>>) offsets(%dma_start3A_155 : memref<80xi32, #tpu.memory_space<vmem>>) semaphore(%arg14 : memref<!tpu.dma_semaphore, #tpu.memory_space<semaphore_mem>>) {add = true}
        %mul3A_159 = arith.constant 80 : i32
        %mul3A_160 = arith.muli %add3A_152, %mul3A_159 : i32
        %dma_start3A_161 = tpu.memref_slice %arg10[%mul3A_160] : memref<1600xi32, #tpu.memory_space<vmem>> -> memref<80xi32, #tpu.memory_space<vmem>>
        %dma_start3A_162 = arith.constant 0 : i32
        %dma_start3A_163 = arith.constant 0 : i32
        %dma_start3A_164 = tpu.memref_slice %arg6[%dma_start3A_162, %dma_start3A_163] : memref<50000x128xf32, #tpu.memory_space<hbm>> -> memref<50000x128xf32, #tpu.memory_space<hbm>>
        tpu.enqueue_indirect_dma source(%dma_start3A_164 : memref<50000x128xf32, #tpu.memory_space<hbm>>) target(%arg12 : memref<80x128xf32, #tpu.memory_space<vmem>>) offsets(%dma_start3A_161 : memref<80xi32, #tpu.memory_space<vmem>>) semaphore(%arg14 : memref<!tpu.dma_semaphore, #tpu.memory_space<semaphore_mem>>) {add = true}
        %mul3A_165 = arith.constant 80 : i32
        %mul3A_166 = arith.muli %add3A_152, %mul3A_165 : i32
        %dma_start3A_167 = tpu.memref_slice %arg11[%mul3A_166] : memref<1600xi32, #tpu.memory_space<vmem>> -> memref<80xi32, #tpu.memory_space<vmem>>
        %dma_start3A_168 = arith.constant 0 : i32
        %dma_start3A_169 = arith.constant 0 : i32
        %dma_start3A_170 = tpu.memref_slice %arg7[%dma_start3A_168, %dma_start3A_169] : memref<100000x128xf32, #tpu.memory_space<hbm>> -> memref<100000x128xf32, #tpu.memory_space<hbm>>
        tpu.enqueue_indirect_dma source(%dma_start3A_170 : memref<100000x128xf32, #tpu.memory_space<hbm>>) target(%arg12 : memref<80x128xf32, #tpu.memory_space<vmem>>) offsets(%dma_start3A_167 : memref<80xi32, #tpu.memory_space<vmem>>) semaphore(%arg14 : memref<!tpu.dma_semaphore, #tpu.memory_space<semaphore_mem>>) {add = true}
      } else {
      }
      %add3A_130 = arith.constant 2 : i32
      %add3A_131 = arith.addi %add3A_75, %add3A_130 : i32
      %lt3A_132 = arith.constant 20 : i32
      %lt3A_133 = arith.cmpi slt, %add3A_131, %lt3A_132 : i32
      %convert_element_type3A_134 = arith.extui %lt3A_133 : i1 to i32
      %cond3A_135 = arith.constant 0 : i32
      %cond3A_136 = arith.cmpi ne, %convert_element_type3A_134, %cond3A_135 : i32
      scf.if %cond3A_136 {
        %dma_wait3A_138 = arith.constant 0 : i32
        %dma_wait3A_139 = arith.constant 0 : i32
        %dma_wait3A_140 = tpu.memref_slice %arg8[%dma_wait3A_138, %dma_wait3A_139] : memref<51200x128xf32, #tpu.memory_space<hbm>> -> memref<80x128xf32, #tpu.memory_space<hbm>>
        %dma_wait3A_141 = arith.constant 0 : i32
        %dma_wait3A_142 = arith.constant 0 : i32
        %dma_wait3A_143 = tpu.memref_slice %arg8[%dma_wait3A_141, %dma_wait3A_142] : memref<51200x128xf32, #tpu.memory_space<hbm>> -> memref<80x128xf32, #tpu.memory_space<hbm>>
        tpu.wait_dma2 semaphore(%arg17 : memref<!tpu.dma_semaphore, #tpu.memory_space<semaphore_mem>>) src(%arg13 : memref<80x128xf32, #tpu.memory_space<vmem>>) dst(%dma_wait3A_143 : memref<80x128xf32, #tpu.memory_space<hbm>>)
        %scan3A_144 = arith.constant 0 : i32
        %scan3A_145 = arith.constant 0 : i32
        %scan3A_146 = arith.constant 80 : i32
        %scan3A_147 = arith.addi %scan3A_145, %scan3A_146 : i32
        %scan3A_148 = arith.constant 1 : i32
        %scan3A_149 = scf.for %scan3A_171 = %scan3A_145 to %scan3A_147 step %scan3A_148 iter_args(%scan3A_172 = %scan3A_144) -> (i32)  : i32 {
          %swap3A = arith.index_cast %scan3A_171 : i32 to index
          %swap3A_173 = arith.constant 0 : index
          %swap3A_174 = tpu.vector_load %arg13[%swap3A, %swap3A_173] {strides = array<i32>} : memref<80x128xf32, #tpu.memory_space<vmem>>, vector<1x16xf32>,
          %swap3A_175 = vector.shape_cast %swap3A_174 : vector<1x16xf32> to vector<16xf32>
          %swap3A_176 = vector.shape_cast %broadcast_in_dim3A_9 : vector<16xf32> to vector<1x16xf32>
          tpu.vector_store %arg13[%swap3A, %swap3A_173], %swap3A_176 {strides = array<i32>} : memref<80x128xf32, #tpu.memory_space<vmem>>, vector<1x16xf32>,
          %swap3A_177 = arith.index_cast %scan3A_171 : i32 to index
          %swap3A_178 = arith.constant 16 : index
          %swap3A_179 = tpu.vector_load %arg13[%swap3A_177, %swap3A_178] {strides = array<i32>} : memref<80x128xf32, #tpu.memory_space<vmem>>, vector<1x16xf32>,
          %swap3A_180 = vector.shape_cast %swap3A_179 : vector<1x16xf32> to vector<16xf32>
          %swap3A_181 = vector.shape_cast %broadcast_in_dim3A_9 : vector<16xf32> to vector<1x16xf32>
          tpu.vector_store %arg13[%swap3A_177, %swap3A_178], %swap3A_181 {strides = array<i32>} : memref<80x128xf32, #tpu.memory_space<vmem>>, vector<1x16xf32>,
          %swap3A_182 = arith.index_cast %scan3A_171 : i32 to index
          %swap3A_183 = arith.constant 32 : index
          %swap3A_184 = tpu.vector_load %arg13[%swap3A_182, %swap3A_183] {strides = array<i32>} : memref<80x128xf32, #tpu.memory_space<vmem>>, vector<1x16xf32>,
          %swap3A_185 = vector.shape_cast %swap3A_184 : vector<1x16xf32> to vector<16xf32>
          %swap3A_186 = vector.shape_cast %broadcast_in_dim3A_9 : vector<16xf32> to vector<1x16xf32>
          tpu.vector_store %arg13[%swap3A_182, %swap3A_183], %swap3A_186 {strides = array<i32>} : memref<80x128xf32, #tpu.memory_space<vmem>>, vector<1x16xf32>,
          %swap3A_187 = arith.index_cast %scan3A_171 : i32 to index
          %swap3A_188 = arith.constant 48 : index
          %swap3A_189 = tpu.vector_load %arg13[%swap3A_187, %swap3A_188] {strides = array<i32>} : memref<80x128xf32, #tpu.memory_space<vmem>>, vector<1x16xf32>,
          %swap3A_190 = vector.shape_cast %swap3A_189 : vector<1x16xf32> to vector<16xf32>
          %swap3A_191 = vector.shape_cast %broadcast_in_dim3A_9 : vector<16xf32> to vector<1x16xf32>
          tpu.vector_store %arg13[%swap3A_187, %swap3A_188], %swap3A_191 {strides = array<i32>} : memref<80x128xf32, #tpu.memory_space<vmem>>, vector<1x16xf32>,
          %swap3A_192 = arith.index_cast %scan3A_171 : i32 to index
          %swap3A_193 = arith.constant 64 : index
          %swap3A_194 = tpu.vector_load %arg13[%swap3A_192, %swap3A_193] {strides = array<i32>} : memref<80x128xf32, #tpu.memory_space<vmem>>, vector<1x16xf32>,
          %swap3A_195 = vector.shape_cast %swap3A_194 : vector<1x16xf32> to vector<16xf32>
          %swap3A_196 = vector.shape_cast %broadcast_in_dim3A_9 : vector<16xf32> to vector<1x16xf32>
          tpu.vector_store %arg13[%swap3A_192, %swap3A_193], %swap3A_196 {strides = array<i32>} : memref<80x128xf32, #tpu.memory_space<vmem>>, vector<1x16xf32>,
          %swap3A_197 = arith.index_cast %scan3A_171 : i32 to index
          %swap3A_198 = arith.constant 80 : index
          %swap3A_199 = tpu.vector_load %arg13[%swap3A_197, %swap3A_198] {strides = array<i32>} : memref<80x128xf32, #tpu.memory_space<vmem>>, vector<1x16xf32>,
          %swap3A_200 = vector.shape_cast %swap3A_199 : vector<1x16xf32> to vector<16xf32>
          %swap3A_201 = vector.shape_cast %broadcast_in_dim3A_9 : vector<16xf32> to vector<1x16xf32>
          tpu.vector_store %arg13[%swap3A_197, %swap3A_198], %swap3A_201 {strides = array<i32>} : memref<80x128xf32, #tpu.memory_space<vmem>>, vector<1x16xf32>,
          %swap3A_202 = arith.index_cast %scan3A_171 : i32 to index
          %swap3A_203 = arith.constant 96 : index
          %swap3A_204 = tpu.vector_load %arg13[%swap3A_202, %swap3A_203] {strides = array<i32>} : memref<80x128xf32, #tpu.memory_space<vmem>>, vector<1x16xf32>,
          %swap3A_205 = vector.shape_cast %swap3A_204 : vector<1x16xf32> to vector<16xf32>
          %swap3A_206 = vector.shape_cast %broadcast_in_dim3A_9 : vector<16xf32> to vector<1x16xf32>
          tpu.vector_store %arg13[%swap3A_202, %swap3A_203], %swap3A_206 {strides = array<i32>} : memref<80x128xf32, #tpu.memory_space<vmem>>, vector<1x16xf32>,
          %swap3A_207 = arith.index_cast %scan3A_171 : i32 to index
          %swap3A_208 = arith.constant 112 : index
          %swap3A_209 = tpu.vector_load %arg13[%swap3A_207, %swap3A_208] {strides = array<i32>} : memref<80x128xf32, #tpu.memory_space<vmem>>, vector<1x16xf32>,
          %swap3A_210 = vector.shape_cast %swap3A_209 : vector<1x16xf32> to vector<16xf32>
          %swap3A_211 = vector.shape_cast %broadcast_in_dim3A_9 : vector<16xf32> to vector<1x16xf32>
          tpu.vector_store %arg13[%swap3A_207, %swap3A_208], %swap3A_211 {strides = array<i32>} : memref<80x128xf32, #tpu.memory_space<vmem>>, vector<1x16xf32>,
          %scan3A_212 = arith.constant 0 : i32
          scf.yield %scan3A_212 : i32
        }
        %scan3A_150 = arith.constant 80 : i32
        %add3A_151 = arith.constant 2 : i32
        %add3A_152 = arith.addi %add3A_75, %add3A_151 : i32
        %mul3A_153 = arith.constant 80 : i32
        %mul3A_154 = arith.muli %add3A_152, %mul3A_153 : i32
        %dma_start3A_155 = tpu.memref_slice %arg9[%mul3A_154] : memref<1600xi32, #tpu.memory_space<vmem>> -> memref<80xi32, #tpu.memory_space<vmem>>
        %dma_start3A_156 = arith.constant 0 : i32
        %dma_start3A_157 = arith.constant 0 : i32
        %dma_start3A_158 = tpu.memref_slice %arg5[%dma_start3A_156, %dma_start3A_157] : memref<100000x128xf32, #tpu.memory_space<hbm>> -> memref<100000x128xf32, #tpu.memory_space<hbm>>
        tpu.enqueue_indirect_dma source(%dma_start3A_158 : memref<100000x128xf32, #tpu.memory_space<hbm>>) target(%arg13 : memref<80x128xf32, #tpu.memory_space<vmem>>) offsets(%dma_start3A_155 : memref<80xi32, #tpu.memory_space<vmem>>) semaphore(%arg15 : memref<!tpu.dma_semaphore, #tpu.memory_space<semaphore_mem>>) {add = true}
        %mul3A_159 = arith.constant 80 : i32
        %mul3A_160 = arith.muli %add3A_152, %mul3A_159 : i32
        %dma_start3A_161 = tpu.memref_slice %arg10[%mul3A_160] : memref<1600xi32, #tpu.memory_space<vmem>> -> memref<80xi32, #tpu.memory_space<vmem>>
        %dma_start3A_162 = arith.constant 0 : i32
        %dma_start3A_163 = arith.constant 0 : i32
        %dma_start3A_164 = tpu.memref_slice %arg6[%dma_start3A_162, %dma_start3A_163] : memref<50000x128xf32, #tpu.memory_space<hbm>> -> memref<50000x128xf32, #tpu.memory_space<hbm>>
        tpu.enqueue_indirect_dma source(%dma_start3A_164 : memref<50000x128xf32, #tpu.memory_space<hbm>>) target(%arg13 : memref<80x128xf32, #tpu.memory_space<vmem>>) offsets(%dma_start3A_161 : memref<80xi32, #tpu.memory_space<vmem>>) semaphore(%arg15 : memref<!tpu.dma_semaphore, #tpu.memory_space<semaphore_mem>>) {add = true}
        %mul3A_165 = arith.constant 80 : i32
        %mul3A_166 = arith.muli %add3A_152, %mul3A_165 : i32
        %dma_start3A_167 = tpu.memref_slice %arg11[%mul3A_166] : memref<1600xi32, #tpu.memory_space<vmem>> -> memref<80xi32, #tpu.memory_space<vmem>>
        %dma_start3A_168 = arith.constant 0 : i32
        %dma_start3A_169 = arith.constant 0 : i32
        %dma_start3A_170 = tpu.memref_slice %arg7[%dma_start3A_168, %dma_start3A_169] : memref<100000x128xf32, #tpu.memory_space<hbm>> -> memref<100000x128xf32, #tpu.memory_space<hbm>>
        tpu.enqueue_indirect_dma source(%dma_start3A_170 : memref<100000x128xf32, #tpu.memory_space<hbm>>) target(%arg13 : memref<80x128xf32, #tpu.memory_space<vmem>>) offsets(%dma_start3A_167 : memref<80xi32, #tpu.memory_space<vmem>>) semaphore(%arg15 : memref<!tpu.dma_semaphore, #tpu.memory_space<semaphore_mem>>) {add = true}
      } else {
      }
      %scan3A_137 = arith.constant 0 : i32
      scf.yield %scan3A_137 : i32
    }
    %scan3A_58 = arith.constant 10 : i32
    %dma_wait3A = arith.constant 0 : i32
    %dma_wait3A_59 = arith.constant 0 : i32
    %dma_wait3A_60 = tpu.memref_slice %arg8[%dma_wait3A, %dma_wait3A_59] : memref<51200x128xf32, #tpu.memory_space<hbm>> -> memref<80x128xf32, #tpu.memory_space<hbm>>
    %dma_wait3A_61 = arith.constant 0 : i32
    %dma_wait3A_62 = arith.constant 0 : i32
    %dma_wait3A_63 = tpu.memref_slice %arg8[%dma_wait3A_61, %dma_wait3A_62] : memref<51200x128xf32, #tpu.memory_space<hbm>> -> memref<80x128xf32, #tpu.memory_space<hbm>>
    tpu.wait_dma2 semaphore(%arg16 : memref<!tpu.dma_semaphore, #tpu.memory_space<semaphore_mem>>) src(%arg12 : memref<80x128xf32, #tpu.memory_space<vmem>>) dst(%dma_wait3A_63 : memref<80x128xf32, #tpu.memory_space<hbm>>)
    %dma_wait3A_64 = arith.constant 0 : i32
    %dma_wait3A_65 = arith.constant 0 : i32
    %dma_wait3A_66 = tpu.memref_slice %arg8[%dma_wait3A_64, %dma_wait3A_65] : memref<51200x128xf32, #tpu.memory_space<hbm>> -> memref<80x128xf32, #tpu.memory_space<hbm>>
    %dma_wait3A_67 = arith.constant 0 : i32
    %dma_wait3A_68 = arith.constant 0 : i32
    %dma_wait3A_69 = tpu.memref_slice %arg8[%dma_wait3A_67, %dma_wait3A_68] : memref<51200x128xf32, #tpu.memory_space<hbm>> -> memref<80x128xf32, #tpu.memory_space<hbm>>
    tpu.wait_dma2 semaphore(%arg17 : memref<!tpu.dma_semaphore, #tpu.memory_space<semaphore_mem>>) src(%arg13 : memref<80x128xf32, #tpu.memory_space<vmem>>) dst(%dma_wait3A_69 : memref<80x128xf32, #tpu.memory_space<hbm>>)
    return
  }
}

#map = affine_map<(d0, d1) -> (0)>
#map1 = affine_map<(d0, d1) -> (0, 0)>
module attributes {stable_mosaic.version = 14 : i64} {
  func.func @_sc_gsum_body(%arg0: i32, %arg1: i32, %arg2: memref<204800xi32, #tpu.memory_space<hbm>>, %arg3: memref<204800xi32, #tpu.memory_space<hbm>>, %arg4: memref<204800xi32, #tpu.memory_space<hbm>>, %arg5: memref<100000x128xf32, #tpu.memory_space<hbm>>, %arg6: memref<50000x128xf32, #tpu.memory_space<hbm>>, %arg7: memref<100000x128xf32, #tpu.memory_space<hbm>>, %arg8: memref<51200x128xf32, #tpu.memory_space<hbm>>, %arg9: memref<1600xi32, #tpu.memory_space<vmem>>, %arg10: memref<1600xi32, #tpu.memory_space<vmem>>, %arg11: memref<1600xi32, #tpu.memory_space<vmem>>, %arg12: memref<80x128xf32, #tpu.memory_space<vmem>>, %arg13: memref<80x128xf32, #tpu.memory_space<vmem>>, %arg14: memref<!tpu.dma_semaphore, #tpu.memory_space<semaphore_mem>>, %arg15: memref<!tpu.dma_semaphore, #tpu.memory_space<semaphore_mem>>, %arg16: memref<!tpu.dma_semaphore, #tpu.memory_space<semaphore_mem>>, %arg17: memref<!tpu.dma_semaphore, #tpu.memory_space<semaphore_mem>>) attributes {dimension_semantics = [#tpu.dimension_semantics<core_parallel>, #tpu.dimension_semantics<subcore_parallel>], iteration_bounds = array<i64: 2, 16>, scalar_prefetch = 0 : i64, scratch_operands = 9 : i64, tpu.core_type = #tpu.core_type<sc_vector_subcore>, window_params = [{transform_indices = #map}, {transform_indices = #map}, {transform_indices = #map}, {transform_indices = #map1}, {transform_indices = #map1}, {transform_indices = #map1}, {transform_indices = #map1}]} {
    %mul3A = arith.constant 2 : i32
    %mul3A_0 = arith.muli %arg1, %mul3A : i32
    %add3A = arith.addi %mul3A_0, %arg0 : i32
    %mul3A_1 = arith.constant 1600 : i32
    %mul3A_2 = arith.muli %add3A, %mul3A_1 : i32
    %add3A_3 = arith.constant 153600 : i32
    %add3A_4 = arith.addi %add3A_3, %mul3A_2 : i32
    "tpu.region"() ({
      %run_scoped3A = tpu.sem_alloc : memref<!tpu.dma_semaphore, #tpu.memory_space<semaphore_mem>>
      %dma_start3A_70 = tpu.memref_slice %arg2[%add3A_4] : memref<204800xi32, #tpu.memory_space<hbm>> -> memref<1600xi32, #tpu.memory_space<hbm>>
      %dma_start3A_71 = tpu.memref_slice %arg2[%add3A_4] : memref<204800xi32, #tpu.memory_space<hbm>> -> memref<1600xi32, #tpu.memory_space<hbm>>
      tpu.enqueue_dma source(%dma_start3A_71 : memref<1600xi32, #tpu.memory_space<hbm>>) target(%arg9 : memref<1600xi32, #tpu.memory_space<vmem>>) target_semaphore(%run_scoped3A : memref<!tpu.dma_semaphore, #tpu.memory_space<semaphore_mem>>)
      %dma_wait3A_72 = tpu.memref_slice %arg2[%add3A_4] : memref<204800xi32, #tpu.memory_space<hbm>> -> memref<1600xi32, #tpu.memory_space<hbm>>
      %dma_wait3A_73 = tpu.memref_slice %arg2[%add3A_4] : memref<204800xi32, #tpu.memory_space<hbm>> -> memref<1600xi32, #tpu.memory_space<hbm>>
      tpu.wait_dma2 semaphore(%run_scoped3A : memref<!tpu.dma_semaphore, #tpu.memory_space<semaphore_mem>>) src(%dma_wait3A_73 : memref<1600xi32, #tpu.memory_space<hbm>>) dst(%arg9 : memref<1600xi32, #tpu.memory_space<vmem>>)
      tpu.yield
    }) : () -> ()
    %add3A_5 = arith.constant 153600 : i32
    %add3A_6 = arith.addi %add3A_5, %mul3A_2 : i32
    "tpu.region"() ({
      %run_scoped3A = tpu.sem_alloc : memref<!tpu.dma_semaphore, #tpu.memory_space<semaphore_mem>>
      %dma_start3A_70 = tpu.memref_slice %arg3[%add3A_6] : memref<204800xi32, #tpu.memory_space<hbm>> -> memref<1600xi32, #tpu.memory_space<hbm>>
      %dma_start3A_71 = tpu.memref_slice %arg3[%add3A_6] : memref<204800xi32, #tpu.memory_space<hbm>> -> memref<1600xi32, #tpu.memory_space<hbm>>
      tpu.enqueue_dma source(%dma_start3A_71 : memref<1600xi32, #tpu.memory_space<hbm>>) target(%arg10 : memref<1600xi32, #tpu.memory_space<vmem>>) target_semaphore(%run_scoped3A : memref<!tpu.dma_semaphore, #tpu.memory_space<semaphore_mem>>)
      %dma_wait3A_72 = tpu.memref_slice %arg3[%add3A_6] : memref<204800xi32, #tpu.memory_space<hbm>> -> memref<1600xi32, #tpu.memory_space<hbm>>
      %dma_wait3A_73 = tpu.memref_slice %arg3[%add3A_6] : memref<204800xi32, #tpu.memory_space<hbm>> -> memref<1600xi32, #tpu.memory_space<hbm>>
      tpu.wait_dma2 semaphore(%run_scoped3A : memref<!tpu.dma_semaphore, #tpu.memory_space<semaphore_mem>>) src(%dma_wait3A_73 : memref<1600xi32, #tpu.memory_space<hbm>>) dst(%arg10 : memref<1600xi32, #tpu.memory_space<vmem>>)
      tpu.yield
    }) : () -> ()
    %add3A_7 = arith.constant 153600 : i32
    %add3A_8 = arith.addi %add3A_7, %mul3A_2 : i32
    "tpu.region"() ({
      %run_scoped3A = tpu.sem_alloc : memref<!tpu.dma_semaphore, #tpu.memory_space<semaphore_mem>>
      %dma_start3A_70 = tpu.memref_slice %arg4[%add3A_8] : memref<204800xi32, #tpu.memory_space<hbm>> -> memref<1600xi32, #tpu.memory_space<hbm>>
      %dma_start3A_71 = tpu.memref_slice %arg4[%add3A_8] : memref<204800xi32, #tpu.memory_space<hbm>> -> memref<1600xi32, #tpu.memory_space<hbm>>
      tpu.enqueue_dma source(%dma_start3A_71 : memref<1600xi32, #tpu.memory_space<hbm>>) target(%arg11 : memref<1600xi32, #tpu.memory_space<vmem>>) target_semaphore(%run_scoped3A : memref<!tpu.dma_semaphore, #tpu.memory_space<semaphore_mem>>)
      %dma_wait3A_72 = tpu.memref_slice %arg4[%add3A_8] : memref<204800xi32, #tpu.memory_space<hbm>> -> memref<1600xi32, #tpu.memory_space<hbm>>
      %dma_wait3A_73 = tpu.memref_slice %arg4[%add3A_8] : memref<204800xi32, #tpu.memory_space<hbm>> -> memref<1600xi32, #tpu.memory_space<hbm>>
      tpu.wait_dma2 semaphore(%run_scoped3A : memref<!tpu.dma_semaphore, #tpu.memory_space<semaphore_mem>>) src(%dma_wait3A_73 : memref<1600xi32, #tpu.memory_space<hbm>>) dst(%arg11 : memref<1600xi32, #tpu.memory_space<vmem>>)
      tpu.yield
    }) : () -> ()
    %broadcast_in_dim3A = arith.constant 0.000000e+00 : f32
    %broadcast_in_dim3A_9 = vector.broadcast %broadcast_in_dim3A : f32 to vector<16xf32>
    %scan3A = arith.constant 0 : i32
    %scan3A_10 = arith.constant 0 : i32
    %scan3A_11 = arith.constant 80 : i32
    %scan3A_12 = arith.addi %scan3A_10, %scan3A_11 : i32
    %scan3A_13 = arith.constant 1 : i32
    %scan3A_14 = scf.for %scan3A_70 = %scan3A_10 to %scan3A_12 step %scan3A_13 iter_args(%scan3A_71 = %scan3A) -> (i32)  : i32 {
      %swap3A = arith.index_cast %scan3A_70 : i32 to index
      %swap3A_72 = arith.constant 0 : index
      %swap3A_73 = tpu.vector_load %arg12[%swap3A, %swap3A_72] {strides = array<i32>} : memref<80x128xf32, #tpu.memory_space<vmem>>, vector<1x16xf32>,
      %swap3A_74 = vector.shape_cast %swap3A_73 : vector<1x16xf32> to vector<16xf32>
      %swap3A_75 = vector.shape_cast %broadcast_in_dim3A_9 : vector<16xf32> to vector<1x16xf32>
      tpu.vector_store %arg12[%swap3A, %swap3A_72], %swap3A_75 {strides = array<i32>} : memref<80x128xf32, #tpu.memory_space<vmem>>, vector<1x16xf32>,
      %swap3A_76 = arith.index_cast %scan3A_70 : i32 to index
      %swap3A_77 = arith.constant 16 : index
      %swap3A_78 = tpu.vector_load %arg12[%swap3A_76, %swap3A_77] {strides = array<i32>} : memref<80x128xf32, #tpu.memory_space<vmem>>, vector<1x16xf32>,
      %swap3A_79 = vector.shape_cast %swap3A_78 : vector<1x16xf32> to vector<16xf32>
      %swap3A_80 = vector.shape_cast %broadcast_in_dim3A_9 : vector<16xf32> to vector<1x16xf32>
      tpu.vector_store %arg12[%swap3A_76, %swap3A_77], %swap3A_80 {strides = array<i32>} : memref<80x128xf32, #tpu.memory_space<vmem>>, vector<1x16xf32>,
      %swap3A_81 = arith.index_cast %scan3A_70 : i32 to index
      %swap3A_82 = arith.constant 32 : index
      %swap3A_83 = tpu.vector_load %arg12[%swap3A_81, %swap3A_82] {strides = array<i32>} : memref<80x128xf32, #tpu.memory_space<vmem>>, vector<1x16xf32>,
      %swap3A_84 = vector.shape_cast %swap3A_83 : vector<1x16xf32> to vector<16xf32>
      %swap3A_85 = vector.shape_cast %broadcast_in_dim3A_9 : vector<16xf32> to vector<1x16xf32>
      tpu.vector_store %arg12[%swap3A_81, %swap3A_82], %swap3A_85 {strides = array<i32>} : memref<80x128xf32, #tpu.memory_space<vmem>>, vector<1x16xf32>,
      %swap3A_86 = arith.index_cast %scan3A_70 : i32 to index
      %swap3A_87 = arith.constant 48 : index
      %swap3A_88 = tpu.vector_load %arg12[%swap3A_86, %swap3A_87] {strides = array<i32>} : memref<80x128xf32, #tpu.memory_space<vmem>>, vector<1x16xf32>,
      %swap3A_89 = vector.shape_cast %swap3A_88 : vector<1x16xf32> to vector<16xf32>
      %swap3A_90 = vector.shape_cast %broadcast_in_dim3A_9 : vector<16xf32> to vector<1x16xf32>
      tpu.vector_store %arg12[%swap3A_86, %swap3A_87], %swap3A_90 {strides = array<i32>} : memref<80x128xf32, #tpu.memory_space<vmem>>, vector<1x16xf32>,
      %swap3A_91 = arith.index_cast %scan3A_70 : i32 to index
      %swap3A_92 = arith.constant 64 : index
      %swap3A_93 = tpu.vector_load %arg12[%swap3A_91, %swap3A_92] {strides = array<i32>} : memref<80x128xf32, #tpu.memory_space<vmem>>, vector<1x16xf32>,
      %swap3A_94 = vector.shape_cast %swap3A_93 : vector<1x16xf32> to vector<16xf32>
      %swap3A_95 = vector.shape_cast %broadcast_in_dim3A_9 : vector<16xf32> to vector<1x16xf32>
      tpu.vector_store %arg12[%swap3A_91, %swap3A_92], %swap3A_95 {strides = array<i32>} : memref<80x128xf32, #tpu.memory_space<vmem>>, vector<1x16xf32>,
      %swap3A_96 = arith.index_cast %scan3A_70 : i32 to index
      %swap3A_97 = arith.constant 80 : index
      %swap3A_98 = tpu.vector_load %arg12[%swap3A_96, %swap3A_97] {strides = array<i32>} : memref<80x128xf32, #tpu.memory_space<vmem>>, vector<1x16xf32>,
      %swap3A_99 = vector.shape_cast %swap3A_98 : vector<1x16xf32> to vector<16xf32>
      %swap3A_100 = vector.shape_cast %broadcast_in_dim3A_9 : vector<16xf32> to vector<1x16xf32>
      tpu.vector_store %arg12[%swap3A_96, %swap3A_97], %swap3A_100 {strides = array<i32>} : memref<80x128xf32, #tpu.memory_space<vmem>>, vector<1x16xf32>,
      %swap3A_101 = arith.index_cast %scan3A_70 : i32 to index
      %swap3A_102 = arith.constant 96 : index
      %swap3A_103 = tpu.vector_load %arg12[%swap3A_101, %swap3A_102] {strides = array<i32>} : memref<80x128xf32, #tpu.memory_space<vmem>>, vector<1x16xf32>,
      %swap3A_104 = vector.shape_cast %swap3A_103 : vector<1x16xf32> to vector<16xf32>
      %swap3A_105 = vector.shape_cast %broadcast_in_dim3A_9 : vector<16xf32> to vector<1x16xf32>
      tpu.vector_store %arg12[%swap3A_101, %swap3A_102], %swap3A_105 {strides = array<i32>} : memref<80x128xf32, #tpu.memory_space<vmem>>, vector<1x16xf32>,
      %swap3A_106 = arith.index_cast %scan3A_70 : i32 to index
      %swap3A_107 = arith.constant 112 : index
      %swap3A_108 = tpu.vector_load %arg12[%swap3A_106, %swap3A_107] {strides = array<i32>} : memref<80x128xf32, #tpu.memory_space<vmem>>, vector<1x16xf32>,
      %swap3A_109 = vector.shape_cast %swap3A_108 : vector<1x16xf32> to vector<16xf32>
      %swap3A_110 = vector.shape_cast %broadcast_in_dim3A_9 : vector<16xf32> to vector<1x16xf32>
      tpu.vector_store %arg12[%swap3A_106, %swap3A_107], %swap3A_110 {strides = array<i32>} : memref<80x128xf32, #tpu.memory_space<vmem>>, vector<1x16xf32>,
      %scan3A_111 = arith.constant 0 : i32
      scf.yield %scan3A_111 : i32
    }
    %scan3A_15 = arith.constant 80 : i32
    %dma_start3A = arith.constant 0 : i32
    %dma_start3A_16 = tpu.memref_slice %arg9[%dma_start3A] : memref<1600xi32, #tpu.memory_space<vmem>> -> memref<80xi32, #tpu.memory_space<vmem>>
    %dma_start3A_17 = arith.constant 0 : i32
    %dma_start3A_18 = arith.constant 0 : i32
    %dma_start3A_19 = tpu.memref_slice %arg5[%dma_start3A_17, %dma_start3A_18] : memref<100000x128xf32, #tpu.memory_space<hbm>> -> memref<100000x128xf32, #tpu.memory_space<hbm>>
    tpu.enqueue_indirect_dma source(%dma_start3A_19 : memref<100000x128xf32, #tpu.memory_space<hbm>>) target(%arg12 : memref<80x128xf32, #tpu.memory_space<vmem>>) offsets(%dma_start3A_16 : memref<80xi32, #tpu.memory_space<vmem>>) semaphore(%arg14 : memref<!tpu.dma_semaphore, #tpu.memory_space<semaphore_mem>>) {add = true}
    %dma_start3A_20 = arith.constant 0 : i32
    %dma_start3A_21 = tpu.memref_slice %arg10[%dma_start3A_20] : memref<1600xi32, #tpu.memory_space<vmem>> -> memref<80xi32, #tpu.memory_space<vmem>>
    %dma_start3A_22 = arith.constant 0 : i32
    %dma_start3A_23 = arith.constant 0 : i32
    %dma_start3A_24 = tpu.memref_slice %arg6[%dma_start3A_22, %dma_start3A_23] : memref<50000x128xf32, #tpu.memory_space<hbm>> -> memref<50000x128xf32, #tpu.memory_space<hbm>>
    tpu.enqueue_indirect_dma source(%dma_start3A_24 : memref<50000x128xf32, #tpu.memory_space<hbm>>) target(%arg12 : memref<80x128xf32, #tpu.memory_space<vmem>>) offsets(%dma_start3A_21 : memref<80xi32, #tpu.memory_space<vmem>>) semaphore(%arg14 : memref<!tpu.dma_semaphore, #tpu.memory_space<semaphore_mem>>) {add = true}
    %dma_start3A_25 = arith.constant 0 : i32
    %dma_start3A_26 = tpu.memref_slice %arg11[%dma_start3A_25] : memref<1600xi32, #tpu.memory_space<vmem>> -> memref<80xi32, #tpu.memory_space<vmem>>
    %dma_start3A_27 = arith.constant 0 : i32
    %dma_start3A_28 = arith.constant 0 : i32
    %dma_start3A_29 = tpu.memref_slice %arg7[%dma_start3A_27, %dma_start3A_28] : memref<100000x128xf32, #tpu.memory_space<hbm>> -> memref<100000x128xf32, #tpu.memory_space<hbm>>
    tpu.enqueue_indirect_dma source(%dma_start3A_29 : memref<100000x128xf32, #tpu.memory_space<hbm>>) target(%arg12 : memref<80x128xf32, #tpu.memory_space<vmem>>) offsets(%dma_start3A_26 : memref<80xi32, #tpu.memory_space<vmem>>) semaphore(%arg14 : memref<!tpu.dma_semaphore, #tpu.memory_space<semaphore_mem>>) {add = true}
    %scan3A_30 = arith.constant 0 : i32
    %scan3A_31 = arith.constant 0 : i32
    %scan3A_32 = arith.constant 80 : i32
    %scan3A_33 = arith.addi %scan3A_31, %scan3A_32 : i32
    %scan3A_34 = arith.constant 1 : i32
    %scan3A_35 = scf.for %scan3A_70 = %scan3A_31 to %scan3A_33 step %scan3A_34 iter_args(%scan3A_71 = %scan3A_30) -> (i32)  : i32 {
      %swap3A = arith.index_cast %scan3A_70 : i32 to index
      %swap3A_72 = arith.constant 0 : index
      %swap3A_73 = tpu.vector_load %arg13[%swap3A, %swap3A_72] {strides = array<i32>} : memref<80x128xf32, #tpu.memory_space<vmem>>, vector<1x16xf32>,
      %swap3A_74 = vector.shape_cast %swap3A_73 : vector<1x16xf32> to vector<16xf32>
      %swap3A_75 = vector.shape_cast %broadcast_in_dim3A_9 : vector<16xf32> to vector<1x16xf32>
      tpu.vector_store %arg13[%swap3A, %swap3A_72], %swap3A_75 {strides = array<i32>} : memref<80x128xf32, #tpu.memory_space<vmem>>, vector<1x16xf32>,
      %swap3A_76 = arith.index_cast %scan3A_70 : i32 to index
      %swap3A_77 = arith.constant 16 : index
      %swap3A_78 = tpu.vector_load %arg13[%swap3A_76, %swap3A_77] {strides = array<i32>} : memref<80x128xf32, #tpu.memory_space<vmem>>, vector<1x16xf32>,
      %swap3A_79 = vector.shape_cast %swap3A_78 : vector<1x16xf32> to vector<16xf32>
      %swap3A_80 = vector.shape_cast %broadcast_in_dim3A_9 : vector<16xf32> to vector<1x16xf32>
      tpu.vector_store %arg13[%swap3A_76, %swap3A_77], %swap3A_80 {strides = array<i32>} : memref<80x128xf32, #tpu.memory_space<vmem>>, vector<1x16xf32>,
      %swap3A_81 = arith.index_cast %scan3A_70 : i32 to index
      %swap3A_82 = arith.constant 32 : index
      %swap3A_83 = tpu.vector_load %arg13[%swap3A_81, %swap3A_82] {strides = array<i32>} : memref<80x128xf32, #tpu.memory_space<vmem>>, vector<1x16xf32>,
      %swap3A_84 = vector.shape_cast %swap3A_83 : vector<1x16xf32> to vector<16xf32>
      %swap3A_85 = vector.shape_cast %broadcast_in_dim3A_9 : vector<16xf32> to vector<1x16xf32>
      tpu.vector_store %arg13[%swap3A_81, %swap3A_82], %swap3A_85 {strides = array<i32>} : memref<80x128xf32, #tpu.memory_space<vmem>>, vector<1x16xf32>,
      %swap3A_86 = arith.index_cast %scan3A_70 : i32 to index
      %swap3A_87 = arith.constant 48 : index
      %swap3A_88 = tpu.vector_load %arg13[%swap3A_86, %swap3A_87] {strides = array<i32>} : memref<80x128xf32, #tpu.memory_space<vmem>>, vector<1x16xf32>,
      %swap3A_89 = vector.shape_cast %swap3A_88 : vector<1x16xf32> to vector<16xf32>
      %swap3A_90 = vector.shape_cast %broadcast_in_dim3A_9 : vector<16xf32> to vector<1x16xf32>
      tpu.vector_store %arg13[%swap3A_86, %swap3A_87], %swap3A_90 {strides = array<i32>} : memref<80x128xf32, #tpu.memory_space<vmem>>, vector<1x16xf32>,
      %swap3A_91 = arith.index_cast %scan3A_70 : i32 to index
      %swap3A_92 = arith.constant 64 : index
      %swap3A_93 = tpu.vector_load %arg13[%swap3A_91, %swap3A_92] {strides = array<i32>} : memref<80x128xf32, #tpu.memory_space<vmem>>, vector<1x16xf32>,
      %swap3A_94 = vector.shape_cast %swap3A_93 : vector<1x16xf32> to vector<16xf32>
      %swap3A_95 = vector.shape_cast %broadcast_in_dim3A_9 : vector<16xf32> to vector<1x16xf32>
      tpu.vector_store %arg13[%swap3A_91, %swap3A_92], %swap3A_95 {strides = array<i32>} : memref<80x128xf32, #tpu.memory_space<vmem>>, vector<1x16xf32>,
      %swap3A_96 = arith.index_cast %scan3A_70 : i32 to index
      %swap3A_97 = arith.constant 80 : index
      %swap3A_98 = tpu.vector_load %arg13[%swap3A_96, %swap3A_97] {strides = array<i32>} : memref<80x128xf32, #tpu.memory_space<vmem>>, vector<1x16xf32>,
      %swap3A_99 = vector.shape_cast %swap3A_98 : vector<1x16xf32> to vector<16xf32>
      %swap3A_100 = vector.shape_cast %broadcast_in_dim3A_9 : vector<16xf32> to vector<1x16xf32>
      tpu.vector_store %arg13[%swap3A_96, %swap3A_97], %swap3A_100 {strides = array<i32>} : memref<80x128xf32, #tpu.memory_space<vmem>>, vector<1x16xf32>,
      %swap3A_101 = arith.index_cast %scan3A_70 : i32 to index
      %swap3A_102 = arith.constant 96 : index
      %swap3A_103 = tpu.vector_load %arg13[%swap3A_101, %swap3A_102] {strides = array<i32>} : memref<80x128xf32, #tpu.memory_space<vmem>>, vector<1x16xf32>,
      %swap3A_104 = vector.shape_cast %swap3A_103 : vector<1x16xf32> to vector<16xf32>
      %swap3A_105 = vector.shape_cast %broadcast_in_dim3A_9 : vector<16xf32> to vector<1x16xf32>
      tpu.vector_store %arg13[%swap3A_101, %swap3A_102], %swap3A_105 {strides = array<i32>} : memref<80x128xf32, #tpu.memory_space<vmem>>, vector<1x16xf32>,
      %swap3A_106 = arith.index_cast %scan3A_70 : i32 to index
      %swap3A_107 = arith.constant 112 : index
      %swap3A_108 = tpu.vector_load %arg13[%swap3A_106, %swap3A_107] {strides = array<i32>} : memref<80x128xf32, #tpu.memory_space<vmem>>, vector<1x16xf32>,
      %swap3A_109 = vector.shape_cast %swap3A_108 : vector<1x16xf32> to vector<16xf32>
      %swap3A_110 = vector.shape_cast %broadcast_in_dim3A_9 : vector<16xf32> to vector<1x16xf32>
      tpu.vector_store %arg13[%swap3A_106, %swap3A_107], %swap3A_110 {strides = array<i32>} : memref<80x128xf32, #tpu.memory_space<vmem>>, vector<1x16xf32>,
      %scan3A_111 = arith.constant 0 : i32
      scf.yield %scan3A_111 : i32
    }
    %scan3A_36 = arith.constant 80 : i32
    %dma_start3A_37 = arith.constant 80 : i32
    %dma_start3A_38 = tpu.memref_slice %arg9[%dma_start3A_37] : memref<1600xi32, #tpu.memory_space<vmem>> -> memref<80xi32, #tpu.memory_space<vmem>>
    %dma_start3A_39 = arith.constant 0 : i32
    %dma_start3A_40 = arith.constant 0 : i32
    %dma_start3A_41 = tpu.memref_slice %arg5[%dma_start3A_39, %dma_start3A_40] : memref<100000x128xf32, #tpu.memory_space<hbm>> -> memref<100000x128xf32, #tpu.memory_space<hbm>>
    tpu.enqueue_indirect_dma source(%dma_start3A_41 : memref<100000x128xf32, #tpu.memory_space<hbm>>) target(%arg13 : memref<80x128xf32, #tpu.memory_space<vmem>>) offsets(%dma_start3A_38 : memref<80xi32, #tpu.memory_space<vmem>>) semaphore(%arg15 : memref<!tpu.dma_semaphore, #tpu.memory_space<semaphore_mem>>) {add = true}
    %dma_start3A_42 = arith.constant 80 : i32
    %dma_start3A_43 = tpu.memref_slice %arg10[%dma_start3A_42] : memref<1600xi32, #tpu.memory_space<vmem>> -> memref<80xi32, #tpu.memory_space<vmem>>
    %dma_start3A_44 = arith.constant 0 : i32
    %dma_start3A_45 = arith.constant 0 : i32
    %dma_start3A_46 = tpu.memref_slice %arg6[%dma_start3A_44, %dma_start3A_45] : memref<50000x128xf32, #tpu.memory_space<hbm>> -> memref<50000x128xf32, #tpu.memory_space<hbm>>
    tpu.enqueue_indirect_dma source(%dma_start3A_46 : memref<50000x128xf32, #tpu.memory_space<hbm>>) target(%arg13 : memref<80x128xf32, #tpu.memory_space<vmem>>) offsets(%dma_start3A_43 : memref<80xi32, #tpu.memory_space<vmem>>) semaphore(%arg15 : memref<!tpu.dma_semaphore, #tpu.memory_space<semaphore_mem>>) {add = true}
    %dma_start3A_47 = arith.constant 80 : i32
    %dma_start3A_48 = tpu.memref_slice %arg11[%dma_start3A_47] : memref<1600xi32, #tpu.memory_space<vmem>> -> memref<80xi32, #tpu.memory_space<vmem>>
    %dma_start3A_49 = arith.constant 0 : i32
    %dma_start3A_50 = arith.constant 0 : i32
    %dma_start3A_51 = tpu.memref_slice %arg7[%dma_start3A_49, %dma_start3A_50] : memref<100000x128xf32, #tpu.memory_space<hbm>> -> memref<100000x128xf32, #tpu.memory_space<hbm>>
    tpu.enqueue_indirect_dma source(%dma_start3A_51 : memref<100000x128xf32, #tpu.memory_space<hbm>>) target(%arg13 : memref<80x128xf32, #tpu.memory_space<vmem>>) offsets(%dma_start3A_48 : memref<80xi32, #tpu.memory_space<vmem>>) semaphore(%arg15 : memref<!tpu.dma_semaphore, #tpu.memory_space<semaphore_mem>>) {add = true}
    %scan3A_52 = arith.constant 0 : i32
    %scan3A_53 = arith.constant 0 : i32
    %scan3A_54 = arith.constant 10 : i32
    %scan3A_55 = arith.addi %scan3A_53, %scan3A_54 : i32
    %scan3A_56 = arith.constant 1 : i32
    %scan3A_57 = scf.for %scan3A_70 = %scan3A_53 to %scan3A_55 step %scan3A_56 iter_args(%scan3A_71 = %scan3A_52) -> (i32)  : i32 {
      %mul3A_72 = arith.constant 2 : i32
      %mul3A_73 = arith.muli %mul3A_72, %scan3A_70 : i32
      %add3A_74 = arith.constant 1 : i32
      %add3A_75 = arith.addi %mul3A_73, %add3A_74 : i32
      %dma_wait3A_76 = arith.constant 0 : i32
      %dma_wait3A_77 = arith.constant 0 : i32
      %dma_wait3A_78 = tpu.memref_slice %arg5[%dma_wait3A_76, %dma_wait3A_77] : memref<100000x128xf32, #tpu.memory_space<hbm>> -> memref<80x128xf32, #tpu.memory_space<hbm>>
      %dma_wait3A_79 = arith.constant 0 : i32
      %dma_wait3A_80 = arith.constant 0 : i32
      %dma_wait3A_81 = tpu.memref_slice %arg5[%dma_wait3A_79, %dma_wait3A_80] : memref<100000x128xf32, #tpu.memory_space<hbm>> -> memref<80x128xf32, #tpu.memory_space<hbm>>
      tpu.wait_dma2 semaphore(%arg14 : memref<!tpu.dma_semaphore, #tpu.memory_space<semaphore_mem>>) src(%dma_wait3A_81 : memref<80x128xf32, #tpu.memory_space<hbm>>) dst(%arg12 : memref<80x128xf32, #tpu.memory_space<vmem>>)
      %dma_wait3A_82 = arith.constant 0 : i32
      %dma_wait3A_83 = arith.constant 0 : i32
      %dma_wait3A_84 = tpu.memref_slice %arg6[%dma_wait3A_82, %dma_wait3A_83] : memref<50000x128xf32, #tpu.memory_space<hbm>> -> memref<80x128xf32, #tpu.memory_space<hbm>>
      %dma_wait3A_85 = arith.constant 0 : i32
      %dma_wait3A_86 = arith.constant 0 : i32
      %dma_wait3A_87 = tpu.memref_slice %arg6[%dma_wait3A_85, %dma_wait3A_86] : memref<50000x128xf32, #tpu.memory_space<hbm>> -> memref<80x128xf32, #tpu.memory_space<hbm>>
      tpu.wait_dma2 semaphore(%arg14 : memref<!tpu.dma_semaphore, #tpu.memory_space<semaphore_mem>>) src(%dma_wait3A_87 : memref<80x128xf32, #tpu.memory_space<hbm>>) dst(%arg12 : memref<80x128xf32, #tpu.memory_space<vmem>>)
      %dma_wait3A_88 = arith.constant 0 : i32
      %dma_wait3A_89 = arith.constant 0 : i32
      %dma_wait3A_90 = tpu.memref_slice %arg7[%dma_wait3A_88, %dma_wait3A_89] : memref<100000x128xf32, #tpu.memory_space<hbm>> -> memref<80x128xf32, #tpu.memory_space<hbm>>
      %dma_wait3A_91 = arith.constant 0 : i32
      %dma_wait3A_92 = arith.constant 0 : i32
      %dma_wait3A_93 = tpu.memref_slice %arg7[%dma_wait3A_91, %dma_wait3A_92] : memref<100000x128xf32, #tpu.memory_space<hbm>> -> memref<80x128xf32, #tpu.memory_space<hbm>>
      tpu.wait_dma2 semaphore(%arg14 : memref<!tpu.dma_semaphore, #tpu.memory_space<semaphore_mem>>) src(%dma_wait3A_93 : memref<80x128xf32, #tpu.memory_space<hbm>>) dst(%arg12 : memref<80x128xf32, #tpu.memory_space<vmem>>)
      %mul3A_94 = arith.constant 80 : i32
      %mul3A_95 = arith.muli %mul3A_73, %mul3A_94 : i32
      %add3A_96 = arith.addi %mul3A_2, %mul3A_95 : i32
      %dma_start3A_97 = arith.constant 0 : i32
      %dma_start3A_98 = tpu.memref_slice %arg8[%add3A_96, %dma_start3A_97] : memref<51200x128xf32, #tpu.memory_space<hbm>> -> memref<80x128xf32, #tpu.memory_space<hbm>>
      %dma_start3A_99 = arith.constant 0 : i32
      %dma_start3A_100 = tpu.memref_slice %arg8[%add3A_96, %dma_start3A_99] : memref<51200x128xf32, #tpu.memory_space<hbm>> -> memref<80x128xf32, #tpu.memory_space<hbm>>
      tpu.enqueue_dma source(%arg12 : memref<80x128xf32, #tpu.memory_space<vmem>>) target(%dma_start3A_100 : memref<80x128xf32, #tpu.memory_space<hbm>>) target_semaphore(%arg16 : memref<!tpu.dma_semaphore, #tpu.memory_space<semaphore_mem>>)
      %dma_wait3A_101 = arith.constant 0 : i32
      %dma_wait3A_102 = arith.constant 0 : i32
      %dma_wait3A_103 = tpu.memref_slice %arg5[%dma_wait3A_101, %dma_wait3A_102] : memref<100000x128xf32, #tpu.memory_space<hbm>> -> memref<80x128xf32, #tpu.memory_space<hbm>>
      %dma_wait3A_104 = arith.constant 0 : i32
      %dma_wait3A_105 = arith.constant 0 : i32
      %dma_wait3A_106 = tpu.memref_slice %arg5[%dma_wait3A_104, %dma_wait3A_105] : memref<100000x128xf32, #tpu.memory_space<hbm>> -> memref<80x128xf32, #tpu.memory_space<hbm>>
      tpu.wait_dma2 semaphore(%arg15 : memref<!tpu.dma_semaphore, #tpu.memory_space<semaphore_mem>>) src(%dma_wait3A_106 : memref<80x128xf32, #tpu.memory_space<hbm>>) dst(%arg13 : memref<80x128xf32, #tpu.memory_space<vmem>>)
      %dma_wait3A_107 = arith.constant 0 : i32
      %dma_wait3A_108 = arith.constant 0 : i32
      %dma_wait3A_109 = tpu.memref_slice %arg6[%dma_wait3A_107, %dma_wait3A_108] : memref<50000x128xf32, #tpu.memory_space<hbm>> -> memref<80x128xf32, #tpu.memory_space<hbm>>
      %dma_wait3A_110 = arith.constant 0 : i32
      %dma_wait3A_111 = arith.constant 0 : i32
      %dma_wait3A_112 = tpu.memref_slice %arg6[%dma_wait3A_110, %dma_wait3A_111] : memref<50000x128xf32, #tpu.memory_space<hbm>> -> memref<80x128xf32, #tpu.memory_space<hbm>>
      tpu.wait_dma2 semaphore(%arg15 : memref<!tpu.dma_semaphore, #tpu.memory_space<semaphore_mem>>) src(%dma_wait3A_112 : memref<80x128xf32, #tpu.memory_space<hbm>>) dst(%arg13 : memref<80x128xf32, #tpu.memory_space<vmem>>)
      %dma_wait3A_113 = arith.constant 0 : i32
      %dma_wait3A_114 = arith.constant 0 : i32
      %dma_wait3A_115 = tpu.memref_slice %arg7[%dma_wait3A_113, %dma_wait3A_114] : memref<100000x128xf32, #tpu.memory_space<hbm>> -> memref<80x128xf32, #tpu.memory_space<hbm>>
      %dma_wait3A_116 = arith.constant 0 : i32
      %dma_wait3A_117 = arith.constant 0 : i32
      %dma_wait3A_118 = tpu.memref_slice %arg7[%dma_wait3A_116, %dma_wait3A_117] : memref<100000x128xf32, #tpu.memory_space<hbm>> -> memref<80x128xf32, #tpu.memory_space<hbm>>
      tpu.wait_dma2 semaphore(%arg15 : memref<!tpu.dma_semaphore, #tpu.memory_space<semaphore_mem>>) src(%dma_wait3A_118 : memref<80x128xf32, #tpu.memory_space<hbm>>) dst(%arg13 : memref<80x128xf32, #tpu.memory_space<vmem>>)
      %mul3A_119 = arith.constant 80 : i32
      %mul3A_120 = arith.muli %add3A_75, %mul3A_119 : i32
      %add3A_121 = arith.addi %mul3A_2, %mul3A_120 : i32
      %dma_start3A_122 = arith.constant 0 : i32
      %dma_start3A_123 = tpu.memref_slice %arg8[%add3A_121, %dma_start3A_122] : memref<51200x128xf32, #tpu.memory_space<hbm>> -> memref<80x128xf32, #tpu.memory_space<hbm>>
      %dma_start3A_124 = arith.constant 0 : i32
      %dma_start3A_125 = tpu.memref_slice %arg8[%add3A_121, %dma_start3A_124] : memref<51200x128xf32, #tpu.memory_space<hbm>> -> memref<80x128xf32, #tpu.memory_space<hbm>>
      tpu.enqueue_dma source(%arg13 : memref<80x128xf32, #tpu.memory_space<vmem>>) target(%dma_start3A_125 : memref<80x128xf32, #tpu.memory_space<hbm>>) target_semaphore(%arg17 : memref<!tpu.dma_semaphore, #tpu.memory_space<semaphore_mem>>)
      %add3A_126 = arith.constant 2 : i32
      %add3A_127 = arith.addi %mul3A_73, %add3A_126 : i32
      %lt3A = arith.constant 20 : i32
      %lt3A_128 = arith.cmpi slt, %add3A_127, %lt3A : i32
      %convert_element_type3A = arith.extui %lt3A_128 : i1 to i32
      %cond3A = arith.constant 0 : i32
      %cond3A_129 = arith.cmpi ne, %convert_element_type3A, %cond3A : i32
      scf.if %cond3A_129 {
        %dma_wait3A_138 = arith.constant 0 : i32
        %dma_wait3A_139 = arith.constant 0 : i32
        %dma_wait3A_140 = tpu.memref_slice %arg8[%dma_wait3A_138, %dma_wait3A_139] : memref<51200x128xf32, #tpu.memory_space<hbm>> -> memref<80x128xf32, #tpu.memory_space<hbm>>
        %dma_wait3A_141 = arith.constant 0 : i32
        %dma_wait3A_142 = arith.constant 0 : i32
        %dma_wait3A_143 = tpu.memref_slice %arg8[%dma_wait3A_141, %dma_wait3A_142] : memref<51200x128xf32, #tpu.memory_space<hbm>> -> memref<80x128xf32, #tpu.memory_space<hbm>>
        tpu.wait_dma2 semaphore(%arg16 : memref<!tpu.dma_semaphore, #tpu.memory_space<semaphore_mem>>) src(%arg12 : memref<80x128xf32, #tpu.memory_space<vmem>>) dst(%dma_wait3A_143 : memref<80x128xf32, #tpu.memory_space<hbm>>)
        %scan3A_144 = arith.constant 0 : i32
        %scan3A_145 = arith.constant 0 : i32
        %scan3A_146 = arith.constant 80 : i32
        %scan3A_147 = arith.addi %scan3A_145, %scan3A_146 : i32
        %scan3A_148 = arith.constant 1 : i32
        %scan3A_149 = scf.for %scan3A_171 = %scan3A_145 to %scan3A_147 step %scan3A_148 iter_args(%scan3A_172 = %scan3A_144) -> (i32)  : i32 {
          %swap3A = arith.index_cast %scan3A_171 : i32 to index
          %swap3A_173 = arith.constant 0 : index
          %swap3A_174 = tpu.vector_load %arg12[%swap3A, %swap3A_173] {strides = array<i32>} : memref<80x128xf32, #tpu.memory_space<vmem>>, vector<1x16xf32>,
          %swap3A_175 = vector.shape_cast %swap3A_174 : vector<1x16xf32> to vector<16xf32>
          %swap3A_176 = vector.shape_cast %broadcast_in_dim3A_9 : vector<16xf32> to vector<1x16xf32>
          tpu.vector_store %arg12[%swap3A, %swap3A_173], %swap3A_176 {strides = array<i32>} : memref<80x128xf32, #tpu.memory_space<vmem>>, vector<1x16xf32>,
          %swap3A_177 = arith.index_cast %scan3A_171 : i32 to index
          %swap3A_178 = arith.constant 16 : index
          %swap3A_179 = tpu.vector_load %arg12[%swap3A_177, %swap3A_178] {strides = array<i32>} : memref<80x128xf32, #tpu.memory_space<vmem>>, vector<1x16xf32>,
          %swap3A_180 = vector.shape_cast %swap3A_179 : vector<1x16xf32> to vector<16xf32>
          %swap3A_181 = vector.shape_cast %broadcast_in_dim3A_9 : vector<16xf32> to vector<1x16xf32>
          tpu.vector_store %arg12[%swap3A_177, %swap3A_178], %swap3A_181 {strides = array<i32>} : memref<80x128xf32, #tpu.memory_space<vmem>>, vector<1x16xf32>,
          %swap3A_182 = arith.index_cast %scan3A_171 : i32 to index
          %swap3A_183 = arith.constant 32 : index
          %swap3A_184 = tpu.vector_load %arg12[%swap3A_182, %swap3A_183] {strides = array<i32>} : memref<80x128xf32, #tpu.memory_space<vmem>>, vector<1x16xf32>,
          %swap3A_185 = vector.shape_cast %swap3A_184 : vector<1x16xf32> to vector<16xf32>
          %swap3A_186 = vector.shape_cast %broadcast_in_dim3A_9 : vector<16xf32> to vector<1x16xf32>
          tpu.vector_store %arg12[%swap3A_182, %swap3A_183], %swap3A_186 {strides = array<i32>} : memref<80x128xf32, #tpu.memory_space<vmem>>, vector<1x16xf32>,
          %swap3A_187 = arith.index_cast %scan3A_171 : i32 to index
          %swap3A_188 = arith.constant 48 : index
          %swap3A_189 = tpu.vector_load %arg12[%swap3A_187, %swap3A_188] {strides = array<i32>} : memref<80x128xf32, #tpu.memory_space<vmem>>, vector<1x16xf32>,
          %swap3A_190 = vector.shape_cast %swap3A_189 : vector<1x16xf32> to vector<16xf32>
          %swap3A_191 = vector.shape_cast %broadcast_in_dim3A_9 : vector<16xf32> to vector<1x16xf32>
          tpu.vector_store %arg12[%swap3A_187, %swap3A_188], %swap3A_191 {strides = array<i32>} : memref<80x128xf32, #tpu.memory_space<vmem>>, vector<1x16xf32>,
          %swap3A_192 = arith.index_cast %scan3A_171 : i32 to index
          %swap3A_193 = arith.constant 64 : index
          %swap3A_194 = tpu.vector_load %arg12[%swap3A_192, %swap3A_193] {strides = array<i32>} : memref<80x128xf32, #tpu.memory_space<vmem>>, vector<1x16xf32>,
          %swap3A_195 = vector.shape_cast %swap3A_194 : vector<1x16xf32> to vector<16xf32>
          %swap3A_196 = vector.shape_cast %broadcast_in_dim3A_9 : vector<16xf32> to vector<1x16xf32>
          tpu.vector_store %arg12[%swap3A_192, %swap3A_193], %swap3A_196 {strides = array<i32>} : memref<80x128xf32, #tpu.memory_space<vmem>>, vector<1x16xf32>,
          %swap3A_197 = arith.index_cast %scan3A_171 : i32 to index
          %swap3A_198 = arith.constant 80 : index
          %swap3A_199 = tpu.vector_load %arg12[%swap3A_197, %swap3A_198] {strides = array<i32>} : memref<80x128xf32, #tpu.memory_space<vmem>>, vector<1x16xf32>,
          %swap3A_200 = vector.shape_cast %swap3A_199 : vector<1x16xf32> to vector<16xf32>
          %swap3A_201 = vector.shape_cast %broadcast_in_dim3A_9 : vector<16xf32> to vector<1x16xf32>
          tpu.vector_store %arg12[%swap3A_197, %swap3A_198], %swap3A_201 {strides = array<i32>} : memref<80x128xf32, #tpu.memory_space<vmem>>, vector<1x16xf32>,
          %swap3A_202 = arith.index_cast %scan3A_171 : i32 to index
          %swap3A_203 = arith.constant 96 : index
          %swap3A_204 = tpu.vector_load %arg12[%swap3A_202, %swap3A_203] {strides = array<i32>} : memref<80x128xf32, #tpu.memory_space<vmem>>, vector<1x16xf32>,
          %swap3A_205 = vector.shape_cast %swap3A_204 : vector<1x16xf32> to vector<16xf32>
          %swap3A_206 = vector.shape_cast %broadcast_in_dim3A_9 : vector<16xf32> to vector<1x16xf32>
          tpu.vector_store %arg12[%swap3A_202, %swap3A_203], %swap3A_206 {strides = array<i32>} : memref<80x128xf32, #tpu.memory_space<vmem>>, vector<1x16xf32>,
          %swap3A_207 = arith.index_cast %scan3A_171 : i32 to index
          %swap3A_208 = arith.constant 112 : index
          %swap3A_209 = tpu.vector_load %arg12[%swap3A_207, %swap3A_208] {strides = array<i32>} : memref<80x128xf32, #tpu.memory_space<vmem>>, vector<1x16xf32>,
          %swap3A_210 = vector.shape_cast %swap3A_209 : vector<1x16xf32> to vector<16xf32>
          %swap3A_211 = vector.shape_cast %broadcast_in_dim3A_9 : vector<16xf32> to vector<1x16xf32>
          tpu.vector_store %arg12[%swap3A_207, %swap3A_208], %swap3A_211 {strides = array<i32>} : memref<80x128xf32, #tpu.memory_space<vmem>>, vector<1x16xf32>,
          %scan3A_212 = arith.constant 0 : i32
          scf.yield %scan3A_212 : i32
        }
        %scan3A_150 = arith.constant 80 : i32
        %add3A_151 = arith.constant 2 : i32
        %add3A_152 = arith.addi %mul3A_73, %add3A_151 : i32
        %mul3A_153 = arith.constant 80 : i32
        %mul3A_154 = arith.muli %add3A_152, %mul3A_153 : i32
        %dma_start3A_155 = tpu.memref_slice %arg9[%mul3A_154] : memref<1600xi32, #tpu.memory_space<vmem>> -> memref<80xi32, #tpu.memory_space<vmem>>
        %dma_start3A_156 = arith.constant 0 : i32
        %dma_start3A_157 = arith.constant 0 : i32
        %dma_start3A_158 = tpu.memref_slice %arg5[%dma_start3A_156, %dma_start3A_157] : memref<100000x128xf32, #tpu.memory_space<hbm>> -> memref<100000x128xf32, #tpu.memory_space<hbm>>
        tpu.enqueue_indirect_dma source(%dma_start3A_158 : memref<100000x128xf32, #tpu.memory_space<hbm>>) target(%arg12 : memref<80x128xf32, #tpu.memory_space<vmem>>) offsets(%dma_start3A_155 : memref<80xi32, #tpu.memory_space<vmem>>) semaphore(%arg14 : memref<!tpu.dma_semaphore, #tpu.memory_space<semaphore_mem>>) {add = true}
        %mul3A_159 = arith.constant 80 : i32
        %mul3A_160 = arith.muli %add3A_152, %mul3A_159 : i32
        %dma_start3A_161 = tpu.memref_slice %arg10[%mul3A_160] : memref<1600xi32, #tpu.memory_space<vmem>> -> memref<80xi32, #tpu.memory_space<vmem>>
        %dma_start3A_162 = arith.constant 0 : i32
        %dma_start3A_163 = arith.constant 0 : i32
        %dma_start3A_164 = tpu.memref_slice %arg6[%dma_start3A_162, %dma_start3A_163] : memref<50000x128xf32, #tpu.memory_space<hbm>> -> memref<50000x128xf32, #tpu.memory_space<hbm>>
        tpu.enqueue_indirect_dma source(%dma_start3A_164 : memref<50000x128xf32, #tpu.memory_space<hbm>>) target(%arg12 : memref<80x128xf32, #tpu.memory_space<vmem>>) offsets(%dma_start3A_161 : memref<80xi32, #tpu.memory_space<vmem>>) semaphore(%arg14 : memref<!tpu.dma_semaphore, #tpu.memory_space<semaphore_mem>>) {add = true}
        %mul3A_165 = arith.constant 80 : i32
        %mul3A_166 = arith.muli %add3A_152, %mul3A_165 : i32
        %dma_start3A_167 = tpu.memref_slice %arg11[%mul3A_166] : memref<1600xi32, #tpu.memory_space<vmem>> -> memref<80xi32, #tpu.memory_space<vmem>>
        %dma_start3A_168 = arith.constant 0 : i32
        %dma_start3A_169 = arith.constant 0 : i32
        %dma_start3A_170 = tpu.memref_slice %arg7[%dma_start3A_168, %dma_start3A_169] : memref<100000x128xf32, #tpu.memory_space<hbm>> -> memref<100000x128xf32, #tpu.memory_space<hbm>>
        tpu.enqueue_indirect_dma source(%dma_start3A_170 : memref<100000x128xf32, #tpu.memory_space<hbm>>) target(%arg12 : memref<80x128xf32, #tpu.memory_space<vmem>>) offsets(%dma_start3A_167 : memref<80xi32, #tpu.memory_space<vmem>>) semaphore(%arg14 : memref<!tpu.dma_semaphore, #tpu.memory_space<semaphore_mem>>) {add = true}
      } else {
      }
      %add3A_130 = arith.constant 2 : i32
      %add3A_131 = arith.addi %add3A_75, %add3A_130 : i32
      %lt3A_132 = arith.constant 20 : i32
      %lt3A_133 = arith.cmpi slt, %add3A_131, %lt3A_132 : i32
      %convert_element_type3A_134 = arith.extui %lt3A_133 : i1 to i32
      %cond3A_135 = arith.constant 0 : i32
      %cond3A_136 = arith.cmpi ne, %convert_element_type3A_134, %cond3A_135 : i32
      scf.if %cond3A_136 {
        %dma_wait3A_138 = arith.constant 0 : i32
        %dma_wait3A_139 = arith.constant 0 : i32
        %dma_wait3A_140 = tpu.memref_slice %arg8[%dma_wait3A_138, %dma_wait3A_139] : memref<51200x128xf32, #tpu.memory_space<hbm>> -> memref<80x128xf32, #tpu.memory_space<hbm>>
        %dma_wait3A_141 = arith.constant 0 : i32
        %dma_wait3A_142 = arith.constant 0 : i32
        %dma_wait3A_143 = tpu.memref_slice %arg8[%dma_wait3A_141, %dma_wait3A_142] : memref<51200x128xf32, #tpu.memory_space<hbm>> -> memref<80x128xf32, #tpu.memory_space<hbm>>
        tpu.wait_dma2 semaphore(%arg17 : memref<!tpu.dma_semaphore, #tpu.memory_space<semaphore_mem>>) src(%arg13 : memref<80x128xf32, #tpu.memory_space<vmem>>) dst(%dma_wait3A_143 : memref<80x128xf32, #tpu.memory_space<hbm>>)
        %scan3A_144 = arith.constant 0 : i32
        %scan3A_145 = arith.constant 0 : i32
        %scan3A_146 = arith.constant 80 : i32
        %scan3A_147 = arith.addi %scan3A_145, %scan3A_146 : i32
        %scan3A_148 = arith.constant 1 : i32
        %scan3A_149 = scf.for %scan3A_171 = %scan3A_145 to %scan3A_147 step %scan3A_148 iter_args(%scan3A_172 = %scan3A_144) -> (i32)  : i32 {
          %swap3A = arith.index_cast %scan3A_171 : i32 to index
          %swap3A_173 = arith.constant 0 : index
          %swap3A_174 = tpu.vector_load %arg13[%swap3A, %swap3A_173] {strides = array<i32>} : memref<80x128xf32, #tpu.memory_space<vmem>>, vector<1x16xf32>,
          %swap3A_175 = vector.shape_cast %swap3A_174 : vector<1x16xf32> to vector<16xf32>
          %swap3A_176 = vector.shape_cast %broadcast_in_dim3A_9 : vector<16xf32> to vector<1x16xf32>
          tpu.vector_store %arg13[%swap3A, %swap3A_173], %swap3A_176 {strides = array<i32>} : memref<80x128xf32, #tpu.memory_space<vmem>>, vector<1x16xf32>,
          %swap3A_177 = arith.index_cast %scan3A_171 : i32 to index
          %swap3A_178 = arith.constant 16 : index
          %swap3A_179 = tpu.vector_load %arg13[%swap3A_177, %swap3A_178] {strides = array<i32>} : memref<80x128xf32, #tpu.memory_space<vmem>>, vector<1x16xf32>,
          %swap3A_180 = vector.shape_cast %swap3A_179 : vector<1x16xf32> to vector<16xf32>
          %swap3A_181 = vector.shape_cast %broadcast_in_dim3A_9 : vector<16xf32> to vector<1x16xf32>
          tpu.vector_store %arg13[%swap3A_177, %swap3A_178], %swap3A_181 {strides = array<i32>} : memref<80x128xf32, #tpu.memory_space<vmem>>, vector<1x16xf32>,
          %swap3A_182 = arith.index_cast %scan3A_171 : i32 to index
          %swap3A_183 = arith.constant 32 : index
          %swap3A_184 = tpu.vector_load %arg13[%swap3A_182, %swap3A_183] {strides = array<i32>} : memref<80x128xf32, #tpu.memory_space<vmem>>, vector<1x16xf32>,
          %swap3A_185 = vector.shape_cast %swap3A_184 : vector<1x16xf32> to vector<16xf32>
          %swap3A_186 = vector.shape_cast %broadcast_in_dim3A_9 : vector<16xf32> to vector<1x16xf32>
          tpu.vector_store %arg13[%swap3A_182, %swap3A_183], %swap3A_186 {strides = array<i32>} : memref<80x128xf32, #tpu.memory_space<vmem>>, vector<1x16xf32>,
          %swap3A_187 = arith.index_cast %scan3A_171 : i32 to index
          %swap3A_188 = arith.constant 48 : index
          %swap3A_189 = tpu.vector_load %arg13[%swap3A_187, %swap3A_188] {strides = array<i32>} : memref<80x128xf32, #tpu.memory_space<vmem>>, vector<1x16xf32>,
          %swap3A_190 = vector.shape_cast %swap3A_189 : vector<1x16xf32> to vector<16xf32>
          %swap3A_191 = vector.shape_cast %broadcast_in_dim3A_9 : vector<16xf32> to vector<1x16xf32>
          tpu.vector_store %arg13[%swap3A_187, %swap3A_188], %swap3A_191 {strides = array<i32>} : memref<80x128xf32, #tpu.memory_space<vmem>>, vector<1x16xf32>,
          %swap3A_192 = arith.index_cast %scan3A_171 : i32 to index
          %swap3A_193 = arith.constant 64 : index
          %swap3A_194 = tpu.vector_load %arg13[%swap3A_192, %swap3A_193] {strides = array<i32>} : memref<80x128xf32, #tpu.memory_space<vmem>>, vector<1x16xf32>,
          %swap3A_195 = vector.shape_cast %swap3A_194 : vector<1x16xf32> to vector<16xf32>
          %swap3A_196 = vector.shape_cast %broadcast_in_dim3A_9 : vector<16xf32> to vector<1x16xf32>
          tpu.vector_store %arg13[%swap3A_192, %swap3A_193], %swap3A_196 {strides = array<i32>} : memref<80x128xf32, #tpu.memory_space<vmem>>, vector<1x16xf32>,
          %swap3A_197 = arith.index_cast %scan3A_171 : i32 to index
          %swap3A_198 = arith.constant 80 : index
          %swap3A_199 = tpu.vector_load %arg13[%swap3A_197, %swap3A_198] {strides = array<i32>} : memref<80x128xf32, #tpu.memory_space<vmem>>, vector<1x16xf32>,
          %swap3A_200 = vector.shape_cast %swap3A_199 : vector<1x16xf32> to vector<16xf32>
          %swap3A_201 = vector.shape_cast %broadcast_in_dim3A_9 : vector<16xf32> to vector<1x16xf32>
          tpu.vector_store %arg13[%swap3A_197, %swap3A_198], %swap3A_201 {strides = array<i32>} : memref<80x128xf32, #tpu.memory_space<vmem>>, vector<1x16xf32>,
          %swap3A_202 = arith.index_cast %scan3A_171 : i32 to index
          %swap3A_203 = arith.constant 96 : index
          %swap3A_204 = tpu.vector_load %arg13[%swap3A_202, %swap3A_203] {strides = array<i32>} : memref<80x128xf32, #tpu.memory_space<vmem>>, vector<1x16xf32>,
          %swap3A_205 = vector.shape_cast %swap3A_204 : vector<1x16xf32> to vector<16xf32>
          %swap3A_206 = vector.shape_cast %broadcast_in_dim3A_9 : vector<16xf32> to vector<1x16xf32>
          tpu.vector_store %arg13[%swap3A_202, %swap3A_203], %swap3A_206 {strides = array<i32>} : memref<80x128xf32, #tpu.memory_space<vmem>>, vector<1x16xf32>,
          %swap3A_207 = arith.index_cast %scan3A_171 : i32 to index
          %swap3A_208 = arith.constant 112 : index
          %swap3A_209 = tpu.vector_load %arg13[%swap3A_207, %swap3A_208] {strides = array<i32>} : memref<80x128xf32, #tpu.memory_space<vmem>>, vector<1x16xf32>,
          %swap3A_210 = vector.shape_cast %swap3A_209 : vector<1x16xf32> to vector<16xf32>
          %swap3A_211 = vector.shape_cast %broadcast_in_dim3A_9 : vector<16xf32> to vector<1x16xf32>
          tpu.vector_store %arg13[%swap3A_207, %swap3A_208], %swap3A_211 {strides = array<i32>} : memref<80x128xf32, #tpu.memory_space<vmem>>, vector<1x16xf32>,
          %scan3A_212 = arith.constant 0 : i32
          scf.yield %scan3A_212 : i32
        }
        %scan3A_150 = arith.constant 80 : i32
        %add3A_151 = arith.constant 2 : i32
        %add3A_152 = arith.addi %add3A_75, %add3A_151 : i32
        %mul3A_153 = arith.constant 80 : i32
        %mul3A_154 = arith.muli %add3A_152, %mul3A_153 : i32
        %dma_start3A_155 = tpu.memref_slice %arg9[%mul3A_154] : memref<1600xi32, #tpu.memory_space<vmem>> -> memref<80xi32, #tpu.memory_space<vmem>>
        %dma_start3A_156 = arith.constant 0 : i32
        %dma_start3A_157 = arith.constant 0 : i32
        %dma_start3A_158 = tpu.memref_slice %arg5[%dma_start3A_156, %dma_start3A_157] : memref<100000x128xf32, #tpu.memory_space<hbm>> -> memref<100000x128xf32, #tpu.memory_space<hbm>>
        tpu.enqueue_indirect_dma source(%dma_start3A_158 : memref<100000x128xf32, #tpu.memory_space<hbm>>) target(%arg13 : memref<80x128xf32, #tpu.memory_space<vmem>>) offsets(%dma_start3A_155 : memref<80xi32, #tpu.memory_space<vmem>>) semaphore(%arg15 : memref<!tpu.dma_semaphore, #tpu.memory_space<semaphore_mem>>) {add = true}
        %mul3A_159 = arith.constant 80 : i32
        %mul3A_160 = arith.muli %add3A_152, %mul3A_159 : i32
        %dma_start3A_161 = tpu.memref_slice %arg10[%mul3A_160] : memref<1600xi32, #tpu.memory_space<vmem>> -> memref<80xi32, #tpu.memory_space<vmem>>
        %dma_start3A_162 = arith.constant 0 : i32
        %dma_start3A_163 = arith.constant 0 : i32
        %dma_start3A_164 = tpu.memref_slice %arg6[%dma_start3A_162, %dma_start3A_163] : memref<50000x128xf32, #tpu.memory_space<hbm>> -> memref<50000x128xf32, #tpu.memory_space<hbm>>
        tpu.enqueue_indirect_dma source(%dma_start3A_164 : memref<50000x128xf32, #tpu.memory_space<hbm>>) target(%arg13 : memref<80x128xf32, #tpu.memory_space<vmem>>) offsets(%dma_start3A_161 : memref<80xi32, #tpu.memory_space<vmem>>) semaphore(%arg15 : memref<!tpu.dma_semaphore, #tpu.memory_space<semaphore_mem>>) {add = true}
        %mul3A_165 = arith.constant 80 : i32
        %mul3A_166 = arith.muli %add3A_152, %mul3A_165 : i32
        %dma_start3A_167 = tpu.memref_slice %arg11[%mul3A_166] : memref<1600xi32, #tpu.memory_space<vmem>> -> memref<80xi32, #tpu.memory_space<vmem>>
        %dma_start3A_168 = arith.constant 0 : i32
        %dma_start3A_169 = arith.constant 0 : i32
        %dma_start3A_170 = tpu.memref_slice %arg7[%dma_start3A_168, %dma_start3A_169] : memref<100000x128xf32, #tpu.memory_space<hbm>> -> memref<100000x128xf32, #tpu.memory_space<hbm>>
        tpu.enqueue_indirect_dma source(%dma_start3A_170 : memref<100000x128xf32, #tpu.memory_space<hbm>>) target(%arg13 : memref<80x128xf32, #tpu.memory_space<vmem>>) offsets(%dma_start3A_167 : memref<80xi32, #tpu.memory_space<vmem>>) semaphore(%arg15 : memref<!tpu.dma_semaphore, #tpu.memory_space<semaphore_mem>>) {add = true}
      } else {
      }
      %scan3A_137 = arith.constant 0 : i32
      scf.yield %scan3A_137 : i32
    }
    %scan3A_58 = arith.constant 10 : i32
    %dma_wait3A = arith.constant 0 : i32
    %dma_wait3A_59 = arith.constant 0 : i32
    %dma_wait3A_60 = tpu.memref_slice %arg8[%dma_wait3A, %dma_wait3A_59] : memref<51200x128xf32, #tpu.memory_space<hbm>> -> memref<80x128xf32, #tpu.memory_space<hbm>>
    %dma_wait3A_61 = arith.constant 0 : i32
    %dma_wait3A_62 = arith.constant 0 : i32
    %dma_wait3A_63 = tpu.memref_slice %arg8[%dma_wait3A_61, %dma_wait3A_62] : memref<51200x128xf32, #tpu.memory_space<hbm>> -> memref<80x128xf32, #tpu.memory_space<hbm>>
    tpu.wait_dma2 semaphore(%arg16 : memref<!tpu.dma_semaphore, #tpu.memory_space<semaphore_mem>>) src(%arg12 : memref<80x128xf32, #tpu.memory_space<vmem>>) dst(%dma_wait3A_63 : memref<80x128xf32, #tpu.memory_space<hbm>>)
    %dma_wait3A_64 = arith.constant 0 : i32
    %dma_wait3A_65 = arith.constant 0 : i32
    %dma_wait3A_66 = tpu.memref_slice %arg8[%dma_wait3A_64, %dma_wait3A_65] : memref<51200x128xf32, #tpu.memory_space<hbm>> -> memref<80x128xf32, #tpu.memory_space<hbm>>
    %dma_wait3A_67 = arith.constant 0 : i32
    %dma_wait3A_68 = arith.constant 0 : i32
    %dma_wait3A_69 = tpu.memref_slice %arg8[%dma_wait3A_67, %dma_wait3A_68] : memref<51200x128xf32, #tpu.memory_space<hbm>> -> memref<80x128xf32, #tpu.memory_space<hbm>>
    tpu.wait_dma2 semaphore(%arg17 : memref<!tpu.dma_semaphore, #tpu.memory_space<semaphore_mem>>) src(%arg13 : memref<80x128xf32, #tpu.memory_space<vmem>>) dst(%dma_wait3A_69 : memref<80x128xf32, #tpu.memory_space<hbm>>)
    return
  }
}

module attributes {stable_mosaic.version = 14 : i64} {
  func.func @_pre1_body(%arg0: i32, %arg1: memref<2000x128xf32, #tpu.memory_space<vmem>>, %arg2: memref<128x128xf32, #tpu.memory_space<vmem>>, %arg3: memref<2000x128xf32, #tpu.memory_space<vmem>>) attributes {dimension_semantics = [#tpu.dimension_semantics<arbitrary>], iteration_bounds = array<i64: 25>, scalar_prefetch = 0 : i64, scratch_operands = 0 : i64, tpu.core_type = #tpu.core_type<tc>, window_params = [{transform_indices = @transform_0, window_bounds = array<i64: 2000, 128>}, {pipeline_mode = #tpu.pipeline_mode<synchronous>, transform_indices = @transform_1, window_bounds = array<i64: 128, 128>}, {transform_indices = @transform_2, window_bounds = array<i64: 2000, 128>}]} {
    %get3A = arith.constant 0 : index
    %get3A_0 = arith.constant 0 : index
    %get3A_1 = vector.load %arg1[%get3A, %get3A_0] : memref<2000x128xf32, #tpu.memory_space<vmem>>, vector<2000x128xf32>
    %get3A_2 = arith.constant 0 : index
    %get3A_3 = arith.constant 0 : index
    %get3A_4 = vector.load %arg2[%get3A_2, %get3A_3] : memref<128x128xf32, #tpu.memory_space<vmem>>, vector<128x128xf32>
    %dot_general3A = arith.constant dense<0.000000e+00> : vector<2000x128xf32>
    %dot_general3A_5 = tpu.matmul %get3A_1, %get3A_4, %dot_general3A {dimension_numbers = #tpu.dot_dimension_numbers<[1], [0], [0], [1], [0, 0, 1, 1], [], []>, transpose_lhs_hint = false} : vector<2000x128xf32>, vector<128x128xf32>, vector<2000x128xf32> -> vector<2000x128xf32>
    %swap3A = arith.constant 0 : index
    %swap3A_6 = arith.constant 0 : index
    %swap3A_7 = vector.load %arg3[%swap3A, %swap3A_6] : memref<2000x128xf32, #tpu.memory_space<vmem>>, vector<2000x128xf32>
    tpu.vector_store %arg3[%swap3A, %swap3A_6], %dot_general3A_5 {strides = array<i32>} : memref<2000x128xf32, #tpu.memory_space<vmem>>, vector<2000x128xf32>,
    return
  }
  func.func @transform_0(%arg0: i32) -> (i32, i32) {
    %c0_i32 = arith.constant 0 : i32
    %c0_i32_0 = arith.constant 0 : i32
    return %arg0, %c0_i32 : i32, i32
  }
  func.func @transform_1(%arg0: i32) -> (i32, i32) {
    %c0_i32 = arith.constant 0 : i32
    %c0_i32_0 = arith.constant 0 : i32
    %c0_i32_1 = arith.constant 0 : i32
    return %c0_i32, %c0_i32_0 : i32, i32
  }
  func.func @transform_2(%arg0: i32) -> (i32, i32) {
    %c0_i32 = arith.constant 0 : i32
    %c0_i32_0 = arith.constant 0 : i32
    return %arg0, %c0_i32 : i32, i32
  }
}

module attributes {stable_mosaic.version = 14 : i64} {
  func.func @_pre2_body(%arg0: i32, %arg1: memref<2000x128xf32, #tpu.memory_space<vmem>>, %arg2: memref<128x128xf32, #tpu.memory_space<vmem>>, %arg3: memref<128x128xf32, #tpu.memory_space<vmem>>, %arg4: memref<2000x128xf32, #tpu.memory_space<vmem>>, %arg5: memref<2000x128xf32, #tpu.memory_space<vmem>>) attributes {dimension_semantics = [#tpu.dimension_semantics<arbitrary>], iteration_bounds = array<i64: 50>, scalar_prefetch = 0 : i64, scratch_operands = 0 : i64, tpu.core_type = #tpu.core_type<tc>, window_params = [{transform_indices = @transform_0, window_bounds = array<i64: 2000, 128>}, {pipeline_mode = #tpu.pipeline_mode<synchronous>, transform_indices = @transform_1, window_bounds = array<i64: 128, 128>}, {pipeline_mode = #tpu.pipeline_mode<synchronous>, transform_indices = @transform_2, window_bounds = array<i64: 128, 128>}, {transform_indices = @transform_3, window_bounds = array<i64: 2000, 128>}, {transform_indices = @transform_4, window_bounds = array<i64: 2000, 128>}]} {
    %get3A = arith.constant 0 : index
    %get3A_0 = arith.constant 0 : index
    %get3A_1 = vector.load %arg1[%get3A, %get3A_0] : memref<2000x128xf32, #tpu.memory_space<vmem>>, vector<2000x128xf32>
    %get3A_2 = arith.constant 0 : index
    %get3A_3 = arith.constant 0 : index
    %get3A_4 = vector.load %arg2[%get3A_2, %get3A_3] : memref<128x128xf32, #tpu.memory_space<vmem>>, vector<128x128xf32>
    %dot_general3A = arith.constant dense<0.000000e+00> : vector<2000x128xf32>
    %dot_general3A_5 = tpu.matmul %get3A_1, %get3A_4, %dot_general3A {dimension_numbers = #tpu.dot_dimension_numbers<[1], [0], [0], [1], [0, 0, 1, 1], [], []>, transpose_lhs_hint = false} : vector<2000x128xf32>, vector<128x128xf32>, vector<2000x128xf32> -> vector<2000x128xf32>
    %swap3A = arith.constant 0 : index
    %swap3A_6 = arith.constant 0 : index
    %swap3A_7 = vector.load %arg4[%swap3A, %swap3A_6] : memref<2000x128xf32, #tpu.memory_space<vmem>>, vector<2000x128xf32>
    tpu.vector_store %arg4[%swap3A, %swap3A_6], %dot_general3A_5 {strides = array<i32>} : memref<2000x128xf32, #tpu.memory_space<vmem>>, vector<2000x128xf32>,
    %get3A_8 = arith.constant 0 : index
    %get3A_9 = arith.constant 0 : index
    %get3A_10 = vector.load %arg3[%get3A_8, %get3A_9] : memref<128x128xf32, #tpu.memory_space<vmem>>, vector<128x128xf32>
    %dot_general3A_11 = arith.constant dense<0.000000e+00> : vector<2000x128xf32>
    %dot_general3A_12 = tpu.matmul %get3A_1, %get3A_10, %dot_general3A_11 {dimension_numbers = #tpu.dot_dimension_numbers<[1], [0], [0], [1], [0, 0, 1, 1], [], []>, transpose_lhs_hint = false} : vector<2000x128xf32>, vector<128x128xf32>, vector<2000x128xf32> -> vector<2000x128xf32>
    %swap3A_13 = arith.constant 0 : index
    %swap3A_14 = arith.constant 0 : index
    %swap3A_15 = vector.load %arg5[%swap3A_13, %swap3A_14] : memref<2000x128xf32, #tpu.memory_space<vmem>>, vector<2000x128xf32>
    tpu.vector_store %arg5[%swap3A_13, %swap3A_14], %dot_general3A_12 {strides = array<i32>} : memref<2000x128xf32, #tpu.memory_space<vmem>>, vector<2000x128xf32>,
    return
  }
  func.func @transform_0(%arg0: i32) -> (i32, i32) {
    %c0_i32 = arith.constant 0 : i32
    %c0_i32_0 = arith.constant 0 : i32
    return %arg0, %c0_i32 : i32, i32
  }
  func.func @transform_1(%arg0: i32) -> (i32, i32) {
    %c0_i32 = arith.constant 0 : i32
    %c0_i32_0 = arith.constant 0 : i32
    %c0_i32_1 = arith.constant 0 : i32
    return %c0_i32, %c0_i32_0 : i32, i32
  }
  func.func @transform_2(%arg0: i32) -> (i32, i32) {
    %c0_i32 = arith.constant 0 : i32
    %c0_i32_0 = arith.constant 0 : i32
    %c0_i32_1 = arith.constant 0 : i32
    return %c0_i32, %c0_i32_0 : i32, i32
  }
  func.func @transform_3(%arg0: i32) -> (i32, i32) {
    %c0_i32 = arith.constant 0 : i32
    %c0_i32_0 = arith.constant 0 : i32
    return %arg0, %c0_i32 : i32, i32
  }
  func.func @transform_4(%arg0: i32) -> (i32, i32) {
    %c0_i32 = arith.constant 0 : i32
    %c0_i32_0 = arith.constant 0 : i32
    return %arg0, %c0_i32 : i32, i32
  }
}

module attributes {stable_mosaic.version = 14 : i64} {
  func.func @_tc_slim_body(%arg0: i32, %arg1: memref<32x200x128xf32, #tpu.memory_space<vmem>>, %arg2: memref<32x200xi32, #tpu.memory_space<vmem>>, %arg3: memref<1x128xf32, #tpu.memory_space<vmem>>, %arg4: memref<128x1000xf32, #tpu.memory_space<vmem>>, %arg5: memref<32x128xf32, #tpu.memory_space<vmem>>, %arg6: memref<32x1000xf32, #tpu.memory_space<vmem>>) attributes {dimension_semantics = [#tpu.dimension_semantics<arbitrary>], iteration_bounds = array<i64: 8>, scalar_prefetch = 0 : i64, scratch_operands = 0 : i64, tpu.core_type = #tpu.core_type<tc>, window_params = [{transform_indices = @transform_0, window_bounds = array<i64: 32, 200, 128>}, {transform_indices = @transform_1, window_bounds = array<i64: 32, 200>}, {pipeline_mode = #tpu.pipeline_mode<synchronous>, transform_indices = @transform_2, window_bounds = array<i64: 1, 128>}, {pipeline_mode = #tpu.pipeline_mode<synchronous>, transform_indices = @transform_3, window_bounds = array<i64: 128, 1000>}, {transform_indices = @transform_4, window_bounds = array<i64: 32, 128>}, {transform_indices = @transform_5, window_bounds = array<i64: 32, 1000>}]} {
    %get3A = arith.constant 0 : index
    %get3A_0 = arith.constant 0 : index
    %get3A_1 = arith.constant 0 : index
    %get3A_2 = vector.load %arg1[%get3A, %get3A_0, %get3A_1] : memref<32x200x128xf32, #tpu.memory_space<vmem>>, vector<32x200x128xf32>
    %tanh3A = math.tanh %get3A_2 : vector<32x200x128xf32>
    %get3A_3 = arith.constant 0 : index
    %get3A_4 = arith.constant 0 : index
    %get3A_5 = vector.load %arg3[%get3A_3, %get3A_4] : memref<1x128xf32, #tpu.memory_space<vmem>>, vector<1x128xf32>
    %reshape3A = vector.shape_cast %get3A_5 : vector<1x128xf32> to vector<1x1x128xf32>
    %mul3A = vector.broadcast %reshape3A : vector<1x1x128xf32> to vector<32x200x128xf32>
    %mul3A_6 = arith.mulf %tanh3A, %mul3A : vector<32x200x128xf32>
    %reduce_sum3A = arith.constant dense<0.000000e+00> : vector<32x200xf32>
    %reduce_sum3A_7 = vector.multi_reduction <add>, %mul3A_6, %reduce_sum3A [2] : vector<32x200x128xf32> to vector<32x200xf32>
    %get3A_8 = arith.constant 0 : index
    %get3A_9 = arith.constant 0 : index
    %get3A_10 = vector.load %arg2[%get3A_8, %get3A_9] : memref<32x200xi32, #tpu.memory_space<vmem>>, vector<32x200xi32>
    %gt3A = arith.constant 1 : i32
    %gt3A_11 = vector.broadcast %gt3A : i32 to vector<32x200xi32>
    %gt3A_12 = arith.cmpi sgt, %get3A_10, %gt3A_11 : vector<32x200xi32>
    %jit3A = arith.constant -2.000000e+10 : f32
    %broadcast_in_dim3A = vector.broadcast %jit3A : f32 to vector<32x200xf32>
    %select_n3A = arith.select %gt3A_12, %reduce_sum3A_7, %broadcast_in_dim3A : vector<32x200xi1>, vector<32x200xf32>
    %reduce_max3A = arith.constant dense<0xFF800000> : vector<32xf32>
    %reduce_max3A_13 = vector.multi_reduction <maximumf>, %select_n3A, %reduce_max3A [1] : vector<32x200xf32> to vector<32xf32>
    %broadcast_in_dim3A_14 = vector.shape_cast %reduce_max3A_13 : vector<32xf32> to vector<32x1xf32>
    %sub3A = vector.broadcast %broadcast_in_dim3A_14 : vector<32x1xf32> to vector<32x200xf32>
    %sub3A_15 = arith.subf %select_n3A, %sub3A : vector<32x200xf32>
    %exp3A = math.exp %sub3A_15 : vector<32x200xf32>
    %reduce_sum3A_16 = arith.constant dense<0.000000e+00> : vector<32xf32>
    %reduce_sum3A_17 = vector.multi_reduction <add>, %exp3A, %reduce_sum3A_16 [1] : vector<32x200xf32> to vector<32xf32>
    %broadcast_in_dim3A_18 = vector.shape_cast %reduce_sum3A_17 : vector<32xf32> to vector<32x1xf32>
    %div3A = vector.broadcast %broadcast_in_dim3A_18 : vector<32x1xf32> to vector<32x200xf32>
    %div3A_19 = arith.divf %exp3A, %div3A : vector<32x200xf32>
    %broadcast_in_dim3A_20 = vector.shape_cast %div3A_19 : vector<32x200xf32> to vector<32x200x1xf32>
    %mul3A_21 = vector.broadcast %broadcast_in_dim3A_20 : vector<32x200x1xf32> to vector<32x200x128xf32>
    %mul3A_22 = arith.mulf %tanh3A, %mul3A_21 : vector<32x200x128xf32>
    %reduce_sum3A_23 = arith.constant dense<0.000000e+00> : vector<32x128xf32>
    %reduce_sum3A_24 = vector.multi_reduction <add>, %mul3A_22, %reduce_sum3A_23 [1] : vector<32x200x128xf32> to vector<32x128xf32>
    %swap3A = arith.constant 0 : index
    %swap3A_25 = arith.constant 0 : index
    %swap3A_26 = vector.load %arg5[%swap3A, %swap3A_25] : memref<32x128xf32, #tpu.memory_space<vmem>>, vector<32x128xf32>
    tpu.vector_store %arg5[%swap3A, %swap3A_25], %reduce_sum3A_24 {strides = array<i32>} : memref<32x128xf32, #tpu.memory_space<vmem>>, vector<32x128xf32>,
    %get3A_27 = arith.constant 0 : index
    %get3A_28 = arith.constant 0 : index
    %get3A_29 = vector.load %arg4[%get3A_27, %get3A_28] : memref<128x1000xf32, #tpu.memory_space<vmem>>, vector<128x1000xf32>
    %dot_general3A = arith.constant dense<0.000000e+00> : vector<32x1000xf32>
    %dot_general3A_30 = tpu.matmul %reduce_sum3A_24, %get3A_29, %dot_general3A {dimension_numbers = #tpu.dot_dimension_numbers<[1], [0], [0], [1], [0, 0, 1, 1], [], []>, transpose_lhs_hint = false} : vector<32x128xf32>, vector<128x1000xf32>, vector<32x1000xf32> -> vector<32x1000xf32>
    %swap3A_31 = arith.constant 0 : index
    %swap3A_32 = arith.constant 0 : index
    %swap3A_33 = vector.load %arg6[%swap3A_31, %swap3A_32] : memref<32x1000xf32, #tpu.memory_space<vmem>>, vector<32x1000xf32>
    tpu.vector_store %arg6[%swap3A_31, %swap3A_32], %dot_general3A_30 {strides = array<i32>} : memref<32x1000xf32, #tpu.memory_space<vmem>>, vector<32x1000xf32>,
    return
  }
  func.func @transform_0(%arg0: i32) -> (i32, i32, i32) {
    %c0_i32 = arith.constant 0 : i32
    %c0_i32_0 = arith.constant 0 : i32
    %c0_i32_1 = arith.constant 0 : i32
    return %arg0, %c0_i32, %c0_i32_0 : i32, i32, i32
  }
  func.func @transform_1(%arg0: i32) -> (i32, i32) {
    %add3A = arith.constant 24 : i32
    %add3A_0 = arith.addi %add3A, %arg0 : i32
    %c0_i32 = arith.constant 0 : i32
    %c0_i32_1 = arith.constant 0 : i32
    return %add3A_0, %c0_i32 : i32, i32
  }
  func.func @transform_2(%arg0: i32) -> (i32, i32) {
    %c0_i32 = arith.constant 0 : i32
    %c0_i32_0 = arith.constant 0 : i32
    %c0_i32_1 = arith.constant 0 : i32
    return %c0_i32, %c0_i32_0 : i32, i32
  }
  func.func @transform_3(%arg0: i32) -> (i32, i32) {
    %c0_i32 = arith.constant 0 : i32
    %c0_i32_0 = arith.constant 0 : i32
    %c0_i32_1 = arith.constant 0 : i32
    return %c0_i32, %c0_i32_0 : i32, i32
  }
  func.func @transform_4(%arg0: i32) -> (i32, i32) {
    %c0_i32 = arith.constant 0 : i32
    %c0_i32_0 = arith.constant 0 : i32
    return %arg0, %c0_i32 : i32, i32
  }
  func.func @transform_5(%arg0: i32) -> (i32, i32) {
    %c0_i32 = arith.constant 0 : i32
    %c0_i32_0 = arith.constant 0 : i32
    return %arg0, %c0_i32 : i32, i32
  }
}

module attributes {stable_mosaic.version = 14 : i64} {
  func.func @_tc_slim_body(%arg0: i32, %arg1: memref<32x200x128xf32, #tpu.memory_space<vmem>>, %arg2: memref<32x200xi32, #tpu.memory_space<vmem>>, %arg3: memref<1x128xf32, #tpu.memory_space<vmem>>, %arg4: memref<128x1000xf32, #tpu.memory_space<vmem>>, %arg5: memref<32x128xf32, #tpu.memory_space<vmem>>, %arg6: memref<32x1000xf32, #tpu.memory_space<vmem>>) attributes {dimension_semantics = [#tpu.dimension_semantics<arbitrary>], iteration_bounds = array<i64: 8>, scalar_prefetch = 0 : i64, scratch_operands = 0 : i64, tpu.core_type = #tpu.core_type<tc>, window_params = [{transform_indices = @transform_0, window_bounds = array<i64: 32, 200, 128>}, {transform_indices = @transform_1, window_bounds = array<i64: 32, 200>}, {pipeline_mode = #tpu.pipeline_mode<synchronous>, transform_indices = @transform_2, window_bounds = array<i64: 1, 128>}, {pipeline_mode = #tpu.pipeline_mode<synchronous>, transform_indices = @transform_3, window_bounds = array<i64: 128, 1000>}, {transform_indices = @transform_4, window_bounds = array<i64: 32, 128>}, {transform_indices = @transform_5, window_bounds = array<i64: 32, 1000>}]} {
    %get3A = arith.constant 0 : index
    %get3A_0 = arith.constant 0 : index
    %get3A_1 = arith.constant 0 : index
    %get3A_2 = vector.load %arg1[%get3A, %get3A_0, %get3A_1] : memref<32x200x128xf32, #tpu.memory_space<vmem>>, vector<32x200x128xf32>
    %tanh3A = math.tanh %get3A_2 : vector<32x200x128xf32>
    %get3A_3 = arith.constant 0 : index
    %get3A_4 = arith.constant 0 : index
    %get3A_5 = vector.load %arg3[%get3A_3, %get3A_4] : memref<1x128xf32, #tpu.memory_space<vmem>>, vector<1x128xf32>
    %reshape3A = vector.shape_cast %get3A_5 : vector<1x128xf32> to vector<1x1x128xf32>
    %mul3A = vector.broadcast %reshape3A : vector<1x1x128xf32> to vector<32x200x128xf32>
    %mul3A_6 = arith.mulf %tanh3A, %mul3A : vector<32x200x128xf32>
    %reduce_sum3A = arith.constant dense<0.000000e+00> : vector<32x200xf32>
    %reduce_sum3A_7 = vector.multi_reduction <add>, %mul3A_6, %reduce_sum3A [2] : vector<32x200x128xf32> to vector<32x200xf32>
    %get3A_8 = arith.constant 0 : index
    %get3A_9 = arith.constant 0 : index
    %get3A_10 = vector.load %arg2[%get3A_8, %get3A_9] : memref<32x200xi32, #tpu.memory_space<vmem>>, vector<32x200xi32>
    %gt3A = arith.constant 1 : i32
    %gt3A_11 = vector.broadcast %gt3A : i32 to vector<32x200xi32>
    %gt3A_12 = arith.cmpi sgt, %get3A_10, %gt3A_11 : vector<32x200xi32>
    %jit3A = arith.constant -2.000000e+10 : f32
    %broadcast_in_dim3A = vector.broadcast %jit3A : f32 to vector<32x200xf32>
    %select_n3A = arith.select %gt3A_12, %reduce_sum3A_7, %broadcast_in_dim3A : vector<32x200xi1>, vector<32x200xf32>
    %reduce_max3A = arith.constant dense<0xFF800000> : vector<32xf32>
    %reduce_max3A_13 = vector.multi_reduction <maximumf>, %select_n3A, %reduce_max3A [1] : vector<32x200xf32> to vector<32xf32>
    %broadcast_in_dim3A_14 = vector.shape_cast %reduce_max3A_13 : vector<32xf32> to vector<32x1xf32>
    %sub3A = vector.broadcast %broadcast_in_dim3A_14 : vector<32x1xf32> to vector<32x200xf32>
    %sub3A_15 = arith.subf %select_n3A, %sub3A : vector<32x200xf32>
    %exp3A = math.exp %sub3A_15 : vector<32x200xf32>
    %reduce_sum3A_16 = arith.constant dense<0.000000e+00> : vector<32xf32>
    %reduce_sum3A_17 = vector.multi_reduction <add>, %exp3A, %reduce_sum3A_16 [1] : vector<32x200xf32> to vector<32xf32>
    %broadcast_in_dim3A_18 = vector.shape_cast %reduce_sum3A_17 : vector<32xf32> to vector<32x1xf32>
    %div3A = vector.broadcast %broadcast_in_dim3A_18 : vector<32x1xf32> to vector<32x200xf32>
    %div3A_19 = arith.divf %exp3A, %div3A : vector<32x200xf32>
    %broadcast_in_dim3A_20 = vector.shape_cast %div3A_19 : vector<32x200xf32> to vector<32x200x1xf32>
    %mul3A_21 = vector.broadcast %broadcast_in_dim3A_20 : vector<32x200x1xf32> to vector<32x200x128xf32>
    %mul3A_22 = arith.mulf %tanh3A, %mul3A_21 : vector<32x200x128xf32>
    %reduce_sum3A_23 = arith.constant dense<0.000000e+00> : vector<32x128xf32>
    %reduce_sum3A_24 = vector.multi_reduction <add>, %mul3A_22, %reduce_sum3A_23 [1] : vector<32x200x128xf32> to vector<32x128xf32>
    %swap3A = arith.constant 0 : index
    %swap3A_25 = arith.constant 0 : index
    %swap3A_26 = vector.load %arg5[%swap3A, %swap3A_25] : memref<32x128xf32, #tpu.memory_space<vmem>>, vector<32x128xf32>
    tpu.vector_store %arg5[%swap3A, %swap3A_25], %reduce_sum3A_24 {strides = array<i32>} : memref<32x128xf32, #tpu.memory_space<vmem>>, vector<32x128xf32>,
    %get3A_27 = arith.constant 0 : index
    %get3A_28 = arith.constant 0 : index
    %get3A_29 = vector.load %arg4[%get3A_27, %get3A_28] : memref<128x1000xf32, #tpu.memory_space<vmem>>, vector<128x1000xf32>
    %dot_general3A = arith.constant dense<0.000000e+00> : vector<32x1000xf32>
    %dot_general3A_30 = tpu.matmul %reduce_sum3A_24, %get3A_29, %dot_general3A {dimension_numbers = #tpu.dot_dimension_numbers<[1], [0], [0], [1], [0, 0, 1, 1], [], []>, transpose_lhs_hint = false} : vector<32x128xf32>, vector<128x1000xf32>, vector<32x1000xf32> -> vector<32x1000xf32>
    %swap3A_31 = arith.constant 0 : index
    %swap3A_32 = arith.constant 0 : index
    %swap3A_33 = vector.load %arg6[%swap3A_31, %swap3A_32] : memref<32x1000xf32, #tpu.memory_space<vmem>>, vector<32x1000xf32>
    tpu.vector_store %arg6[%swap3A_31, %swap3A_32], %dot_general3A_30 {strides = array<i32>} : memref<32x1000xf32, #tpu.memory_space<vmem>>, vector<32x1000xf32>,
    return
  }
  func.func @transform_0(%arg0: i32) -> (i32, i32, i32) {
    %c0_i32 = arith.constant 0 : i32
    %c0_i32_0 = arith.constant 0 : i32
    %c0_i32_1 = arith.constant 0 : i32
    return %arg0, %c0_i32, %c0_i32_0 : i32, i32, i32
  }
  func.func @transform_1(%arg0: i32) -> (i32, i32) {
    %add3A = arith.constant 16 : i32
    %add3A_0 = arith.addi %add3A, %arg0 : i32
    %c0_i32 = arith.constant 0 : i32
    %c0_i32_1 = arith.constant 0 : i32
    return %add3A_0, %c0_i32 : i32, i32
  }
  func.func @transform_2(%arg0: i32) -> (i32, i32) {
    %c0_i32 = arith.constant 0 : i32
    %c0_i32_0 = arith.constant 0 : i32
    %c0_i32_1 = arith.constant 0 : i32
    return %c0_i32, %c0_i32_0 : i32, i32
  }
  func.func @transform_3(%arg0: i32) -> (i32, i32) {
    %c0_i32 = arith.constant 0 : i32
    %c0_i32_0 = arith.constant 0 : i32
    %c0_i32_1 = arith.constant 0 : i32
    return %c0_i32, %c0_i32_0 : i32, i32
  }
  func.func @transform_4(%arg0: i32) -> (i32, i32) {
    %c0_i32 = arith.constant 0 : i32
    %c0_i32_0 = arith.constant 0 : i32
    return %arg0, %c0_i32 : i32, i32
  }
  func.func @transform_5(%arg0: i32) -> (i32, i32) {
    %c0_i32 = arith.constant 0 : i32
    %c0_i32_0 = arith.constant 0 : i32
    return %arg0, %c0_i32 : i32, i32
  }
}

module attributes {stable_mosaic.version = 14 : i64} {
  func.func @_tc_slim_body(%arg0: i32, %arg1: memref<32x200x128xf32, #tpu.memory_space<vmem>>, %arg2: memref<32x200xi32, #tpu.memory_space<vmem>>, %arg3: memref<1x128xf32, #tpu.memory_space<vmem>>, %arg4: memref<128x1000xf32, #tpu.memory_space<vmem>>, %arg5: memref<32x128xf32, #tpu.memory_space<vmem>>, %arg6: memref<32x1000xf32, #tpu.memory_space<vmem>>) attributes {dimension_semantics = [#tpu.dimension_semantics<arbitrary>], iteration_bounds = array<i64: 8>, scalar_prefetch = 0 : i64, scratch_operands = 0 : i64, tpu.core_type = #tpu.core_type<tc>, window_params = [{transform_indices = @transform_0, window_bounds = array<i64: 32, 200, 128>}, {transform_indices = @transform_1, window_bounds = array<i64: 32, 200>}, {pipeline_mode = #tpu.pipeline_mode<synchronous>, transform_indices = @transform_2, window_bounds = array<i64: 1, 128>}, {pipeline_mode = #tpu.pipeline_mode<synchronous>, transform_indices = @transform_3, window_bounds = array<i64: 128, 1000>}, {transform_indices = @transform_4, window_bounds = array<i64: 32, 128>}, {transform_indices = @transform_5, window_bounds = array<i64: 32, 1000>}]} {
    %get3A = arith.constant 0 : index
    %get3A_0 = arith.constant 0 : index
    %get3A_1 = arith.constant 0 : index
    %get3A_2 = vector.load %arg1[%get3A, %get3A_0, %get3A_1] : memref<32x200x128xf32, #tpu.memory_space<vmem>>, vector<32x200x128xf32>
    %tanh3A = math.tanh %get3A_2 : vector<32x200x128xf32>
    %get3A_3 = arith.constant 0 : index
    %get3A_4 = arith.constant 0 : index
    %get3A_5 = vector.load %arg3[%get3A_3, %get3A_4] : memref<1x128xf32, #tpu.memory_space<vmem>>, vector<1x128xf32>
    %reshape3A = vector.shape_cast %get3A_5 : vector<1x128xf32> to vector<1x1x128xf32>
    %mul3A = vector.broadcast %reshape3A : vector<1x1x128xf32> to vector<32x200x128xf32>
    %mul3A_6 = arith.mulf %tanh3A, %mul3A : vector<32x200x128xf32>
    %reduce_sum3A = arith.constant dense<0.000000e+00> : vector<32x200xf32>
    %reduce_sum3A_7 = vector.multi_reduction <add>, %mul3A_6, %reduce_sum3A [2] : vector<32x200x128xf32> to vector<32x200xf32>
    %get3A_8 = arith.constant 0 : index
    %get3A_9 = arith.constant 0 : index
    %get3A_10 = vector.load %arg2[%get3A_8, %get3A_9] : memref<32x200xi32, #tpu.memory_space<vmem>>, vector<32x200xi32>
    %gt3A = arith.constant 1 : i32
    %gt3A_11 = vector.broadcast %gt3A : i32 to vector<32x200xi32>
    %gt3A_12 = arith.cmpi sgt, %get3A_10, %gt3A_11 : vector<32x200xi32>
    %jit3A = arith.constant -2.000000e+10 : f32
    %broadcast_in_dim3A = vector.broadcast %jit3A : f32 to vector<32x200xf32>
    %select_n3A = arith.select %gt3A_12, %reduce_sum3A_7, %broadcast_in_dim3A : vector<32x200xi1>, vector<32x200xf32>
    %reduce_max3A = arith.constant dense<0xFF800000> : vector<32xf32>
    %reduce_max3A_13 = vector.multi_reduction <maximumf>, %select_n3A, %reduce_max3A [1] : vector<32x200xf32> to vector<32xf32>
    %broadcast_in_dim3A_14 = vector.shape_cast %reduce_max3A_13 : vector<32xf32> to vector<32x1xf32>
    %sub3A = vector.broadcast %broadcast_in_dim3A_14 : vector<32x1xf32> to vector<32x200xf32>
    %sub3A_15 = arith.subf %select_n3A, %sub3A : vector<32x200xf32>
    %exp3A = math.exp %sub3A_15 : vector<32x200xf32>
    %reduce_sum3A_16 = arith.constant dense<0.000000e+00> : vector<32xf32>
    %reduce_sum3A_17 = vector.multi_reduction <add>, %exp3A, %reduce_sum3A_16 [1] : vector<32x200xf32> to vector<32xf32>
    %broadcast_in_dim3A_18 = vector.shape_cast %reduce_sum3A_17 : vector<32xf32> to vector<32x1xf32>
    %div3A = vector.broadcast %broadcast_in_dim3A_18 : vector<32x1xf32> to vector<32x200xf32>
    %div3A_19 = arith.divf %exp3A, %div3A : vector<32x200xf32>
    %broadcast_in_dim3A_20 = vector.shape_cast %div3A_19 : vector<32x200xf32> to vector<32x200x1xf32>
    %mul3A_21 = vector.broadcast %broadcast_in_dim3A_20 : vector<32x200x1xf32> to vector<32x200x128xf32>
    %mul3A_22 = arith.mulf %tanh3A, %mul3A_21 : vector<32x200x128xf32>
    %reduce_sum3A_23 = arith.constant dense<0.000000e+00> : vector<32x128xf32>
    %reduce_sum3A_24 = vector.multi_reduction <add>, %mul3A_22, %reduce_sum3A_23 [1] : vector<32x200x128xf32> to vector<32x128xf32>
    %swap3A = arith.constant 0 : index
    %swap3A_25 = arith.constant 0 : index
    %swap3A_26 = vector.load %arg5[%swap3A, %swap3A_25] : memref<32x128xf32, #tpu.memory_space<vmem>>, vector<32x128xf32>
    tpu.vector_store %arg5[%swap3A, %swap3A_25], %reduce_sum3A_24 {strides = array<i32>} : memref<32x128xf32, #tpu.memory_space<vmem>>, vector<32x128xf32>,
    %get3A_27 = arith.constant 0 : index
    %get3A_28 = arith.constant 0 : index
    %get3A_29 = vector.load %arg4[%get3A_27, %get3A_28] : memref<128x1000xf32, #tpu.memory_space<vmem>>, vector<128x1000xf32>
    %dot_general3A = arith.constant dense<0.000000e+00> : vector<32x1000xf32>
    %dot_general3A_30 = tpu.matmul %reduce_sum3A_24, %get3A_29, %dot_general3A {dimension_numbers = #tpu.dot_dimension_numbers<[1], [0], [0], [1], [0, 0, 1, 1], [], []>, transpose_lhs_hint = false} : vector<32x128xf32>, vector<128x1000xf32>, vector<32x1000xf32> -> vector<32x1000xf32>
    %swap3A_31 = arith.constant 0 : index
    %swap3A_32 = arith.constant 0 : index
    %swap3A_33 = vector.load %arg6[%swap3A_31, %swap3A_32] : memref<32x1000xf32, #tpu.memory_space<vmem>>, vector<32x1000xf32>
    tpu.vector_store %arg6[%swap3A_31, %swap3A_32], %dot_general3A_30 {strides = array<i32>} : memref<32x1000xf32, #tpu.memory_space<vmem>>, vector<32x1000xf32>,
    return
  }
  func.func @transform_0(%arg0: i32) -> (i32, i32, i32) {
    %c0_i32 = arith.constant 0 : i32
    %c0_i32_0 = arith.constant 0 : i32
    %c0_i32_1 = arith.constant 0 : i32
    return %arg0, %c0_i32, %c0_i32_0 : i32, i32, i32
  }
  func.func @transform_1(%arg0: i32) -> (i32, i32) {
    %add3A = arith.constant 8 : i32
    %add3A_0 = arith.addi %add3A, %arg0 : i32
    %c0_i32 = arith.constant 0 : i32
    %c0_i32_1 = arith.constant 0 : i32
    return %add3A_0, %c0_i32 : i32, i32
  }
  func.func @transform_2(%arg0: i32) -> (i32, i32) {
    %c0_i32 = arith.constant 0 : i32
    %c0_i32_0 = arith.constant 0 : i32
    %c0_i32_1 = arith.constant 0 : i32
    return %c0_i32, %c0_i32_0 : i32, i32
  }
  func.func @transform_3(%arg0: i32) -> (i32, i32) {
    %c0_i32 = arith.constant 0 : i32
    %c0_i32_0 = arith.constant 0 : i32
    %c0_i32_1 = arith.constant 0 : i32
    return %c0_i32, %c0_i32_0 : i32, i32
  }
  func.func @transform_4(%arg0: i32) -> (i32, i32) {
    %c0_i32 = arith.constant 0 : i32
    %c0_i32_0 = arith.constant 0 : i32
    return %arg0, %c0_i32 : i32, i32
  }
  func.func @transform_5(%arg0: i32) -> (i32, i32) {
    %c0_i32 = arith.constant 0 : i32
    %c0_i32_0 = arith.constant 0 : i32
    return %arg0, %c0_i32 : i32, i32
  }
}

module attributes {stable_mosaic.version = 14 : i64} {
  func.func @_tc_slim_body(%arg0: i32, %arg1: memref<32x200x128xf32, #tpu.memory_space<vmem>>, %arg2: memref<32x200xi32, #tpu.memory_space<vmem>>, %arg3: memref<1x128xf32, #tpu.memory_space<vmem>>, %arg4: memref<128x1000xf32, #tpu.memory_space<vmem>>, %arg5: memref<32x128xf32, #tpu.memory_space<vmem>>, %arg6: memref<32x1000xf32, #tpu.memory_space<vmem>>) attributes {dimension_semantics = [#tpu.dimension_semantics<arbitrary>], iteration_bounds = array<i64: 8>, scalar_prefetch = 0 : i64, scratch_operands = 0 : i64, tpu.core_type = #tpu.core_type<tc>, window_params = [{transform_indices = @transform_0, window_bounds = array<i64: 32, 200, 128>}, {transform_indices = @transform_1, window_bounds = array<i64: 32, 200>}, {pipeline_mode = #tpu.pipeline_mode<synchronous>, transform_indices = @transform_2, window_bounds = array<i64: 1, 128>}, {pipeline_mode = #tpu.pipeline_mode<synchronous>, transform_indices = @transform_3, window_bounds = array<i64: 128, 1000>}, {transform_indices = @transform_4, window_bounds = array<i64: 32, 128>}, {transform_indices = @transform_5, window_bounds = array<i64: 32, 1000>}]} {
    %get3A = arith.constant 0 : index
    %get3A_0 = arith.constant 0 : index
    %get3A_1 = arith.constant 0 : index
    %get3A_2 = vector.load %arg1[%get3A, %get3A_0, %get3A_1] : memref<32x200x128xf32, #tpu.memory_space<vmem>>, vector<32x200x128xf32>
    %tanh3A = math.tanh %get3A_2 : vector<32x200x128xf32>
    %get3A_3 = arith.constant 0 : index
    %get3A_4 = arith.constant 0 : index
    %get3A_5 = vector.load %arg3[%get3A_3, %get3A_4] : memref<1x128xf32, #tpu.memory_space<vmem>>, vector<1x128xf32>
    %reshape3A = vector.shape_cast %get3A_5 : vector<1x128xf32> to vector<1x1x128xf32>
    %mul3A = vector.broadcast %reshape3A : vector<1x1x128xf32> to vector<32x200x128xf32>
    %mul3A_6 = arith.mulf %tanh3A, %mul3A : vector<32x200x128xf32>
    %reduce_sum3A = arith.constant dense<0.000000e+00> : vector<32x200xf32>
    %reduce_sum3A_7 = vector.multi_reduction <add>, %mul3A_6, %reduce_sum3A [2] : vector<32x200x128xf32> to vector<32x200xf32>
    %get3A_8 = arith.constant 0 : index
    %get3A_9 = arith.constant 0 : index
    %get3A_10 = vector.load %arg2[%get3A_8, %get3A_9] : memref<32x200xi32, #tpu.memory_space<vmem>>, vector<32x200xi32>
    %gt3A = arith.constant 1 : i32
    %gt3A_11 = vector.broadcast %gt3A : i32 to vector<32x200xi32>
    %gt3A_12 = arith.cmpi sgt, %get3A_10, %gt3A_11 : vector<32x200xi32>
    %jit3A = arith.constant -2.000000e+10 : f32
    %broadcast_in_dim3A = vector.broadcast %jit3A : f32 to vector<32x200xf32>
    %select_n3A = arith.select %gt3A_12, %reduce_sum3A_7, %broadcast_in_dim3A : vector<32x200xi1>, vector<32x200xf32>
    %reduce_max3A = arith.constant dense<0xFF800000> : vector<32xf32>
    %reduce_max3A_13 = vector.multi_reduction <maximumf>, %select_n3A, %reduce_max3A [1] : vector<32x200xf32> to vector<32xf32>
    %broadcast_in_dim3A_14 = vector.shape_cast %reduce_max3A_13 : vector<32xf32> to vector<32x1xf32>
    %sub3A = vector.broadcast %broadcast_in_dim3A_14 : vector<32x1xf32> to vector<32x200xf32>
    %sub3A_15 = arith.subf %select_n3A, %sub3A : vector<32x200xf32>
    %exp3A = math.exp %sub3A_15 : vector<32x200xf32>
    %reduce_sum3A_16 = arith.constant dense<0.000000e+00> : vector<32xf32>
    %reduce_sum3A_17 = vector.multi_reduction <add>, %exp3A, %reduce_sum3A_16 [1] : vector<32x200xf32> to vector<32xf32>
    %broadcast_in_dim3A_18 = vector.shape_cast %reduce_sum3A_17 : vector<32xf32> to vector<32x1xf32>
    %div3A = vector.broadcast %broadcast_in_dim3A_18 : vector<32x1xf32> to vector<32x200xf32>
    %div3A_19 = arith.divf %exp3A, %div3A : vector<32x200xf32>
    %broadcast_in_dim3A_20 = vector.shape_cast %div3A_19 : vector<32x200xf32> to vector<32x200x1xf32>
    %mul3A_21 = vector.broadcast %broadcast_in_dim3A_20 : vector<32x200x1xf32> to vector<32x200x128xf32>
    %mul3A_22 = arith.mulf %tanh3A, %mul3A_21 : vector<32x200x128xf32>
    %reduce_sum3A_23 = arith.constant dense<0.000000e+00> : vector<32x128xf32>
    %reduce_sum3A_24 = vector.multi_reduction <add>, %mul3A_22, %reduce_sum3A_23 [1] : vector<32x200x128xf32> to vector<32x128xf32>
    %swap3A = arith.constant 0 : index
    %swap3A_25 = arith.constant 0 : index
    %swap3A_26 = vector.load %arg5[%swap3A, %swap3A_25] : memref<32x128xf32, #tpu.memory_space<vmem>>, vector<32x128xf32>
    tpu.vector_store %arg5[%swap3A, %swap3A_25], %reduce_sum3A_24 {strides = array<i32>} : memref<32x128xf32, #tpu.memory_space<vmem>>, vector<32x128xf32>,
    %get3A_27 = arith.constant 0 : index
    %get3A_28 = arith.constant 0 : index
    %get3A_29 = vector.load %arg4[%get3A_27, %get3A_28] : memref<128x1000xf32, #tpu.memory_space<vmem>>, vector<128x1000xf32>
    %dot_general3A = arith.constant dense<0.000000e+00> : vector<32x1000xf32>
    %dot_general3A_30 = tpu.matmul %reduce_sum3A_24, %get3A_29, %dot_general3A {dimension_numbers = #tpu.dot_dimension_numbers<[1], [0], [0], [1], [0, 0, 1, 1], [], []>, transpose_lhs_hint = false} : vector<32x128xf32>, vector<128x1000xf32>, vector<32x1000xf32> -> vector<32x1000xf32>
    %swap3A_31 = arith.constant 0 : index
    %swap3A_32 = arith.constant 0 : index
    %swap3A_33 = vector.load %arg6[%swap3A_31, %swap3A_32] : memref<32x1000xf32, #tpu.memory_space<vmem>>, vector<32x1000xf32>
    tpu.vector_store %arg6[%swap3A_31, %swap3A_32], %dot_general3A_30 {strides = array<i32>} : memref<32x1000xf32, #tpu.memory_space<vmem>>, vector<32x1000xf32>,
    return
  }
  func.func @transform_0(%arg0: i32) -> (i32, i32, i32) {
    %c0_i32 = arith.constant 0 : i32
    %c0_i32_0 = arith.constant 0 : i32
    %c0_i32_1 = arith.constant 0 : i32
    return %arg0, %c0_i32, %c0_i32_0 : i32, i32, i32
  }
  func.func @transform_1(%arg0: i32) -> (i32, i32) {
    %add3A = arith.constant 0 : i32
    %add3A_0 = arith.addi %add3A, %arg0 : i32
    %c0_i32 = arith.constant 0 : i32
    %c0_i32_1 = arith.constant 0 : i32
    return %add3A_0, %c0_i32 : i32, i32
  }
  func.func @transform_2(%arg0: i32) -> (i32, i32) {
    %c0_i32 = arith.constant 0 : i32
    %c0_i32_0 = arith.constant 0 : i32
    %c0_i32_1 = arith.constant 0 : i32
    return %c0_i32, %c0_i32_0 : i32, i32
  }
  func.func @transform_3(%arg0: i32) -> (i32, i32) {
    %c0_i32 = arith.constant 0 : i32
    %c0_i32_0 = arith.constant 0 : i32
    %c0_i32_1 = arith.constant 0 : i32
    return %c0_i32, %c0_i32_0 : i32, i32
  }
  func.func @transform_4(%arg0: i32) -> (i32, i32) {
    %c0_i32 = arith.constant 0 : i32
    %c0_i32_0 = arith.constant 0 : i32
    return %arg0, %c0_i32 : i32, i32
  }
  func.func @transform_5(%arg0: i32) -> (i32, i32) {
    %c0_i32 = arith.constant 0 : i32
    %c0_i32_0 = arith.constant 0 : i32
    return %arg0, %c0_i32 : i32, i32
  }
}

</mosaic_0001>

<sc_bundles>
// kernel: kernel.12.cloned.1.call-start
scs
__scs_entry_jumppad:
0x0: {  	(pc) =	sbr.rel $0x88, $3  }
0x1: {  	(tag) =	ssettag $0x0;
	lr =	simm.s32 $0x1  }
0x2: {  	[smem:$0x3F99] =	sst lr;
	_ =	strace $0xD0000000  }
0x3: {  	_ = 	snop  }
0x4: {  	_ = 	snop  }
0x5: {  	_ = 	snop  }
0x6: {  	_ = 	snop  }
0x7: {  	_ = 	snop  }
__scs_overlays_trampoline_lowered:
0x8: {  	[smem:$0x3FA8] =	sst s0  }
0x9: {  	[smem:$0x3FA9] =	sst s1  }
0xa: {  	[smem:$0x3FAA] =	sst s2  }
0xb: {  	[smem:$0x3FAB] =	sst s3  }
0xc: {  	[smem:$0x3FAC] =	sst s4  }
0xd: {  	[smem:$0x3FAD] =	sst s5  }
0xe: {  	[smem:$0x3FAE] =	sst s6  }
0xf: {  	[smem:$0x3FAF] =	sst s7  }
0x10: {  	[smem:$0x3FB0] =	sst s8  }
0x11: {  	[smem:$0x3FB1] =	sst s9;
	s0 =	simm.s32 @!p0 $0x0  }
0x12: {  	s1 =	sld [smem:$0x3F97];
	s0 =	simm.s32 @p0 $0x1  }
0x13: {  	[smem:$0x3FB2] =	sst s0;
	s0 =	simm.s32 @!p1 $0x0  }
0x14: {  	s2 =	sld [smem:$0x3F96];
	s0 =	simm.s32 @p1 $0x1  }
0x15: {  	[smem:$0x3FB3] =	sst s0;
	s0 =	simm.s32 @!p2 $0x0  }
0x16: {  	s3 =	sld [smem:$0x3FDB];
	s0 =	simm.s32 @p2 $0x1  }
0x17: {  	s4 =	simm.s32 $0x1BF5;
	[smem:$0x3FB5] =	sst s0  }
0x18: {  	s0 =	sld [smem:$0x3F98];
	_ =	swait.ge [sflag:s4], $0x0  }
0x19: {  	s7 =	sld [smem:$0x3F99]  }
0x1a: {  	s8 =	sadd.s32 $0xFFFFE003, lr  }
0x1b: {  	s9 =	sadd.s32 $0xFFFFFEF7, lr;
	s5 =	simm.s32 $0xFFFFFFFF;
	p2 =	slt.u32 s8, $0xFFFFF086  }
0x1c: {  	p1 =	slt.u32 s9, $0xF7A;
	s5 =	simm.s32 @!p2 $0x0  }
0x1d: {  	s5 =	simm.s32 @p1 $0x1;
	p0 =	seq.s32 s7, s2  }
0x1e: {  	s7 =	smul.u32 @!p0 $0xF7A, s2;
	p2 =	seq.s32 @!p0 s5, $0x0  }
0x1f: {  	s9 =	smul.u32 $0xF7A, s1;
	s8 =	simm.s32 @!p0 $0x1BF5;
	p2 =	por !p2, p0  }
0x20: {  	[sflag:s8] =	ssyncset.s32 @!p0 $0xFFFFF086;
	s6 =	sadd.s32 @!p0 s3, s7;
	s7 =	simm.s32 @!p0 $0x108  }
0x21: {  	s3 =	sadd.s32 s3, s9;
	s6 =	sadd.s32 @!p0 $0x88, s6;
	s7 =	simm.s32 @p2 $0x1082  }
0x22: {  	[simem:s7], [sflag:s8] =	dma.local @!p0 [hbm:s6], $0xF7A  }
0x23: {  	s9 =	sor.u32 $0xD0000000, s2;
	s6 =	simm.s32 $0x108;
	_ =	swait.ge @!p0 [sflag:s8], $0x0  }
0x24: {  	s3 =	sadd.s32 $0x88, s3;
	s6 =	simm.s32 @!p1 $0x1082;
	[sflag:s4] =	ssyncset.s32 $0xFFFFF086  }
0x25: {  	[simem:s6], [sflag:s4] =	dma.local [hbm:s3], $0xF7A  }
0x26: {  	[smem:$0x3F99] =	sst s1;
	(tag) =	ssettag s2;
	_ =	strace s9  }
0x27: {  	s1 =	sld [smem:$0x3FA9]  }
0x28: {  	s2 =	sld [smem:$0x3FAA]  }
0x29: {  	s4 =	sld [smem:$0x3FAC]  }
0x2a: {  	p0 =	seq.s32 s5, $0x0;
	s5 =	sld [smem:$0x3FAD]  }
0x2b: {  	s6 =	sld [smem:$0x3FAE]  }
0x2c: {  	s7 =	sld [smem:$0x3FAF]  }
0x2d: {  	s3 =	simm.s32 $0x108;
	s8 =	sld [smem:$0x3FB0]  }
0x2e: {  	s3 =	simm.s32 @!p0 $0x1082;
	s9 =	sld [smem:$0x3FB1]  }
0x2f: {  	lr =	sadd.s32 s0, s3;
	s0 =	sld [smem:$0x3FA8]  }
0x30: {  	s3 =	sld [smem:$0x3FAB]  }
0x31: {  	[smem:$0x3FB4] =	sst s10  }
0x32: {  	s10 =	sld [smem:$0x3FB2];
	_ =	sdelay $0x3  }
0x33: {  	p0 =	seq.s32 s10, $0x1;
	s10 =	sld [smem:$0x3FB4];
	_ =	sdelay $0x3  }
0x34: {  	[smem:$0x3FB4] =	sst s10  }
0x35: {  	s10 =	sld [smem:$0x3FB3];
	_ =	sdelay $0x3  }
0x36: {  	p1 =	seq.s32 s10, $0x1;
	s10 =	sld [smem:$0x3FB4];
	_ =	sdelay $0x3  }
0x37: {  	[smem:$0x3FB4] =	sst s10  }
0x38: {  	s10 =	sld [smem:$0x3FB5]  }
0x39: {  	_ = 	snop;
	(pc) =	sbr.ind lr, $3  }
0x3a: {  	_ = 	snop  }
0x3b: {  	_ = 	snop  }
0x3c: {  	p2 =	seq.s32 s10, $0x1;
	s10 =	sld [smem:$0x3FB4]  }
0x3d: {  	_ =	shalt  }
0x3e: {  	_ =	shalt  }
0x3f: {  	_ =	shalt  }
0x40: {  	_ =	shalt  }
0x41: {  	_ =	shalt  }
0x42: {  	_ =	shalt  }
0x43: {  	_ =	shalt  }
0x44: {  	_ =	shalt  }
0x45: {  	_ =	shalt  }
0x46: {  	_ =	shalt  }
0x47: {  	_ =	shalt  }
0x48: {  	_ =	shalt  }
0x49: {  	_ =	shalt  }
0x4a: {  	_ =	shalt  }
0x4b: {  	_ =	shalt  }
0x4c: {  	_ =	shalt  }
0x4d: {  	_ =	shalt  }
0x4e: {  	_ =	shalt  }
0x4f: {  	_ =	shalt  }
0x50: {  	_ =	shalt  }
0x51: {  	_ =	shalt  }
0x52: {  	_ =	shalt  }
0x53: {  	_ =	shalt  }
0x54: {  	_ =	shalt  }
0x55: {  	_ =	shalt  }
0x56: {  	_ =	shalt  }
0x57: {  	_ =	shalt  }
0x58: {  	_ =	shalt  }
0x59: {  	_ =	shalt  }
0x5a: {  	_ =	shalt  }
0x5b: {  	_ =	shalt  }
0x5c: {  	_ =	shalt  }
0x5d: {  	_ =	shalt  }
0x5e: {  	_ =	shalt  }
0x5f: {  	_ =	shalt  }
0x60: {  	_ =	shalt  }
0x61: {  	_ =	shalt  }
0x62: {  	_ =	shalt  }
0x63: {  	_ =	shalt  }
0x64: {  	_ =	shalt  }
0x65: {  	_ =	shalt  }
0x66: {  	_ =	shalt  }
0x67: {  	_ =	shalt  }
0x68: {  	_ =	shalt  }
0x69: {  	_ =	shalt  }
0x6a: {  	_ =	shalt  }
0x6b: {  	_ =	shalt  }
0x6c: {  	_ =	shalt  }
0x6d: {  	_ =	shalt  }
0x6e: {  	_ =	shalt  }
0x6f: {  	_ =	shalt  }
0x70: {  	_ =	shalt  }
0x71: {  	_ =	shalt  }
0x72: {  	_ =	shalt  }
0x73: {  	_ =	shalt  }
0x74: {  	_ =	shalt  }
0x75: {  	_ =	shalt  }
0x76: {  	_ =	shalt  }
0x77: {  	_ =	shalt  }
0x78: {  	_ =	shalt  }
0x79: {  	_ =	shalt  }
0x7a: {  	_ =	shalt  }
0x7b: {  	_ =	shalt  }
0x7c: {  	_ =	shalt  }
0x7d: {  	_ =	shalt  }
0x7e: {  	_ =	shalt  }
0x7f: {  	_ =	shalt  }
0x80: {  	_ =	shalt  }
0x81: {  	_ =	shalt  }
0x82: {  	_ =	shalt  }
0x83: {  	_ =	shalt  }
0x84: {  	_ =	shalt  }
0x85: {  	_ =	shalt  }
0x86: {  	_ =	shalt  }
0x87: {  	_ =	shalt  }
.Lfunc_end0:
.L_simem_size_0:
called_computation_lowered:
.L_overlay_start_0:
0x88: {  	s2 =	sld [smem:$0x3FD9]  }
0x89: {  	s3 =	sld [smem:$0x3FFE];
	_ =	sdelay $0x1  }
0x8a: {  	s1 =	srdreg.scid  }
0x8b: {  	s0 =	sand.u32 $0x1, s1  }
0x8c: {  	s17 =	sshll.u32 s0, $0xA;
	s2 =	sadd.s32 s3, s2  }
0x8d: {  	s2 =	sadd.s32 s2, s17  }
0x8e: {  	[smem:$0x3FC0] =	sst s2  }
0x8f: {  	_ = 	snop  }
0x90: {  	(tm) =	ssettm $0x1  }
0x91: {  	s18 =	sld [smem:$0x3FFB];
	_ =	sdelay $0x3  }
0x92: {  	_ =	strace s18  }
0x93: {  	s2 =	sld [smem:$0x3FFC];
	_ =	sdelay $0x3  }
0x94: {  	_ =	strace s2  }
0x95: {  	s2 =	sld [smem:$0x3FFD];
	_ =	sdelay $0x3  }
0x96: {  	_ =	strace s2  }
0x97: {  	_ =	strace $0x8FFFFFFF  }
0x98: {  	s19 =	sld [smem:$0x3FDB];
	_ =	sdelay $0x1  }
0x99: {  	s20 =	simm.s32 $_scs_section_size  }
0x9a: {  	s4 =	simm.s32 $_size__tile_overlayer_lowered;
	s5 =	simm.s32 $_tile_overlayer_lowered  }
0x9b: {  	s6 =	simm.s32 $0x1BFF;
	s21 =	sshll.u32 s5, $0x1;
	s3 =	sadd.s32 s20, s19  }
0x9c: {  	s22 =	simm.s32 $0x0;
	s4 =	sshll.u32 s4, $0x1;
	s5 =	sadd.s32 s21, s3  }
0x9d: {  	[timem:s22], [sflag:s6] =	dma.local [hbm:s5], s4  }
0x9e: {  	_ =	swait.ge [sflag:s6], s4  }
0x9f: {  	s4 =	ssub.s32 $0x0, s4;
	[sflag:s6] =	ssyncset.done $0x0  }
0xa0: {  	[sflag:s6] =	ssyncadd.s32 s4;
	_ =	sdelay $0x1  }
0xa1: {  	s23 =	simm.s32 $0x1B8B  }
0xa2: {  	_ =	swait.ge [sflag:s23], $0x1  }
0xa3: {  	[sflag:s23] =	ssyncset.done $0x0  }
0xa4: {  	[sflag:s23] =	ssyncadd.s32 $0xFFFFFFFF  }
0xa5: {  	s4 =	sld [smem:$0x0]  }
0xa6: {  	s5 =	sand.u32 $0xFFFFFFFE, s1  }
0xa7: {  	p0 =	sne.s32 s1, s5  }
0xa8: {  	s5 =	sshll.u32 @p0 s5, $0xE  }
0xa9: {  	s5 =	sadd.s32 @p0 $0x11B8D, s5;
	s6 =	sshll.u32 @p0 s4, $0x11  }
0xaa: {  	s5 =	sor.u32 @p0 s6, s5  }
0xab: {  	[sflag:s5] =	ssyncadd.remote.s32 @p0 $0x1;
	_ =	sdelay $0x1  }
0xac: {  	s5 =	simm.s32 @p0 $0x1B8D  }
0xad: {  	_ =	swait.eq @p0 [sflag:s5], $0x1  }
0xae: {  	[sflag:s5] =	ssyncadd.s32 @p0 $0xFFFFFFFF  }
0xaf: {  	s6 =	sshll.u32 @!p0 s1, $0xE  }
0xb0: {  	s6 =	sor.u32 @!p0 $0x4000, s6;
	s5 =	simm.s32 @!p0 $0x1B8D  }
0xb1: {  	s4 =	sshll.u32 @!p0 s4, $0x11;
	s6 =	sadd.s32 @!p0 $0x11B8D, s6;
	_ =	swait.eq @!p0 [sflag:s5], $0x1  }
0xb2: {  	s4 =	sor.u32 @!p0 s4, s6;
	[sflag:s5] =	ssyncadd.s32 @!p0 $0xFFFFFFFF  }
0xb3: {  	s25 =	simm.s32 $0x1B8E;
	s24 =	sld [smem:$0x3FFE];
	[sflag:s4] =	ssyncadd.remote.s32 @!p0 $0x1  }
0xb4: {  	s26 =	simm.s32 $execute0_lowered;
	[smem:$0x3FD2] =	sst s25  }
0xb5: {  	s5 =	sshll.u32 s26, $0x1;
	_ =	strace $0x8000004F;
	[dreg:$0x1] =	wrdreg $0xFFFFFFFF  }
0xb6: {  	s28 =	simm.s32 $_size_execute0_lowered;
	s3 =	sadd.s32 s3, s5;
	[dreg:$0x0] =	wrdreg $0x0  }
0xb7: {  	s5 =	sshll.u32 s28, $0x1;
	[dreg:$0x2] =	wrdreg s3  }
0xb8: {  	[dreg:$0x3] =	wrdreg s5  }
0xb9: {  	[dreg:$0x4] =	wrdreg $0xC0  }
0xba: {  	_ =	task [dreg:s22], $0x5FFFF  }
0xbb: {  	[dreg:$0x1] =	wrdreg $0xFFFFFFFF  }
0xbc: {  	[dreg:$0x0] =	wrdreg $0x60  }
0xbd: {  	[dreg:$0x2] =	wrdreg s24  }
0xbe: {  	[dreg:$0x3] =	wrdreg $0x9  }
0xbf: {  	_ =	task.clear_ibuf [dreg:s22], $0x4FFFF;
	_ =	strace $0x9000004F  }
0xc0: {  	s29 =	simm.s32 $0x9;
	_ =	strace $0x80000051  }
0xc1: {  	_ =	swait.ge [sflag:s29], $0x1  }
0xc2: {  	[sflag:s29] =	ssyncadd.s32 $0xFFFFFFFF  }
0xc3: {  	_ =	strace $0x90000051  }
0xc4: {  	_ =	sfence  }
0xc5: {  	s30 =	sld [smem:$0x0];
	_ =	sdelay $0x2  }
0xc6: {  	s31 =	sshll.u32 s1, $0xD;
	s1 =	sshrl.u32 s1, $0x2  }
0xc7: {  	s4 =	sand.u32 $0x4000, s31;
	s1 =	sadd.s32 s1, s30  }
0xc8: {  	s0 =	sor.u32 s4, s0;
	s1 =	sshll.u32 s1, $0x11  }
0xc9: {  	s0 =	sor.u32 s1, s0  }
0xca: {  	s0 =	sadd.s32 $0x8F2B, s0  }
0xcb: {  	[sflag:s0] =	ssyncadd.remote.s32 $0x1  }
0xcc: {  	_ =	sfence.sel $0xFFFF  }
0xcd: {  	[dreg:$0x0] =	wrdreg $0xFFFFFFFF;
	(pc) =	sbr.abs _section_cstart, $3  }
0xce: {  	[dreg:$0x1] =	wrdreg $0xFFFFFFFF  }
0xcf: {  	_ =	task.clear_ibuf [dreg:s22], $0x2FFFF;
	_ =	strace $0x9FFFFFFF  }
0xd0: {  	(tm) =	ssettm $0x7FFFFFFF  }
0xd1: {  	_ =	shalt  }
tec
execute0_lowered:
.L_overlay_start_1:
0x0: {  	(tag) =	ssettag $0x1  }
0x1: {  	s1 =	srdreg.scid  }
0x2: {  	s0 =	stileid.u32;
	s7 =	rddreg [dreg:$0x0]  }
0x3: {  	s3 =	simm.s32 $0x0;
	s13 =	simm.s32 $0x5;
	s14 =	simm.s32 $0x680  }
0x4: {  	s15 =	simm.s32 $0xD00;
	s16 =	simm.s32 $0x50;
	s17 =	simm.s32 $0x1380  }
0x5: {  	s18 =	simm.s32 $0x3B80;
	s19 =	simm.s32 $0x6D0;
	s20 =	simm.s32 $0xD50  }
0x6: {  	s21 =	simm.s32 $0x1;
	s22 =	simm.s32 $0x2;
	s23 =	simm.s32 $0x3  }
0x7: {  	s24 =	simm.s32 $0x4;
	s4 =	sand.u32 $0x1, s1;
	s31 =	sshll.u32 s0, $0x1  }
0x8: {  	s25 =	simm.s32 $0x0;
	[smem:$0x7FF] =	sst s3;
	s1 =	sor.u32 s4, s31  }
0x9: {  	s6 =	sadd.s32 $0x25F000, s7;
	s8 =	ssub.s32 $0x2, s4;
	s2 =	smul.u32 $0x640, s1  }
.Ltmp0:
0xa: {  	s4 =	sadd.s32 $0xD8600, s7;
	s9 =	sshrl.u32 s8, $0x1;
	(pc) =	sbr.rel .LBB2_1-.Ltmp0, $4  }
0xb: {  	s1 =	rddreg [dreg:$0x1];
	_ =	strace $0x80000050;
	s12 =	ssub.s32 s8, s9  }
0xc: {  	s5 =	sshrl.u32 s2, $0x3;
	s11 =	sadd.s32 $0x50, s2;
	s12 =	smax.u32 s12, $0x1  }
0xd: {  	s10 =	sadd.s32 s5, s7;
	s5 =	sadd.s32 $0x15000, s7;
	s7 =	sadd.s32 $0x63DA00, s7  }
0xe: {  	v0 =	vimm.f32 $0.0e+00;
	s8 =	sadd.s32 $0x2400, s10;
	s9 =	sadd.s32 $0x8800, s10;
	s10 =	sadd.s32 $0xEC00, s10  }
.LBB2_12:
0xf: {  	s25 =	sadd.s32 $0x1, s25  }
0x10: {  	p0 =	sne.s32 s25, s12  }
.Ltmp1:
0x11: {  	_ = 	snop;
	(pc) =	sbr.rel @!p0 .LBB2_13-.Ltmp1, $4  }
0x12: {  	_ = 	snop  }
0x13: {  	_ =	swait.ge [sflag:s24], $0x2800  }
0x14: {  	[sflag:s24] =	ssyncset.done $0x0  }
0x15: {  	[sflag:s24] =	ssyncadd.s32 $0xFFFFD800  }
.LBB2_1:
0x16: {  	[tilespmem:s3], [sflag:$0x5] =	stream.linear.gather [hbm4b:s8+s3], $0x640, $0x38;
	[tilespmem:$0x6380] =	vst v63  }
0x17: {  	_ =	swait.ge [sflag:s13], $0x640  }
0x18: {  	[sflag:s13] =	ssyncset.done $0x0  }
0x19: {  	[sflag:s13] =	ssyncadd.s32 $0xFFFFF9C0  }
0x1a: {  	[tilespmem:s14], [sflag:$0x5] =	stream.linear.gather [hbm4b:s9+s3], $0x640, $0x38;
	[tilespmem:$0x6380] =	vst v63  }
0x1b: {  	_ =	swait.ge [sflag:s13], $0x640  }
0x1c: {  	[sflag:s13] =	ssyncset.done $0x0  }
0x1d: {  	[sflag:s13] =	ssyncadd.s32 $0xFFFFF9C0  }
0x1e: {  	[tilespmem:s15], [sflag:$0x5] =	stream.linear.gather [hbm4b:s10+s3], $0x640, $0x38;
	[tilespmem:$0x6380] =	vst v63  }
0x1f: {  	_ =	swait.ge [sflag:s13], $0x640  }
0x20: {  	[sflag:s13] =	ssyncset.done $0x0  }
0x21: {  	s26 =	simm.s32 $0x0;
	s28 =	simm.s32 $0x200;
	[sflag:s13] =	ssyncadd.s32 $0xFFFFF9C0  }
.LBB2_2:
0x22: {  	p0 =	sne.s32 s28, $0x9E00;
	[tilespmem:s26+$0x13F0] =	vst v0  }
0x23: {  	[tilespmem:s26+$0x1380] =	vst v0  }
0x24: {  	[tilespmem:s26+$0x1390] =	vst v0  }
.Ltmp2:
0x25: {  	[tilespmem:s26+$0x13A0] =	vst v0;
	(pc) =	sbr.rel @p0 .LBB2_2-.Ltmp2, $4  }
0x26: {  	[tilespmem:s26+$0x13B0] =	vst v0  }
0x27: {  	[tilespmem:s26+$0x13C0] =	vst v0  }
0x28: {  	[tilespmem:s26+$0x13D0] =	vst v0  }
0x29: {  	[tilespmem:s26+$0x13E0] =	vst v0;
	s26 =	sshra.s32 s28, $0x2;
	s28 =	sadd.s32 $0x200, s28  }
0x2a: {  	[tilespmem:s26+$0x13F0] =	vst v0  }
0x2b: {  	[tilespmem:s26+$0x1380] =	vst v0  }
0x2c: {  	[tilespmem:s26+$0x1390] =	vst v0  }
0x2d: {  	[tilespmem:s26+$0x13A0] =	vst v0  }
0x2e: {  	[tilespmem:s26+$0x13B0] =	vst v0  }
0x2f: {  	[tilespmem:s26+$0x13C0] =	vst v0  }
0x30: {  	[tilespmem:s26+$0x13D0] =	vst v0  }
0x31: {  	[tilespmem:s26+$0x13E0] =	vst v0;
	s31 =	simm.s32 $0x0  }
0x32: {  	[tilespmem:s17], [sflag:$0x1] =	stream.indirect.gather.add.f32 [hbm:s4], $0x80, s31, s16, $0xb8;
	[tilespmem:$0x6380] =	vst v63  }
0x33: {  	_ = 	snop  }
0x34: {  	[tilespmem:s17], [sflag:$0x1] =	stream.indirect.gather.add.f32 [hbm:s5], $0x80, s14, s16, $0xb8;
	[tilespmem:$0x6380] =	vst v63  }
0x35: {  	s26 =	simm.s32 $0x0;
	s28 =	simm.s32 $0x200  }
0x36: {  	[tilespmem:s17], [sflag:$0x1] =	stream.indirect.gather.add.f32 [hbm:s6], $0x80, s15, s16, $0xb8;
	[tilespmem:$0x6380] =	vst v63  }
.LBB2_4:
0x37: {  	p0 =	sne.s32 s28, $0x9E00;
	[tilespmem:s26+$0x3BF0] =	vst v0  }
0x38: {  	[tilespmem:s26+$0x3B80] =	vst v0  }
0x39: {  	[tilespmem:s26+$0x3B90] =	vst v0  }
.Ltmp3:
0x3a: {  	[tilespmem:s26+$0x3BA0] =	vst v0;
	(pc) =	sbr.rel @p0 .LBB2_4-.Ltmp3, $4  }
0x3b: {  	[tilespmem:s26+$0x3BB0] =	vst v0  }
0x3c: {  	[tilespmem:s26+$0x3BC0] =	vst v0  }
0x3d: {  	[tilespmem:s26+$0x3BD0] =	vst v0  }
0x3e: {  	[tilespmem:s26+$0x3BE0] =	vst v0;
	s26 =	sshra.s32 s28, $0x2;
	s28 =	sadd.s32 $0x200, s28  }
0x3f: {  	[tilespmem:s26+$0x3BF0] =	vst v0  }
0x40: {  	[tilespmem:s26+$0x3B80] =	vst v0  }
0x41: {  	[tilespmem:s26+$0x3B90] =	vst v0  }
0x42: {  	[tilespmem:s26+$0x3BA0] =	vst v0  }
0x43: {  	[tilespmem:s26+$0x3BB0] =	vst v0  }
0x44: {  	[tilespmem:s26+$0x3BC0] =	vst v0  }
0x45: {  	[tilespmem:s26+$0x3BD0] =	vst v0  }
0x46: {  	[tilespmem:s26+$0x3BE0] =	vst v0  }
0x47: {  	[tilespmem:s18], [sflag:$0x2] =	stream.indirect.gather.add.f32 [hbm:s4], $0x80, s16, s16, $0xb8;
	[tilespmem:$0x6380] =	vst v63  }
0x48: {  	_ = 	snop  }
0x49: {  	[tilespmem:s18], [sflag:$0x2] =	stream.indirect.gather.add.f32 [hbm:s5], $0x80, s19, s16, $0xb8;
	[tilespmem:$0x6380] =	vst v63  }
0x4a: {  	s26 =	simm.s32 $0x0;
	s28 =	simm.s32 $0x0  }
0x4b: {  	[tilespmem:s18], [sflag:$0x2] =	stream.indirect.gather.add.f32 [hbm:s6], $0x80, s20, s16, $0xb8;
	[tilespmem:$0x6380] =	vst v63  }
.LBB2_6:
0x4c: {  	_ =	swait.ge [sflag:s21], $0x2800  }
0x4d: {  	[sflag:s21] =	ssyncset.done $0x0  }
0x4e: {  	[sflag:s21] =	ssyncadd.s32 $0xFFFFD800  }
0x4f: {  	_ =	swait.ge [sflag:s21], $0x2800  }
0x50: {  	s29 =	smul.u32 $0xA0, s28;
	[sflag:s21] =	ssyncset.done $0x0  }
0x51: {  	[sflag:s21] =	ssyncadd.s32 $0xFFFFD800  }
0x52: {  	s30 =	sadd.s32 s2, s29;
	_ =	swait.ge [sflag:s21], $0x2800  }
0x53: {  	s30 =	sshll.u32 s30, $0x4;
	[sflag:s21] =	ssyncset.done $0x0  }
0x54: {  	s30 =	sadd.s32 s7, s30;
	[sflag:s21] =	ssyncadd.s32 $0xFFFFD800  }
0x55: {  	[hbm4b:s30+s26] =	stream.linear.scatter [tilespmem:s17], [sflag:$0x3], $0x2800, $0x38;
	[tilespmem:$0x6380] =	vst v63  }
0x56: {  	_ =	swait.ge [sflag:s22], $0x2800  }
0x57: {  	[sflag:s22] =	ssyncset.done $0x0  }
0x58: {  	[sflag:s22] =	ssyncadd.s32 $0xFFFFD800  }
0x59: {  	_ =	swait.ge [sflag:s22], $0x2800  }
0x5a: {  	[sflag:s22] =	ssyncset.done $0x0  }
0x5b: {  	[sflag:s22] =	ssyncadd.s32 $0xFFFFD800  }
0x5c: {  	s31 =	sadd.s32 s29, s11;
	_ =	swait.ge [sflag:s22], $0x2800  }
0x5d: {  	p0 =	seq.s32 s28, $0x9;
	s30 =	sshll.u32 s31, $0x4;
	[sflag:s22] =	ssyncset.done $0x0  }
.Ltmp4:
0x5e: {  	s30 =	sadd.s32 s7, s30;
	[sflag:s22] =	ssyncadd.s32 $0xFFFFD800;
	(pc) =	sbr.rel @p0 .LBB2_12-.Ltmp4, $4  }
0x5f: {  	[hbm4b:s30+s26] =	stream.linear.scatter [tilespmem:s18], [sflag:$0x4], $0x2800, $0x38;
	[tilespmem:$0x6380] =	vst v63  }
0x60: {  	_ =	swait.ge [sflag:s23], $0x2800  }
0x61: {  	[sflag:s23] =	ssyncset.done $0x0  }
0x62: {  	[sflag:s23] =	ssyncadd.s32 $0xFFFFD800  }
0x63: {  	s30 =	sshra.s32 s26, $0x2;
	s31 =	sadd.s32 $0x200, s26  }
.LBB2_8:
0x64: {  	p0 =	sne.s32 s31, $0x9E00;
	[tilespmem:s30+$0x13F0] =	vst v0  }
0x65: {  	[tilespmem:s30+$0x1380] =	vst v0  }
0x66: {  	[tilespmem:s30+$0x1390] =	vst v0  }
.Ltmp5:
0x67: {  	[tilespmem:s30+$0x13A0] =	vst v0;
	(pc) =	sbr.rel @p0 .LBB2_8-.Ltmp5, $4  }
0x68: {  	[tilespmem:s30+$0x13B0] =	vst v0  }
0x69: {  	[tilespmem:s30+$0x13C0] =	vst v0  }
0x6a: {  	[tilespmem:s30+$0x13D0] =	vst v0  }
0x6b: {  	[tilespmem:s30+$0x13E0] =	vst v0;
	s30 =	sshra.s32 s31, $0x2;
	s31 =	sadd.s32 $0x200, s31  }
0x6c: {  	[tilespmem:s30+$0x13F0] =	vst v0  }
0x6d: {  	[tilespmem:s30+$0x1380] =	vst v0  }
0x6e: {  	[tilespmem:s30+$0x1390] =	vst v0  }
0x6f: {  	[tilespmem:s30+$0x13A0] =	vst v0  }
0x70: {  	[tilespmem:s30+$0x13B0] =	vst v0  }
0x71: {  	[tilespmem:s30+$0x13C0] =	vst v0  }
0x72: {  	[tilespmem:s30+$0x13D0] =	vst v0  }
0x73: {  	[tilespmem:s30+$0x13E0] =	vst v0;
	s30 =	sadd.s32 $0xA0, s29  }
0x74: {  	[tilespmem:s17], [sflag:$0x1] =	stream.indirect.gather.add.f32 [hbm:s4], $0x80, s30, s16, $0xb8;
	[tilespmem:$0x6380] =	vst v63  }
0x75: {  	s30 =	sadd.s32 $0x720, s29  }
0x76: {  	[tilespmem:s17], [sflag:$0x1] =	stream.indirect.gather.add.f32 [hbm:s5], $0x80, s30, s16, $0xb8;
	[tilespmem:$0x6380] =	vst v63  }
0x77: {  	s30 =	sadd.s32 $0xDA0, s29  }
0x78: {  	[tilespmem:s17], [sflag:$0x1] =	stream.indirect.gather.add.f32 [hbm:s6], $0x80, s30, s16, $0xb8;
	[tilespmem:$0x6380] =	vst v63  }
0x79: {  	_ =	swait.ge [sflag:s24], $0x2800  }
0x7a: {  	[sflag:s24] =	ssyncset.done $0x0  }
0x7b: {  	s31 =	simm.s32 $0x200;
	s30 =	simm.s32 $0x0;
	[sflag:s24] =	ssyncadd.s32 $0xFFFFD800  }
.LBB2_10:
0x7c: {  	p0 =	sne.s32 s31, $0x9E00;
	[tilespmem:s30+$0x3BF0] =	vst v0  }
0x7d: {  	[tilespmem:s30+$0x3B80] =	vst v0  }
0x7e: {  	[tilespmem:s30+$0x3B90] =	vst v0  }
.Ltmp6:
0x7f: {  	[tilespmem:s30+$0x3BA0] =	vst v0;
	(pc) =	sbr.rel @p0 .LBB2_10-.Ltmp6, $4  }
0x80: {  	[tilespmem:s30+$0x3BB0] =	vst v0  }
0x81: {  	[tilespmem:s30+$0x3BC0] =	vst v0  }
0x82: {  	[tilespmem:s30+$0x3BD0] =	vst v0  }
0x83: {  	[tilespmem:s30+$0x3BE0] =	vst v0;
	s30 =	sshra.s32 s31, $0x2;
	s31 =	sadd.s32 $0x200, s31  }
0x84: {  	[tilespmem:s30+$0x3BF0] =	vst v0  }
0x85: {  	[tilespmem:s30+$0x3B80] =	vst v0  }
0x86: {  	[tilespmem:s30+$0x3B90] =	vst v0  }
0x87: {  	[tilespmem:s30+$0x3BA0] =	vst v0  }
0x88: {  	[tilespmem:s30+$0x3BB0] =	vst v0  }
0x89: {  	[tilespmem:s30+$0x3BC0] =	vst v0  }
0x8a: {  	[tilespmem:s30+$0x3BD0] =	vst v0  }
0x8b: {  	[tilespmem:s30+$0x3BE0] =	vst v0;
	s31 =	sadd.s32 $0xF0, s29  }
0x8c: {  	[tilespmem:s18], [sflag:$0x2] =	stream.indirect.gather.add.f32 [hbm:s4], $0x80, s31, s16, $0xb8;
	[tilespmem:$0x6380] =	vst v63  }
.Ltmp7:
0x8d: {  	_ = 	snop;
	(pc) =	sbr.rel .LBB2_6-.Ltmp7, $4  }
0x8e: {  	s31 =	sadd.s32 $0x770, s29  }
0x8f: {  	[tilespmem:s18], [sflag:$0x2] =	stream.indirect.gather.add.f32 [hbm:s5], $0x80, s31, s16, $0xb8;
	[tilespmem:$0x6380] =	vst v63  }
0x90: {  	s28 =	sadd.s32 $0x1, s28;
	s31 =	sadd.s32 $0xDF0, s29  }
0x91: {  	[tilespmem:s18], [sflag:$0x2] =	stream.indirect.gather.add.f32 [hbm:s6], $0x80, s31, s16, $0xb8;
	[tilespmem:$0x6380] =	vst v63  }
.LBB2_13:
0x92: {  	_ =	sfence.sel $0x180000  }
0x93: {  	[bflag:$0x0] =	sbarrier.arrive $0xFFFF  }
0x94: {  	p0 =	sne.s32 s0, $0x0;
	_ =	strace $0x90000050  }
0x95: {  	s0 =	sadd.s32 @!p0 $0x100000, s1;
	[bflag:$0x2] =	sbarrier.arrive $0xFFFF  }
0x96: {  	[sflag:s0] =	ssyncadd.tile.s32 @!p0 $0x1;
	_ =	shalt  }
.Lfunc_end2:
_tile_overlayer_lowered:
.L_overlay_start_2:
0x97: {  	(tag) =	ssettag $0x2  }
0x98: {  	s0 =	rddreg [dreg:$0x0];
	s2 =	stileid.u32  }
0x99: {  	s1 =	rddreg [dreg:$0x1];
	p0 =	sne.s32 s2, $0x0  }
0x9a: {  	s3 =	rddreg [dreg:$0x2];
	[bflag:$0x3] =	sbarrier.arrive $0xFFFF;
	s2 =	simm.s32 @!p0 $0x1C05  }
0x9b: {  	[timem:s3], [sflag:s2] =	dma.local @!p0 [hbm:s0], s1  }
0x9c: {  	s0 =	simm.s32 @!p0 $0x5  }
0x9d: {  	_ =	swait.ge @!p0 [sflag:s0], s1  }
0x9e: {  	s1 =	ssub.s32 @!p0 $0x0, s1;
	[sflag:s0] =	ssyncset.done @!p0 $0x0  }
0x9f: {  	[sflag:s0] =	ssyncadd.s32 @!p0 s1  }
0xa0: {  	[bflag:$0x3] =	sbarrier.arrive $0xFFFF  }
0xa1: {  	_ =	shalt  }

// kernel: kernel.15.cloned.1.call-start
scs
__scs_entry_jumppad:
0x0: {  	(pc) =	sbr.rel $0x88, $3  }
0x1: {  	(tag) =	ssettag $0x0;
	lr =	simm.s32 $0x1  }
0x2: {  	[smem:$0x3F99] =	sst lr;
	_ =	strace $0xD0000000  }
0x3: {  	_ = 	snop  }
0x4: {  	_ = 	snop  }
0x5: {  	_ = 	snop  }
0x6: {  	_ = 	snop  }
0x7: {  	_ = 	snop  }
__scs_overlays_trampoline_lowered:
0x8: {  	[smem:$0x3FA8] =	sst s0  }
0x9: {  	[smem:$0x3FA9] =	sst s1  }
0xa: {  	[smem:$0x3FAA] =	sst s2  }
0xb: {  	[smem:$0x3FAB] =	sst s3  }
0xc: {  	[smem:$0x3FAC] =	sst s4  }
0xd: {  	[smem:$0x3FAD] =	sst s5  }
0xe: {  	[smem:$0x3FAE] =	sst s6  }
0xf: {  	[smem:$0x3FAF] =	sst s7  }
0x10: {  	[smem:$0x3FB0] =	sst s8  }
0x11: {  	[smem:$0x3FB1] =	sst s9;
	s0 =	simm.s32 @!p0 $0x0  }
0x12: {  	s1 =	sld [smem:$0x3F97];
	s0 =	simm.s32 @p0 $0x1  }
0x13: {  	[smem:$0x3FB2] =	sst s0;
	s0 =	simm.s32 @!p1 $0x0  }
0x14: {  	s2 =	sld [smem:$0x3F96];
	s0 =	simm.s32 @p1 $0x1  }
0x15: {  	[smem:$0x3FB3] =	sst s0;
	s0 =	simm.s32 @!p2 $0x0  }
0x16: {  	s3 =	sld [smem:$0x3FDB];
	s0 =	simm.s32 @p2 $0x1  }
0x17: {  	s4 =	simm.s32 $0x1BF5;
	[smem:$0x3FB5] =	sst s0  }
0x18: {  	s0 =	sld [smem:$0x3F98];
	_ =	swait.ge [sflag:s4], $0x0  }
0x19: {  	s7 =	sld [smem:$0x3F99]  }
0x1a: {  	s8 =	sadd.s32 $0xFFFFE003, lr  }
0x1b: {  	s9 =	sadd.s32 $0xFFFFFEF7, lr;
	s5 =	simm.s32 $0xFFFFFFFF;
	p2 =	slt.u32 s8, $0xFFFFF086  }
0x1c: {  	p1 =	slt.u32 s9, $0xF7A;
	s5 =	simm.s32 @!p2 $0x0  }
0x1d: {  	s5 =	simm.s32 @p1 $0x1;
	p0 =	seq.s32 s7, s2  }
0x1e: {  	s7 =	smul.u32 @!p0 $0xF7A, s2;
	p2 =	seq.s32 @!p0 s5, $0x0  }
0x1f: {  	s9 =	smul.u32 $0xF7A, s1;
	s8 =	simm.s32 @!p0 $0x1BF5;
	p2 =	por !p2, p0  }
0x20: {  	[sflag:s8] =	ssyncset.s32 @!p0 $0xFFFFF086;
	s6 =	sadd.s32 @!p0 s3, s7;
	s7 =	simm.s32 @!p0 $0x108  }
0x21: {  	s3 =	sadd.s32 s3, s9;
	s6 =	sadd.s32 @!p0 $0x88, s6;
	s7 =	simm.s32 @p2 $0x1082  }
0x22: {  	[simem:s7], [sflag:s8] =	dma.local @!p0 [hbm:s6], $0xF7A  }
0x23: {  	s9 =	sor.u32 $0xD0000000, s2;
	s6 =	simm.s32 $0x108;
	_ =	swait.ge @!p0 [sflag:s8], $0x0  }
0x24: {  	s3 =	sadd.s32 $0x88, s3;
	s6 =	simm.s32 @!p1 $0x1082;
	[sflag:s4] =	ssyncset.s32 $0xFFFFF086  }
0x25: {  	[simem:s6], [sflag:s4] =	dma.local [hbm:s3], $0xF7A  }
0x26: {  	[smem:$0x3F99] =	sst s1;
	(tag) =	ssettag s2;
	_ =	strace s9  }
0x27: {  	s1 =	sld [smem:$0x3FA9]  }
0x28: {  	s2 =	sld [smem:$0x3FAA]  }
0x29: {  	s4 =	sld [smem:$0x3FAC]  }
0x2a: {  	p0 =	seq.s32 s5, $0x0;
	s5 =	sld [smem:$0x3FAD]  }
0x2b: {  	s6 =	sld [smem:$0x3FAE]  }
0x2c: {  	s7 =	sld [smem:$0x3FAF]  }
0x2d: {  	s3 =	simm.s32 $0x108;
	s8 =	sld [smem:$0x3FB0]  }
0x2e: {  	s3 =	simm.s32 @!p0 $0x1082;
	s9 =	sld [smem:$0x3FB1]  }
0x2f: {  	lr =	sadd.s32 s0, s3;
	s0 =	sld [smem:$0x3FA8]  }
0x30: {  	s3 =	sld [smem:$0x3FAB]  }
0x31: {  	[smem:$0x3FB4] =	sst s10  }
0x32: {  	s10 =	sld [smem:$0x3FB2];
	_ =	sdelay $0x3  }
0x33: {  	p0 =	seq.s32 s10, $0x1;
	s10 =	sld [smem:$0x3FB4];
	_ =	sdelay $0x3  }
0x34: {  	[smem:$0x3FB4] =	sst s10  }
0x35: {  	s10 =	sld [smem:$0x3FB3];
	_ =	sdelay $0x3  }
0x36: {  	p1 =	seq.s32 s10, $0x1;
	s10 =	sld [smem:$0x3FB4];
	_ =	sdelay $0x3  }
0x37: {  	[smem:$0x3FB4] =	sst s10  }
0x38: {  	s10 =	sld [smem:$0x3FB5]  }
0x39: {  	_ = 	snop;
	(pc) =	sbr.ind lr, $3  }
0x3a: {  	_ = 	snop  }
0x3b: {  	_ = 	snop  }
0x3c: {  	p2 =	seq.s32 s10, $0x1;
	s10 =	sld [smem:$0x3FB4]  }
0x3d: {  	_ =	shalt  }
0x3e: {  	_ =	shalt  }
0x3f: {  	_ =	shalt  }
0x40: {  	_ =	shalt  }
0x41: {  	_ =	shalt  }
0x42: {  	_ =	shalt  }
0x43: {  	_ =	shalt  }
0x44: {  	_ =	shalt  }
0x45: {  	_ =	shalt  }
0x46: {  	_ =	shalt  }
0x47: {  	_ =	shalt  }
0x48: {  	_ =	shalt  }
0x49: {  	_ =	shalt  }
0x4a: {  	_ =	shalt  }
0x4b: {  	_ =	shalt  }
0x4c: {  	_ =	shalt  }
0x4d: {  	_ =	shalt  }
0x4e: {  	_ =	shalt  }
0x4f: {  	_ =	shalt  }
0x50: {  	_ =	shalt  }
0x51: {  	_ =	shalt  }
0x52: {  	_ =	shalt  }
0x53: {  	_ =	shalt  }
0x54: {  	_ =	shalt  }
0x55: {  	_ =	shalt  }
0x56: {  	_ =	shalt  }
0x57: {  	_ =	shalt  }
0x58: {  	_ =	shalt  }
0x59: {  	_ =	shalt  }
0x5a: {  	_ =	shalt  }
0x5b: {  	_ =	shalt  }
0x5c: {  	_ =	shalt  }
0x5d: {  	_ =	shalt  }
0x5e: {  	_ =	shalt  }
0x5f: {  	_ =	shalt  }
0x60: {  	_ =	shalt  }
0x61: {  	_ =	shalt  }
0x62: {  	_ =	shalt  }
0x63: {  	_ =	shalt  }
0x64: {  	_ =	shalt  }
0x65: {  	_ =	shalt  }
0x66: {  	_ =	shalt  }
0x67: {  	_ =	shalt  }
0x68: {  	_ =	shalt  }
0x69: {  	_ =	shalt  }
0x6a: {  	_ =	shalt  }
0x6b: {  	_ =	shalt  }
0x6c: {  	_ =	shalt  }
0x6d: {  	_ =	shalt  }
0x6e: {  	_ =	shalt  }
0x6f: {  	_ =	shalt  }
0x70: {  	_ =	shalt  }
0x71: {  	_ =	shalt  }
0x72: {  	_ =	shalt  }
0x73: {  	_ =	shalt  }
0x74: {  	_ =	shalt  }
0x75: {  	_ =	shalt  }
0x76: {  	_ =	shalt  }
0x77: {  	_ =	shalt  }
0x78: {  	_ =	shalt  }
0x79: {  	_ =	shalt  }
0x7a: {  	_ =	shalt  }
0x7b: {  	_ =	shalt  }
0x7c: {  	_ =	shalt  }
0x7d: {  	_ =	shalt  }
0x7e: {  	_ =	shalt  }
0x7f: {  	_ =	shalt  }
0x80: {  	_ =	shalt  }
0x81: {  	_ =	shalt  }
0x82: {  	_ =	shalt  }
0x83: {  	_ =	shalt  }
0x84: {  	_ =	shalt  }
0x85: {  	_ =	shalt  }
0x86: {  	_ =	shalt  }
0x87: {  	_ =	shalt  }
.Lfunc_end0:
.L_simem_size_0:
called_computation.1_lowered:
.L_overlay_start_0:
0x88: {  	s2 =	sld [smem:$0x3FD9]  }
0x89: {  	s3 =	sld [smem:$0x3FFE];
	_ =	sdelay $0x1  }
0x8a: {  	s1 =	srdreg.scid  }
0x8b: {  	s0 =	sand.u32 $0x1, s1  }
0x8c: {  	s17 =	sshll.u32 s0, $0xA;
	s2 =	sadd.s32 s3, s2  }
0x8d: {  	s2 =	sadd.s32 s2, s17  }
0x8e: {  	[smem:$0x3FC0] =	sst s2  }
0x8f: {  	_ = 	snop  }
0x90: {  	(tm) =	ssettm $0x1  }
0x91: {  	s18 =	sld [smem:$0x3FFB];
	_ =	sdelay $0x3  }
0x92: {  	_ =	strace s18  }
0x93: {  	s2 =	sld [smem:$0x3FFC];
	_ =	sdelay $0x3  }
0x94: {  	_ =	strace s2  }
0x95: {  	s2 =	sld [smem:$0x3FFD];
	_ =	sdelay $0x3  }
0x96: {  	_ =	strace s2  }
0x97: {  	_ =	strace $0x8FFFFFFF  }
0x98: {  	s19 =	sld [smem:$0x3FDB];
	_ =	sdelay $0x1  }
0x99: {  	s20 =	simm.s32 $_scs_section_size  }
0x9a: {  	s4 =	simm.s32 $_size__tile_overlayer_lowered;
	s5 =	simm.s32 $_tile_overlayer_lowered  }
0x9b: {  	s6 =	simm.s32 $0x1BFF;
	s21 =	sshll.u32 s5, $0x1;
	s3 =	sadd.s32 s20, s19  }
0x9c: {  	s22 =	simm.s32 $0x0;
	s4 =	sshll.u32 s4, $0x1;
	s5 =	sadd.s32 s21, s3  }
0x9d: {  	[timem:s22], [sflag:s6] =	dma.local [hbm:s5], s4  }
0x9e: {  	_ =	swait.ge [sflag:s6], s4  }
0x9f: {  	s4 =	ssub.s32 $0x0, s4;
	[sflag:s6] =	ssyncset.done $0x0  }
0xa0: {  	[sflag:s6] =	ssyncadd.s32 s4;
	_ =	sdelay $0x1  }
0xa1: {  	s23 =	simm.s32 $0x1B8B  }
0xa2: {  	_ =	swait.ge [sflag:s23], $0x1  }
0xa3: {  	[sflag:s23] =	ssyncset.done $0x0  }
0xa4: {  	[sflag:s23] =	ssyncadd.s32 $0xFFFFFFFF  }
0xa5: {  	s4 =	sld [smem:$0x0]  }
0xa6: {  	s5 =	sand.u32 $0xFFFFFFFE, s1  }
0xa7: {  	p0 =	sne.s32 s1, s5  }
0xa8: {  	s5 =	sshll.u32 @p0 s5, $0xE  }
0xa9: {  	s5 =	sadd.s32 @p0 $0x11B8D, s5;
	s6 =	sshll.u32 @p0 s4, $0x11  }
0xaa: {  	s5 =	sor.u32 @p0 s6, s5  }
0xab: {  	[sflag:s5] =	ssyncadd.remote.s32 @p0 $0x1;
	_ =	sdelay $0x1  }
0xac: {  	s5 =	simm.s32 @p0 $0x1B8D  }
0xad: {  	_ =	swait.eq @p0 [sflag:s5], $0x1  }
0xae: {  	[sflag:s5] =	ssyncadd.s32 @p0 $0xFFFFFFFF  }
0xaf: {  	s6 =	sshll.u32 @!p0 s1, $0xE  }
0xb0: {  	s6 =	sor.u32 @!p0 $0x4000, s6;
	s5 =	simm.s32 @!p0 $0x1B8D  }
0xb1: {  	s4 =	sshll.u32 @!p0 s4, $0x11;
	s6 =	sadd.s32 @!p0 $0x11B8D, s6;
	_ =	swait.eq @!p0 [sflag:s5], $0x1  }
0xb2: {  	s4 =	sor.u32 @!p0 s4, s6;
	[sflag:s5] =	ssyncadd.s32 @!p0 $0xFFFFFFFF  }
0xb3: {  	s25 =	simm.s32 $0x1B8E;
	s24 =	sld [smem:$0x3FFE];
	[sflag:s4] =	ssyncadd.remote.s32 @!p0 $0x1  }
0xb4: {  	s26 =	simm.s32 $execute0_lowered;
	[smem:$0x3FD2] =	sst s25  }
0xb5: {  	s5 =	sshll.u32 s26, $0x1;
	_ =	strace $0x8000004C;
	[dreg:$0x1] =	wrdreg $0xFFFFFFFF  }
0xb6: {  	s28 =	simm.s32 $_size_execute0_lowered;
	s3 =	sadd.s32 s3, s5;
	[dreg:$0x0] =	wrdreg $0x0  }
0xb7: {  	s5 =	sshll.u32 s28, $0x1;
	[dreg:$0x2] =	wrdreg s3  }
0xb8: {  	[dreg:$0x3] =	wrdreg s5  }
0xb9: {  	[dreg:$0x4] =	wrdreg $0xC0  }
0xba: {  	_ =	task [dreg:s22], $0x5FFFF  }
0xbb: {  	[dreg:$0x1] =	wrdreg $0xFFFFFFFF  }
0xbc: {  	[dreg:$0x0] =	wrdreg $0x60  }
0xbd: {  	[dreg:$0x2] =	wrdreg s24  }
0xbe: {  	[dreg:$0x3] =	wrdreg $0xA  }
0xbf: {  	_ =	task.clear_ibuf [dreg:s22], $0x4FFFF;
	_ =	strace $0x9000004C  }
0xc0: {  	s29 =	simm.s32 $0xA;
	_ =	strace $0x8000004E  }
0xc1: {  	_ =	swait.ge [sflag:s29], $0x1  }
0xc2: {  	[sflag:s29] =	ssyncadd.s32 $0xFFFFFFFF  }
0xc3: {  	_ =	strace $0x9000004E  }
0xc4: {  	_ =	sfence  }
0xc5: {  	s30 =	sld [smem:$0x0];
	_ =	sdelay $0x2  }
0xc6: {  	s31 =	sshll.u32 s1, $0xD;
	s1 =	sshrl.u32 s1, $0x2  }
0xc7: {  	s4 =	sand.u32 $0x4000, s31;
	s1 =	sadd.s32 s1, s30  }
0xc8: {  	s0 =	sor.u32 s4, s0;
	s1 =	sshll.u32 s1, $0x11  }
0xc9: {  	s0 =	sor.u32 s1, s0  }
0xca: {  	s0 =	sadd.s32 $0x8F2B, s0  }
0xcb: {  	[sflag:s0] =	ssyncadd.remote.s32 $0x1  }
0xcc: {  	_ =	sfence.sel $0xFFFF  }
0xcd: {  	[dreg:$0x0] =	wrdreg $0xFFFFFFFF;
	(pc) =	sbr.abs _section_cstart, $3  }
0xce: {  	[dreg:$0x1] =	wrdreg $0xFFFFFFFF  }
0xcf: {  	_ =	task.clear_ibuf [dreg:s22], $0x2FFFF;
	_ =	strace $0x9FFFFFFF  }
0xd0: {  	(tm) =	ssettm $0x7FFFFFFF  }
0xd1: {  	_ =	shalt  }
tec
execute0_lowered:
.L_overlay_start_1:
0x0: {  	(tag) =	ssettag $0x1  }
0x1: {  	s8 =	rddreg [dreg:$0x0]  }
0x2: {  	s0 =	rddreg [dreg:$0x1];
	s3 =	srdreg.scid  }
0x3: {  	s1 =	stileid.u32;
	s2 =	simm.s32 $0x0;
	s13 =	simm.s32 $0x5  }
0x4: {  	s14 =	simm.s32 $0x680;
	s15 =	simm.s32 $0xD00;
	s16 =	simm.s32 $0x50  }
0x5: {  	s17 =	simm.s32 $0x1380;
	s18 =	simm.s32 $0x3B80;
	s19 =	simm.s32 $0x6D0  }
0x6: {  	s20 =	simm.s32 $0xD50;
	s21 =	simm.s32 $0x1;
	s22 =	simm.s32 $0x2  }
0x7: {  	s23 =	simm.s32 $0x3;
	s6 =	sand.u32 $0x1, s3;
	s30 =	sshll.u32 s1, $0x1  }
0x8: {  	s24 =	simm.s32 $0x4;
	s25 =	simm.s32 $0x0;
	s3 =	sor.u32 s6, s30  }
0x9: {  	[smem:$0x7FF] =	sst s2;
	s4 =	sadd.s32 $0xD8600, s8;
	s3 =	smul.u32 $0x640, s3  }
.Ltmp0:
0xa: {  	s5 =	sadd.s32 $0x15000, s8;
	s9 =	ssub.s32 $0x2, s6;
	(pc) =	sbr.rel .LBB2_1-.Ltmp0, $4  }
0xb: {  	s7 =	sadd.s32 $0x575A00, s8;
	_ =	strace $0x8000004D;
	s10 =	sshrl.u32 s9, $0x1  }
0xc: {  	s6 =	sadd.s32 $0x25F000, s8;
	s12 =	ssub.s32 s9, s10;
	s11 =	sshrl.u32 s3, $0x3  }
0xd: {  	s12 =	smax.u32 s12, $0x1;
	s31 =	sadd.s32 s8, s11;
	s11 =	sadd.s32 $0x50, s3  }
0xe: {  	v0 =	vimm.f32 $0.0e+00;
	s8 =	sadd.s32 $0x3D00, s31;
	s9 =	sadd.s32 $0xA100, s31;
	s10 =	sadd.s32 $0x10500, s31  }
.LBB2_12:
0xf: {  	s25 =	sadd.s32 $0x1, s25  }
0x10: {  	p0 =	sne.s32 s25, s12  }
.Ltmp1:
0x11: {  	_ = 	snop;
	(pc) =	sbr.rel @!p0 .LBB2_13-.Ltmp1, $4  }
0x12: {  	_ = 	snop  }
0x13: {  	_ =	swait.ge [sflag:s24], $0x2800  }
0x14: {  	[sflag:s24] =	ssyncset.done $0x0  }
0x15: {  	[sflag:s24] =	ssyncadd.s32 $0xFFFFD800  }
.LBB2_1:
0x16: {  	[tilespmem:s2], [sflag:$0x5] =	stream.linear.gather [hbm4b:s8+s2], $0x640, $0x38;
	[tilespmem:$0x6380] =	vst v63  }
0x17: {  	_ =	swait.ge [sflag:s13], $0x640  }
0x18: {  	[sflag:s13] =	ssyncset.done $0x0  }
0x19: {  	[sflag:s13] =	ssyncadd.s32 $0xFFFFF9C0  }
0x1a: {  	[tilespmem:s14], [sflag:$0x5] =	stream.linear.gather [hbm4b:s9+s2], $0x640, $0x38;
	[tilespmem:$0x6380] =	vst v63  }
0x1b: {  	_ =	swait.ge [sflag:s13], $0x640  }
0x1c: {  	[sflag:s13] =	ssyncset.done $0x0  }
0x1d: {  	[sflag:s13] =	ssyncadd.s32 $0xFFFFF9C0  }
0x1e: {  	[tilespmem:s15], [sflag:$0x5] =	stream.linear.gather [hbm4b:s10+s2], $0x640, $0x38;
	[tilespmem:$0x6380] =	vst v63  }
0x1f: {  	_ =	swait.ge [sflag:s13], $0x640  }
0x20: {  	[sflag:s13] =	ssyncset.done $0x0  }
0x21: {  	s26 =	simm.s32 $0x0;
	s28 =	simm.s32 $0x200;
	[sflag:s13] =	ssyncadd.s32 $0xFFFFF9C0  }
.LBB2_2:
0x22: {  	p0 =	sne.s32 s28, $0x9E00;
	[tilespmem:s26+$0x13F0] =	vst v0  }
0x23: {  	[tilespmem:s26+$0x1380] =	vst v0  }
0x24: {  	[tilespmem:s26+$0x1390] =	vst v0  }
.Ltmp2:
0x25: {  	[tilespmem:s26+$0x13A0] =	vst v0;
	(pc) =	sbr.rel @p0 .LBB2_2-.Ltmp2, $4  }
0x26: {  	[tilespmem:s26+$0x13B0] =	vst v0  }
0x27: {  	[tilespmem:s26+$0x13C0] =	vst v0  }
0x28: {  	[tilespmem:s26+$0x13D0] =	vst v0  }
0x29: {  	[tilespmem:s26+$0x13E0] =	vst v0;
	s26 =	sshra.s32 s28, $0x2;
	s28 =	sadd.s32 $0x200, s28  }
0x2a: {  	[tilespmem:s26+$0x13F0] =	vst v0  }
0x2b: {  	[tilespmem:s26+$0x1380] =	vst v0  }
0x2c: {  	[tilespmem:s26+$0x1390] =	vst v0  }
0x2d: {  	[tilespmem:s26+$0x13A0] =	vst v0  }
0x2e: {  	[tilespmem:s26+$0x13B0] =	vst v0  }
0x2f: {  	[tilespmem:s26+$0x13C0] =	vst v0  }
0x30: {  	[tilespmem:s26+$0x13D0] =	vst v0  }
0x31: {  	[tilespmem:s26+$0x13E0] =	vst v0;
	s31 =	simm.s32 $0x0  }
0x32: {  	[tilespmem:s17], [sflag:$0x1] =	stream.indirect.gather.add.f32 [hbm:s4], $0x80, s31, s16, $0xb8;
	[tilespmem:$0x6380] =	vst v63  }
0x33: {  	_ = 	snop  }
0x34: {  	[tilespmem:s17], [sflag:$0x1] =	stream.indirect.gather.add.f32 [hbm:s5], $0x80, s14, s16, $0xb8;
	[tilespmem:$0x6380] =	vst v63  }
0x35: {  	s26 =	simm.s32 $0x0;
	s28 =	simm.s32 $0x200  }
0x36: {  	[tilespmem:s17], [sflag:$0x1] =	stream.indirect.gather.add.f32 [hbm:s6], $0x80, s15, s16, $0xb8;
	[tilespmem:$0x6380] =	vst v63  }
.LBB2_4:
0x37: {  	p0 =	sne.s32 s28, $0x9E00;
	[tilespmem:s26+$0x3BF0] =	vst v0  }
0x38: {  	[tilespmem:s26+$0x3B80] =	vst v0  }
0x39: {  	[tilespmem:s26+$0x3B90] =	vst v0  }
.Ltmp3:
0x3a: {  	[tilespmem:s26+$0x3BA0] =	vst v0;
	(pc) =	sbr.rel @p0 .LBB2_4-.Ltmp3, $4  }
0x3b: {  	[tilespmem:s26+$0x3BB0] =	vst v0  }
0x3c: {  	[tilespmem:s26+$0x3BC0] =	vst v0  }
0x3d: {  	[tilespmem:s26+$0x3BD0] =	vst v0  }
0x3e: {  	[tilespmem:s26+$0x3BE0] =	vst v0;
	s26 =	sshra.s32 s28, $0x2;
	s28 =	sadd.s32 $0x200, s28  }
0x3f: {  	[tilespmem:s26+$0x3BF0] =	vst v0  }
0x40: {  	[tilespmem:s26+$0x3B80] =	vst v0  }
0x41: {  	[tilespmem:s26+$0x3B90] =	vst v0  }
0x42: {  	[tilespmem:s26+$0x3BA0] =	vst v0  }
0x43: {  	[tilespmem:s26+$0x3BB0] =	vst v0  }
0x44: {  	[tilespmem:s26+$0x3BC0] =	vst v0  }
0x45: {  	[tilespmem:s26+$0x3BD0] =	vst v0  }
0x46: {  	[tilespmem:s26+$0x3BE0] =	vst v0  }
0x47: {  	[tilespmem:s18], [sflag:$0x2] =	stream.indirect.gather.add.f32 [hbm:s4], $0x80, s16, s16, $0xb8;
	[tilespmem:$0x6380] =	vst v63  }
0x48: {  	_ = 	snop  }
0x49: {  	[tilespmem:s18], [sflag:$0x2] =	stream.indirect.gather.add.f32 [hbm:s5], $0x80, s19, s16, $0xb8;
	[tilespmem:$0x6380] =	vst v63  }
0x4a: {  	s26 =	simm.s32 $0x0;
	s28 =	simm.s32 $0x0  }
0x4b: {  	[tilespmem:s18], [sflag:$0x2] =	stream.indirect.gather.add.f32 [hbm:s6], $0x80, s20, s16, $0xb8;
	[tilespmem:$0x6380] =	vst v63  }
.LBB2_6:
0x4c: {  	_ =	swait.ge [sflag:s21], $0x2800  }
0x4d: {  	[sflag:s21] =	ssyncset.done $0x0  }
0x4e: {  	[sflag:s21] =	ssyncadd.s32 $0xFFFFD800  }
0x4f: {  	_ =	swait.ge [sflag:s21], $0x2800  }
0x50: {  	s29 =	smul.u32 $0xA0, s28;
	[sflag:s21] =	ssyncset.done $0x0  }
0x51: {  	[sflag:s21] =	ssyncadd.s32 $0xFFFFD800  }
0x52: {  	s30 =	sadd.s32 s3, s29;
	_ =	swait.ge [sflag:s21], $0x2800  }
0x53: {  	s30 =	sshll.u32 s30, $0x4;
	[sflag:s21] =	ssyncset.done $0x0  }
0x54: {  	s30 =	sadd.s32 s7, s30;
	[sflag:s21] =	ssyncadd.s32 $0xFFFFD800  }
0x55: {  	[hbm4b:s30+s26] =	stream.linear.scatter [tilespmem:s17], [sflag:$0x3], $0x2800, $0x38;
	[tilespmem:$0x6380] =	vst v63  }
0x56: {  	_ =	swait.ge [sflag:s22], $0x2800  }
0x57: {  	[sflag:s22] =	ssyncset.done $0x0  }
0x58: {  	[sflag:s22] =	ssyncadd.s32 $0xFFFFD800  }
0x59: {  	_ =	swait.ge [sflag:s22], $0x2800  }
0x5a: {  	[sflag:s22] =	ssyncset.done $0x0  }
0x5b: {  	[sflag:s22] =	ssyncadd.s32 $0xFFFFD800  }
0x5c: {  	s31 =	sadd.s32 s29, s11;
	_ =	swait.ge [sflag:s22], $0x2800  }
0x5d: {  	p0 =	seq.s32 s28, $0x9;
	s30 =	sshll.u32 s31, $0x4;
	[sflag:s22] =	ssyncset.done $0x0  }
.Ltmp4:
0x5e: {  	s30 =	sadd.s32 s7, s30;
	[sflag:s22] =	ssyncadd.s32 $0xFFFFD800;
	(pc) =	sbr.rel @p0 .LBB2_12-.Ltmp4, $4  }
0x5f: {  	[hbm4b:s30+s26] =	stream.linear.scatter [tilespmem:s18], [sflag:$0x4], $0x2800, $0x38;
	[tilespmem:$0x6380] =	vst v63  }
0x60: {  	_ =	swait.ge [sflag:s23], $0x2800  }
0x61: {  	[sflag:s23] =	ssyncset.done $0x0  }
0x62: {  	[sflag:s23] =	ssyncadd.s32 $0xFFFFD800  }
0x63: {  	s30 =	sshra.s32 s26, $0x2;
	s31 =	sadd.s32 $0x200, s26  }
.LBB2_8:
0x64: {  	p0 =	sne.s32 s31, $0x9E00;
	[tilespmem:s30+$0x13F0] =	vst v0  }
0x65: {  	[tilespmem:s30+$0x1380] =	vst v0  }
0x66: {  	[tilespmem:s30+$0x1390] =	vst v0  }
.Ltmp5:
0x67: {  	[tilespmem:s30+$0x13A0] =	vst v0;
	(pc) =	sbr.rel @p0 .LBB2_8-.Ltmp5, $4  }
0x68: {  	[tilespmem:s30+$0x13B0] =	vst v0  }
0x69: {  	[tilespmem:s30+$0x13C0] =	vst v0  }
0x6a: {  	[tilespmem:s30+$0x13D0] =	vst v0  }
0x6b: {  	[tilespmem:s30+$0x13E0] =	vst v0;
	s30 =	sshra.s32 s31, $0x2;
	s31 =	sadd.s32 $0x200, s31  }
0x6c: {  	[tilespmem:s30+$0x13F0] =	vst v0  }
0x6d: {  	[tilespmem:s30+$0x1380] =	vst v0  }
0x6e: {  	[tilespmem:s30+$0x1390] =	vst v0  }
0x6f: {  	[tilespmem:s30+$0x13A0] =	vst v0  }
0x70: {  	[tilespmem:s30+$0x13B0] =	vst v0  }
0x71: {  	[tilespmem:s30+$0x13C0] =	vst v0  }
0x72: {  	[tilespmem:s30+$0x13D0] =	vst v0  }
0x73: {  	[tilespmem:s30+$0x13E0] =	vst v0;
	s30 =	sadd.s32 $0xA0, s29  }
0x74: {  	[tilespmem:s17], [sflag:$0x1] =	stream.indirect.gather.add.f32 [hbm:s4], $0x80, s30, s16, $0xb8;
	[tilespmem:$0x6380] =	vst v63  }
0x75: {  	s30 =	sadd.s32 $0x720, s29  }
0x76: {  	[tilespmem:s17], [sflag:$0x1] =	stream.indirect.gather.add.f32 [hbm:s5], $0x80, s30, s16, $0xb8;
	[tilespmem:$0x6380] =	vst v63  }
0x77: {  	s30 =	sadd.s32 $0xDA0, s29  }
0x78: {  	[tilespmem:s17], [sflag:$0x1] =	stream.indirect.gather.add.f32 [hbm:s6], $0x80, s30, s16, $0xb8;
	[tilespmem:$0x6380] =	vst v63  }
0x79: {  	_ =	swait.ge [sflag:s24], $0x2800  }
0x7a: {  	[sflag:s24] =	ssyncset.done $0x0  }
0x7b: {  	s31 =	simm.s32 $0x200;
	s30 =	simm.s32 $0x0;
	[sflag:s24] =	ssyncadd.s32 $0xFFFFD800  }
.LBB2_10:
0x7c: {  	p0 =	sne.s32 s31, $0x9E00;
	[tilespmem:s30+$0x3BF0] =	vst v0  }
0x7d: {  	[tilespmem:s30+$0x3B80] =	vst v0  }
0x7e: {  	[tilespmem:s30+$0x3B90] =	vst v0  }
.Ltmp6:
0x7f: {  	[tilespmem:s30+$0x3BA0] =	vst v0;
	(pc) =	sbr.rel @p0 .LBB2_10-.Ltmp6, $4  }
0x80: {  	[tilespmem:s30+$0x3BB0] =	vst v0  }
0x81: {  	[tilespmem:s30+$0x3BC0] =	vst v0  }
0x82: {  	[tilespmem:s30+$0x3BD0] =	vst v0  }
0x83: {  	[tilespmem:s30+$0x3BE0] =	vst v0;
	s30 =	sshra.s32 s31, $0x2;
	s31 =	sadd.s32 $0x200, s31  }
0x84: {  	[tilespmem:s30+$0x3BF0] =	vst v0  }
0x85: {  	[tilespmem:s30+$0x3B80] =	vst v0  }
0x86: {  	[tilespmem:s30+$0x3B90] =	vst v0  }
0x87: {  	[tilespmem:s30+$0x3BA0] =	vst v0  }
0x88: {  	[tilespmem:s30+$0x3BB0] =	vst v0  }
0x89: {  	[tilespmem:s30+$0x3BC0] =	vst v0  }
0x8a: {  	[tilespmem:s30+$0x3BD0] =	vst v0  }
0x8b: {  	[tilespmem:s30+$0x3BE0] =	vst v0;
	s31 =	sadd.s32 $0xF0, s29  }
0x8c: {  	[tilespmem:s18], [sflag:$0x2] =	stream.indirect.gather.add.f32 [hbm:s4], $0x80, s31, s16, $0xb8;
	[tilespmem:$0x6380] =	vst v63  }
.Ltmp7:
0x8d: {  	_ = 	snop;
	(pc) =	sbr.rel .LBB2_6-.Ltmp7, $4  }
0x8e: {  	s31 =	sadd.s32 $0x770, s29  }
0x8f: {  	[tilespmem:s18], [sflag:$0x2] =	stream.indirect.gather.add.f32 [hbm:s5], $0x80, s31, s16, $0xb8;
	[tilespmem:$0x6380] =	vst v63  }
0x90: {  	s28 =	sadd.s32 $0x1, s28;
	s31 =	sadd.s32 $0xDF0, s29  }
0x91: {  	[tilespmem:s18], [sflag:$0x2] =	stream.indirect.gather.add.f32 [hbm:s6], $0x80, s31, s16, $0xb8;
	[tilespmem:$0x6380] =	vst v63  }
.LBB2_13:
0x92: {  	_ =	sfence.sel $0x180000  }
0x93: {  	[bflag:$0x0] =	sbarrier.arrive $0xFFFF  }
0x94: {  	p0 =	sne.s32 s1, $0x0;
	_ =	strace $0x9000004D  }
0x95: {  	s0 =	sadd.s32 @!p0 $0x100000, s0;
	[bflag:$0x2] =	sbarrier.arrive $0xFFFF  }
0x96: {  	[sflag:s0] =	ssyncadd.tile.s32 @!p0 $0x1;
	_ =	shalt  }
.Lfunc_end2:
_tile_overlayer_lowered:
.L_overlay_start_2:
0x97: {  	(tag) =	ssettag $0x2  }
0x98: {  	s0 =	rddreg [dreg:$0x0];
	s2 =	stileid.u32  }
0x99: {  	s1 =	rddreg [dreg:$0x1];
	p0 =	sne.s32 s2, $0x0  }
0x9a: {  	s3 =	rddreg [dreg:$0x2];
	[bflag:$0x3] =	sbarrier.arrive $0xFFFF;
	s2 =	simm.s32 @!p0 $0x1C05  }
0x9b: {  	[timem:s3], [sflag:s2] =	dma.local @!p0 [hbm:s0], s1  }
0x9c: {  	s0 =	simm.s32 @!p0 $0x5  }
0x9d: {  	_ =	swait.ge @!p0 [sflag:s0], s1  }
0x9e: {  	s1 =	ssub.s32 @!p0 $0x0, s1;
	[sflag:s0] =	ssyncset.done @!p0 $0x0  }
0x9f: {  	[sflag:s0] =	ssyncadd.s32 @!p0 s1  }
0xa0: {  	[bflag:$0x3] =	sbarrier.arrive $0xFFFF  }
0xa1: {  	_ =	shalt  }

// kernel: kernel.18.cloned.1.call-start
scs
__scs_entry_jumppad:
0x0: {  	(pc) =	sbr.rel $0x88, $3  }
0x1: {  	(tag) =	ssettag $0x0;
	lr =	simm.s32 $0x1  }
0x2: {  	[smem:$0x3F99] =	sst lr;
	_ =	strace $0xD0000000  }
0x3: {  	_ = 	snop  }
0x4: {  	_ = 	snop  }
0x5: {  	_ = 	snop  }
0x6: {  	_ = 	snop  }
0x7: {  	_ = 	snop  }
__scs_overlays_trampoline_lowered:
0x8: {  	[smem:$0x3FA8] =	sst s0  }
0x9: {  	[smem:$0x3FA9] =	sst s1  }
0xa: {  	[smem:$0x3FAA] =	sst s2  }
0xb: {  	[smem:$0x3FAB] =	sst s3  }
0xc: {  	[smem:$0x3FAC] =	sst s4  }
0xd: {  	[smem:$0x3FAD] =	sst s5  }
0xe: {  	[smem:$0x3FAE] =	sst s6  }
0xf: {  	[smem:$0x3FAF] =	sst s7  }
0x10: {  	[smem:$0x3FB0] =	sst s8  }
0x11: {  	[smem:$0x3FB1] =	sst s9;
	s0 =	simm.s32 @!p0 $0x0  }
0x12: {  	s1 =	sld [smem:$0x3F97];
	s0 =	simm.s32 @p0 $0x1  }
0x13: {  	[smem:$0x3FB2] =	sst s0;
	s0 =	simm.s32 @!p1 $0x0  }
0x14: {  	s2 =	sld [smem:$0x3F96];
	s0 =	simm.s32 @p1 $0x1  }
0x15: {  	[smem:$0x3FB3] =	sst s0;
	s0 =	simm.s32 @!p2 $0x0  }
0x16: {  	s3 =	sld [smem:$0x3FDB];
	s0 =	simm.s32 @p2 $0x1  }
0x17: {  	s4 =	simm.s32 $0x1BF5;
	[smem:$0x3FB5] =	sst s0  }
0x18: {  	s0 =	sld [smem:$0x3F98];
	_ =	swait.ge [sflag:s4], $0x0  }
0x19: {  	s7 =	sld [smem:$0x3F99]  }
0x1a: {  	s8 =	sadd.s32 $0xFFFFE003, lr  }
0x1b: {  	s9 =	sadd.s32 $0xFFFFFEF7, lr;
	s5 =	simm.s32 $0xFFFFFFFF;
	p2 =	slt.u32 s8, $0xFFFFF086  }
0x1c: {  	p1 =	slt.u32 s9, $0xF7A;
	s5 =	simm.s32 @!p2 $0x0  }
0x1d: {  	s5 =	simm.s32 @p1 $0x1;
	p0 =	seq.s32 s7, s2  }
0x1e: {  	s7 =	smul.u32 @!p0 $0xF7A, s2;
	p2 =	seq.s32 @!p0 s5, $0x0  }
0x1f: {  	s9 =	smul.u32 $0xF7A, s1;
	s8 =	simm.s32 @!p0 $0x1BF5;
	p2 =	por !p2, p0  }
0x20: {  	[sflag:s8] =	ssyncset.s32 @!p0 $0xFFFFF086;
	s6 =	sadd.s32 @!p0 s3, s7;
	s7 =	simm.s32 @!p0 $0x108  }
0x21: {  	s3 =	sadd.s32 s3, s9;
	s6 =	sadd.s32 @!p0 $0x88, s6;
	s7 =	simm.s32 @p2 $0x1082  }
0x22: {  	[simem:s7], [sflag:s8] =	dma.local @!p0 [hbm:s6], $0xF7A  }
0x23: {  	s9 =	sor.u32 $0xD0000000, s2;
	s6 =	simm.s32 $0x108;
	_ =	swait.ge @!p0 [sflag:s8], $0x0  }
0x24: {  	s3 =	sadd.s32 $0x88, s3;
	s6 =	simm.s32 @!p1 $0x1082;
	[sflag:s4] =	ssyncset.s32 $0xFFFFF086  }
0x25: {  	[simem:s6], [sflag:s4] =	dma.local [hbm:s3], $0xF7A  }
0x26: {  	[smem:$0x3F99] =	sst s1;
	(tag) =	ssettag s2;
	_ =	strace s9  }
0x27: {  	s1 =	sld [smem:$0x3FA9]  }
0x28: {  	s2 =	sld [smem:$0x3FAA]  }
0x29: {  	s4 =	sld [smem:$0x3FAC]  }
0x2a: {  	p0 =	seq.s32 s5, $0x0;
	s5 =	sld [smem:$0x3FAD]  }
0x2b: {  	s6 =	sld [smem:$0x3FAE]  }
0x2c: {  	s7 =	sld [smem:$0x3FAF]  }
0x2d: {  	s3 =	simm.s32 $0x108;
	s8 =	sld [smem:$0x3FB0]  }
0x2e: {  	s3 =	simm.s32 @!p0 $0x1082;
	s9 =	sld [smem:$0x3FB1]  }
0x2f: {  	lr =	sadd.s32 s0, s3;
	s0 =	sld [smem:$0x3FA8]  }
0x30: {  	s3 =	sld [smem:$0x3FAB]  }
0x31: {  	[smem:$0x3FB4] =	sst s10  }
0x32: {  	s10 =	sld [smem:$0x3FB2];
	_ =	sdelay $0x3  }
0x33: {  	p0 =	seq.s32 s10, $0x1;
	s10 =	sld [smem:$0x3FB4];
	_ =	sdelay $0x3  }
0x34: {  	[smem:$0x3FB4] =	sst s10  }
0x35: {  	s10 =	sld [smem:$0x3FB3];
	_ =	sdelay $0x3  }
0x36: {  	p1 =	seq.s32 s10, $0x1;
	s10 =	sld [smem:$0x3FB4];
	_ =	sdelay $0x3  }
0x37: {  	[smem:$0x3FB4] =	sst s10  }
0x38: {  	s10 =	sld [smem:$0x3FB5]  }
0x39: {  	_ = 	snop;
	(pc) =	sbr.ind lr, $3  }
0x3a: {  	_ = 	snop  }
0x3b: {  	_ = 	snop  }
0x3c: {  	p2 =	seq.s32 s10, $0x1;
	s10 =	sld [smem:$0x3FB4]  }
0x3d: {  	_ =	shalt  }
0x3e: {  	_ =	shalt  }
0x3f: {  	_ =	shalt  }
0x40: {  	_ =	shalt  }
0x41: {  	_ =	shalt  }
0x42: {  	_ =	shalt  }
0x43: {  	_ =	shalt  }
0x44: {  	_ =	shalt  }
0x45: {  	_ =	shalt  }
0x46: {  	_ =	shalt  }
0x47: {  	_ =	shalt  }
0x48: {  	_ =	shalt  }
0x49: {  	_ =	shalt  }
0x4a: {  	_ =	shalt  }
0x4b: {  	_ =	shalt  }
0x4c: {  	_ =	shalt  }
0x4d: {  	_ =	shalt  }
0x4e: {  	_ =	shalt  }
0x4f: {  	_ =	shalt  }
0x50: {  	_ =	shalt  }
0x51: {  	_ =	shalt  }
0x52: {  	_ =	shalt  }
0x53: {  	_ =	shalt  }
0x54: {  	_ =	shalt  }
0x55: {  	_ =	shalt  }
0x56: {  	_ =	shalt  }
0x57: {  	_ =	shalt  }
0x58: {  	_ =	shalt  }
0x59: {  	_ =	shalt  }
0x5a: {  	_ =	shalt  }
0x5b: {  	_ =	shalt  }
0x5c: {  	_ =	shalt  }
0x5d: {  	_ =	shalt  }
0x5e: {  	_ =	shalt  }
0x5f: {  	_ =	shalt  }
0x60: {  	_ =	shalt  }
0x61: {  	_ =	shalt  }
0x62: {  	_ =	shalt  }
0x63: {  	_ =	shalt  }
0x64: {  	_ =	shalt  }
0x65: {  	_ =	shalt  }
0x66: {  	_ =	shalt  }
0x67: {  	_ =	shalt  }
0x68: {  	_ =	shalt  }
0x69: {  	_ =	shalt  }
0x6a: {  	_ =	shalt  }
0x6b: {  	_ =	shalt  }
0x6c: {  	_ =	shalt  }
0x6d: {  	_ =	shalt  }
0x6e: {  	_ =	shalt  }
0x6f: {  	_ =	shalt  }
0x70: {  	_ =	shalt  }
0x71: {  	_ =	shalt  }
0x72: {  	_ =	shalt  }
0x73: {  	_ =	shalt  }
0x74: {  	_ =	shalt  }
0x75: {  	_ =	shalt  }
0x76: {  	_ =	shalt  }
0x77: {  	_ =	shalt  }
0x78: {  	_ =	shalt  }
0x79: {  	_ =	shalt  }
0x7a: {  	_ =	shalt  }
0x7b: {  	_ =	shalt  }
0x7c: {  	_ =	shalt  }
0x7d: {  	_ =	shalt  }
0x7e: {  	_ =	shalt  }
0x7f: {  	_ =	shalt  }
0x80: {  	_ =	shalt  }
0x81: {  	_ =	shalt  }
0x82: {  	_ =	shalt  }
0x83: {  	_ =	shalt  }
0x84: {  	_ =	shalt  }
0x85: {  	_ =	shalt  }
0x86: {  	_ =	shalt  }
0x87: {  	_ =	shalt  }
.Lfunc_end0:
.L_simem_size_0:
called_computation.2_lowered:
.L_overlay_start_0:
0x88: {  	s2 =	sld [smem:$0x3FD9]  }
0x89: {  	s3 =	sld [smem:$0x3FFE];
	_ =	sdelay $0x1  }
0x8a: {  	s1 =	srdreg.scid  }
0x8b: {  	s0 =	sand.u32 $0x1, s1  }
0x8c: {  	s17 =	sshll.u32 s0, $0xA;
	s2 =	sadd.s32 s3, s2  }
0x8d: {  	s2 =	sadd.s32 s2, s17  }
0x8e: {  	[smem:$0x3FC0] =	sst s2  }
0x8f: {  	_ = 	snop  }
0x90: {  	(tm) =	ssettm $0x1  }
0x91: {  	s18 =	sld [smem:$0x3FFB];
	_ =	sdelay $0x3  }
0x92: {  	_ =	strace s18  }
0x93: {  	s2 =	sld [smem:$0x3FFC];
	_ =	sdelay $0x3  }
0x94: {  	_ =	strace s2  }
0x95: {  	s2 =	sld [smem:$0x3FFD];
	_ =	sdelay $0x3  }
0x96: {  	_ =	strace s2  }
0x97: {  	_ =	strace $0x8FFFFFFF  }
0x98: {  	s19 =	sld [smem:$0x3FDB];
	_ =	sdelay $0x1  }
0x99: {  	s20 =	simm.s32 $_scs_section_size  }
0x9a: {  	s4 =	simm.s32 $_size__tile_overlayer_lowered;
	s5 =	simm.s32 $_tile_overlayer_lowered  }
0x9b: {  	s6 =	simm.s32 $0x1BFF;
	s21 =	sshll.u32 s5, $0x1;
	s3 =	sadd.s32 s20, s19  }
0x9c: {  	s22 =	simm.s32 $0x0;
	s4 =	sshll.u32 s4, $0x1;
	s5 =	sadd.s32 s21, s3  }
0x9d: {  	[timem:s22], [sflag:s6] =	dma.local [hbm:s5], s4  }
0x9e: {  	_ =	swait.ge [sflag:s6], s4  }
0x9f: {  	s4 =	ssub.s32 $0x0, s4;
	[sflag:s6] =	ssyncset.done $0x0  }
0xa0: {  	[sflag:s6] =	ssyncadd.s32 s4;
	_ =	sdelay $0x1  }
0xa1: {  	s23 =	simm.s32 $0x1B8B  }
0xa2: {  	_ =	swait.ge [sflag:s23], $0x1  }
0xa3: {  	[sflag:s23] =	ssyncset.done $0x0  }
0xa4: {  	[sflag:s23] =	ssyncadd.s32 $0xFFFFFFFF  }
0xa5: {  	s4 =	sld [smem:$0x0]  }
0xa6: {  	s5 =	sand.u32 $0xFFFFFFFE, s1  }
0xa7: {  	p0 =	sne.s32 s1, s5  }
0xa8: {  	s5 =	sshll.u32 @p0 s5, $0xE  }
0xa9: {  	s5 =	sadd.s32 @p0 $0x11B8D, s5;
	s6 =	sshll.u32 @p0 s4, $0x11  }
0xaa: {  	s5 =	sor.u32 @p0 s6, s5  }
0xab: {  	[sflag:s5] =	ssyncadd.remote.s32 @p0 $0x1;
	_ =	sdelay $0x1  }
0xac: {  	s5 =	simm.s32 @p0 $0x1B8D  }
0xad: {  	_ =	swait.eq @p0 [sflag:s5], $0x1  }
0xae: {  	[sflag:s5] =	ssyncadd.s32 @p0 $0xFFFFFFFF  }
0xaf: {  	s6 =	sshll.u32 @!p0 s1, $0xE  }
0xb0: {  	s6 =	sor.u32 @!p0 $0x4000, s6;
	s5 =	simm.s32 @!p0 $0x1B8D  }
0xb1: {  	s4 =	sshll.u32 @!p0 s4, $0x11;
	s6 =	sadd.s32 @!p0 $0x11B8D, s6;
	_ =	swait.eq @!p0 [sflag:s5], $0x1  }
0xb2: {  	s4 =	sor.u32 @!p0 s4, s6;
	[sflag:s5] =	ssyncadd.s32 @!p0 $0xFFFFFFFF  }
0xb3: {  	s25 =	simm.s32 $0x1B8E;
	s24 =	sld [smem:$0x3FFE];
	[sflag:s4] =	ssyncadd.remote.s32 @!p0 $0x1  }
0xb4: {  	s26 =	simm.s32 $execute0_lowered;
	[smem:$0x3FD2] =	sst s25  }
0xb5: {  	s5 =	sshll.u32 s26, $0x1;
	_ =	strace $0x80000049;
	[dreg:$0x1] =	wrdreg $0xFFFFFFFF  }
0xb6: {  	s28 =	simm.s32 $_size_execute0_lowered;
	s3 =	sadd.s32 s3, s5;
	[dreg:$0x0] =	wrdreg $0x0  }
0xb7: {  	s5 =	sshll.u32 s28, $0x1;
	[dreg:$0x2] =	wrdreg s3  }
0xb8: {  	[dreg:$0x3] =	wrdreg s5  }
0xb9: {  	[dreg:$0x4] =	wrdreg $0xC0  }
0xba: {  	_ =	task [dreg:s22], $0x5FFFF  }
0xbb: {  	[dreg:$0x1] =	wrdreg $0xFFFFFFFF  }
0xbc: {  	[dreg:$0x0] =	wrdreg $0x60  }
0xbd: {  	[dreg:$0x2] =	wrdreg s24  }
0xbe: {  	[dreg:$0x3] =	wrdreg $0xB  }
0xbf: {  	_ =	task.clear_ibuf [dreg:s22], $0x4FFFF;
	_ =	strace $0x90000049  }
0xc0: {  	s29 =	simm.s32 $0xB;
	_ =	strace $0x8000004B  }
0xc1: {  	_ =	swait.ge [sflag:s29], $0x1  }
0xc2: {  	[sflag:s29] =	ssyncadd.s32 $0xFFFFFFFF  }
0xc3: {  	_ =	strace $0x9000004B  }
0xc4: {  	_ =	sfence  }
0xc5: {  	s30 =	sld [smem:$0x0];
	_ =	sdelay $0x2  }
0xc6: {  	s31 =	sshll.u32 s1, $0xD;
	s1 =	sshrl.u32 s1, $0x2  }
0xc7: {  	s4 =	sand.u32 $0x4000, s31;
	s1 =	sadd.s32 s1, s30  }
0xc8: {  	s0 =	sor.u32 s4, s0;
	s1 =	sshll.u32 s1, $0x11  }
0xc9: {  	s0 =	sor.u32 s1, s0  }
0xca: {  	s0 =	sadd.s32 $0x8F2B, s0  }
0xcb: {  	[sflag:s0] =	ssyncadd.remote.s32 $0x1  }
0xcc: {  	_ =	sfence.sel $0xFFFF  }
0xcd: {  	[dreg:$0x0] =	wrdreg $0xFFFFFFFF;
	(pc) =	sbr.abs _section_cstart, $3  }
0xce: {  	[dreg:$0x1] =	wrdreg $0xFFFFFFFF  }
0xcf: {  	_ =	task.clear_ibuf [dreg:s22], $0x2FFFF;
	_ =	strace $0x9FFFFFFF  }
0xd0: {  	(tm) =	ssettm $0x7FFFFFFF  }
0xd1: {  	_ =	shalt  }
tec
execute0_lowered:
.L_overlay_start_1:
0x0: {  	(tag) =	ssettag $0x1  }
0x1: {  	s8 =	rddreg [dreg:$0x0]  }
0x2: {  	s0 =	rddreg [dreg:$0x1];
	s3 =	srdreg.scid  }
0x3: {  	s1 =	stileid.u32;
	s2 =	simm.s32 $0x0;
	s13 =	simm.s32 $0x5  }
0x4: {  	s14 =	simm.s32 $0x680;
	s15 =	simm.s32 $0xD00;
	s16 =	simm.s32 $0x50  }
0x5: {  	s17 =	simm.s32 $0x1380;
	s18 =	simm.s32 $0x3B80;
	s19 =	simm.s32 $0x6D0  }
0x6: {  	s20 =	simm.s32 $0xD50;
	s21 =	simm.s32 $0x1;
	s22 =	simm.s32 $0x2  }
0x7: {  	s23 =	simm.s32 $0x3;
	s6 =	sand.u32 $0x1, s3;
	s30 =	sshll.u32 s1, $0x1  }
0x8: {  	s24 =	simm.s32 $0x4;
	s25 =	simm.s32 $0x0;
	s3 =	sor.u32 s6, s30  }
0x9: {  	[smem:$0x7FF] =	sst s2;
	s4 =	sadd.s32 $0xD8600, s8;
	s3 =	smul.u32 $0x640, s3  }
.Ltmp0:
0xa: {  	s5 =	sadd.s32 $0x15000, s8;
	s9 =	ssub.s32 $0x2, s6;
	(pc) =	sbr.rel .LBB2_1-.Ltmp0, $4  }
0xb: {  	s7 =	sadd.s32 $0x4ADA00, s8;
	_ =	strace $0x8000004A;
	s10 =	sshrl.u32 s9, $0x1  }
0xc: {  	s6 =	sadd.s32 $0x25F000, s8;
	s12 =	ssub.s32 s9, s10;
	s11 =	sshrl.u32 s3, $0x3  }
0xd: {  	s12 =	smax.u32 s12, $0x1;
	s31 =	sadd.s32 s8, s11;
	s11 =	sadd.s32 $0x50, s3  }
0xe: {  	v0 =	vimm.f32 $0.0e+00;
	s8 =	sadd.s32 $0x5600, s31;
	s9 =	sadd.s32 $0xBA00, s31;
	s10 =	sadd.s32 $0x11E00, s31  }
.LBB2_12:
0xf: {  	s25 =	sadd.s32 $0x1, s25  }
0x10: {  	p0 =	sne.s32 s25, s12  }
.Ltmp1:
0x11: {  	_ = 	snop;
	(pc) =	sbr.rel @!p0 .LBB2_13-.Ltmp1, $4  }
0x12: {  	_ = 	snop  }
0x13: {  	_ =	swait.ge [sflag:s24], $0x2800  }
0x14: {  	[sflag:s24] =	ssyncset.done $0x0  }
0x15: {  	[sflag:s24] =	ssyncadd.s32 $0xFFFFD800  }
.LBB2_1:
0x16: {  	[tilespmem:s2], [sflag:$0x5] =	stream.linear.gather [hbm4b:s8+s2], $0x640, $0x38;
	[tilespmem:$0x6380] =	vst v63  }
0x17: {  	_ =	swait.ge [sflag:s13], $0x640  }
0x18: {  	[sflag:s13] =	ssyncset.done $0x0  }
0x19: {  	[sflag:s13] =	ssyncadd.s32 $0xFFFFF9C0  }
0x1a: {  	[tilespmem:s14], [sflag:$0x5] =	stream.linear.gather [hbm4b:s9+s2], $0x640, $0x38;
	[tilespmem:$0x6380] =	vst v63  }
0x1b: {  	_ =	swait.ge [sflag:s13], $0x640  }
0x1c: {  	[sflag:s13] =	ssyncset.done $0x0  }
0x1d: {  	[sflag:s13] =	ssyncadd.s32 $0xFFFFF9C0  }
0x1e: {  	[tilespmem:s15], [sflag:$0x5] =	stream.linear.gather [hbm4b:s10+s2], $0x640, $0x38;
	[tilespmem:$0x6380] =	vst v63  }
0x1f: {  	_ =	swait.ge [sflag:s13], $0x640  }
0x20: {  	[sflag:s13] =	ssyncset.done $0x0  }
0x21: {  	s26 =	simm.s32 $0x0;
	s28 =	simm.s32 $0x200;
	[sflag:s13] =	ssyncadd.s32 $0xFFFFF9C0  }
.LBB2_2:
0x22: {  	p0 =	sne.s32 s28, $0x9E00;
	[tilespmem:s26+$0x13F0] =	vst v0  }
0x23: {  	[tilespmem:s26+$0x1380] =	vst v0  }
0x24: {  	[tilespmem:s26+$0x1390] =	vst v0  }
.Ltmp2:
0x25: {  	[tilespmem:s26+$0x13A0] =	vst v0;
	(pc) =	sbr.rel @p0 .LBB2_2-.Ltmp2, $4  }
0x26: {  	[tilespmem:s26+$0x13B0] =	vst v0  }
0x27: {  	[tilespmem:s26+$0x13C0] =	vst v0  }
0x28: {  	[tilespmem:s26+$0x13D0] =	vst v0  }
0x29: {  	[tilespmem:s26+$0x13E0] =	vst v0;
	s26 =	sshra.s32 s28, $0x2;
	s28 =	sadd.s32 $0x200, s28  }
0x2a: {  	[tilespmem:s26+$0x13F0] =	vst v0  }
0x2b: {  	[tilespmem:s26+$0x1380] =	vst v0  }
0x2c: {  	[tilespmem:s26+$0x1390] =	vst v0  }
0x2d: {  	[tilespmem:s26+$0x13A0] =	vst v0  }
0x2e: {  	[tilespmem:s26+$0x13B0] =	vst v0  }
0x2f: {  	[tilespmem:s26+$0x13C0] =	vst v0  }
0x30: {  	[tilespmem:s26+$0x13D0] =	vst v0  }
0x31: {  	[tilespmem:s26+$0x13E0] =	vst v0;
	s31 =	simm.s32 $0x0  }
0x32: {  	[tilespmem:s17], [sflag:$0x1] =	stream.indirect.gather.add.f32 [hbm:s4], $0x80, s31, s16, $0xb8;
	[tilespmem:$0x6380] =	vst v63  }
0x33: {  	_ = 	snop  }
0x34: {  	[tilespmem:s17], [sflag:$0x1] =	stream.indirect.gather.add.f32 [hbm:s5], $0x80, s14, s16, $0xb8;
	[tilespmem:$0x6380] =	vst v63  }
0x35: {  	s26 =	simm.s32 $0x0;
	s28 =	simm.s32 $0x200  }
0x36: {  	[tilespmem:s17], [sflag:$0x1] =	stream.indirect.gather.add.f32 [hbm:s6], $0x80, s15, s16, $0xb8;
	[tilespmem:$0x6380] =	vst v63  }
.LBB2_4:
0x37: {  	p0 =	sne.s32 s28, $0x9E00;
	[tilespmem:s26+$0x3BF0] =	vst v0  }
0x38: {  	[tilespmem:s26+$0x3B80] =	vst v0  }
0x39: {  	[tilespmem:s26+$0x3B90] =	vst v0  }
.Ltmp3:
0x3a: {  	[tilespmem:s26+$0x3BA0] =	vst v0;
	(pc) =	sbr.rel @p0 .LBB2_4-.Ltmp3, $4  }
0x3b: {  	[tilespmem:s26+$0x3BB0] =	vst v0  }
0x3c: {  	[tilespmem:s26+$0x3BC0] =	vst v0  }
0x3d: {  	[tilespmem:s26+$0x3BD0] =	vst v0  }
0x3e: {  	[tilespmem:s26+$0x3BE0] =	vst v0;
	s26 =	sshra.s32 s28, $0x2;
	s28 =	sadd.s32 $0x200, s28  }
0x3f: {  	[tilespmem:s26+$0x3BF0] =	vst v0  }
0x40: {  	[tilespmem:s26+$0x3B80] =	vst v0  }
0x41: {  	[tilespmem:s26+$0x3B90] =	vst v0  }
0x42: {  	[tilespmem:s26+$0x3BA0] =	vst v0  }
0x43: {  	[tilespmem:s26+$0x3BB0] =	vst v0  }
0x44: {  	[tilespmem:s26+$0x3BC0] =	vst v0  }
0x45: {  	[tilespmem:s26+$0x3BD0] =	vst v0  }
0x46: {  	[tilespmem:s26+$0x3BE0] =	vst v0  }
0x47: {  	[tilespmem:s18], [sflag:$0x2] =	stream.indirect.gather.add.f32 [hbm:s4], $0x80, s16, s16, $0xb8;
	[tilespmem:$0x6380] =	vst v63  }
0x48: {  	_ = 	snop  }
0x49: {  	[tilespmem:s18], [sflag:$0x2] =	stream.indirect.gather.add.f32 [hbm:s5], $0x80, s19, s16, $0xb8;
	[tilespmem:$0x6380] =	vst v63  }
0x4a: {  	s26 =	simm.s32 $0x0;
	s28 =	simm.s32 $0x0  }
0x4b: {  	[tilespmem:s18], [sflag:$0x2] =	stream.indirect.gather.add.f32 [hbm:s6], $0x80, s20, s16, $0xb8;
	[tilespmem:$0x6380] =	vst v63  }
.LBB2_6:
0x4c: {  	_ =	swait.ge [sflag:s21], $0x2800  }
0x4d: {  	[sflag:s21] =	ssyncset.done $0x0  }
0x4e: {  	[sflag:s21] =	ssyncadd.s32 $0xFFFFD800  }
0x4f: {  	_ =	swait.ge [sflag:s21], $0x2800  }
0x50: {  	s29 =	smul.u32 $0xA0, s28;
	[sflag:s21] =	ssyncset.done $0x0  }
0x51: {  	[sflag:s21] =	ssyncadd.s32 $0xFFFFD800  }
0x52: {  	s30 =	sadd.s32 s3, s29;
	_ =	swait.ge [sflag:s21], $0x2800  }
0x53: {  	s30 =	sshll.u32 s30, $0x4;
	[sflag:s21] =	ssyncset.done $0x0  }
0x54: {  	s30 =	sadd.s32 s7, s30;
	[sflag:s21] =	ssyncadd.s32 $0xFFFFD800  }
0x55: {  	[hbm4b:s30+s26] =	stream.linear.scatter [tilespmem:s17], [sflag:$0x3], $0x2800, $0x38;
	[tilespmem:$0x6380] =	vst v63  }
0x56: {  	_ =	swait.ge [sflag:s22], $0x2800  }
0x57: {  	[sflag:s22] =	ssyncset.done $0x0  }
0x58: {  	[sflag:s22] =	ssyncadd.s32 $0xFFFFD800  }
0x59: {  	_ =	swait.ge [sflag:s22], $0x2800  }
0x5a: {  	[sflag:s22] =	ssyncset.done $0x0  }
0x5b: {  	[sflag:s22] =	ssyncadd.s32 $0xFFFFD800  }
0x5c: {  	s31 =	sadd.s32 s29, s11;
	_ =	swait.ge [sflag:s22], $0x2800  }
0x5d: {  	p0 =	seq.s32 s28, $0x9;
	s30 =	sshll.u32 s31, $0x4;
	[sflag:s22] =	ssyncset.done $0x0  }
.Ltmp4:
0x5e: {  	s30 =	sadd.s32 s7, s30;
	[sflag:s22] =	ssyncadd.s32 $0xFFFFD800;
	(pc) =	sbr.rel @p0 .LBB2_12-.Ltmp4, $4  }
0x5f: {  	[hbm4b:s30+s26] =	stream.linear.scatter [tilespmem:s18], [sflag:$0x4], $0x2800, $0x38;
	[tilespmem:$0x6380] =	vst v63  }
0x60: {  	_ =	swait.ge [sflag:s23], $0x2800  }
0x61: {  	[sflag:s23] =	ssyncset.done $0x0  }
0x62: {  	[sflag:s23] =	ssyncadd.s32 $0xFFFFD800  }
0x63: {  	s30 =	sshra.s32 s26, $0x2;
	s31 =	sadd.s32 $0x200, s26  }
.LBB2_8:
0x64: {  	p0 =	sne.s32 s31, $0x9E00;
	[tilespmem:s30+$0x13F0] =	vst v0  }
0x65: {  	[tilespmem:s30+$0x1380] =	vst v0  }
0x66: {  	[tilespmem:s30+$0x1390] =	vst v0  }
.Ltmp5:
0x67: {  	[tilespmem:s30+$0x13A0] =	vst v0;
	(pc) =	sbr.rel @p0 .LBB2_8-.Ltmp5, $4  }
0x68: {  	[tilespmem:s30+$0x13B0] =	vst v0  }
0x69: {  	[tilespmem:s30+$0x13C0] =	vst v0  }
0x6a: {  	[tilespmem:s30+$0x13D0] =	vst v0  }
0x6b: {  	[tilespmem:s30+$0x13E0] =	vst v0;
	s30 =	sshra.s32 s31, $0x2;
	s31 =	sadd.s32 $0x200, s31  }
0x6c: {  	[tilespmem:s30+$0x13F0] =	vst v0  }
0x6d: {  	[tilespmem:s30+$0x1380] =	vst v0  }
0x6e: {  	[tilespmem:s30+$0x1390] =	vst v0  }
0x6f: {  	[tilespmem:s30+$0x13A0] =	vst v0  }
0x70: {  	[tilespmem:s30+$0x13B0] =	vst v0  }
0x71: {  	[tilespmem:s30+$0x13C0] =	vst v0  }
0x72: {  	[tilespmem:s30+$0x13D0] =	vst v0  }
0x73: {  	[tilespmem:s30+$0x13E0] =	vst v0;
	s30 =	sadd.s32 $0xA0, s29  }
0x74: {  	[tilespmem:s17], [sflag:$0x1] =	stream.indirect.gather.add.f32 [hbm:s4], $0x80, s30, s16, $0xb8;
	[tilespmem:$0x6380] =	vst v63  }
0x75: {  	s30 =	sadd.s32 $0x720, s29  }
0x76: {  	[tilespmem:s17], [sflag:$0x1] =	stream.indirect.gather.add.f32 [hbm:s5], $0x80, s30, s16, $0xb8;
	[tilespmem:$0x6380] =	vst v63  }
0x77: {  	s30 =	sadd.s32 $0xDA0, s29  }
0x78: {  	[tilespmem:s17], [sflag:$0x1] =	stream.indirect.gather.add.f32 [hbm:s6], $0x80, s30, s16, $0xb8;
	[tilespmem:$0x6380] =	vst v63  }
0x79: {  	_ =	swait.ge [sflag:s24], $0x2800  }
0x7a: {  	[sflag:s24] =	ssyncset.done $0x0  }
0x7b: {  	s31 =	simm.s32 $0x200;
	s30 =	simm.s32 $0x0;
	[sflag:s24] =	ssyncadd.s32 $0xFFFFD800  }
.LBB2_10:
0x7c: {  	p0 =	sne.s32 s31, $0x9E00;
	[tilespmem:s30+$0x3BF0] =	vst v0  }
0x7d: {  	[tilespmem:s30+$0x3B80] =	vst v0  }
0x7e: {  	[tilespmem:s30+$0x3B90] =	vst v0  }
.Ltmp6:
0x7f: {  	[tilespmem:s30+$0x3BA0] =	vst v0;
	(pc) =	sbr.rel @p0 .LBB2_10-.Ltmp6, $4  }
0x80: {  	[tilespmem:s30+$0x3BB0] =	vst v0  }
0x81: {  	[tilespmem:s30+$0x3BC0] =	vst v0  }
0x82: {  	[tilespmem:s30+$0x3BD0] =	vst v0  }
0x83: {  	[tilespmem:s30+$0x3BE0] =	vst v0;
	s30 =	sshra.s32 s31, $0x2;
	s31 =	sadd.s32 $0x200, s31  }
0x84: {  	[tilespmem:s30+$0x3BF0] =	vst v0  }
0x85: {  	[tilespmem:s30+$0x3B80] =	vst v0  }
0x86: {  	[tilespmem:s30+$0x3B90] =	vst v0  }
0x87: {  	[tilespmem:s30+$0x3BA0] =	vst v0  }
0x88: {  	[tilespmem:s30+$0x3BB0] =	vst v0  }
0x89: {  	[tilespmem:s30+$0x3BC0] =	vst v0  }
0x8a: {  	[tilespmem:s30+$0x3BD0] =	vst v0  }
0x8b: {  	[tilespmem:s30+$0x3BE0] =	vst v0;
	s31 =	sadd.s32 $0xF0, s29  }
0x8c: {  	[tilespmem:s18], [sflag:$0x2] =	stream.indirect.gather.add.f32 [hbm:s4], $0x80, s31, s16, $0xb8;
	[tilespmem:$0x6380] =	vst v63  }
.Ltmp7:
0x8d: {  	_ = 	snop;
	(pc) =	sbr.rel .LBB2_6-.Ltmp7, $4  }
0x8e: {  	s31 =	sadd.s32 $0x770, s29  }
0x8f: {  	[tilespmem:s18], [sflag:$0x2] =	stream.indirect.gather.add.f32 [hbm:s5], $0x80, s31, s16, $0xb8;
	[tilespmem:$0x6380] =	vst v63  }
0x90: {  	s28 =	sadd.s32 $0x1, s28;
	s31 =	sadd.s32 $0xDF0, s29  }
0x91: {  	[tilespmem:s18], [sflag:$0x2] =	stream.indirect.gather.add.f32 [hbm:s6], $0x80, s31, s16, $0xb8;
	[tilespmem:$0x6380] =	vst v63  }
.LBB2_13:
0x92: {  	_ =	sfence.sel $0x180000  }
0x93: {  	[bflag:$0x0] =	sbarrier.arrive $0xFFFF  }
0x94: {  	p0 =	sne.s32 s1, $0x0;
	_ =	strace $0x9000004A  }
0x95: {  	s0 =	sadd.s32 @!p0 $0x100000, s0;
	[bflag:$0x2] =	sbarrier.arrive $0xFFFF  }
0x96: {  	[sflag:s0] =	ssyncadd.tile.s32 @!p0 $0x1;
	_ =	shalt  }
.Lfunc_end2:
_tile_overlayer_lowered:
.L_overlay_start_2:
0x97: {  	(tag) =	ssettag $0x2  }
0x98: {  	s0 =	rddreg [dreg:$0x0];
	s2 =	stileid.u32  }
0x99: {  	s1 =	rddreg [dreg:$0x1];
	p0 =	sne.s32 s2, $0x0  }
0x9a: {  	s3 =	rddreg [dreg:$0x2];
	[bflag:$0x3] =	sbarrier.arrive $0xFFFF;
	s2 =	simm.s32 @!p0 $0x1C05  }
0x9b: {  	[timem:s3], [sflag:s2] =	dma.local @!p0 [hbm:s0], s1  }
0x9c: {  	s0 =	simm.s32 @!p0 $0x5  }
0x9d: {  	_ =	swait.ge @!p0 [sflag:s0], s1  }
0x9e: {  	s1 =	ssub.s32 @!p0 $0x0, s1;
	[sflag:s0] =	ssyncset.done @!p0 $0x0  }
0x9f: {  	[sflag:s0] =	ssyncadd.s32 @!p0 s1  }
0xa0: {  	[bflag:$0x3] =	sbarrier.arrive $0xFFFF  }
0xa1: {  	_ =	shalt  }

// kernel: kernel.21.cloned.1.call-start
scs
__scs_entry_jumppad:
0x0: {  	(pc) =	sbr.rel $0x88, $3  }
0x1: {  	(tag) =	ssettag $0x0;
	lr =	simm.s32 $0x1  }
0x2: {  	[smem:$0x3F99] =	sst lr;
	_ =	strace $0xD0000000  }
0x3: {  	_ = 	snop  }
0x4: {  	_ = 	snop  }
0x5: {  	_ = 	snop  }
0x6: {  	_ = 	snop  }
0x7: {  	_ = 	snop  }
__scs_overlays_trampoline_lowered:
0x8: {  	[smem:$0x3FA8] =	sst s0  }
0x9: {  	[smem:$0x3FA9] =	sst s1  }
0xa: {  	[smem:$0x3FAA] =	sst s2  }
0xb: {  	[smem:$0x3FAB] =	sst s3  }
0xc: {  	[smem:$0x3FAC] =	sst s4  }
0xd: {  	[smem:$0x3FAD] =	sst s5  }
0xe: {  	[smem:$0x3FAE] =	sst s6  }
0xf: {  	[smem:$0x3FAF] =	sst s7  }
0x10: {  	[smem:$0x3FB0] =	sst s8  }
0x11: {  	[smem:$0x3FB1] =	sst s9;
	s0 =	simm.s32 @!p0 $0x0  }
0x12: {  	s1 =	sld [smem:$0x3F97];
	s0 =	simm.s32 @p0 $0x1  }
0x13: {  	[smem:$0x3FB2] =	sst s0;
	s0 =	simm.s32 @!p1 $0x0  }
0x14: {  	s2 =	sld [smem:$0x3F96];
	s0 =	simm.s32 @p1 $0x1  }
0x15: {  	[smem:$0x3FB3] =	sst s0;
	s0 =	simm.s32 @!p2 $0x0  }
0x16: {  	s3 =	sld [smem:$0x3FDB];
	s0 =	simm.s32 @p2 $0x1  }
0x17: {  	s4 =	simm.s32 $0x1BF5;
	[smem:$0x3FB5] =	sst s0  }
0x18: {  	s0 =	sld [smem:$0x3F98];
	_ =	swait.ge [sflag:s4], $0x0  }
0x19: {  	s7 =	sld [smem:$0x3F99]  }
0x1a: {  	s8 =	sadd.s32 $0xFFFFE003, lr  }
0x1b: {  	s9 =	sadd.s32 $0xFFFFFEF7, lr;
	s5 =	simm.s32 $0xFFFFFFFF;
	p2 =	slt.u32 s8, $0xFFFFF086  }
0x1c: {  	p1 =	slt.u32 s9, $0xF7A;
	s5 =	simm.s32 @!p2 $0x0  }
0x1d: {  	s5 =	simm.s32 @p1 $0x1;
	p0 =	seq.s32 s7, s2  }
0x1e: {  	s7 =	smul.u32 @!p0 $0xF7A, s2;
	p2 =	seq.s32 @!p0 s5, $0x0  }
0x1f: {  	s9 =	smul.u32 $0xF7A, s1;
	s8 =	simm.s32 @!p0 $0x1BF5;
	p2 =	por !p2, p0  }
0x20: {  	[sflag:s8] =	ssyncset.s32 @!p0 $0xFFFFF086;
	s6 =	sadd.s32 @!p0 s3, s7;
	s7 =	simm.s32 @!p0 $0x108  }
0x21: {  	s3 =	sadd.s32 s3, s9;
	s6 =	sadd.s32 @!p0 $0x88, s6;
	s7 =	simm.s32 @p2 $0x1082  }
0x22: {  	[simem:s7], [sflag:s8] =	dma.local @!p0 [hbm:s6], $0xF7A  }
0x23: {  	s9 =	sor.u32 $0xD0000000, s2;
	s6 =	simm.s32 $0x108;
	_ =	swait.ge @!p0 [sflag:s8], $0x0  }
0x24: {  	s3 =	sadd.s32 $0x88, s3;
	s6 =	simm.s32 @!p1 $0x1082;
	[sflag:s4] =	ssyncset.s32 $0xFFFFF086  }
0x25: {  	[simem:s6], [sflag:s4] =	dma.local [hbm:s3], $0xF7A  }
0x26: {  	[smem:$0x3F99] =	sst s1;
	(tag) =	ssettag s2;
	_ =	strace s9  }
0x27: {  	s1 =	sld [smem:$0x3FA9]  }
0x28: {  	s2 =	sld [smem:$0x3FAA]  }
0x29: {  	s4 =	sld [smem:$0x3FAC]  }
0x2a: {  	p0 =	seq.s32 s5, $0x0;
	s5 =	sld [smem:$0x3FAD]  }
0x2b: {  	s6 =	sld [smem:$0x3FAE]  }
0x2c: {  	s7 =	sld [smem:$0x3FAF]  }
0x2d: {  	s3 =	simm.s32 $0x108;
	s8 =	sld [smem:$0x3FB0]  }
0x2e: {  	s3 =	simm.s32 @!p0 $0x1082;
	s9 =	sld [smem:$0x3FB1]  }
0x2f: {  	lr =	sadd.s32 s0, s3;
	s0 =	sld [smem:$0x3FA8]  }
0x30: {  	s3 =	sld [smem:$0x3FAB]  }
0x31: {  	[smem:$0x3FB4] =	sst s10  }
0x32: {  	s10 =	sld [smem:$0x3FB2];
	_ =	sdelay $0x3  }
0x33: {  	p0 =	seq.s32 s10, $0x1;
	s10 =	sld [smem:$0x3FB4];
	_ =	sdelay $0x3  }
0x34: {  	[smem:$0x3FB4] =	sst s10  }
0x35: {  	s10 =	sld [smem:$0x3FB3];
	_ =	sdelay $0x3  }
0x36: {  	p1 =	seq.s32 s10, $0x1;
	s10 =	sld [smem:$0x3FB4];
	_ =	sdelay $0x3  }
0x37: {  	[smem:$0x3FB4] =	sst s10  }
0x38: {  	s10 =	sld [smem:$0x3FB5]  }
0x39: {  	_ = 	snop;
	(pc) =	sbr.ind lr, $3  }
0x3a: {  	_ = 	snop  }
0x3b: {  	_ = 	snop  }
0x3c: {  	p2 =	seq.s32 s10, $0x1;
	s10 =	sld [smem:$0x3FB4]  }
0x3d: {  	_ =	shalt  }
0x3e: {  	_ =	shalt  }
0x3f: {  	_ =	shalt  }
0x40: {  	_ =	shalt  }
0x41: {  	_ =	shalt  }
0x42: {  	_ =	shalt  }
0x43: {  	_ =	shalt  }
0x44: {  	_ =	shalt  }
0x45: {  	_ =	shalt  }
0x46: {  	_ =	shalt  }
0x47: {  	_ =	shalt  }
0x48: {  	_ =	shalt  }
0x49: {  	_ =	shalt  }
0x4a: {  	_ =	shalt  }
0x4b: {  	_ =	shalt  }
0x4c: {  	_ =	shalt  }
0x4d: {  	_ =	shalt  }
0x4e: {  	_ =	shalt  }
0x4f: {  	_ =	shalt  }
0x50: {  	_ =	shalt  }
0x51: {  	_ =	shalt  }
0x52: {  	_ =	shalt  }
0x53: {  	_ =	shalt  }
0x54: {  	_ =	shalt  }
0x55: {  	_ =	shalt  }
0x56: {  	_ =	shalt  }
0x57: {  	_ =	shalt  }
0x58: {  	_ =	shalt  }
0x59: {  	_ =	shalt  }
0x5a: {  	_ =	shalt  }
0x5b: {  	_ =	shalt  }
0x5c: {  	_ =	shalt  }
0x5d: {  	_ =	shalt  }
0x5e: {  	_ =	shalt  }
0x5f: {  	_ =	shalt  }
0x60: {  	_ =	shalt  }
0x61: {  	_ =	shalt  }
0x62: {  	_ =	shalt  }
0x63: {  	_ =	shalt  }
0x64: {  	_ =	shalt  }
0x65: {  	_ =	shalt  }
0x66: {  	_ =	shalt  }
0x67: {  	_ =	shalt  }
0x68: {  	_ =	shalt  }
0x69: {  	_ =	shalt  }
0x6a: {  	_ =	shalt  }
0x6b: {  	_ =	shalt  }
0x6c: {  	_ =	shalt  }
0x6d: {  	_ =	shalt  }
0x6e: {  	_ =	shalt  }
0x6f: {  	_ =	shalt  }
0x70: {  	_ =	shalt  }
0x71: {  	_ =	shalt  }
0x72: {  	_ =	shalt  }
0x73: {  	_ =	shalt  }
0x74: {  	_ =	shalt  }
0x75: {  	_ =	shalt  }
0x76: {  	_ =	shalt  }
0x77: {  	_ =	shalt  }
0x78: {  	_ =	shalt  }
0x79: {  	_ =	shalt  }
0x7a: {  	_ =	shalt  }
0x7b: {  	_ =	shalt  }
0x7c: {  	_ =	shalt  }
0x7d: {  	_ =	shalt  }
0x7e: {  	_ =	shalt  }
0x7f: {  	_ =	shalt  }
0x80: {  	_ =	shalt  }
0x81: {  	_ =	shalt  }
0x82: {  	_ =	shalt  }
0x83: {  	_ =	shalt  }
0x84: {  	_ =	shalt  }
0x85: {  	_ =	shalt  }
0x86: {  	_ =	shalt  }
0x87: {  	_ =	shalt  }
.Lfunc_end0:
.L_simem_size_0:
called_computation.3_lowered:
.L_overlay_start_0:
0x88: {  	s2 =	sld [smem:$0x3FD9]  }
0x89: {  	s3 =	sld [smem:$0x3FFE];
	_ =	sdelay $0x1  }
0x8a: {  	s1 =	srdreg.scid  }
0x8b: {  	s0 =	sand.u32 $0x1, s1  }
0x8c: {  	s16 =	sshll.u32 s0, $0xA;
	s2 =	sadd.s32 s3, s2  }
0x8d: {  	s2 =	sadd.s32 s2, s16  }
0x8e: {  	[smem:$0x3FC0] =	sst s2  }
0x8f: {  	_ = 	snop  }
0x90: {  	(tm) =	ssettm $0x1  }
0x91: {  	s17 =	sld [smem:$0x3FFB];
	_ =	sdelay $0x3  }
0x92: {  	_ =	strace s17  }
0x93: {  	s2 =	sld [smem:$0x3FFC];
	_ =	sdelay $0x3  }
0x94: {  	_ =	strace s2  }
0x95: {  	s2 =	sld [smem:$0x3FFD];
	_ =	sdelay $0x3  }
0x96: {  	_ =	strace s2  }
0x97: {  	_ =	strace $0x8FFFFFFF  }
0x98: {  	s18 =	sld [smem:$0x3FDB];
	_ =	sdelay $0x1  }
0x99: {  	s19 =	simm.s32 $_scs_section_size  }
0x9a: {  	s4 =	simm.s32 $_size__tile_overlayer_lowered;
	s5 =	simm.s32 $_tile_overlayer_lowered  }
0x9b: {  	s22 =	simm.s32 $0x1BFF;
	s21 =	sshll.u32 s5, $0x1;
	s2 =	sadd.s32 s19, s18  }
0x9c: {  	s6 =	simm.s32 $0x0;
	s20 =	sshll.u32 s4, $0x1;
	s4 =	sadd.s32 s21, s2  }
0x9d: {  	[timem:s6], [sflag:s22] =	dma.local [hbm:s4], s20  }
0x9e: {  	_ =	swait.ge [sflag:s22], s20  }
0x9f: {  	s3 =	ssub.s32 $0x0, s20;
	[sflag:s22] =	ssyncset.done $0x0  }
0xa0: {  	[sflag:s22] =	ssyncadd.s32 s3;
	_ =	sdelay $0x1  }
0xa1: {  	s23 =	simm.s32 $0x1B8B  }
0xa2: {  	_ =	swait.ge [sflag:s23], $0x1  }
0xa3: {  	[sflag:s23] =	ssyncset.done $0x0  }
0xa4: {  	s25 =	simm.s32 $0x1B8E;
	s24 =	sld [smem:$0x3FFE];
	[sflag:s23] =	ssyncadd.s32 $0xFFFFFFFF  }
0xa5: {  	s26 =	simm.s32 $execute0_lowered;
	[smem:$0x3FD2] =	sst s25  }
0xa6: {  	s4 =	sshll.u32 s26, $0x1;
	_ =	strace $0x80000046;
	[dreg:$0x1] =	wrdreg $0xFFFFFFFF  }
0xa7: {  	s28 =	simm.s32 $_size_execute0_lowered;
	s2 =	sadd.s32 s2, s4;
	[dreg:$0x0] =	wrdreg $0x0  }
0xa8: {  	s4 =	sshll.u32 s28, $0x1;
	[dreg:$0x2] =	wrdreg s2  }
0xa9: {  	[dreg:$0x3] =	wrdreg s4  }
0xaa: {  	[dreg:$0x4] =	wrdreg $0xC0  }
0xab: {  	_ =	task [dreg:s6], $0x5FFFF  }
0xac: {  	[dreg:$0x1] =	wrdreg $0xFFFFFFFF  }
0xad: {  	[dreg:$0x0] =	wrdreg $0x60  }
0xae: {  	[dreg:$0x2] =	wrdreg s24  }
0xaf: {  	[dreg:$0x3] =	wrdreg $0xC  }
0xb0: {  	_ =	task.clear_ibuf [dreg:s6], $0x4FFFF;
	_ =	strace $0x90000046  }
0xb1: {  	s29 =	simm.s32 $0xC;
	_ =	strace $0x80000048  }
0xb2: {  	_ =	swait.ge [sflag:s29], $0x1  }
0xb3: {  	[sflag:s29] =	ssyncadd.s32 $0xFFFFFFFF  }
0xb4: {  	_ =	strace $0x90000048  }
0xb5: {  	_ =	sfence  }
0xb6: {  	s30 =	sld [smem:$0x0];
	_ =	sdelay $0x2  }
0xb7: {  	s31 =	sshll.u32 s1, $0xD;
	s1 =	sshrl.u32 s1, $0x2  }
0xb8: {  	s3 =	sand.u32 $0x4000, s31;
	s1 =	sadd.s32 s1, s30  }
0xb9: {  	s0 =	sor.u32 s3, s0;
	s1 =	sshll.u32 s1, $0x11  }
0xba: {  	s0 =	sor.u32 s1, s0  }
0xbb: {  	s0 =	sadd.s32 $0x8F2B, s0  }
0xbc: {  	[sflag:s0] =	ssyncadd.remote.s32 $0x1  }
0xbd: {  	_ =	sfence.sel $0xFFFF  }
0xbe: {  	[dreg:$0x0] =	wrdreg $0xFFFFFFFF;
	(pc) =	sbr.abs _section_cstart, $3  }
0xbf: {  	[dreg:$0x1] =	wrdreg $0xFFFFFFFF  }
0xc0: {  	_ =	task.clear_ibuf [dreg:s6], $0x2FFFF;
	_ =	strace $0x9FFFFFFF  }
0xc1: {  	(tm) =	ssettm $0x7FFFFFFF  }
tec
execute0_lowered:
.L_overlay_start_1:
0x0: {  	(tag) =	ssettag $0x1  }
0x1: {  	s8 =	rddreg [dreg:$0x0]  }
0x2: {  	s0 =	rddreg [dreg:$0x1];
	s3 =	srdreg.scid  }
0x3: {  	s1 =	stileid.u32;
	s2 =	simm.s32 $0x0;
	s13 =	simm.s32 $0x5  }
0x4: {  	s14 =	simm.s32 $0x680;
	s15 =	simm.s32 $0xD00;
	s16 =	simm.s32 $0x50  }
0x5: {  	s17 =	simm.s32 $0x1380;
	s18 =	simm.s32 $0x3B80;
	s19 =	simm.s32 $0x6D0  }
0x6: {  	s20 =	simm.s32 $0xD50;
	s21 =	simm.s32 $0x1;
	s22 =	simm.s32 $0x2  }
0x7: {  	s23 =	simm.s32 $0x3;
	s6 =	sand.u32 $0x1, s3;
	s30 =	sshll.u32 s1, $0x1  }
0x8: {  	s24 =	simm.s32 $0x4;
	s25 =	simm.s32 $0x0;
	s3 =	sor.u32 s6, s30  }
0x9: {  	[smem:$0x7FF] =	sst s2;
	s4 =	sadd.s32 $0xD8600, s8;
	s3 =	smul.u32 $0x640, s3  }
.Ltmp0:
0xa: {  	s5 =	sadd.s32 $0x15000, s8;
	s9 =	ssub.s32 $0x2, s6;
	(pc) =	sbr.rel .LBB2_1-.Ltmp0, $4  }
0xb: {  	s7 =	sadd.s32 $0x3E5A00, s8;
	_ =	strace $0x80000047;
	s10 =	sshrl.u32 s9, $0x1  }
0xc: {  	s6 =	sadd.s32 $0x25F000, s8;
	s12 =	ssub.s32 s9, s10;
	s11 =	sshrl.u32 s3, $0x3  }
0xd: {  	s12 =	smax.u32 s12, $0x1;
	s31 =	sadd.s32 s8, s11;
	s11 =	sadd.s32 $0x50, s3  }
0xe: {  	v0 =	vimm.f32 $0.0e+00;
	s8 =	sadd.s32 $0x6F00, s31;
	s9 =	sadd.s32 $0xD300, s31;
	s10 =	sadd.s32 $0x13700, s31  }
.LBB2_12:
0xf: {  	s25 =	sadd.s32 $0x1, s25  }
0x10: {  	p0 =	sne.s32 s25, s12  }
.Ltmp1:
0x11: {  	_ = 	snop;
	(pc) =	sbr.rel @!p0 .LBB2_13-.Ltmp1, $4  }
0x12: {  	_ = 	snop  }
0x13: {  	_ =	swait.ge [sflag:s24], $0x2800  }
0x14: {  	[sflag:s24] =	ssyncset.done $0x0  }
0x15: {  	[sflag:s24] =	ssyncadd.s32 $0xFFFFD800  }
.LBB2_1:
0x16: {  	[tilespmem:s2], [sflag:$0x5] =	stream.linear.gather [hbm4b:s8+s2], $0x640, $0x38;
	[tilespmem:$0x6380] =	vst v63  }
0x17: {  	_ =	swait.ge [sflag:s13], $0x640  }
0x18: {  	[sflag:s13] =	ssyncset.done $0x0  }
0x19: {  	[sflag:s13] =	ssyncadd.s32 $0xFFFFF9C0  }
0x1a: {  	[tilespmem:s14], [sflag:$0x5] =	stream.linear.gather [hbm4b:s9+s2], $0x640, $0x38;
	[tilespmem:$0x6380] =	vst v63  }
0x1b: {  	_ =	swait.ge [sflag:s13], $0x640  }
0x1c: {  	[sflag:s13] =	ssyncset.done $0x0  }
0x1d: {  	[sflag:s13] =	ssyncadd.s32 $0xFFFFF9C0  }
0x1e: {  	[tilespmem:s15], [sflag:$0x5] =	stream.linear.gather [hbm4b:s10+s2], $0x640, $0x38;
	[tilespmem:$0x6380] =	vst v63  }
0x1f: {  	_ =	swait.ge [sflag:s13], $0x640  }
0x20: {  	[sflag:s13] =	ssyncset.done $0x0  }
0x21: {  	s26 =	simm.s32 $0x0;
	s28 =	simm.s32 $0x200;
	[sflag:s13] =	ssyncadd.s32 $0xFFFFF9C0  }
.LBB2_2:
0x22: {  	p0 =	sne.s32 s28, $0x9E00;
	[tilespmem:s26+$0x13F0] =	vst v0  }
0x23: {  	[tilespmem:s26+$0x1380] =	vst v0  }
0x24: {  	[tilespmem:s26+$0x1390] =	vst v0  }
.Ltmp2:
0x25: {  	[tilespmem:s26+$0x13A0] =	vst v0;
	(pc) =	sbr.rel @p0 .LBB2_2-.Ltmp2, $4  }
0x26: {  	[tilespmem:s26+$0x13B0] =	vst v0  }
0x27: {  	[tilespmem:s26+$0x13C0] =	vst v0  }
0x28: {  	[tilespmem:s26+$0x13D0] =	vst v0  }
0x29: {  	[tilespmem:s26+$0x13E0] =	vst v0;
	s26 =	sshra.s32 s28, $0x2;
	s28 =	sadd.s32 $0x200, s28  }
0x2a: {  	[tilespmem:s26+$0x13F0] =	vst v0  }
0x2b: {  	[tilespmem:s26+$0x1380] =	vst v0  }
0x2c: {  	[tilespmem:s26+$0x1390] =	vst v0  }
0x2d: {  	[tilespmem:s26+$0x13A0] =	vst v0  }
0x2e: {  	[tilespmem:s26+$0x13B0] =	vst v0  }
0x2f: {  	[tilespmem:s26+$0x13C0] =	vst v0  }
0x30: {  	[tilespmem:s26+$0x13D0] =	vst v0  }
0x31: {  	[tilespmem:s26+$0x13E0] =	vst v0;
	s31 =	simm.s32 $0x0  }
0x32: {  	[tilespmem:s17], [sflag:$0x1] =	stream.indirect.gather.add.f32 [hbm:s4], $0x80, s31, s16, $0xb8;
	[tilespmem:$0x6380] =	vst v63  }
0x33: {  	_ = 	snop  }
0x34: {  	[tilespmem:s17], [sflag:$0x1] =	stream.indirect.gather.add.f32 [hbm:s5], $0x80, s14, s16, $0xb8;
	[tilespmem:$0x6380] =	vst v63  }
0x35: {  	s26 =	simm.s32 $0x0;
	s28 =	simm.s32 $0x200  }
0x36: {  	[tilespmem:s17], [sflag:$0x1] =	stream.indirect.gather.add.f32 [hbm:s6], $0x80, s15, s16, $0xb8;
	[tilespmem:$0x6380] =	vst v63  }
.LBB2_4:
0x37: {  	p0 =	sne.s32 s28, $0x9E00;
	[tilespmem:s26+$0x3BF0] =	vst v0  }
0x38: {  	[tilespmem:s26+$0x3B80] =	vst v0  }
0x39: {  	[tilespmem:s26+$0x3B90] =	vst v0  }
.Ltmp3:
0x3a: {  	[tilespmem:s26+$0x3BA0] =	vst v0;
	(pc) =	sbr.rel @p0 .LBB2_4-.Ltmp3, $4  }
0x3b: {  	[tilespmem:s26+$0x3BB0] =	vst v0  }
0x3c: {  	[tilespmem:s26+$0x3BC0] =	vst v0  }
0x3d: {  	[tilespmem:s26+$0x3BD0] =	vst v0  }
0x3e: {  	[tilespmem:s26+$0x3BE0] =	vst v0;
	s26 =	sshra.s32 s28, $0x2;
	s28 =	sadd.s32 $0x200, s28  }
0x3f: {  	[tilespmem:s26+$0x3BF0] =	vst v0  }
0x40: {  	[tilespmem:s26+$0x3B80] =	vst v0  }
0x41: {  	[tilespmem:s26+$0x3B90] =	vst v0  }
0x42: {  	[tilespmem:s26+$0x3BA0] =	vst v0  }
0x43: {  	[tilespmem:s26+$0x3BB0] =	vst v0  }
0x44: {  	[tilespmem:s26+$0x3BC0] =	vst v0  }
0x45: {  	[tilespmem:s26+$0x3BD0] =	vst v0  }
0x46: {  	[tilespmem:s26+$0x3BE0] =	vst v0  }
0x47: {  	[tilespmem:s18], [sflag:$0x2] =	stream.indirect.gather.add.f32 [hbm:s4], $0x80, s16, s16, $0xb8;
	[tilespmem:$0x6380] =	vst v63  }
0x48: {  	_ = 	snop  }
0x49: {  	[tilespmem:s18], [sflag:$0x2] =	stream.indirect.gather.add.f32 [hbm:s5], $0x80, s19, s16, $0xb8;
	[tilespmem:$0x6380] =	vst v63  }
0x4a: {  	s26 =	simm.s32 $0x0;
	s28 =	simm.s32 $0x0  }
0x4b: {  	[tilespmem:s18], [sflag:$0x2] =	stream.indirect.gather.add.f32 [hbm:s6], $0x80, s20, s16, $0xb8;
	[tilespmem:$0x6380] =	vst v63  }
.LBB2_6:
0x4c: {  	_ =	swait.ge [sflag:s21], $0x2800  }
0x4d: {  	[sflag:s21] =	ssyncset.done $0x0  }
0x4e: {  	[sflag:s21] =	ssyncadd.s32 $0xFFFFD800  }
0x4f: {  	_ =	swait.ge [sflag:s21], $0x2800  }
0x50: {  	s29 =	smul.u32 $0xA0, s28;
	[sflag:s21] =	ssyncset.done $0x0  }
0x51: {  	[sflag:s21] =	ssyncadd.s32 $0xFFFFD800  }
0x52: {  	s30 =	sadd.s32 s3, s29;
	_ =	swait.ge [sflag:s21], $0x2800  }
0x53: {  	s30 =	sshll.u32 s30, $0x4;
	[sflag:s21] =	ssyncset.done $0x0  }
0x54: {  	s30 =	sadd.s32 s7, s30;
	[sflag:s21] =	ssyncadd.s32 $0xFFFFD800  }
0x55: {  	[hbm4b:s30+s26] =	stream.linear.scatter [tilespmem:s17], [sflag:$0x3], $0x2800, $0x38;
	[tilespmem:$0x6380] =	vst v63  }
0x56: {  	_ =	swait.ge [sflag:s22], $0x2800  }
0x57: {  	[sflag:s22] =	ssyncset.done $0x0  }
0x58: {  	[sflag:s22] =	ssyncadd.s32 $0xFFFFD800  }
0x59: {  	_ =	swait.ge [sflag:s22], $0x2800  }
0x5a: {  	[sflag:s22] =	ssyncset.done $0x0  }
0x5b: {  	[sflag:s22] =	ssyncadd.s32 $0xFFFFD800  }
0x5c: {  	s31 =	sadd.s32 s29, s11;
	_ =	swait.ge [sflag:s22], $0x2800  }
0x5d: {  	p0 =	seq.s32 s28, $0x9;
	s30 =	sshll.u32 s31, $0x4;
	[sflag:s22] =	ssyncset.done $0x0  }
.Ltmp4:
0x5e: {  	s30 =	sadd.s32 s7, s30;
	[sflag:s22] =	ssyncadd.s32 $0xFFFFD800;
	(pc) =	sbr.rel @p0 .LBB2_12-.Ltmp4, $4  }
0x5f: {  	[hbm4b:s30+s26] =	stream.linear.scatter [tilespmem:s18], [sflag:$0x4], $0x2800, $0x38;
	[tilespmem:$0x6380] =	vst v63  }
0x60: {  	_ =	swait.ge [sflag:s23], $0x2800  }
0x61: {  	[sflag:s23] =	ssyncset.done $0x0  }
0x62: {  	[sflag:s23] =	ssyncadd.s32 $0xFFFFD800  }
0x63: {  	s30 =	sshra.s32 s26, $0x2;
	s31 =	sadd.s32 $0x200, s26  }
.LBB2_8:
0x64: {  	p0 =	sne.s32 s31, $0x9E00;
	[tilespmem:s30+$0x13F0] =	vst v0  }
0x65: {  	[tilespmem:s30+$0x1380] =	vst v0  }
0x66: {  	[tilespmem:s30+$0x1390] =	vst v0  }
.Ltmp5:
0x67: {  	[tilespmem:s30+$0x13A0] =	vst v0;
	(pc) =	sbr.rel @p0 .LBB2_8-.Ltmp5, $4  }
0x68: {  	[tilespmem:s30+$0x13B0] =	vst v0  }
0x69: {  	[tilespmem:s30+$0x13C0] =	vst v0  }
0x6a: {  	[tilespmem:s30+$0x13D0] =	vst v0  }
0x6b: {  	[tilespmem:s30+$0x13E0] =	vst v0;
	s30 =	sshra.s32 s31, $0x2;
	s31 =	sadd.s32 $0x200, s31  }
0x6c: {  	[tilespmem:s30+$0x13F0] =	vst v0  }
0x6d: {  	[tilespmem:s30+$0x1380] =	vst v0  }
0x6e: {  	[tilespmem:s30+$0x1390] =	vst v0  }
0x6f: {  	[tilespmem:s30+$0x13A0] =	vst v0  }
0x70: {  	[tilespmem:s30+$0x13B0] =	vst v0  }
0x71: {  	[tilespmem:s30+$0x13C0] =	vst v0  }
0x72: {  	[tilespmem:s30+$0x13D0] =	vst v0  }
0x73: {  	[tilespmem:s30+$0x13E0] =	vst v0;
	s30 =	sadd.s32 $0xA0, s29  }
0x74: {  	[tilespmem:s17], [sflag:$0x1] =	stream.indirect.gather.add.f32 [hbm:s4], $0x80, s30, s16, $0xb8;
	[tilespmem:$0x6380] =	vst v63  }
0x75: {  	s30 =	sadd.s32 $0x720, s29  }
0x76: {  	[tilespmem:s17], [sflag:$0x1] =	stream.indirect.gather.add.f32 [hbm:s5], $0x80, s30, s16, $0xb8;
	[tilespmem:$0x6380] =	vst v63  }
0x77: {  	s30 =	sadd.s32 $0xDA0, s29  }
0x78: {  	[tilespmem:s17], [sflag:$0x1] =	stream.indirect.gather.add.f32 [hbm:s6], $0x80, s30, s16, $0xb8;
	[tilespmem:$0x6380] =	vst v63  }
0x79: {  	_ =	swait.ge [sflag:s24], $0x2800  }
0x7a: {  	[sflag:s24] =	ssyncset.done $0x0  }
0x7b: {  	s31 =	simm.s32 $0x200;
	s30 =	simm.s32 $0x0;
	[sflag:s24] =	ssyncadd.s32 $0xFFFFD800  }
.LBB2_10:
0x7c: {  	p0 =	sne.s32 s31, $0x9E00;
	[tilespmem:s30+$0x3BF0] =	vst v0  }
0x7d: {  	[tilespmem:s30+$0x3B80] =	vst v0  }
0x7e: {  	[tilespmem:s30+$0x3B90] =	vst v0  }
.Ltmp6:
0x7f: {  	[tilespmem:s30+$0x3BA0] =	vst v0;
	(pc) =	sbr.rel @p0 .LBB2_10-.Ltmp6, $4  }
0x80: {  	[tilespmem:s30+$0x3BB0] =	vst v0  }
0x81: {  	[tilespmem:s30+$0x3BC0] =	vst v0  }
0x82: {  	[tilespmem:s30+$0x3BD0] =	vst v0  }
0x83: {  	[tilespmem:s30+$0x3BE0] =	vst v0;
	s30 =	sshra.s32 s31, $0x2;
	s31 =	sadd.s32 $0x200, s31  }
0x84: {  	[tilespmem:s30+$0x3BF0] =	vst v0  }
0x85: {  	[tilespmem:s30+$0x3B80] =	vst v0  }
0x86: {  	[tilespmem:s30+$0x3B90] =	vst v0  }
0x87: {  	[tilespmem:s30+$0x3BA0] =	vst v0  }
0x88: {  	[tilespmem:s30+$0x3BB0] =	vst v0  }
0x89: {  	[tilespmem:s30+$0x3BC0] =	vst v0  }
0x8a: {  	[tilespmem:s30+$0x3BD0] =	vst v0  }
0x8b: {  	[tilespmem:s30+$0x3BE0] =	vst v0;
	s31 =	sadd.s32 $0xF0, s29  }
0x8c: {  	[tilespmem:s18], [sflag:$0x2] =	stream.indirect.gather.add.f32 [hbm:s4], $0x80, s31, s16, $0xb8;
	[tilespmem:$0x6380] =	vst v63  }
.Ltmp7:
0x8d: {  	_ = 	snop;
	(pc) =	sbr.rel .LBB2_6-.Ltmp7, $4  }
0x8e: {  	s31 =	sadd.s32 $0x770, s29  }
0x8f: {  	[tilespmem:s18], [sflag:$0x2] =	stream.indirect.gather.add.f32 [hbm:s5], $0x80, s31, s16, $0xb8;
	[tilespmem:$0x6380] =	vst v63  }
0x90: {  	s28 =	sadd.s32 $0x1, s28;
	s31 =	sadd.s32 $0xDF0, s29  }
0x91: {  	[tilespmem:s18], [sflag:$0x2] =	stream.indirect.gather.add.f32 [hbm:s6], $0x80, s31, s16, $0xb8;
	[tilespmem:$0x6380] =	vst v63  }
.LBB2_13:
0x92: {  	_ =	sfence.sel $0x180000  }
0x93: {  	[bflag:$0x0] =	sbarrier.arrive $0xFFFF  }
0x94: {  	p0 =	sne.s32 s1, $0x0;
	_ =	strace $0x90000047  }
0x95: {  	s0 =	sadd.s32 @!p0 $0x100000, s0;
	[bflag:$0x2] =	sbarrier.arrive $0xFFFF  }
0x96: {  	[sflag:s0] =	ssyncadd.tile.s32 @!p0 $0x1;
	_ =	shalt  }
.Lfunc_end2:
_tile_overlayer_lowered:
.L_overlay_start_2:
0x97: {  	(tag) =	ssettag $0x2  }
0x98: {  	s0 =	rddreg [dreg:$0x0];
	s2 =	stileid.u32  }
0x99: {  	s1 =	rddreg [dreg:$0x1];
	p0 =	sne.s32 s2, $0x0  }
0x9a: {  	s3 =	rddreg [dreg:$0x2];
	[bflag:$0x3] =	sbarrier.arrive $0xFFFF;
	s2 =	simm.s32 @!p0 $0x1C05  }
0x9b: {  	[timem:s3], [sflag:s2] =	dma.local @!p0 [hbm:s0], s1  }
0x9c: {  	s0 =	simm.s32 @!p0 $0x5  }
0x9d: {  	_ =	swait.ge @!p0 [sflag:s0], s1  }
0x9e: {  	s1 =	ssub.s32 @!p0 $0x0, s1;
	[sflag:s0] =	ssyncset.done @!p0 $0x0  }
0x9f: {  	[sflag:s0] =	ssyncadd.s32 @!p0 s1  }
0xa0: {  	[bflag:$0x3] =	sbarrier.arrive $0xFFFF  }
0xa1: {  	_ =	shalt  }

</sc_bundles>
